<compile_context>
chip_gen: v7x
topology: tpu7x:2x2x1
jax: 0.10.2.dev20260603
libtpu: 0.0.44.dev20260713+nightly
codegen_flags: <defaults>
</compile_context>

<pallas_src>
import functools

import jax
import jax.numpy as jnp
from jax import lax
from jax.experimental import pallas as pl
from jax.experimental.pallas import tpu as pltpu
from jax.experimental.pallas import tpu_sc as plsc

EPS = 1e-5
K_NEIGH = 16
M_OUT = 2048
BIG = 3.0e38


def _knn_body(p_ref, qt_ref, idx_ref, *, tq, n):
    ngrp = n // 8
    p = p_ref[0]
    qt = qt_ref[0]
    dot = jnp.dot(p, qt, preferred_element_type=jnp.float32)
    qq = jnp.sum(qt * qt, axis=0, keepdims=True)
    pp = jnp.sum(p * p, axis=1, keepdims=True)
    d = (qq - 2.0 * dot) + pp
    d3 = d.reshape(ngrp, 8, tq)
    gmin = jnp.min(d3, axis=1)
    nch = ngrp // 8
    g2 = gmin.reshape(nch, 8, tq)
    l2 = jnp.min(g2, axis=1)
    c_iota = jax.lax.broadcasted_iota(jnp.int32, (nch, tq), 0)
    csel = []
    for _ in range(K_NEIGH):
        v = jnp.min(l2, axis=0, keepdims=True)
        ci = jnp.min(jnp.where(l2 == v, c_iota, nch), axis=0, keepdims=True)
        csel.append(ci)
        l2 = jnp.where(c_iota == ci, BIG, l2)
    nbit2 = max(1, (nch - 1).bit_length())
    c2 = []
    for t in range(K_NEIGH):
        ci = csel[t]
        x = g2
        for bit in reversed(range(nbit2)):
            half = x.shape[0] // 2
            take_hi = ((ci >> bit) & 1) == 1
            x = jnp.where(take_hi[:, None, :], x[half:], x[:half])
        c2.append(x)
    cand2 = jnp.concatenate(c2, axis=0).reshape(K_NEIGH * 8, tq)
    sub2 = jax.lax.broadcasted_iota(jnp.int32, (K_NEIGH, 8, tq), 1)
    pid = (jnp.concatenate(csel, axis=0)[:, None, :] * 8
           + sub2).reshape(K_NEIGH * 8, tq)
    gsel = []
    for _ in range(K_NEIGH):
        v = jnp.min(cand2, axis=0, keepdims=True)
        gi = jnp.min(jnp.where(cand2 == v, pid, ngrp), axis=0, keepdims=True)
        gsel.append(gi)
        cand2 = jnp.where(pid == gi, BIG, cand2)
    nbit = max(1, (ngrp - 1).bit_length())
    cands = []
    for t in range(K_NEIGH):
        gi = gsel[t]
        x = d3
        for bit in reversed(range(nbit)):
            half = x.shape[0] // 2
            take_hi = ((gi >> bit) & 1) == 1
            x = jnp.where(take_hi[:, None, :], x[half:], x[:half])
        cands.append(x)
    cand = jnp.concatenate(cands, axis=0)
    gsel_arr = jnp.concatenate(gsel, axis=0)
    sub = jax.lax.broadcasted_iota(jnp.int32, (K_NEIGH, 8, tq), 1)
    gidx = gsel_arr[:, None, :] * 8 + sub
    flat = cand.reshape(K_NEIGH * 8, tq)
    fidx = gidx.reshape(K_NEIGH * 8, tq)
    outs = []
    for _ in range(K_NEIGH):
        v = jnp.min(flat, axis=0, keepdims=True)
        ji = jnp.min(jnp.where(flat == v, fidx, jnp.int32(n)), axis=0,
                     keepdims=True)
        outs.append(ji)
        flat = jnp.where(fidx == ji, BIG, flat)
    base = pl.program_id(0) * n
    idx_ref[0] = jnp.concatenate(outs, axis=0) + base


def _knn(xyz, b, n, m):
    TQ = 256
    xyz_t = jnp.transpose(xyz[:, :m, :], (0, 2, 1))
    return pl.pallas_call(
        lambda *refs: _knn_body(*refs, tq=TQ, n=n),
        grid=(b, m // TQ),
        in_specs=[
            pl.BlockSpec((1, n, 3), lambda bi, mi: (bi, 0, 0)),
            pl.BlockSpec((1, 3, TQ), lambda bi, mi: (bi, 0, mi)),
        ],
        out_specs=pl.BlockSpec((1, K_NEIGH, TQ), lambda bi, mi: (bi, 0, mi)),
        out_shape=jax.ShapeDtypeStruct((b, K_NEIGH, m), jnp.int32),
    )(xyz, xyz_t)


def _proj_body(feat_ref, xyz_ref, w_ref, g_ref):
    ft = feat_ref[0].T
    fc = jnp.concatenate([ft, xyz_ref[0]], axis=1)
    g_ref[0] = jnp.dot(fc, w_ref[...], preferred_element_type=jnp.float32)


def _proj(feat, xyz, w, b, n, tn):
    c = feat.shape[1]
    return pl.pallas_call(
        _proj_body,
        grid=(b, n // tn),
        in_specs=[
            pl.BlockSpec((1, c, tn), lambda bi, ni: (bi, 0, ni)),
            pl.BlockSpec((1, tn, 3), lambda bi, ni: (bi, ni, 0)),
            pl.BlockSpec((c + 3, 128), lambda bi, ni: (0, 0)),
        ],
        out_specs=pl.BlockSpec((1, tn, 128), lambda bi, ni: (bi, ni, 0)),
        out_shape=jax.ShapeDtypeStruct((b, n, 128), jnp.float32),
    )(feat, xyz, w)


def _ks_body(gg_ref, h_ref, s1_ref, q1_ref, *, mt):
    first = (pl.program_id(0) == 0) & (pl.program_id(1) == 0)
    x1 = gg_ref[0] + h_ref[0][None, :, :]

    @pl.when(first)
    def _init():
        s1_ref[...] = jnp.zeros_like(s1_ref)
        q1_ref[...] = jnp.zeros_like(q1_ref)

    s1_ref[...] += jnp.sum(x1, axis=(0, 1)).reshape(1, 128)
    q1_ref[...] += jnp.sum(x1 * x1, axis=(0, 1)).reshape(1, 128)


def _kb_body(gg_ref, h_ref, s1_ref, q1_ref, g1_ref, b1_ref, w2_ref,
             ymax_ref, ymin_ref, s2_ref, q2_ref, *, count, mt):
    first = (pl.program_id(0) == 0) & (pl.program_id(1) == 0)
    mean1 = s1_ref[...] / count
    var1 = q1_ref[...] / count - mean1 * mean1
    scale1 = g1_ref[...] * jax.lax.rsqrt(var1 + EPS)
    shift1 = b1_ref[...] - mean1 * scale1
    x1 = (gg_ref[0] + h_ref[0][None, :, :]).reshape(K_NEIGH * mt, 128)
    h = jnp.maximum(x1 * scale1 + shift1, 0.0)
    x2 = jnp.dot(h, w2_ref[...].T, preferred_element_type=jnp.float32)

    @pl.when(first)
    def _init():
        s2_ref[...] = jnp.zeros_like(s2_ref)
        q2_ref[...] = jnp.zeros_like(q2_ref)

    s2_ref[...] += jnp.sum(x2, axis=0, keepdims=True)
    q2_ref[...] += jnp.sum(x2 * x2, axis=0, keepdims=True)
    x2r = x2.reshape(K_NEIGH, mt, 128)
    ymax_ref[...] = jnp.max(x2r, axis=0)
    ymin_ref[...] = jnp.min(x2r, axis=0)


def _kc_body(ymax_ref, ymin_ref, s2_ref, q2_ref, g2_ref, b2_ref, out_ref,
             *, count):
    mean2 = s2_ref[...] / count
    var2 = q2_ref[...] / count - mean2 * mean2
    scale2 = g2_ref[...] * jax.lax.rsqrt(var2 + EPS)
    shift2 = b2_ref[...] - mean2 * scale2
    z = jnp.maximum(ymax_ref[0] * scale2, ymin_ref[0] * scale2) + shift2
    out_ref[0] = jnp.maximum(z, 0.0).T


def _sc_gather(table, idx):
    v, dimw = table.shape
    bsz = idx.shape[0]
    nw = 32
    per_w = bsz // nw
    chunk = 256
    nchunk = per_w // chunk

    @functools.partial(
        pl.kernel,
        out_type=jax.ShapeDtypeStruct((bsz, dimw), jnp.float32),
        mesh=plsc.VectorSubcoreMesh(core_axis_name="c", subcore_axis_name="s"),
        scratch_types=[
            pltpu.VMEM((per_w,), jnp.int32),
            pltpu.VMEM((2, chunk, dimw), jnp.float32),
            pltpu.SemaphoreType.DMA,
            pltpu.SemaphoreType.DMA,
        ],
    )
    def k(table_hbm, idx_hbm, out_hbm, idx_v, rows_v, gsem, osem):
        wid = lax.axis_index("s") * 2 + lax.axis_index("c")
        base = wid * per_w
        pltpu.sync_copy(idx_hbm.at[pl.ds(base, per_w)], idx_v)

        def start_gather(i):
            pltpu.async_copy(
                table_hbm.at[idx_v.at[pl.ds(i * chunk, chunk)]],
                rows_v.at[lax.rem(i, 2)], gsem)

        def drain(sem, ref_slot):
            pltpu.make_async_copy(
                out_hbm.at[pl.ds(base, chunk)], ref_slot, sem).wait()

        start_gather(0)

        def body(i, carry):
            slot = lax.rem(i, 2)
            drain(gsem, rows_v.at[slot])

            @pl.when(i + 1 < nchunk)
            def _next():
                @pl.when(i >= 1)
                def _wb_done():
                    drain(osem, rows_v.at[1 - slot])
                start_gather(i + 1)

            pltpu.async_copy(rows_v.at[slot],
                             out_hbm.at[pl.ds(base + i * chunk, chunk)],
                             osem)
            return carry

        lax.fori_loop(0, nchunk, body, 0)
        drain(osem, rows_v.at[0])
        drain(osem, rows_v.at[1])

    return k(table, idx)


def _mlp_bn_max(gg4, h3, W2, gamma1, beta1, gamma2, beta2, b):
    _, _, m, _ = gg4.shape
    rows = b * K_NEIGH * m
    count = float(rows)
    bm = b * m
    MT = 256
    nmt = m // MT
    vec = lambda v: v.reshape(1, 128)
    s1, q1 = pl.pallas_call(
        lambda *refs: _ks_body(*refs, mt=MT),
        grid=(b, nmt),
        in_specs=[
            pl.BlockSpec((1, K_NEIGH, MT, 128), lambda bi, mi: (bi, 0, mi, 0)),
            pl.BlockSpec((1, MT, 128), lambda bi, mi: (bi, mi, 0)),
        ],
        out_specs=[
            pl.BlockSpec((1, 128), lambda bi, mi: (0, 0)),
            pl.BlockSpec((1, 128), lambda bi, mi: (0, 0)),
        ],
        out_shape=[
            jax.ShapeDtypeStruct((1, 128), jnp.float32),
            jax.ShapeDtypeStruct((1, 128), jnp.float32),
        ],
    )(gg4, h3)

    ymax, ymin, s2, q2 = pl.pallas_call(
        lambda *refs: _kb_body(*refs, count=count, mt=MT),
        grid=(b, nmt),
        in_specs=[
            pl.BlockSpec((1, K_NEIGH, MT, 128), lambda bi, mi: (bi, 0, mi, 0)),
            pl.BlockSpec((1, MT, 128), lambda bi, mi: (bi, mi, 0)),
            pl.BlockSpec((1, 128), lambda bi, mi: (0, 0)),
            pl.BlockSpec((1, 128), lambda bi, mi: (0, 0)),
            pl.BlockSpec((1, 128), lambda bi, mi: (0, 0)),
            pl.BlockSpec((1, 128), lambda bi, mi: (0, 0)),
            pl.BlockSpec((128, 128), lambda bi, mi: (0, 0)),
        ],
        out_specs=[
            pl.BlockSpec((MT, 128), lambda bi, mi: (bi * nmt + mi, 0)),
            pl.BlockSpec((MT, 128), lambda bi, mi: (bi * nmt + mi, 0)),
            pl.BlockSpec((1, 128), lambda bi, mi: (0, 0)),
            pl.BlockSpec((1, 128), lambda bi, mi: (0, 0)),
        ],
        out_shape=[
            jax.ShapeDtypeStruct((bm, 128), jnp.float32),
            jax.ShapeDtypeStruct((bm, 128), jnp.float32),
            jax.ShapeDtypeStruct((1, 128), jnp.float32),
            jax.ShapeDtypeStruct((1, 128), jnp.float32),
        ],
    )(gg4, h3, s1, q1, vec(gamma1), vec(beta1), W2)
    ymax3 = ymax.reshape(b, m, 128)
    ymin3 = ymin.reshape(b, m, 128)
    MT2 = 512
    out = pl.pallas_call(
        lambda *refs: _kc_body(*refs, count=count),
        grid=(b, m // MT2),
        in_specs=[
            pl.BlockSpec((1, MT2, 128), lambda bi, mi: (bi, mi, 0)),
            pl.BlockSpec((1, MT2, 128), lambda bi, mi: (bi, mi, 0)),
            pl.BlockSpec((1, 128), lambda bi, mi: (0, 0)),
            pl.BlockSpec((1, 128), lambda bi, mi: (0, 0)),
            pl.BlockSpec((1, 128), lambda bi, mi: (0, 0)),
            pl.BlockSpec((1, 128), lambda bi, mi: (0, 0)),
        ],
        out_specs=pl.BlockSpec((1, 128, MT2), lambda bi, mi: (bi, 0, mi)),
        out_shape=jax.ShapeDtypeStruct((b, 128, m), jnp.float32),
    )(ymax3, ymin3, s2, q2, vec(gamma2), vec(beta2))
    return out


def kernel(xyz, feat, npoints, W1, gamma1, beta1, W2, gamma2, beta2):
    b, n, _ = xyz.shape
    c = feat.shape[1]
    m = M_OUT
    k = K_NEIGH
    sample_idx = (jnp.tile(jnp.arange(m, dtype=jnp.int32)[None, :], (b, 1))
                  + (jnp.asarray(npoints).astype(jnp.int32) - m))
    new_xyz = xyz[:, :m, :]

    knn_idx = _knn(xyz, b, n, m)

    w1a_t = jnp.transpose(W1[:, :c + 3])
    wd_t = jnp.transpose(W1[:, c + 3:]) - w1a_t
    G = _proj(feat, xyz, w1a_t, b, n, 512)
    H = _proj(feat[:, :, :m], xyz[:, :m, :], wd_t, b, m, 512)

    gg = _sc_gather(G.reshape(b * n, 128), knn_idx.reshape(-1))
    gg4 = gg.reshape(b, K_NEIGH, m, 128)

    out_feat = _mlp_bn_max(gg4, H, W2, gamma1, beta1, gamma2, beta2, b)
    return new_xyz, out_feat, sample_idx.astype(jnp.int64)

# --- scband reference (transcript-rebuilt; emitter-appended) ---
"""Pipeline reference for scband-edge-conv-37881611551019 (READ-ONLY COPY).

The authoritative reference and input builder live on the scoring server;
editing this copy changes nothing except your own understanding.
"""

import jax, jax.numpy as jnp
import numpy as np

EPS = 1e-5
K_NEIGH = 16


def _batch_norm(x, gamma, beta):
    # training-mode BN over (N, H, W) per channel; x: [b, C, m, k]
    mean = x.mean(axis=(0, 2, 3), keepdims=True)
    var = x.var(axis=(0, 2, 3), keepdims=True)
    xh = (x - mean) / jnp.sqrt(var + EPS)
    return xh * gamma[None, :, None, None] + beta[None, :, None, None]


def setup_inputs(seed: int = 0) -> dict:
    key = jax.random.key(seed)
    k1, k2, k3, k4 = jax.random.split(key, 4)
    b, n, c = 4, 8192, 64
    npoints = 2048
    # mlps = [64,128,128] -> mlps[0]*2 = 128, +6 (use_xyz) = 134 input channels
    c_in = 2 * (c + 3)  # 134
    xyz = jax.random.normal(k1, (b, n, 3), dtype=jnp.float32)
    feat = jax.random.normal(k2, (b, c, n), dtype=jnp.float32)
    W1 = jax.random.normal(k3, (128, c_in), dtype=jnp.float32) * 0.05
    W2 = jax.random.normal(k4, (128, 128), dtype=jnp.float32) * 0.05
    gamma1 = jnp.ones((128,), dtype=jnp.float32)
    beta1 = jnp.zeros((128,), dtype=jnp.float32)
    gamma2 = jnp.ones((128,), dtype=jnp.float32)
    beta2 = jnp.zeros((128,), dtype=jnp.float32)
    return {"xyz": xyz, "feat": feat, "npoints": npoints,
            "W1": W1, "gamma1": gamma1, "beta1": beta1,
            "W2": W2, "gamma2": gamma2, "beta2": beta2}


def reference(xyz, feat, npoints, W1, gamma1, beta1, W2, gamma2, beta2):
    b, n, _ = xyz.shape
    m = 2048
    k = K_NEIGH
    # sample_method == 'Range': arange indices
    sample_idx = (jnp.tile(jnp.arange(m, dtype=jnp.int32)[None, :], (b, 1))
                  + (jnp.asarray(npoints).astype(jnp.int32) - m))
    new_xyz = xyz[:, :m, :]                       # [b, m, 3]
    new_feat = feat[:, :, :m]                     # [b, c, m]
    # get_graph_feature (use_xyz=True)
    feat_p = jnp.transpose(feat, (0, 2, 1))       # [b, n, c]
    new_feat_p = jnp.transpose(new_feat, (0, 2, 1))
    feat_cat = jnp.concatenate([feat_p, xyz], axis=-1)          # [b, n, c+3]
    new_feat_cat = jnp.concatenate([new_feat_p, new_xyz], axis=-1)  # [b, m, c+3]
    # kNN of new_xyz into xyz
    d = (jnp.sum(new_xyz ** 2, axis=-1, keepdims=True)
         - 2.0 * jnp.einsum('bmd,bnd->bmn', new_xyz, xyz)
         + jnp.sum(xyz ** 2, axis=-1)[:, None, :])               # [b, m, n]
    _, knn_idx = jax.lax.top_k(-d, k)                            # [b, m, k]
    knn_feat = jax.vmap(lambda f, i: f[i])(feat_cat, knn_idx)    # [b, m, k, C]
    feat_tiled = jnp.broadcast_to(new_feat_cat[:, :, None, :], knn_feat.shape)
    edge_feat = jnp.concatenate([knn_feat - feat_tiled, feat_tiled], axis=-1)  # [b, m, k, 2C]
    x = jnp.transpose(edge_feat, (0, 3, 1, 2))                   # [b, 2C, m, k]
    # SharedMLP: 1x1 conv -> BN -> ReLU, twice
    x = jnp.einsum('oc,bcmk->bomk', W1, x)
    x = jax.nn.relu(_batch_norm(x, gamma1, beta1))
    x = jnp.einsum('oc,bcmk->bomk', W2, x)
    x = jax.nn.relu(_batch_norm(x, gamma2, beta2))
    out_feat = jnp.max(x, axis=-1)                               # [b, 128, m]
    return new_xyz, out_feat, sample_idx.astype(jnp.int64)

if __name__ == "__main__":
    import jax
    _d = setup_inputs()
    print(jax.jit(kernel)(*tuple(_d.values())))

</pallas_src>

<mosaic_0001>
#map = affine_map<(d0, d1) -> (0, 0)>
#map1 = affine_map<(d0, d1) -> (0)>
module attributes {stable_mosaic.version = 14 : i64} {
  func.func @k(%arg0: i32, %arg1: i32, %arg2: memref<32768x128xf32, #tpu.memory_space<hbm>>, %arg3: memref<131072xi32, #tpu.memory_space<hbm>>, %arg4: memref<131072x128xf32, #tpu.memory_space<hbm>>, %arg5: memref<4096xi32, #tpu.memory_space<vmem>>, %arg6: memref<2x256x128xf32, #tpu.memory_space<vmem>>, %arg7: memref<!tpu.dma_semaphore, #tpu.memory_space<semaphore_mem>>, %arg8: memref<!tpu.dma_semaphore, #tpu.memory_space<semaphore_mem>>) attributes {dimension_semantics = [#tpu.dimension_semantics<core_parallel>, #tpu.dimension_semantics<subcore_parallel>], iteration_bounds = array<i64: 2, 16>, scalar_prefetch = 0 : i64, scratch_operands = 4 : i64, tpu.core_type = #tpu.core_type<sc_vector_subcore>, window_params = [{transform_indices = #map}, {transform_indices = #map1}, {transform_indices = #map}]} {
    %mul3A = arith.constant 2 : i32
    %mul3A_0 = arith.muli %arg1, %mul3A : i32
    %add3A = arith.addi %mul3A_0, %arg0 : i32
    %mul3A_1 = arith.constant 4096 : i32
    %mul3A_2 = arith.muli %add3A, %mul3A_1 : i32
    "tpu.region"() ({
      %run_scoped3A = tpu.sem_alloc : memref<!tpu.dma_semaphore, #tpu.memory_space<semaphore_mem>>
      %dma_start3A_43 = tpu.memref_slice %arg3[%mul3A_2] : memref<131072xi32, #tpu.memory_space<hbm>> -> memref<4096xi32, #tpu.memory_space<hbm>>
      %dma_start3A_44 = tpu.memref_slice %arg3[%mul3A_2] : memref<131072xi32, #tpu.memory_space<hbm>> -> memref<4096xi32, #tpu.memory_space<hbm>>
      tpu.enqueue_dma source(%dma_start3A_44 : memref<4096xi32, #tpu.memory_space<hbm>>) target(%arg5 : memref<4096xi32, #tpu.memory_space<vmem>>) target_semaphore(%run_scoped3A : memref<!tpu.dma_semaphore, #tpu.memory_space<semaphore_mem>>)
      %dma_wait3A_45 = tpu.memref_slice %arg3[%mul3A_2] : memref<131072xi32, #tpu.memory_space<hbm>> -> memref<4096xi32, #tpu.memory_space<hbm>>
      %dma_wait3A_46 = tpu.memref_slice %arg3[%mul3A_2] : memref<131072xi32, #tpu.memory_space<hbm>> -> memref<4096xi32, #tpu.memory_space<hbm>>
      tpu.wait_dma2 semaphore(%run_scoped3A : memref<!tpu.dma_semaphore, #tpu.memory_space<semaphore_mem>>) src(%dma_wait3A_46 : memref<4096xi32, #tpu.memory_space<hbm>>) dst(%arg5 : memref<4096xi32, #tpu.memory_space<vmem>>)
      tpu.yield
    }) : () -> ()
    %rem3A = arith.constant 0 : i32
    %rem3A_3 = arith.constant 2 : i32
    %rem3A_4 = arith.remsi %rem3A, %rem3A_3 : i32
    %dma_start3A = arith.constant 0 : i32
    %dma_start3A_5 = arith.constant 0 : i32
    %dma_start3A_6 = tpu.memref_slice %arg6[%rem3A_4, %dma_start3A, %dma_start3A_5] : memref<2x256x128xf32, #tpu.memory_space<vmem>> -> memref<1x256x128xf32, #tpu.memory_space<vmem>>
    %dma_start3A_7 = tpu.memref_squeeze %dma_start3A_6 : memref<1x256x128xf32, #tpu.memory_space<vmem>> -> memref<256x128xf32, #tpu.memory_space<vmem>>
    %dma_start3A_8 = arith.constant 0 : i32
    %dma_start3A_9 = tpu.memref_slice %arg5[%dma_start3A_8] : memref<4096xi32, #tpu.memory_space<vmem>> -> memref<256xi32, #tpu.memory_space<vmem>>
    %dma_start3A_10 = arith.constant 0 : i32
    %dma_start3A_11 = arith.constant 0 : i32
    %dma_start3A_12 = tpu.memref_slice %arg2[%dma_start3A_10, %dma_start3A_11] : memref<32768x128xf32, #tpu.memory_space<hbm>> -> memref<32768x128xf32, #tpu.memory_space<hbm>>
    tpu.enqueue_indirect_dma source(%dma_start3A_12 : memref<32768x128xf32, #tpu.memory_space<hbm>>) target(%dma_start3A_7 : memref<256x128xf32, #tpu.memory_space<vmem>>) offsets(%dma_start3A_9 : memref<256xi32, #tpu.memory_space<vmem>>) semaphore(%arg7 : memref<!tpu.dma_semaphore, #tpu.memory_space<semaphore_mem>>)
    %scan3A = arith.constant 0 : i32
    %scan3A_13 = arith.constant 0 : i32
    %scan3A_14 = arith.constant 16 : i32
    %scan3A_15 = arith.addi %scan3A_13, %scan3A_14 : i32
    %scan3A_16 = arith.constant 1 : i32
    scf.for %scan3A_43 = %scan3A_13 to %scan3A_15 step %scan3A_16  : i32 {
      %rem3A_44 = arith.constant 2 : i32
      %rem3A_45 = arith.remsi %scan3A_43, %rem3A_44 : i32
      %dma_wait3A_46 = arith.constant 0 : i32
      %dma_wait3A_47 = arith.constant 0 : i32
      %dma_wait3A_48 = tpu.memref_slice %arg6[%rem3A_45, %dma_wait3A_46, %dma_wait3A_47] : memref<2x256x128xf32, #tpu.memory_space<vmem>> -> memref<1x256x128xf32, #tpu.memory_space<vmem>>
      %dma_wait3A_49 = tpu.memref_squeeze %dma_wait3A_48 : memref<1x256x128xf32, #tpu.memory_space<vmem>> -> memref<256x128xf32, #tpu.memory_space<vmem>>
      %dma_wait3A_50 = arith.constant 0 : i32
      %dma_wait3A_51 = tpu.memref_slice %arg4[%mul3A_2, %dma_wait3A_50] : memref<131072x128xf32, #tpu.memory_space<hbm>> -> memref<256x128xf32, #tpu.memory_space<hbm>>
      %dma_wait3A_52 = arith.constant 0 : i32
      %dma_wait3A_53 = arith.constant 0 : i32
      %dma_wait3A_54 = tpu.memref_slice %arg6[%rem3A_45, %dma_wait3A_52, %dma_wait3A_53] : memref<2x256x128xf32, #tpu.memory_space<vmem>> -> memref<1x256x128xf32, #tpu.memory_space<vmem>>
      %dma_wait3A_55 = tpu.memref_squeeze %dma_wait3A_54 : memref<1x256x128xf32, #tpu.memory_space<vmem>> -> memref<256x128xf32, #tpu.memory_space<vmem>>
      %dma_wait3A_56 = arith.constant 0 : i32
      %dma_wait3A_57 = tpu.memref_slice %arg4[%mul3A_2, %dma_wait3A_56] : memref<131072x128xf32, #tpu.memory_space<hbm>> -> memref<256x128xf32, #tpu.memory_space<hbm>>
      tpu.wait_dma2 semaphore(%arg7 : memref<!tpu.dma_semaphore, #tpu.memory_space<semaphore_mem>>) src(%dma_wait3A_57 : memref<256x128xf32, #tpu.memory_space<hbm>>) dst(%dma_wait3A_55 : memref<256x128xf32, #tpu.memory_space<vmem>>)
      %add3A_58 = arith.constant 1 : i32
      %add3A_59 = arith.addi %scan3A_43, %add3A_58 : i32
      %lt3A = arith.constant 16 : i32
      %lt3A_60 = arith.cmpi slt, %add3A_59, %lt3A : i32
      %convert_element_type3A = arith.extui %lt3A_60 : i1 to i32
      %cond3A = arith.constant 0 : i32
      %cond3A_61 = arith.cmpi ne, %convert_element_type3A, %cond3A : i32
      scf.if %cond3A_61 {
        %ge3A = arith.constant 1 : i32
        %ge3A_77 = arith.cmpi sge, %scan3A_43, %ge3A : i32
        %convert_element_type3A_78 = arith.extui %ge3A_77 : i1 to i32
        %cond3A_79 = arith.constant 0 : i32
        %cond3A_80 = arith.cmpi ne, %convert_element_type3A_78, %cond3A_79 : i32
        scf.if %cond3A_80 {
          %sub3A = arith.constant 1 : i32
          %sub3A_95 = arith.subi %sub3A, %rem3A_45 : i32
          %dma_wait3A_96 = arith.constant 0 : i32
          %dma_wait3A_97 = arith.constant 0 : i32
          %dma_wait3A_98 = tpu.memref_slice %arg6[%sub3A_95, %dma_wait3A_96, %dma_wait3A_97] : memref<2x256x128xf32, #tpu.memory_space<vmem>> -> memref<1x256x128xf32, #tpu.memory_space<vmem>>
          %dma_wait3A_99 = tpu.memref_squeeze %dma_wait3A_98 : memref<1x256x128xf32, #tpu.memory_space<vmem>> -> memref<256x128xf32, #tpu.memory_space<vmem>>
          %dma_wait3A_100 = arith.constant 0 : i32
          %dma_wait3A_101 = tpu.memref_slice %arg4[%mul3A_2, %dma_wait3A_100] : memref<131072x128xf32, #tpu.memory_space<hbm>> -> memref<256x128xf32, #tpu.memory_space<hbm>>
          %dma_wait3A_102 = arith.constant 0 : i32
          %dma_wait3A_103 = arith.constant 0 : i32
          %dma_wait3A_104 = tpu.memref_slice %arg6[%sub3A_95, %dma_wait3A_102, %dma_wait3A_103] : memref<2x256x128xf32, #tpu.memory_space<vmem>> -> memref<1x256x128xf32, #tpu.memory_space<vmem>>
          %dma_wait3A_105 = tpu.memref_squeeze %dma_wait3A_104 : memref<1x256x128xf32, #tpu.memory_space<vmem>> -> memref<256x128xf32, #tpu.memory_space<vmem>>
          %dma_wait3A_106 = arith.constant 0 : i32
          %dma_wait3A_107 = tpu.memref_slice %arg4[%mul3A_2, %dma_wait3A_106] : memref<131072x128xf32, #tpu.memory_space<hbm>> -> memref<256x128xf32, #tpu.memory_space<hbm>>
          tpu.wait_dma2 semaphore(%arg8 : memref<!tpu.dma_semaphore, #tpu.memory_space<semaphore_mem>>) src(%dma_wait3A_107 : memref<256x128xf32, #tpu.memory_space<hbm>>) dst(%dma_wait3A_105 : memref<256x128xf32, #tpu.memory_space<vmem>>)
        } else {
        }
        %add3A_81 = arith.constant 1 : i32
        %add3A_82 = arith.addi %scan3A_43, %add3A_81 : i32
        %mul3A_83 = arith.constant 256 : i32
        %mul3A_84 = arith.muli %add3A_82, %mul3A_83 : i32
        %rem3A_85 = arith.constant 2 : i32
        %rem3A_86 = arith.remsi %add3A_82, %rem3A_85 : i32
        %dma_start3A_87 = arith.constant 0 : i32
        %dma_start3A_88 = arith.constant 0 : i32
        %dma_start3A_89 = tpu.memref_slice %arg6[%rem3A_86, %dma_start3A_87, %dma_start3A_88] : memref<2x256x128xf32, #tpu.memory_space<vmem>> -> memref<1x256x128xf32, #tpu.memory_space<vmem>>
        %dma_start3A_90 = tpu.memref_squeeze %dma_start3A_89 : memref<1x256x128xf32, #tpu.memory_space<vmem>> -> memref<256x128xf32, #tpu.memory_space<vmem>>
        %dma_start3A_91 = tpu.memref_slice %arg5[%mul3A_84] : memref<4096xi32, #tpu.memory_space<vmem>> -> memref<256xi32, #tpu.memory_space<vmem>>
        %dma_start3A_92 = arith.constant 0 : i32
        %dma_start3A_93 = arith.constant 0 : i32
        %dma_start3A_94 = tpu.memref_slice %arg2[%dma_start3A_92, %dma_start3A_93] : memref<32768x128xf32, #tpu.memory_space<hbm>> -> memref<32768x128xf32, #tpu.memory_space<hbm>>
        tpu.enqueue_indirect_dma source(%dma_start3A_94 : memref<32768x128xf32, #tpu.memory_space<hbm>>) target(%dma_start3A_90 : memref<256x128xf32, #tpu.memory_space<vmem>>) offsets(%dma_start3A_91 : memref<256xi32, #tpu.memory_space<vmem>>) semaphore(%arg7 : memref<!tpu.dma_semaphore, #tpu.memory_space<semaphore_mem>>)
      } else {
      }
      %mul3A_62 = arith.constant 256 : i32
      %mul3A_63 = arith.muli %scan3A_43, %mul3A_62 : i32
      %add3A_64 = arith.addi %mul3A_2, %mul3A_63 : i32
      %dma_start3A_65 = arith.constant 0 : i32
      %dma_start3A_66 = arith.constant 0 : i32
      %dma_start3A_67 = tpu.memref_slice %arg6[%rem3A_45, %dma_start3A_65, %dma_start3A_66] : memref<2x256x128xf32, #tpu.memory_space<vmem>> -> memref<1x256x128xf32, #tpu.memory_space<vmem>>
      %dma_start3A_68 = tpu.memref_squeeze %dma_start3A_67 : memref<1x256x128xf32, #tpu.memory_space<vmem>> -> memref<256x128xf32, #tpu.memory_space<vmem>>
      %dma_start3A_69 = arith.constant 0 : i32
      %dma_start3A_70 = tpu.memref_slice %arg4[%add3A_64, %dma_start3A_69] : memref<131072x128xf32, #tpu.memory_space<hbm>> -> memref<256x128xf32, #tpu.memory_space<hbm>>
      %dma_start3A_71 = arith.constant 0 : i32
      %dma_start3A_72 = tpu.memref_slice %arg4[%add3A_64, %dma_start3A_71] : memref<131072x128xf32, #tpu.memory_space<hbm>> -> memref<256x128xf32, #tpu.memory_space<hbm>>
      %dma_start3A_73 = arith.constant 0 : i32
      %dma_start3A_74 = arith.constant 0 : i32
      %dma_start3A_75 = tpu.memref_slice %arg6[%rem3A_45, %dma_start3A_73, %dma_start3A_74] : memref<2x256x128xf32, #tpu.memory_space<vmem>> -> memref<1x256x128xf32, #tpu.memory_space<vmem>>
      %dma_start3A_76 = tpu.memref_squeeze %dma_start3A_75 : memref<1x256x128xf32, #tpu.memory_space<vmem>> -> memref<256x128xf32, #tpu.memory_space<vmem>>
      tpu.enqueue_dma source(%dma_start3A_76 : memref<256x128xf32, #tpu.memory_space<vmem>>) target(%dma_start3A_72 : memref<256x128xf32, #tpu.memory_space<hbm>>) target_semaphore(%arg8 : memref<!tpu.dma_semaphore, #tpu.memory_space<semaphore_mem>>)
    }
    %scan3A_17 = arith.constant 16 : i32
    %dma_wait3A = arith.constant 0 : i32
    %dma_wait3A_18 = arith.constant 0 : i32
    %dma_wait3A_19 = arith.constant 0 : i32
    %dma_wait3A_20 = tpu.memref_slice %arg6[%dma_wait3A, %dma_wait3A_18, %dma_wait3A_19] : memref<2x256x128xf32, #tpu.memory_space<vmem>> -> memref<1x256x128xf32, #tpu.memory_space<vmem>>
    %dma_wait3A_21 = tpu.memref_squeeze %dma_wait3A_20 : memref<1x256x128xf32, #tpu.memory_space<vmem>> -> memref<256x128xf32, #tpu.memory_space<vmem>>
    %dma_wait3A_22 = arith.constant 0 : i32
    %dma_wait3A_23 = tpu.memref_slice %arg4[%mul3A_2, %dma_wait3A_22] : memref<131072x128xf32, #tpu.memory_space<hbm>> -> memref<256x128xf32, #tpu.memory_space<hbm>>
    %dma_wait3A_24 = arith.constant 0 : i32
    %dma_wait3A_25 = arith.constant 0 : i32
    %dma_wait3A_26 = tpu.memref_slice %arg6[%dma_wait3A, %dma_wait3A_24, %dma_wait3A_25] : memref<2x256x128xf32, #tpu.memory_space<vmem>> -> memref<1x256x128xf32, #tpu.memory_space<vmem>>
    %dma_wait3A_27 = tpu.memref_squeeze %dma_wait3A_26 : memref<1x256x128xf32, #tpu.memory_space<vmem>> -> memref<256x128xf32, #tpu.memory_space<vmem>>
    %dma_wait3A_28 = arith.constant 0 : i32
    %dma_wait3A_29 = tpu.memref_slice %arg4[%mul3A_2, %dma_wait3A_28] : memref<131072x128xf32, #tpu.memory_space<hbm>> -> memref<256x128xf32, #tpu.memory_space<hbm>>
    tpu.wait_dma2 semaphore(%arg8 : memref<!tpu.dma_semaphore, #tpu.memory_space<semaphore_mem>>) src(%dma_wait3A_29 : memref<256x128xf32, #tpu.memory_space<hbm>>) dst(%dma_wait3A_27 : memref<256x128xf32, #tpu.memory_space<vmem>>)
    %dma_wait3A_30 = arith.constant 1 : i32
    %dma_wait3A_31 = arith.constant 0 : i32
    %dma_wait3A_32 = arith.constant 0 : i32
    %dma_wait3A_33 = tpu.memref_slice %arg6[%dma_wait3A_30, %dma_wait3A_31, %dma_wait3A_32] : memref<2x256x128xf32, #tpu.memory_space<vmem>> -> memref<1x256x128xf32, #tpu.memory_space<vmem>>
    %dma_wait3A_34 = tpu.memref_squeeze %dma_wait3A_33 : memref<1x256x128xf32, #tpu.memory_space<vmem>> -> memref<256x128xf32, #tpu.memory_space<vmem>>
    %dma_wait3A_35 = arith.constant 0 : i32
    %dma_wait3A_36 = tpu.memref_slice %arg4[%mul3A_2, %dma_wait3A_35] : memref<131072x128xf32, #tpu.memory_space<hbm>> -> memref<256x128xf32, #tpu.memory_space<hbm>>
    %dma_wait3A_37 = arith.constant 0 : i32
    %dma_wait3A_38 = arith.constant 0 : i32
    %dma_wait3A_39 = tpu.memref_slice %arg6[%dma_wait3A_30, %dma_wait3A_37, %dma_wait3A_38] : memref<2x256x128xf32, #tpu.memory_space<vmem>> -> memref<1x256x128xf32, #tpu.memory_space<vmem>>
    %dma_wait3A_40 = tpu.memref_squeeze %dma_wait3A_39 : memref<1x256x128xf32, #tpu.memory_space<vmem>> -> memref<256x128xf32, #tpu.memory_space<vmem>>
    %dma_wait3A_41 = arith.constant 0 : i32
    %dma_wait3A_42 = tpu.memref_slice %arg4[%mul3A_2, %dma_wait3A_41] : memref<131072x128xf32, #tpu.memory_space<hbm>> -> memref<256x128xf32, #tpu.memory_space<hbm>>
    tpu.wait_dma2 semaphore(%arg8 : memref<!tpu.dma_semaphore, #tpu.memory_space<semaphore_mem>>) src(%dma_wait3A_42 : memref<256x128xf32, #tpu.memory_space<hbm>>) dst(%dma_wait3A_40 : memref<256x128xf32, #tpu.memory_space<vmem>>)
    return
  }
}

module attributes {stable_mosaic.version = 14 : i64} {
  func.func @_lambda_(%arg0: i32, %arg1: i32, %arg2: memref<1x8192x3xf32, #tpu.memory_space<vmem>>, %arg3: memref<1x3x256xf32, #tpu.memory_space<vmem>>, %arg4: memref<1x16x256xi32, #tpu.memory_space<vmem>>) attributes {dimension_semantics = [#tpu.dimension_semantics<arbitrary>, #tpu.dimension_semantics<arbitrary>], iteration_bounds = array<i64: 4, 8>, scalar_prefetch = 0 : i64, scratch_operands = 0 : i64, tpu.core_type = #tpu.core_type<tc>, window_params = [{transform_indices = @transform_0, window_bounds = array<i64: 1, 8192, 3>}, {transform_indices = @transform_1, window_bounds = array<i64: 1, 3, 256>}, {transform_indices = @transform_2, window_bounds = array<i64: 1, 16, 256>}]} {
    %get3A = arith.constant 0 : index
    %get3A_0 = arith.constant 0 : index
    %get3A_1 = arith.constant 0 : index
    %get3A_2 = vector.load %arg2[%get3A, %get3A_0, %get3A_1] : memref<1x8192x3xf32, #tpu.memory_space<vmem>>, vector<1x8192x3xf32>
    %get3A_3 = vector.shape_cast %get3A_2 : vector<1x8192x3xf32> to vector<8192x3xf32>
    %get3A_4 = arith.constant 0 : index
    %get3A_5 = arith.constant 0 : index
    %get3A_6 = arith.constant 0 : index
    %get3A_7 = vector.load %arg3[%get3A_4, %get3A_5, %get3A_6] : memref<1x3x256xf32, #tpu.memory_space<vmem>>, vector<1x3x256xf32>
    %get3A_8 = vector.shape_cast %get3A_7 : vector<1x3x256xf32> to vector<3x256xf32>
    %dot_general3A = arith.constant dense<0.000000e+00> : vector<8192x256xf32>
    %dot_general3A_9 = tpu.matmul %get3A_3, %get3A_8, %dot_general3A {dimension_numbers = #tpu.dot_dimension_numbers<[1], [0], [0], [1], [0, 0, 1, 1], [], []>, transpose_lhs_hint = false} : vector<8192x3xf32>, vector<3x256xf32>, vector<8192x256xf32> -> vector<8192x256xf32>
    %mul3A = arith.mulf %get3A_8, %get3A_8 : vector<3x256xf32>
    %reduce_sum3A = arith.constant dense<0.000000e+00> : vector<256xf32>
    %reduce_sum3A_10 = vector.multi_reduction <add>, %mul3A, %reduce_sum3A [0] : vector<3x256xf32> to vector<256xf32>
    %broadcast_in_dim3A = vector.shape_cast %reduce_sum3A_10 : vector<256xf32> to vector<1x256xf32>
    %mul3A_11 = arith.mulf %get3A_3, %get3A_3 : vector<8192x3xf32>
    %reduce_sum3A_12 = arith.constant dense<0.000000e+00> : vector<8192xf32>
    %reduce_sum3A_13 = vector.multi_reduction <add>, %mul3A_11, %reduce_sum3A_12 [1] : vector<8192x3xf32> to vector<8192xf32>
    %broadcast_in_dim3A_14 = vector.shape_cast %reduce_sum3A_13 : vector<8192xf32> to vector<8192x1xf32>
    %mul3A_15 = arith.constant 2.000000e+00 : f32
    %mul3A_16 = vector.broadcast %mul3A_15 : f32 to vector<8192x256xf32>
    %mul3A_17 = arith.mulf %mul3A_16, %dot_general3A_9 : vector<8192x256xf32>
    %sub3A = vector.broadcast %broadcast_in_dim3A : vector<1x256xf32> to vector<8192x256xf32>
    %sub3A_18 = arith.subf %sub3A, %mul3A_17 : vector<8192x256xf32>
    %add3A = vector.broadcast %broadcast_in_dim3A_14 : vector<8192x1xf32> to vector<8192x256xf32>
    %add3A_19 = arith.addf %sub3A_18, %add3A : vector<8192x256xf32>
    %reshape3A = vector.shape_cast %add3A_19 : vector<8192x256xf32> to vector<1024x8x256xf32>
    %reduce_min3A = arith.constant dense<0x7F800000> : vector<1024x256xf32>
    %reduce_min3A_20 = vector.multi_reduction <minimumf>, %reshape3A, %reduce_min3A [1] : vector<1024x8x256xf32> to vector<1024x256xf32>
    %reshape3A_21 = vector.shape_cast %reduce_min3A_20 : vector<1024x256xf32> to vector<128x8x256xf32>
    %reduce_min3A_22 = arith.constant dense<0x7F800000> : vector<128x256xf32>
    %reduce_min3A_23 = vector.multi_reduction <minimumf>, %reshape3A_21, %reduce_min3A_22 [1] : vector<128x8x256xf32> to vector<128x256xf32>
    %iota3A = tpu.iota {dimensions = array<i32: 0>} : vector<128x256xi32>
    %reduce_min3A_24 = arith.constant dense<0x7F800000> : vector<256xf32>
    %reduce_min3A_25 = vector.multi_reduction <minimumf>, %reduce_min3A_23, %reduce_min3A_24 [0] : vector<128x256xf32> to vector<256xf32>
    %broadcast_in_dim3A_26 = vector.shape_cast %reduce_min3A_25 : vector<256xf32> to vector<1x256xf32>
    %eq3A = vector.broadcast %broadcast_in_dim3A_26 : vector<1x256xf32> to vector<128x256xf32>
    %eq3A_27 = arith.cmpf oeq, %reduce_min3A_23, %eq3A : vector<128x256xf32>
    %jit3A = arith.constant 128 : i32
    %broadcast_in_dim3A_28 = vector.broadcast %jit3A : i32 to vector<128x256xi32>
    %select_n3A = arith.select %eq3A_27, %iota3A, %broadcast_in_dim3A_28 : vector<128x256xi1>, vector<128x256xi32>
    %reduce_min3A_29 = arith.constant dense<2147483647> : vector<256xi32>
    %reduce_min3A_30 = vector.multi_reduction <minsi>, %select_n3A, %reduce_min3A_29 [0] : vector<128x256xi32> to vector<256xi32>
    %broadcast_in_dim3A_31 = vector.shape_cast %reduce_min3A_30 : vector<256xi32> to vector<1x256xi32>
    %eq3A_32 = vector.broadcast %broadcast_in_dim3A_31 : vector<1x256xi32> to vector<128x256xi32>
    %eq3A_33 = arith.cmpi eq, %iota3A, %eq3A_32 : vector<128x256xi32>
    %jit3A_34 = arith.constant 3.000000e+38 : f32
    %broadcast_in_dim3A_35 = vector.broadcast %jit3A_34 : f32 to vector<128x256xf32>
    %select_n3A_36 = arith.select %eq3A_33, %broadcast_in_dim3A_35, %reduce_min3A_23 : vector<128x256xi1>, vector<128x256xf32>
    %reduce_min3A_37 = arith.constant dense<0x7F800000> : vector<256xf32>
    %reduce_min3A_38 = vector.multi_reduction <minimumf>, %select_n3A_36, %reduce_min3A_37 [0] : vector<128x256xf32> to vector<256xf32>
    %broadcast_in_dim3A_39 = vector.shape_cast %reduce_min3A_38 : vector<256xf32> to vector<1x256xf32>
    %eq3A_40 = vector.broadcast %broadcast_in_dim3A_39 : vector<1x256xf32> to vector<128x256xf32>
    %eq3A_41 = arith.cmpf oeq, %select_n3A_36, %eq3A_40 : vector<128x256xf32>
    %jit3A_42 = arith.constant 128 : i32
    %broadcast_in_dim3A_43 = vector.broadcast %jit3A_42 : i32 to vector<128x256xi32>
    %select_n3A_44 = arith.select %eq3A_41, %iota3A, %broadcast_in_dim3A_43 : vector<128x256xi1>, vector<128x256xi32>
    %reduce_min3A_45 = arith.constant dense<2147483647> : vector<256xi32>
    %reduce_min3A_46 = vector.multi_reduction <minsi>, %select_n3A_44, %reduce_min3A_45 [0] : vector<128x256xi32> to vector<256xi32>
    %broadcast_in_dim3A_47 = vector.shape_cast %reduce_min3A_46 : vector<256xi32> to vector<1x256xi32>
    %eq3A_48 = vector.broadcast %broadcast_in_dim3A_47 : vector<1x256xi32> to vector<128x256xi32>
    %eq3A_49 = arith.cmpi eq, %iota3A, %eq3A_48 : vector<128x256xi32>
    %jit3A_50 = arith.constant 3.000000e+38 : f32
    %broadcast_in_dim3A_51 = vector.broadcast %jit3A_50 : f32 to vector<128x256xf32>
    %select_n3A_52 = arith.select %eq3A_49, %broadcast_in_dim3A_51, %select_n3A_36 : vector<128x256xi1>, vector<128x256xf32>
    %reduce_min3A_53 = arith.constant dense<0x7F800000> : vector<256xf32>
    %reduce_min3A_54 = vector.multi_reduction <minimumf>, %select_n3A_52, %reduce_min3A_53 [0] : vector<128x256xf32> to vector<256xf32>
    %broadcast_in_dim3A_55 = vector.shape_cast %reduce_min3A_54 : vector<256xf32> to vector<1x256xf32>
    %eq3A_56 = vector.broadcast %broadcast_in_dim3A_55 : vector<1x256xf32> to vector<128x256xf32>
    %eq3A_57 = arith.cmpf oeq, %select_n3A_52, %eq3A_56 : vector<128x256xf32>
    %jit3A_58 = arith.constant 128 : i32
    %broadcast_in_dim3A_59 = vector.broadcast %jit3A_58 : i32 to vector<128x256xi32>
    %select_n3A_60 = arith.select %eq3A_57, %iota3A, %broadcast_in_dim3A_59 : vector<128x256xi1>, vector<128x256xi32>
    %reduce_min3A_61 = arith.constant dense<2147483647> : vector<256xi32>
    %reduce_min3A_62 = vector.multi_reduction <minsi>, %select_n3A_60, %reduce_min3A_61 [0] : vector<128x256xi32> to vector<256xi32>
    %broadcast_in_dim3A_63 = vector.shape_cast %reduce_min3A_62 : vector<256xi32> to vector<1x256xi32>
    %eq3A_64 = vector.broadcast %broadcast_in_dim3A_63 : vector<1x256xi32> to vector<128x256xi32>
    %eq3A_65 = arith.cmpi eq, %iota3A, %eq3A_64 : vector<128x256xi32>
    %jit3A_66 = arith.constant 3.000000e+38 : f32
    %broadcast_in_dim3A_67 = vector.broadcast %jit3A_66 : f32 to vector<128x256xf32>
    %select_n3A_68 = arith.select %eq3A_65, %broadcast_in_dim3A_67, %select_n3A_52 : vector<128x256xi1>, vector<128x256xf32>
    %reduce_min3A_69 = arith.constant dense<0x7F800000> : vector<256xf32>
    %reduce_min3A_70 = vector.multi_reduction <minimumf>, %select_n3A_68, %reduce_min3A_69 [0] : vector<128x256xf32> to vector<256xf32>
    %broadcast_in_dim3A_71 = vector.shape_cast %reduce_min3A_70 : vector<256xf32> to vector<1x256xf32>
    %eq3A_72 = vector.broadcast %broadcast_in_dim3A_71 : vector<1x256xf32> to vector<128x256xf32>
    %eq3A_73 = arith.cmpf oeq, %select_n3A_68, %eq3A_72 : vector<128x256xf32>
    %jit3A_74 = arith.constant 128 : i32
    %broadcast_in_dim3A_75 = vector.broadcast %jit3A_74 : i32 to vector<128x256xi32>
    %select_n3A_76 = arith.select %eq3A_73, %iota3A, %broadcast_in_dim3A_75 : vector<128x256xi1>, vector<128x256xi32>
    %reduce_min3A_77 = arith.constant dense<2147483647> : vector<256xi32>
    %reduce_min3A_78 = vector.multi_reduction <minsi>, %select_n3A_76, %reduce_min3A_77 [0] : vector<128x256xi32> to vector<256xi32>
    %broadcast_in_dim3A_79 = vector.shape_cast %reduce_min3A_78 : vector<256xi32> to vector<1x256xi32>
    %eq3A_80 = vector.broadcast %broadcast_in_dim3A_79 : vector<1x256xi32> to vector<128x256xi32>
    %eq3A_81 = arith.cmpi eq, %iota3A, %eq3A_80 : vector<128x256xi32>
    %jit3A_82 = arith.constant 3.000000e+38 : f32
    %broadcast_in_dim3A_83 = vector.broadcast %jit3A_82 : f32 to vector<128x256xf32>
    %select_n3A_84 = arith.select %eq3A_81, %broadcast_in_dim3A_83, %select_n3A_68 : vector<128x256xi1>, vector<128x256xf32>
    %reduce_min3A_85 = arith.constant dense<0x7F800000> : vector<256xf32>
    %reduce_min3A_86 = vector.multi_reduction <minimumf>, %select_n3A_84, %reduce_min3A_85 [0] : vector<128x256xf32> to vector<256xf32>
    %broadcast_in_dim3A_87 = vector.shape_cast %reduce_min3A_86 : vector<256xf32> to vector<1x256xf32>
    %eq3A_88 = vector.broadcast %broadcast_in_dim3A_87 : vector<1x256xf32> to vector<128x256xf32>
    %eq3A_89 = arith.cmpf oeq, %select_n3A_84, %eq3A_88 : vector<128x256xf32>
    %jit3A_90 = arith.constant 128 : i32
    %broadcast_in_dim3A_91 = vector.broadcast %jit3A_90 : i32 to vector<128x256xi32>
    %select_n3A_92 = arith.select %eq3A_89, %iota3A, %broadcast_in_dim3A_91 : vector<128x256xi1>, vector<128x256xi32>
    %reduce_min3A_93 = arith.constant dense<2147483647> : vector<256xi32>
    %reduce_min3A_94 = vector.multi_reduction <minsi>, %select_n3A_92, %reduce_min3A_93 [0] : vector<128x256xi32> to vector<256xi32>
    %broadcast_in_dim3A_95 = vector.shape_cast %reduce_min3A_94 : vector<256xi32> to vector<1x256xi32>
    %eq3A_96 = vector.broadcast %broadcast_in_dim3A_95 : vector<1x256xi32> to vector<128x256xi32>
    %eq3A_97 = arith.cmpi eq, %iota3A, %eq3A_96 : vector<128x256xi32>
    %jit3A_98 = arith.constant 3.000000e+38 : f32
    %broadcast_in_dim3A_99 = vector.broadcast %jit3A_98 : f32 to vector<128x256xf32>
    %select_n3A_100 = arith.select %eq3A_97, %broadcast_in_dim3A_99, %select_n3A_84 : vector<128x256xi1>, vector<128x256xf32>
    %reduce_min3A_101 = arith.constant dense<0x7F800000> : vector<256xf32>
    %reduce_min3A_102 = vector.multi_reduction <minimumf>, %select_n3A_100, %reduce_min3A_101 [0] : vector<128x256xf32> to vector<256xf32>
    %broadcast_in_dim3A_103 = vector.shape_cast %reduce_min3A_102 : vector<256xf32> to vector<1x256xf32>
    %eq3A_104 = vector.broadcast %broadcast_in_dim3A_103 : vector<1x256xf32> to vector<128x256xf32>
    %eq3A_105 = arith.cmpf oeq, %select_n3A_100, %eq3A_104 : vector<128x256xf32>
    %jit3A_106 = arith.constant 128 : i32
    %broadcast_in_dim3A_107 = vector.broadcast %jit3A_106 : i32 to vector<128x256xi32>
    %select_n3A_108 = arith.select %eq3A_105, %iota3A, %broadcast_in_dim3A_107 : vector<128x256xi1>, vector<128x256xi32>
    %reduce_min3A_109 = arith.constant dense<2147483647> : vector<256xi32>
    %reduce_min3A_110 = vector.multi_reduction <minsi>, %select_n3A_108, %reduce_min3A_109 [0] : vector<128x256xi32> to vector<256xi32>
    %broadcast_in_dim3A_111 = vector.shape_cast %reduce_min3A_110 : vector<256xi32> to vector<1x256xi32>
    %eq3A_112 = vector.broadcast %broadcast_in_dim3A_111 : vector<1x256xi32> to vector<128x256xi32>
    %eq3A_113 = arith.cmpi eq, %iota3A, %eq3A_112 : vector<128x256xi32>
    %jit3A_114 = arith.constant 3.000000e+38 : f32
    %broadcast_in_dim3A_115 = vector.broadcast %jit3A_114 : f32 to vector<128x256xf32>
    %select_n3A_116 = arith.select %eq3A_113, %broadcast_in_dim3A_115, %select_n3A_100 : vector<128x256xi1>, vector<128x256xf32>
    %reduce_min3A_117 = arith.constant dense<0x7F800000> : vector<256xf32>
    %reduce_min3A_118 = vector.multi_reduction <minimumf>, %select_n3A_116, %reduce_min3A_117 [0] : vector<128x256xf32> to vector<256xf32>
    %broadcast_in_dim3A_119 = vector.shape_cast %reduce_min3A_118 : vector<256xf32> to vector<1x256xf32>
    %eq3A_120 = vector.broadcast %broadcast_in_dim3A_119 : vector<1x256xf32> to vector<128x256xf32>
    %eq3A_121 = arith.cmpf oeq, %select_n3A_116, %eq3A_120 : vector<128x256xf32>
    %jit3A_122 = arith.constant 128 : i32
    %broadcast_in_dim3A_123 = vector.broadcast %jit3A_122 : i32 to vector<128x256xi32>
    %select_n3A_124 = arith.select %eq3A_121, %iota3A, %broadcast_in_dim3A_123 : vector<128x256xi1>, vector<128x256xi32>
    %reduce_min3A_125 = arith.constant dense<2147483647> : vector<256xi32>
    %reduce_min3A_126 = vector.multi_reduction <minsi>, %select_n3A_124, %reduce_min3A_125 [0] : vector<128x256xi32> to vector<256xi32>
    %broadcast_in_dim3A_127 = vector.shape_cast %reduce_min3A_126 : vector<256xi32> to vector<1x256xi32>
    %eq3A_128 = vector.broadcast %broadcast_in_dim3A_127 : vector<1x256xi32> to vector<128x256xi32>
    %eq3A_129 = arith.cmpi eq, %iota3A, %eq3A_128 : vector<128x256xi32>
    %jit3A_130 = arith.constant 3.000000e+38 : f32
    %broadcast_in_dim3A_131 = vector.broadcast %jit3A_130 : f32 to vector<128x256xf32>
    %select_n3A_132 = arith.select %eq3A_129, %broadcast_in_dim3A_131, %select_n3A_116 : vector<128x256xi1>, vector<128x256xf32>
    %reduce_min3A_133 = arith.constant dense<0x7F800000> : vector<256xf32>
    %reduce_min3A_134 = vector.multi_reduction <minimumf>, %select_n3A_132, %reduce_min3A_133 [0] : vector<128x256xf32> to vector<256xf32>
    %broadcast_in_dim3A_135 = vector.shape_cast %reduce_min3A_134 : vector<256xf32> to vector<1x256xf32>
    %eq3A_136 = vector.broadcast %broadcast_in_dim3A_135 : vector<1x256xf32> to vector<128x256xf32>
    %eq3A_137 = arith.cmpf oeq, %select_n3A_132, %eq3A_136 : vector<128x256xf32>
    %jit3A_138 = arith.constant 128 : i32
    %broadcast_in_dim3A_139 = vector.broadcast %jit3A_138 : i32 to vector<128x256xi32>
    %select_n3A_140 = arith.select %eq3A_137, %iota3A, %broadcast_in_dim3A_139 : vector<128x256xi1>, vector<128x256xi32>
    %reduce_min3A_141 = arith.constant dense<2147483647> : vector<256xi32>
    %reduce_min3A_142 = vector.multi_reduction <minsi>, %select_n3A_140, %reduce_min3A_141 [0] : vector<128x256xi32> to vector<256xi32>
    %broadcast_in_dim3A_143 = vector.shape_cast %reduce_min3A_142 : vector<256xi32> to vector<1x256xi32>
    %eq3A_144 = vector.broadcast %broadcast_in_dim3A_143 : vector<1x256xi32> to vector<128x256xi32>
    %eq3A_145 = arith.cmpi eq, %iota3A, %eq3A_144 : vector<128x256xi32>
    %jit3A_146 = arith.constant 3.000000e+38 : f32
    %broadcast_in_dim3A_147 = vector.broadcast %jit3A_146 : f32 to vector<128x256xf32>
    %select_n3A_148 = arith.select %eq3A_145, %broadcast_in_dim3A_147, %select_n3A_132 : vector<128x256xi1>, vector<128x256xf32>
    %reduce_min3A_149 = arith.constant dense<0x7F800000> : vector<256xf32>
    %reduce_min3A_150 = vector.multi_reduction <minimumf>, %select_n3A_148, %reduce_min3A_149 [0] : vector<128x256xf32> to vector<256xf32>
    %broadcast_in_dim3A_151 = vector.shape_cast %reduce_min3A_150 : vector<256xf32> to vector<1x256xf32>
    %eq3A_152 = vector.broadcast %broadcast_in_dim3A_151 : vector<1x256xf32> to vector<128x256xf32>
    %eq3A_153 = arith.cmpf oeq, %select_n3A_148, %eq3A_152 : vector<128x256xf32>
    %jit3A_154 = arith.constant 128 : i32
    %broadcast_in_dim3A_155 = vector.broadcast %jit3A_154 : i32 to vector<128x256xi32>
    %select_n3A_156 = arith.select %eq3A_153, %iota3A, %broadcast_in_dim3A_155 : vector<128x256xi1>, vector<128x256xi32>
    %reduce_min3A_157 = arith.constant dense<2147483647> : vector<256xi32>
    %reduce_min3A_158 = vector.multi_reduction <minsi>, %select_n3A_156, %reduce_min3A_157 [0] : vector<128x256xi32> to vector<256xi32>
    %broadcast_in_dim3A_159 = vector.shape_cast %reduce_min3A_158 : vector<256xi32> to vector<1x256xi32>
    %eq3A_160 = vector.broadcast %broadcast_in_dim3A_159 : vector<1x256xi32> to vector<128x256xi32>
    %eq3A_161 = arith.cmpi eq, %iota3A, %eq3A_160 : vector<128x256xi32>
    %jit3A_162 = arith.constant 3.000000e+38 : f32
    %broadcast_in_dim3A_163 = vector.broadcast %jit3A_162 : f32 to vector<128x256xf32>
    %select_n3A_164 = arith.select %eq3A_161, %broadcast_in_dim3A_163, %select_n3A_148 : vector<128x256xi1>, vector<128x256xf32>
    %reduce_min3A_165 = arith.constant dense<0x7F800000> : vector<256xf32>
    %reduce_min3A_166 = vector.multi_reduction <minimumf>, %select_n3A_164, %reduce_min3A_165 [0] : vector<128x256xf32> to vector<256xf32>
    %broadcast_in_dim3A_167 = vector.shape_cast %reduce_min3A_166 : vector<256xf32> to vector<1x256xf32>
    %eq3A_168 = vector.broadcast %broadcast_in_dim3A_167 : vector<1x256xf32> to vector<128x256xf32>
    %eq3A_169 = arith.cmpf oeq, %select_n3A_164, %eq3A_168 : vector<128x256xf32>
    %jit3A_170 = arith.constant 128 : i32
    %broadcast_in_dim3A_171 = vector.broadcast %jit3A_170 : i32 to vector<128x256xi32>
    %select_n3A_172 = arith.select %eq3A_169, %iota3A, %broadcast_in_dim3A_171 : vector<128x256xi1>, vector<128x256xi32>
    %reduce_min3A_173 = arith.constant dense<2147483647> : vector<256xi32>
    %reduce_min3A_174 = vector.multi_reduction <minsi>, %select_n3A_172, %reduce_min3A_173 [0] : vector<128x256xi32> to vector<256xi32>
    %broadcast_in_dim3A_175 = vector.shape_cast %reduce_min3A_174 : vector<256xi32> to vector<1x256xi32>
    %eq3A_176 = vector.broadcast %broadcast_in_dim3A_175 : vector<1x256xi32> to vector<128x256xi32>
    %eq3A_177 = arith.cmpi eq, %iota3A, %eq3A_176 : vector<128x256xi32>
    %jit3A_178 = arith.constant 3.000000e+38 : f32
    %broadcast_in_dim3A_179 = vector.broadcast %jit3A_178 : f32 to vector<128x256xf32>
    %select_n3A_180 = arith.select %eq3A_177, %broadcast_in_dim3A_179, %select_n3A_164 : vector<128x256xi1>, vector<128x256xf32>
    %reduce_min3A_181 = arith.constant dense<0x7F800000> : vector<256xf32>
    %reduce_min3A_182 = vector.multi_reduction <minimumf>, %select_n3A_180, %reduce_min3A_181 [0] : vector<128x256xf32> to vector<256xf32>
    %broadcast_in_dim3A_183 = vector.shape_cast %reduce_min3A_182 : vector<256xf32> to vector<1x256xf32>
    %eq3A_184 = vector.broadcast %broadcast_in_dim3A_183 : vector<1x256xf32> to vector<128x256xf32>
    %eq3A_185 = arith.cmpf oeq, %select_n3A_180, %eq3A_184 : vector<128x256xf32>
    %jit3A_186 = arith.constant 128 : i32
    %broadcast_in_dim3A_187 = vector.broadcast %jit3A_186 : i32 to vector<128x256xi32>
    %select_n3A_188 = arith.select %eq3A_185, %iota3A, %broadcast_in_dim3A_187 : vector<128x256xi1>, vector<128x256xi32>
    %reduce_min3A_189 = arith.constant dense<2147483647> : vector<256xi32>
    %reduce_min3A_190 = vector.multi_reduction <minsi>, %select_n3A_188, %reduce_min3A_189 [0] : vector<128x256xi32> to vector<256xi32>
    %broadcast_in_dim3A_191 = vector.shape_cast %reduce_min3A_190 : vector<256xi32> to vector<1x256xi32>
    %eq3A_192 = vector.broadcast %broadcast_in_dim3A_191 : vector<1x256xi32> to vector<128x256xi32>
    %eq3A_193 = arith.cmpi eq, %iota3A, %eq3A_192 : vector<128x256xi32>
    %jit3A_194 = arith.constant 3.000000e+38 : f32
    %broadcast_in_dim3A_195 = vector.broadcast %jit3A_194 : f32 to vector<128x256xf32>
    %select_n3A_196 = arith.select %eq3A_193, %broadcast_in_dim3A_195, %select_n3A_180 : vector<128x256xi1>, vector<128x256xf32>
    %reduce_min3A_197 = arith.constant dense<0x7F800000> : vector<256xf32>
    %reduce_min3A_198 = vector.multi_reduction <minimumf>, %select_n3A_196, %reduce_min3A_197 [0] : vector<128x256xf32> to vector<256xf32>
    %broadcast_in_dim3A_199 = vector.shape_cast %reduce_min3A_198 : vector<256xf32> to vector<1x256xf32>
    %eq3A_200 = vector.broadcast %broadcast_in_dim3A_199 : vector<1x256xf32> to vector<128x256xf32>
    %eq3A_201 = arith.cmpf oeq, %select_n3A_196, %eq3A_200 : vector<128x256xf32>
    %jit3A_202 = arith.constant 128 : i32
    %broadcast_in_dim3A_203 = vector.broadcast %jit3A_202 : i32 to vector<128x256xi32>
    %select_n3A_204 = arith.select %eq3A_201, %iota3A, %broadcast_in_dim3A_203 : vector<128x256xi1>, vector<128x256xi32>
    %reduce_min3A_205 = arith.constant dense<2147483647> : vector<256xi32>
    %reduce_min3A_206 = vector.multi_reduction <minsi>, %select_n3A_204, %reduce_min3A_205 [0] : vector<128x256xi32> to vector<256xi32>
    %broadcast_in_dim3A_207 = vector.shape_cast %reduce_min3A_206 : vector<256xi32> to vector<1x256xi32>
    %eq3A_208 = vector.broadcast %broadcast_in_dim3A_207 : vector<1x256xi32> to vector<128x256xi32>
    %eq3A_209 = arith.cmpi eq, %iota3A, %eq3A_208 : vector<128x256xi32>
    %jit3A_210 = arith.constant 3.000000e+38 : f32
    %broadcast_in_dim3A_211 = vector.broadcast %jit3A_210 : f32 to vector<128x256xf32>
    %select_n3A_212 = arith.select %eq3A_209, %broadcast_in_dim3A_211, %select_n3A_196 : vector<128x256xi1>, vector<128x256xf32>
    %reduce_min3A_213 = arith.constant dense<0x7F800000> : vector<256xf32>
    %reduce_min3A_214 = vector.multi_reduction <minimumf>, %select_n3A_212, %reduce_min3A_213 [0] : vector<128x256xf32> to vector<256xf32>
    %broadcast_in_dim3A_215 = vector.shape_cast %reduce_min3A_214 : vector<256xf32> to vector<1x256xf32>
    %eq3A_216 = vector.broadcast %broadcast_in_dim3A_215 : vector<1x256xf32> to vector<128x256xf32>
    %eq3A_217 = arith.cmpf oeq, %select_n3A_212, %eq3A_216 : vector<128x256xf32>
    %jit3A_218 = arith.constant 128 : i32
    %broadcast_in_dim3A_219 = vector.broadcast %jit3A_218 : i32 to vector<128x256xi32>
    %select_n3A_220 = arith.select %eq3A_217, %iota3A, %broadcast_in_dim3A_219 : vector<128x256xi1>, vector<128x256xi32>
    %reduce_min3A_221 = arith.constant dense<2147483647> : vector<256xi32>
    %reduce_min3A_222 = vector.multi_reduction <minsi>, %select_n3A_220, %reduce_min3A_221 [0] : vector<128x256xi32> to vector<256xi32>
    %broadcast_in_dim3A_223 = vector.shape_cast %reduce_min3A_222 : vector<256xi32> to vector<1x256xi32>
    %eq3A_224 = vector.broadcast %broadcast_in_dim3A_223 : vector<1x256xi32> to vector<128x256xi32>
    %eq3A_225 = arith.cmpi eq, %iota3A, %eq3A_224 : vector<128x256xi32>
    %jit3A_226 = arith.constant 3.000000e+38 : f32
    %broadcast_in_dim3A_227 = vector.broadcast %jit3A_226 : f32 to vector<128x256xf32>
    %select_n3A_228 = arith.select %eq3A_225, %broadcast_in_dim3A_227, %select_n3A_212 : vector<128x256xi1>, vector<128x256xf32>
    %reduce_min3A_229 = arith.constant dense<0x7F800000> : vector<256xf32>
    %reduce_min3A_230 = vector.multi_reduction <minimumf>, %select_n3A_228, %reduce_min3A_229 [0] : vector<128x256xf32> to vector<256xf32>
    %broadcast_in_dim3A_231 = vector.shape_cast %reduce_min3A_230 : vector<256xf32> to vector<1x256xf32>
    %eq3A_232 = vector.broadcast %broadcast_in_dim3A_231 : vector<1x256xf32> to vector<128x256xf32>
    %eq3A_233 = arith.cmpf oeq, %select_n3A_228, %eq3A_232 : vector<128x256xf32>
    %jit3A_234 = arith.constant 128 : i32
    %broadcast_in_dim3A_235 = vector.broadcast %jit3A_234 : i32 to vector<128x256xi32>
    %select_n3A_236 = arith.select %eq3A_233, %iota3A, %broadcast_in_dim3A_235 : vector<128x256xi1>, vector<128x256xi32>
    %reduce_min3A_237 = arith.constant dense<2147483647> : vector<256xi32>
    %reduce_min3A_238 = vector.multi_reduction <minsi>, %select_n3A_236, %reduce_min3A_237 [0] : vector<128x256xi32> to vector<256xi32>
    %broadcast_in_dim3A_239 = vector.shape_cast %reduce_min3A_238 : vector<256xi32> to vector<1x256xi32>
    %eq3A_240 = vector.broadcast %broadcast_in_dim3A_239 : vector<1x256xi32> to vector<128x256xi32>
    %eq3A_241 = arith.cmpi eq, %iota3A, %eq3A_240 : vector<128x256xi32>
    %jit3A_242 = arith.constant 3.000000e+38 : f32
    %broadcast_in_dim3A_243 = vector.broadcast %jit3A_242 : f32 to vector<128x256xf32>
    %select_n3A_244 = arith.select %eq3A_241, %broadcast_in_dim3A_243, %select_n3A_228 : vector<128x256xi1>, vector<128x256xf32>
    %reduce_min3A_245 = arith.constant dense<0x7F800000> : vector<256xf32>
    %reduce_min3A_246 = vector.multi_reduction <minimumf>, %select_n3A_244, %reduce_min3A_245 [0] : vector<128x256xf32> to vector<256xf32>
    %broadcast_in_dim3A_247 = vector.shape_cast %reduce_min3A_246 : vector<256xf32> to vector<1x256xf32>
    %eq3A_248 = vector.broadcast %broadcast_in_dim3A_247 : vector<1x256xf32> to vector<128x256xf32>
    %eq3A_249 = arith.cmpf oeq, %select_n3A_244, %eq3A_248 : vector<128x256xf32>
    %jit3A_250 = arith.constant 128 : i32
    %broadcast_in_dim3A_251 = vector.broadcast %jit3A_250 : i32 to vector<128x256xi32>
    %select_n3A_252 = arith.select %eq3A_249, %iota3A, %broadcast_in_dim3A_251 : vector<128x256xi1>, vector<128x256xi32>
    %reduce_min3A_253 = arith.constant dense<2147483647> : vector<256xi32>
    %reduce_min3A_254 = vector.multi_reduction <minsi>, %select_n3A_252, %reduce_min3A_253 [0] : vector<128x256xi32> to vector<256xi32>
    %broadcast_in_dim3A_255 = vector.shape_cast %reduce_min3A_254 : vector<256xi32> to vector<1x256xi32>
    %eq3A_256 = vector.broadcast %broadcast_in_dim3A_255 : vector<1x256xi32> to vector<128x256xi32>
    %eq3A_257 = arith.cmpi eq, %iota3A, %eq3A_256 : vector<128x256xi32>
    %jit3A_258 = arith.constant 3.000000e+38 : f32
    %broadcast_in_dim3A_259 = vector.broadcast %jit3A_258 : f32 to vector<128x256xf32>
    %select_n3A_260 = arith.select %eq3A_257, %broadcast_in_dim3A_259, %select_n3A_244 : vector<128x256xi1>, vector<128x256xf32>
    %reduce_min3A_261 = arith.constant dense<0x7F800000> : vector<256xf32>
    %reduce_min3A_262 = vector.multi_reduction <minimumf>, %select_n3A_260, %reduce_min3A_261 [0] : vector<128x256xf32> to vector<256xf32>
    %broadcast_in_dim3A_263 = vector.shape_cast %reduce_min3A_262 : vector<256xf32> to vector<1x256xf32>
    %eq3A_264 = vector.broadcast %broadcast_in_dim3A_263 : vector<1x256xf32> to vector<128x256xf32>
    %eq3A_265 = arith.cmpf oeq, %select_n3A_260, %eq3A_264 : vector<128x256xf32>
    %jit3A_266 = arith.constant 128 : i32
    %broadcast_in_dim3A_267 = vector.broadcast %jit3A_266 : i32 to vector<128x256xi32>
    %select_n3A_268 = arith.select %eq3A_265, %iota3A, %broadcast_in_dim3A_267 : vector<128x256xi1>, vector<128x256xi32>
    %reduce_min3A_269 = arith.constant dense<2147483647> : vector<256xi32>
    %reduce_min3A_270 = vector.multi_reduction <minsi>, %select_n3A_268, %reduce_min3A_269 [0] : vector<128x256xi32> to vector<256xi32>
    %broadcast_in_dim3A_271 = vector.shape_cast %reduce_min3A_270 : vector<256xi32> to vector<1x256xi32>
    %shift_right_arithmetic3A = arith.constant 6 : i32
    %shift_right_arithmetic3A_272 = vector.broadcast %shift_right_arithmetic3A : i32 to vector<1x256xi32>
    %shift_right_arithmetic3A_273 = arith.shrsi %broadcast_in_dim3A_31, %shift_right_arithmetic3A_272 : vector<1x256xi32>
    %and3A = arith.constant 1 : i32
    %and3A_274 = vector.broadcast %and3A : i32 to vector<1x256xi32>
    %and3A_275 = arith.andi %shift_right_arithmetic3A_273, %and3A_274 : vector<1x256xi32>
    %eq3A_276 = arith.constant 1 : i32
    %eq3A_277 = vector.broadcast %eq3A_276 : i32 to vector<1x256xi32>
    %eq3A_278 = arith.cmpi eq, %and3A_275, %eq3A_277 : vector<1x256xi32>
    %broadcast_in_dim3A_279 = vector.shape_cast %eq3A_278 : vector<1x256xi1> to vector<1x1x256xi1>
    %slice3A = vector.extract_strided_slice %reshape3A_21 {offsets = [64, 0, 0], sizes = [64, 8, 256], strides = [1, 1, 1]} : vector<128x8x256xf32> to vector<64x8x256xf32>
    %slice3A_280 = vector.extract_strided_slice %reshape3A_21 {offsets = [0, 0, 0], sizes = [64, 8, 256], strides = [1, 1, 1]} : vector<128x8x256xf32> to vector<64x8x256xf32>
    %broadcast_in_dim3A_281 = vector.shape_cast %broadcast_in_dim3A_279 : vector<1x1x256xi1> to vector<1x1x256xi1>
    %broadcast_in_dim3A_282 = vector.broadcast %broadcast_in_dim3A_281 : vector<1x1x256xi1> to vector<64x8x256xi1>
    %select_n3A_283 = arith.select %broadcast_in_dim3A_282, %slice3A, %slice3A_280 : vector<64x8x256xi1>, vector<64x8x256xf32>
    %shift_right_arithmetic3A_284 = arith.constant 5 : i32
    %shift_right_arithmetic3A_285 = vector.broadcast %shift_right_arithmetic3A_284 : i32 to vector<1x256xi32>
    %shift_right_arithmetic3A_286 = arith.shrsi %broadcast_in_dim3A_31, %shift_right_arithmetic3A_285 : vector<1x256xi32>
    %and3A_287 = arith.constant 1 : i32
    %and3A_288 = vector.broadcast %and3A_287 : i32 to vector<1x256xi32>
    %and3A_289 = arith.andi %shift_right_arithmetic3A_286, %and3A_288 : vector<1x256xi32>
    %eq3A_290 = arith.constant 1 : i32
    %eq3A_291 = vector.broadcast %eq3A_290 : i32 to vector<1x256xi32>
    %eq3A_292 = arith.cmpi eq, %and3A_289, %eq3A_291 : vector<1x256xi32>
    %broadcast_in_dim3A_293 = vector.shape_cast %eq3A_292 : vector<1x256xi1> to vector<1x1x256xi1>
    %slice3A_294 = vector.extract_strided_slice %select_n3A_283 {offsets = [32, 0, 0], sizes = [32, 8, 256], strides = [1, 1, 1]} : vector<64x8x256xf32> to vector<32x8x256xf32>
    %slice3A_295 = vector.extract_strided_slice %select_n3A_283 {offsets = [0, 0, 0], sizes = [32, 8, 256], strides = [1, 1, 1]} : vector<64x8x256xf32> to vector<32x8x256xf32>
    %broadcast_in_dim3A_296 = vector.shape_cast %broadcast_in_dim3A_293 : vector<1x1x256xi1> to vector<1x1x256xi1>
    %broadcast_in_dim3A_297 = vector.broadcast %broadcast_in_dim3A_296 : vector<1x1x256xi1> to vector<32x8x256xi1>
    %select_n3A_298 = arith.select %broadcast_in_dim3A_297, %slice3A_294, %slice3A_295 : vector<32x8x256xi1>, vector<32x8x256xf32>
    %shift_right_arithmetic3A_299 = arith.constant 4 : i32
    %shift_right_arithmetic3A_300 = vector.broadcast %shift_right_arithmetic3A_299 : i32 to vector<1x256xi32>
    %shift_right_arithmetic3A_301 = arith.shrsi %broadcast_in_dim3A_31, %shift_right_arithmetic3A_300 : vector<1x256xi32>
    %and3A_302 = arith.constant 1 : i32
    %and3A_303 = vector.broadcast %and3A_302 : i32 to vector<1x256xi32>
    %and3A_304 = arith.andi %shift_right_arithmetic3A_301, %and3A_303 : vector<1x256xi32>
    %eq3A_305 = arith.constant 1 : i32
    %eq3A_306 = vector.broadcast %eq3A_305 : i32 to vector<1x256xi32>
    %eq3A_307 = arith.cmpi eq, %and3A_304, %eq3A_306 : vector<1x256xi32>
    %broadcast_in_dim3A_308 = vector.shape_cast %eq3A_307 : vector<1x256xi1> to vector<1x1x256xi1>
    %slice3A_309 = vector.extract_strided_slice %select_n3A_298 {offsets = [16, 0, 0], sizes = [16, 8, 256], strides = [1, 1, 1]} : vector<32x8x256xf32> to vector<16x8x256xf32>
    %slice3A_310 = vector.extract_strided_slice %select_n3A_298 {offsets = [0, 0, 0], sizes = [16, 8, 256], strides = [1, 1, 1]} : vector<32x8x256xf32> to vector<16x8x256xf32>
    %broadcast_in_dim3A_311 = vector.shape_cast %broadcast_in_dim3A_308 : vector<1x1x256xi1> to vector<1x1x256xi1>
    %broadcast_in_dim3A_312 = vector.broadcast %broadcast_in_dim3A_311 : vector<1x1x256xi1> to vector<16x8x256xi1>
    %select_n3A_313 = arith.select %broadcast_in_dim3A_312, %slice3A_309, %slice3A_310 : vector<16x8x256xi1>, vector<16x8x256xf32>
    %shift_right_arithmetic3A_314 = arith.constant 3 : i32
    %shift_right_arithmetic3A_315 = vector.broadcast %shift_right_arithmetic3A_314 : i32 to vector<1x256xi32>
    %shift_right_arithmetic3A_316 = arith.shrsi %broadcast_in_dim3A_31, %shift_right_arithmetic3A_315 : vector<1x256xi32>
    %and3A_317 = arith.constant 1 : i32
    %and3A_318 = vector.broadcast %and3A_317 : i32 to vector<1x256xi32>
    %and3A_319 = arith.andi %shift_right_arithmetic3A_316, %and3A_318 : vector<1x256xi32>
    %eq3A_320 = arith.constant 1 : i32
    %eq3A_321 = vector.broadcast %eq3A_320 : i32 to vector<1x256xi32>
    %eq3A_322 = arith.cmpi eq, %and3A_319, %eq3A_321 : vector<1x256xi32>
    %broadcast_in_dim3A_323 = vector.shape_cast %eq3A_322 : vector<1x256xi1> to vector<1x1x256xi1>
    %slice3A_324 = vector.extract_strided_slice %select_n3A_313 {offsets = [8, 0, 0], sizes = [8, 8, 256], strides = [1, 1, 1]} : vector<16x8x256xf32> to vector<8x8x256xf32>
    %slice3A_325 = vector.extract_strided_slice %select_n3A_313 {offsets = [0, 0, 0], sizes = [8, 8, 256], strides = [1, 1, 1]} : vector<16x8x256xf32> to vector<8x8x256xf32>
    %broadcast_in_dim3A_326 = vector.shape_cast %broadcast_in_dim3A_323 : vector<1x1x256xi1> to vector<1x1x256xi1>
    %broadcast_in_dim3A_327 = vector.broadcast %broadcast_in_dim3A_326 : vector<1x1x256xi1> to vector<8x8x256xi1>
    %select_n3A_328 = arith.select %broadcast_in_dim3A_327, %slice3A_324, %slice3A_325 : vector<8x8x256xi1>, vector<8x8x256xf32>
    %shift_right_arithmetic3A_329 = arith.constant 2 : i32
    %shift_right_arithmetic3A_330 = vector.broadcast %shift_right_arithmetic3A_329 : i32 to vector<1x256xi32>
    %shift_right_arithmetic3A_331 = arith.shrsi %broadcast_in_dim3A_31, %shift_right_arithmetic3A_330 : vector<1x256xi32>
    %and3A_332 = arith.constant 1 : i32
    %and3A_333 = vector.broadcast %and3A_332 : i32 to vector<1x256xi32>
    %and3A_334 = arith.andi %shift_right_arithmetic3A_331, %and3A_333 : vector<1x256xi32>
    %eq3A_335 = arith.constant 1 : i32
    %eq3A_336 = vector.broadcast %eq3A_335 : i32 to vector<1x256xi32>
    %eq3A_337 = arith.cmpi eq, %and3A_334, %eq3A_336 : vector<1x256xi32>
    %broadcast_in_dim3A_338 = vector.shape_cast %eq3A_337 : vector<1x256xi1> to vector<1x1x256xi1>
    %slice3A_339 = vector.extract_strided_slice %select_n3A_328 {offsets = [4, 0, 0], sizes = [4, 8, 256], strides = [1, 1, 1]} : vector<8x8x256xf32> to vector<4x8x256xf32>
    %slice3A_340 = vector.extract_strided_slice %select_n3A_328 {offsets = [0, 0, 0], sizes = [4, 8, 256], strides = [1, 1, 1]} : vector<8x8x256xf32> to vector<4x8x256xf32>
    %broadcast_in_dim3A_341 = vector.shape_cast %broadcast_in_dim3A_338 : vector<1x1x256xi1> to vector<1x1x256xi1>
    %broadcast_in_dim3A_342 = vector.broadcast %broadcast_in_dim3A_341 : vector<1x1x256xi1> to vector<4x8x256xi1>
    %select_n3A_343 = arith.select %broadcast_in_dim3A_342, %slice3A_339, %slice3A_340 : vector<4x8x256xi1>, vector<4x8x256xf32>
    %shift_right_arithmetic3A_344 = arith.constant 1 : i32
    %shift_right_arithmetic3A_345 = vector.broadcast %shift_right_arithmetic3A_344 : i32 to vector<1x256xi32>
    %shift_right_arithmetic3A_346 = arith.shrsi %broadcast_in_dim3A_31, %shift_right_arithmetic3A_345 : vector<1x256xi32>
    %and3A_347 = arith.constant 1 : i32
    %and3A_348 = vector.broadcast %and3A_347 : i32 to vector<1x256xi32>
    %and3A_349 = arith.andi %shift_right_arithmetic3A_346, %and3A_348 : vector<1x256xi32>
    %eq3A_350 = arith.constant 1 : i32
    %eq3A_351 = vector.broadcast %eq3A_350 : i32 to vector<1x256xi32>
    %eq3A_352 = arith.cmpi eq, %and3A_349, %eq3A_351 : vector<1x256xi32>
    %broadcast_in_dim3A_353 = vector.shape_cast %eq3A_352 : vector<1x256xi1> to vector<1x1x256xi1>
    %slice3A_354 = vector.extract_strided_slice %select_n3A_343 {offsets = [2, 0, 0], sizes = [2, 8, 256], strides = [1, 1, 1]} : vector<4x8x256xf32> to vector<2x8x256xf32>
    %slice3A_355 = vector.extract_strided_slice %select_n3A_343 {offsets = [0, 0, 0], sizes = [2, 8, 256], strides = [1, 1, 1]} : vector<4x8x256xf32> to vector<2x8x256xf32>
    %broadcast_in_dim3A_356 = vector.shape_cast %broadcast_in_dim3A_353 : vector<1x1x256xi1> to vector<1x1x256xi1>
    %broadcast_in_dim3A_357 = vector.broadcast %broadcast_in_dim3A_356 : vector<1x1x256xi1> to vector<2x8x256xi1>
    %select_n3A_358 = arith.select %broadcast_in_dim3A_357, %slice3A_354, %slice3A_355 : vector<2x8x256xi1>, vector<2x8x256xf32>
    %shift_right_arithmetic3A_359 = arith.constant 0 : i32
    %shift_right_arithmetic3A_360 = vector.broadcast %shift_right_arithmetic3A_359 : i32 to vector<1x256xi32>
    %shift_right_arithmetic3A_361 = arith.shrsi %broadcast_in_dim3A_31, %shift_right_arithmetic3A_360 : vector<1x256xi32>
    %and3A_362 = arith.constant 1 : i32
    %and3A_363 = vector.broadcast %and3A_362 : i32 to vector<1x256xi32>
    %and3A_364 = arith.andi %shift_right_arithmetic3A_361, %and3A_363 : vector<1x256xi32>
    %eq3A_365 = arith.constant 1 : i32
    %eq3A_366 = vector.broadcast %eq3A_365 : i32 to vector<1x256xi32>
    %eq3A_367 = arith.cmpi eq, %and3A_364, %eq3A_366 : vector<1x256xi32>
    %broadcast_in_dim3A_368 = vector.shape_cast %eq3A_367 : vector<1x256xi1> to vector<1x1x256xi1>
    %slice3A_369 = vector.extract_strided_slice %select_n3A_358 {offsets = [1, 0, 0], sizes = [1, 8, 256], strides = [1, 1, 1]} : vector<2x8x256xf32> to vector<1x8x256xf32>
    %slice3A_370 = vector.extract_strided_slice %select_n3A_358 {offsets = [0, 0, 0], sizes = [1, 8, 256], strides = [1, 1, 1]} : vector<2x8x256xf32> to vector<1x8x256xf32>
    %broadcast_in_dim3A_371 = vector.shape_cast %broadcast_in_dim3A_368 : vector<1x1x256xi1> to vector<1x1x256xi1>
    %broadcast_in_dim3A_372 = vector.broadcast %broadcast_in_dim3A_371 : vector<1x1x256xi1> to vector<1x8x256xi1>
    %select_n3A_373 = arith.select %broadcast_in_dim3A_372, %slice3A_369, %slice3A_370 : vector<1x8x256xi1>, vector<1x8x256xf32>
    %shift_right_arithmetic3A_374 = arith.constant 6 : i32
    %shift_right_arithmetic3A_375 = vector.broadcast %shift_right_arithmetic3A_374 : i32 to vector<1x256xi32>
    %shift_right_arithmetic3A_376 = arith.shrsi %broadcast_in_dim3A_47, %shift_right_arithmetic3A_375 : vector<1x256xi32>
    %and3A_377 = arith.constant 1 : i32
    %and3A_378 = vector.broadcast %and3A_377 : i32 to vector<1x256xi32>
    %and3A_379 = arith.andi %shift_right_arithmetic3A_376, %and3A_378 : vector<1x256xi32>
    %eq3A_380 = arith.constant 1 : i32
    %eq3A_381 = vector.broadcast %eq3A_380 : i32 to vector<1x256xi32>
    %eq3A_382 = arith.cmpi eq, %and3A_379, %eq3A_381 : vector<1x256xi32>
    %broadcast_in_dim3A_383 = vector.shape_cast %eq3A_382 : vector<1x256xi1> to vector<1x1x256xi1>
    %slice3A_384 = vector.extract_strided_slice %reshape3A_21 {offsets = [64, 0, 0], sizes = [64, 8, 256], strides = [1, 1, 1]} : vector<128x8x256xf32> to vector<64x8x256xf32>
    %slice3A_385 = vector.extract_strided_slice %reshape3A_21 {offsets = [0, 0, 0], sizes = [64, 8, 256], strides = [1, 1, 1]} : vector<128x8x256xf32> to vector<64x8x256xf32>
    %broadcast_in_dim3A_386 = vector.shape_cast %broadcast_in_dim3A_383 : vector<1x1x256xi1> to vector<1x1x256xi1>
    %broadcast_in_dim3A_387 = vector.broadcast %broadcast_in_dim3A_386 : vector<1x1x256xi1> to vector<64x8x256xi1>
    %select_n3A_388 = arith.select %broadcast_in_dim3A_387, %slice3A_384, %slice3A_385 : vector<64x8x256xi1>, vector<64x8x256xf32>
    %shift_right_arithmetic3A_389 = arith.constant 5 : i32
    %shift_right_arithmetic3A_390 = vector.broadcast %shift_right_arithmetic3A_389 : i32 to vector<1x256xi32>
    %shift_right_arithmetic3A_391 = arith.shrsi %broadcast_in_dim3A_47, %shift_right_arithmetic3A_390 : vector<1x256xi32>
    %and3A_392 = arith.constant 1 : i32
    %and3A_393 = vector.broadcast %and3A_392 : i32 to vector<1x256xi32>
    %and3A_394 = arith.andi %shift_right_arithmetic3A_391, %and3A_393 : vector<1x256xi32>
    %eq3A_395 = arith.constant 1 : i32
    %eq3A_396 = vector.broadcast %eq3A_395 : i32 to vector<1x256xi32>
    %eq3A_397 = arith.cmpi eq, %and3A_394, %eq3A_396 : vector<1x256xi32>
    %broadcast_in_dim3A_398 = vector.shape_cast %eq3A_397 : vector<1x256xi1> to vector<1x1x256xi1>
    %slice3A_399 = vector.extract_strided_slice %select_n3A_388 {offsets = [32, 0, 0], sizes = [32, 8, 256], strides = [1, 1, 1]} : vector<64x8x256xf32> to vector<32x8x256xf32>
    %slice3A_400 = vector.extract_strided_slice %select_n3A_388 {offsets = [0, 0, 0], sizes = [32, 8, 256], strides = [1, 1, 1]} : vector<64x8x256xf32> to vector<32x8x256xf32>
    %broadcast_in_dim3A_401 = vector.shape_cast %broadcast_in_dim3A_398 : vector<1x1x256xi1> to vector<1x1x256xi1>
    %broadcast_in_dim3A_402 = vector.broadcast %broadcast_in_dim3A_401 : vector<1x1x256xi1> to vector<32x8x256xi1>
    %select_n3A_403 = arith.select %broadcast_in_dim3A_402, %slice3A_399, %slice3A_400 : vector<32x8x256xi1>, vector<32x8x256xf32>
    %shift_right_arithmetic3A_404 = arith.constant 4 : i32
    %shift_right_arithmetic3A_405 = vector.broadcast %shift_right_arithmetic3A_404 : i32 to vector<1x256xi32>
    %shift_right_arithmetic3A_406 = arith.shrsi %broadcast_in_dim3A_47, %shift_right_arithmetic3A_405 : vector<1x256xi32>
    %and3A_407 = arith.constant 1 : i32
    %and3A_408 = vector.broadcast %and3A_407 : i32 to vector<1x256xi32>
    %and3A_409 = arith.andi %shift_right_arithmetic3A_406, %and3A_408 : vector<1x256xi32>
    %eq3A_410 = arith.constant 1 : i32
    %eq3A_411 = vector.broadcast %eq3A_410 : i32 to vector<1x256xi32>
    %eq3A_412 = arith.cmpi eq, %and3A_409, %eq3A_411 : vector<1x256xi32>
    %broadcast_in_dim3A_413 = vector.shape_cast %eq3A_412 : vector<1x256xi1> to vector<1x1x256xi1>
    %slice3A_414 = vector.extract_strided_slice %select_n3A_403 {offsets = [16, 0, 0], sizes = [16, 8, 256], strides = [1, 1, 1]} : vector<32x8x256xf32> to vector<16x8x256xf32>
    %slice3A_415 = vector.extract_strided_slice %select_n3A_403 {offsets = [0, 0, 0], sizes = [16, 8, 256], strides = [1, 1, 1]} : vector<32x8x256xf32> to vector<16x8x256xf32>
    %broadcast_in_dim3A_416 = vector.shape_cast %broadcast_in_dim3A_413 : vector<1x1x256xi1> to vector<1x1x256xi1>
    %broadcast_in_dim3A_417 = vector.broadcast %broadcast_in_dim3A_416 : vector<1x1x256xi1> to vector<16x8x256xi1>
    %select_n3A_418 = arith.select %broadcast_in_dim3A_417, %slice3A_414, %slice3A_415 : vector<16x8x256xi1>, vector<16x8x256xf32>
    %shift_right_arithmetic3A_419 = arith.constant 3 : i32
    %shift_right_arithmetic3A_420 = vector.broadcast %shift_right_arithmetic3A_419 : i32 to vector<1x256xi32>
    %shift_right_arithmetic3A_421 = arith.shrsi %broadcast_in_dim3A_47, %shift_right_arithmetic3A_420 : vector<1x256xi32>
    %and3A_422 = arith.constant 1 : i32
    %and3A_423 = vector.broadcast %and3A_422 : i32 to vector<1x256xi32>
    %and3A_424 = arith.andi %shift_right_arithmetic3A_421, %and3A_423 : vector<1x256xi32>
    %eq3A_425 = arith.constant 1 : i32
    %eq3A_426 = vector.broadcast %eq3A_425 : i32 to vector<1x256xi32>
    %eq3A_427 = arith.cmpi eq, %and3A_424, %eq3A_426 : vector<1x256xi32>
    %broadcast_in_dim3A_428 = vector.shape_cast %eq3A_427 : vector<1x256xi1> to vector<1x1x256xi1>
    %slice3A_429 = vector.extract_strided_slice %select_n3A_418 {offsets = [8, 0, 0], sizes = [8, 8, 256], strides = [1, 1, 1]} : vector<16x8x256xf32> to vector<8x8x256xf32>
    %slice3A_430 = vector.extract_strided_slice %select_n3A_418 {offsets = [0, 0, 0], sizes = [8, 8, 256], strides = [1, 1, 1]} : vector<16x8x256xf32> to vector<8x8x256xf32>
    %broadcast_in_dim3A_431 = vector.shape_cast %broadcast_in_dim3A_428 : vector<1x1x256xi1> to vector<1x1x256xi1>
    %broadcast_in_dim3A_432 = vector.broadcast %broadcast_in_dim3A_431 : vector<1x1x256xi1> to vector<8x8x256xi1>
    %select_n3A_433 = arith.select %broadcast_in_dim3A_432, %slice3A_429, %slice3A_430 : vector<8x8x256xi1>, vector<8x8x256xf32>
    %shift_right_arithmetic3A_434 = arith.constant 2 : i32
    %shift_right_arithmetic3A_435 = vector.broadcast %shift_right_arithmetic3A_434 : i32 to vector<1x256xi32>
    %shift_right_arithmetic3A_436 = arith.shrsi %broadcast_in_dim3A_47, %shift_right_arithmetic3A_435 : vector<1x256xi32>
    %and3A_437 = arith.constant 1 : i32
    %and3A_438 = vector.broadcast %and3A_437 : i32 to vector<1x256xi32>
    %and3A_439 = arith.andi %shift_right_arithmetic3A_436, %and3A_438 : vector<1x256xi32>
    %eq3A_440 = arith.constant 1 : i32
    %eq3A_441 = vector.broadcast %eq3A_440 : i32 to vector<1x256xi32>
    %eq3A_442 = arith.cmpi eq, %and3A_439, %eq3A_441 : vector<1x256xi32>
    %broadcast_in_dim3A_443 = vector.shape_cast %eq3A_442 : vector<1x256xi1> to vector<1x1x256xi1>
    %slice3A_444 = vector.extract_strided_slice %select_n3A_433 {offsets = [4, 0, 0], sizes = [4, 8, 256], strides = [1, 1, 1]} : vector<8x8x256xf32> to vector<4x8x256xf32>
    %slice3A_445 = vector.extract_strided_slice %select_n3A_433 {offsets = [0, 0, 0], sizes = [4, 8, 256], strides = [1, 1, 1]} : vector<8x8x256xf32> to vector<4x8x256xf32>
    %broadcast_in_dim3A_446 = vector.shape_cast %broadcast_in_dim3A_443 : vector<1x1x256xi1> to vector<1x1x256xi1>
    %broadcast_in_dim3A_447 = vector.broadcast %broadcast_in_dim3A_446 : vector<1x1x256xi1> to vector<4x8x256xi1>
    %select_n3A_448 = arith.select %broadcast_in_dim3A_447, %slice3A_444, %slice3A_445 : vector<4x8x256xi1>, vector<4x8x256xf32>
    %shift_right_arithmetic3A_449 = arith.constant 1 : i32
    %shift_right_arithmetic3A_450 = vector.broadcast %shift_right_arithmetic3A_449 : i32 to vector<1x256xi32>
    %shift_right_arithmetic3A_451 = arith.shrsi %broadcast_in_dim3A_47, %shift_right_arithmetic3A_450 : vector<1x256xi32>
    %and3A_452 = arith.constant 1 : i32
    %and3A_453 = vector.broadcast %and3A_452 : i32 to vector<1x256xi32>
    %and3A_454 = arith.andi %shift_right_arithmetic3A_451, %and3A_453 : vector<1x256xi32>
    %eq3A_455 = arith.constant 1 : i32
    %eq3A_456 = vector.broadcast %eq3A_455 : i32 to vector<1x256xi32>
    %eq3A_457 = arith.cmpi eq, %and3A_454, %eq3A_456 : vector<1x256xi32>
    %broadcast_in_dim3A_458 = vector.shape_cast %eq3A_457 : vector<1x256xi1> to vector<1x1x256xi1>
    %slice3A_459 = vector.extract_strided_slice %select_n3A_448 {offsets = [2, 0, 0], sizes = [2, 8, 256], strides = [1, 1, 1]} : vector<4x8x256xf32> to vector<2x8x256xf32>
    %slice3A_460 = vector.extract_strided_slice %select_n3A_448 {offsets = [0, 0, 0], sizes = [2, 8, 256], strides = [1, 1, 1]} : vector<4x8x256xf32> to vector<2x8x256xf32>
    %broadcast_in_dim3A_461 = vector.shape_cast %broadcast_in_dim3A_458 : vector<1x1x256xi1> to vector<1x1x256xi1>
    %broadcast_in_dim3A_462 = vector.broadcast %broadcast_in_dim3A_461 : vector<1x1x256xi1> to vector<2x8x256xi1>
    %select_n3A_463 = arith.select %broadcast_in_dim3A_462, %slice3A_459, %slice3A_460 : vector<2x8x256xi1>, vector<2x8x256xf32>
    %shift_right_arithmetic3A_464 = arith.constant 0 : i32
    %shift_right_arithmetic3A_465 = vector.broadcast %shift_right_arithmetic3A_464 : i32 to vector<1x256xi32>
    %shift_right_arithmetic3A_466 = arith.shrsi %broadcast_in_dim3A_47, %shift_right_arithmetic3A_465 : vector<1x256xi32>
    %and3A_467 = arith.constant 1 : i32
    %and3A_468 = vector.broadcast %and3A_467 : i32 to vector<1x256xi32>
    %and3A_469 = arith.andi %shift_right_arithmetic3A_466, %and3A_468 : vector<1x256xi32>
    %eq3A_470 = arith.constant 1 : i32
    %eq3A_471 = vector.broadcast %eq3A_470 : i32 to vector<1x256xi32>
    %eq3A_472 = arith.cmpi eq, %and3A_469, %eq3A_471 : vector<1x256xi32>
    %broadcast_in_dim3A_473 = vector.shape_cast %eq3A_472 : vector<1x256xi1> to vector<1x1x256xi1>
    %slice3A_474 = vector.extract_strided_slice %select_n3A_463 {offsets = [1, 0, 0], sizes = [1, 8, 256], strides = [1, 1, 1]} : vector<2x8x256xf32> to vector<1x8x256xf32>
    %slice3A_475 = vector.extract_strided_slice %select_n3A_463 {offsets = [0, 0, 0], sizes = [1, 8, 256], strides = [1, 1, 1]} : vector<2x8x256xf32> to vector<1x8x256xf32>
    %broadcast_in_dim3A_476 = vector.shape_cast %broadcast_in_dim3A_473 : vector<1x1x256xi1> to vector<1x1x256xi1>
    %broadcast_in_dim3A_477 = vector.broadcast %broadcast_in_dim3A_476 : vector<1x1x256xi1> to vector<1x8x256xi1>
    %select_n3A_478 = arith.select %broadcast_in_dim3A_477, %slice3A_474, %slice3A_475 : vector<1x8x256xi1>, vector<1x8x256xf32>
    %shift_right_arithmetic3A_479 = arith.constant 6 : i32
    %shift_right_arithmetic3A_480 = vector.broadcast %shift_right_arithmetic3A_479 : i32 to vector<1x256xi32>
    %shift_right_arithmetic3A_481 = arith.shrsi %broadcast_in_dim3A_63, %shift_right_arithmetic3A_480 : vector<1x256xi32>
    %and3A_482 = arith.constant 1 : i32
    %and3A_483 = vector.broadcast %and3A_482 : i32 to vector<1x256xi32>
    %and3A_484 = arith.andi %shift_right_arithmetic3A_481, %and3A_483 : vector<1x256xi32>
    %eq3A_485 = arith.constant 1 : i32
    %eq3A_486 = vector.broadcast %eq3A_485 : i32 to vector<1x256xi32>
    %eq3A_487 = arith.cmpi eq, %and3A_484, %eq3A_486 : vector<1x256xi32>
    %broadcast_in_dim3A_488 = vector.shape_cast %eq3A_487 : vector<1x256xi1> to vector<1x1x256xi1>
    %slice3A_489 = vector.extract_strided_slice %reshape3A_21 {offsets = [64, 0, 0], sizes = [64, 8, 256], strides = [1, 1, 1]} : vector<128x8x256xf32> to vector<64x8x256xf32>
    %slice3A_490 = vector.extract_strided_slice %reshape3A_21 {offsets = [0, 0, 0], sizes = [64, 8, 256], strides = [1, 1, 1]} : vector<128x8x256xf32> to vector<64x8x256xf32>
    %broadcast_in_dim3A_491 = vector.shape_cast %broadcast_in_dim3A_488 : vector<1x1x256xi1> to vector<1x1x256xi1>
    %broadcast_in_dim3A_492 = vector.broadcast %broadcast_in_dim3A_491 : vector<1x1x256xi1> to vector<64x8x256xi1>
    %select_n3A_493 = arith.select %broadcast_in_dim3A_492, %slice3A_489, %slice3A_490 : vector<64x8x256xi1>, vector<64x8x256xf32>
    %shift_right_arithmetic3A_494 = arith.constant 5 : i32
    %shift_right_arithmetic3A_495 = vector.broadcast %shift_right_arithmetic3A_494 : i32 to vector<1x256xi32>
    %shift_right_arithmetic3A_496 = arith.shrsi %broadcast_in_dim3A_63, %shift_right_arithmetic3A_495 : vector<1x256xi32>
    %and3A_497 = arith.constant 1 : i32
    %and3A_498 = vector.broadcast %and3A_497 : i32 to vector<1x256xi32>
    %and3A_499 = arith.andi %shift_right_arithmetic3A_496, %and3A_498 : vector<1x256xi32>
    %eq3A_500 = arith.constant 1 : i32
    %eq3A_501 = vector.broadcast %eq3A_500 : i32 to vector<1x256xi32>
    %eq3A_502 = arith.cmpi eq, %and3A_499, %eq3A_501 : vector<1x256xi32>
    %broadcast_in_dim3A_503 = vector.shape_cast %eq3A_502 : vector<1x256xi1> to vector<1x1x256xi1>
    %slice3A_504 = vector.extract_strided_slice %select_n3A_493 {offsets = [32, 0, 0], sizes = [32, 8, 256], strides = [1, 1, 1]} : vector<64x8x256xf32> to vector<32x8x256xf32>
    %slice3A_505 = vector.extract_strided_slice %select_n3A_493 {offsets = [0, 0, 0], sizes = [32, 8, 256], strides = [1, 1, 1]} : vector<64x8x256xf32> to vector<32x8x256xf32>
    %broadcast_in_dim3A_506 = vector.shape_cast %broadcast_in_dim3A_503 : vector<1x1x256xi1> to vector<1x1x256xi1>
    %broadcast_in_dim3A_507 = vector.broadcast %broadcast_in_dim3A_506 : vector<1x1x256xi1> to vector<32x8x256xi1>
    %select_n3A_508 = arith.select %broadcast_in_dim3A_507, %slice3A_504, %slice3A_505 : vector<32x8x256xi1>, vector<32x8x256xf32>
    %shift_right_arithmetic3A_509 = arith.constant 4 : i32
    %shift_right_arithmetic3A_510 = vector.broadcast %shift_right_arithmetic3A_509 : i32 to vector<1x256xi32>
    %shift_right_arithmetic3A_511 = arith.shrsi %broadcast_in_dim3A_63, %shift_right_arithmetic3A_510 : vector<1x256xi32>
    %and3A_512 = arith.constant 1 : i32
    %and3A_513 = vector.broadcast %and3A_512 : i32 to vector<1x256xi32>
    %and3A_514 = arith.andi %shift_right_arithmetic3A_511, %and3A_513 : vector<1x256xi32>
    %eq3A_515 = arith.constant 1 : i32
    %eq3A_516 = vector.broadcast %eq3A_515 : i32 to vector<1x256xi32>
    %eq3A_517 = arith.cmpi eq, %and3A_514, %eq3A_516 : vector<1x256xi32>
    %broadcast_in_dim3A_518 = vector.shape_cast %eq3A_517 : vector<1x256xi1> to vector<1x1x256xi1>
    %slice3A_519 = vector.extract_strided_slice %select_n3A_508 {offsets = [16, 0, 0], sizes = [16, 8, 256], strides = [1, 1, 1]} : vector<32x8x256xf32> to vector<16x8x256xf32>
    %slice3A_520 = vector.extract_strided_slice %select_n3A_508 {offsets = [0, 0, 0], sizes = [16, 8, 256], strides = [1, 1, 1]} : vector<32x8x256xf32> to vector<16x8x256xf32>
    %broadcast_in_dim3A_521 = vector.shape_cast %broadcast_in_dim3A_518 : vector<1x1x256xi1> to vector<1x1x256xi1>
    %broadcast_in_dim3A_522 = vector.broadcast %broadcast_in_dim3A_521 : vector<1x1x256xi1> to vector<16x8x256xi1>
    %select_n3A_523 = arith.select %broadcast_in_dim3A_522, %slice3A_519, %slice3A_520 : vector<16x8x256xi1>, vector<16x8x256xf32>
    %shift_right_arithmetic3A_524 = arith.constant 3 : i32
    %shift_right_arithmetic3A_525 = vector.broadcast %shift_right_arithmetic3A_524 : i32 to vector<1x256xi32>
    %shift_right_arithmetic3A_526 = arith.shrsi %broadcast_in_dim3A_63, %shift_right_arithmetic3A_525 : vector<1x256xi32>
    %and3A_527 = arith.constant 1 : i32
    %and3A_528 = vector.broadcast %and3A_527 : i32 to vector<1x256xi32>
    %and3A_529 = arith.andi %shift_right_arithmetic3A_526, %and3A_528 : vector<1x256xi32>
    %eq3A_530 = arith.constant 1 : i32
    %eq3A_531 = vector.broadcast %eq3A_530 : i32 to vector<1x256xi32>
    %eq3A_532 = arith.cmpi eq, %and3A_529, %eq3A_531 : vector<1x256xi32>
    %broadcast_in_dim3A_533 = vector.shape_cast %eq3A_532 : vector<1x256xi1> to vector<1x1x256xi1>
    %slice3A_534 = vector.extract_strided_slice %select_n3A_523 {offsets = [8, 0, 0], sizes = [8, 8, 256], strides = [1, 1, 1]} : vector<16x8x256xf32> to vector<8x8x256xf32>
    %slice3A_535 = vector.extract_strided_slice %select_n3A_523 {offsets = [0, 0, 0], sizes = [8, 8, 256], strides = [1, 1, 1]} : vector<16x8x256xf32> to vector<8x8x256xf32>
    %broadcast_in_dim3A_536 = vector.shape_cast %broadcast_in_dim3A_533 : vector<1x1x256xi1> to vector<1x1x256xi1>
    %broadcast_in_dim3A_537 = vector.broadcast %broadcast_in_dim3A_536 : vector<1x1x256xi1> to vector<8x8x256xi1>
    %select_n3A_538 = arith.select %broadcast_in_dim3A_537, %slice3A_534, %slice3A_535 : vector<8x8x256xi1>, vector<8x8x256xf32>
    %shift_right_arithmetic3A_539 = arith.constant 2 : i32
    %shift_right_arithmetic3A_540 = vector.broadcast %shift_right_arithmetic3A_539 : i32 to vector<1x256xi32>
    %shift_right_arithmetic3A_541 = arith.shrsi %broadcast_in_dim3A_63, %shift_right_arithmetic3A_540 : vector<1x256xi32>
    %and3A_542 = arith.constant 1 : i32
    %and3A_543 = vector.broadcast %and3A_542 : i32 to vector<1x256xi32>
    %and3A_544 = arith.andi %shift_right_arithmetic3A_541, %and3A_543 : vector<1x256xi32>
    %eq3A_545 = arith.constant 1 : i32
    %eq3A_546 = vector.broadcast %eq3A_545 : i32 to vector<1x256xi32>
    %eq3A_547 = arith.cmpi eq, %and3A_544, %eq3A_546 : vector<1x256xi32>
    %broadcast_in_dim3A_548 = vector.shape_cast %eq3A_547 : vector<1x256xi1> to vector<1x1x256xi1>
    %slice3A_549 = vector.extract_strided_slice %select_n3A_538 {offsets = [4, 0, 0], sizes = [4, 8, 256], strides = [1, 1, 1]} : vector<8x8x256xf32> to vector<4x8x256xf32>
    %slice3A_550 = vector.extract_strided_slice %select_n3A_538 {offsets = [0, 0, 0], sizes = [4, 8, 256], strides = [1, 1, 1]} : vector<8x8x256xf32> to vector<4x8x256xf32>
    %broadcast_in_dim3A_551 = vector.shape_cast %broadcast_in_dim3A_548 : vector<1x1x256xi1> to vector<1x1x256xi1>
    %broadcast_in_dim3A_552 = vector.broadcast %broadcast_in_dim3A_551 : vector<1x1x256xi1> to vector<4x8x256xi1>
    %select_n3A_553 = arith.select %broadcast_in_dim3A_552, %slice3A_549, %slice3A_550 : vector<4x8x256xi1>, vector<4x8x256xf32>
    %shift_right_arithmetic3A_554 = arith.constant 1 : i32
    %shift_right_arithmetic3A_555 = vector.broadcast %shift_right_arithmetic3A_554 : i32 to vector<1x256xi32>
    %shift_right_arithmetic3A_556 = arith.shrsi %broadcast_in_dim3A_63, %shift_right_arithmetic3A_555 : vector<1x256xi32>
    %and3A_557 = arith.constant 1 : i32
    %and3A_558 = vector.broadcast %and3A_557 : i32 to vector<1x256xi32>
    %and3A_559 = arith.andi %shift_right_arithmetic3A_556, %and3A_558 : vector<1x256xi32>
    %eq3A_560 = arith.constant 1 : i32
    %eq3A_561 = vector.broadcast %eq3A_560 : i32 to vector<1x256xi32>
    %eq3A_562 = arith.cmpi eq, %and3A_559, %eq3A_561 : vector<1x256xi32>
    %broadcast_in_dim3A_563 = vector.shape_cast %eq3A_562 : vector<1x256xi1> to vector<1x1x256xi1>
    %slice3A_564 = vector.extract_strided_slice %select_n3A_553 {offsets = [2, 0, 0], sizes = [2, 8, 256], strides = [1, 1, 1]} : vector<4x8x256xf32> to vector<2x8x256xf32>
    %slice3A_565 = vector.extract_strided_slice %select_n3A_553 {offsets = [0, 0, 0], sizes = [2, 8, 256], strides = [1, 1, 1]} : vector<4x8x256xf32> to vector<2x8x256xf32>
    %broadcast_in_dim3A_566 = vector.shape_cast %broadcast_in_dim3A_563 : vector<1x1x256xi1> to vector<1x1x256xi1>
    %broadcast_in_dim3A_567 = vector.broadcast %broadcast_in_dim3A_566 : vector<1x1x256xi1> to vector<2x8x256xi1>
    %select_n3A_568 = arith.select %broadcast_in_dim3A_567, %slice3A_564, %slice3A_565 : vector<2x8x256xi1>, vector<2x8x256xf32>
    %shift_right_arithmetic3A_569 = arith.constant 0 : i32
    %shift_right_arithmetic3A_570 = vector.broadcast %shift_right_arithmetic3A_569 : i32 to vector<1x256xi32>
    %shift_right_arithmetic3A_571 = arith.shrsi %broadcast_in_dim3A_63, %shift_right_arithmetic3A_570 : vector<1x256xi32>
    %and3A_572 = arith.constant 1 : i32
    %and3A_573 = vector.broadcast %and3A_572 : i32 to vector<1x256xi32>
    %and3A_574 = arith.andi %shift_right_arithmetic3A_571, %and3A_573 : vector<1x256xi32>
    %eq3A_575 = arith.constant 1 : i32
    %eq3A_576 = vector.broadcast %eq3A_575 : i32 to vector<1x256xi32>
    %eq3A_577 = arith.cmpi eq, %and3A_574, %eq3A_576 : vector<1x256xi32>
    %broadcast_in_dim3A_578 = vector.shape_cast %eq3A_577 : vector<1x256xi1> to vector<1x1x256xi1>
    %slice3A_579 = vector.extract_strided_slice %select_n3A_568 {offsets = [1, 0, 0], sizes = [1, 8, 256], strides = [1, 1, 1]} : vector<2x8x256xf32> to vector<1x8x256xf32>
    %slice3A_580 = vector.extract_strided_slice %select_n3A_568 {offsets = [0, 0, 0], sizes = [1, 8, 256], strides = [1, 1, 1]} : vector<2x8x256xf32> to vector<1x8x256xf32>
    %broadcast_in_dim3A_581 = vector.shape_cast %broadcast_in_dim3A_578 : vector<1x1x256xi1> to vector<1x1x256xi1>
    %broadcast_in_dim3A_582 = vector.broadcast %broadcast_in_dim3A_581 : vector<1x1x256xi1> to vector<1x8x256xi1>
    %select_n3A_583 = arith.select %broadcast_in_dim3A_582, %slice3A_579, %slice3A_580 : vector<1x8x256xi1>, vector<1x8x256xf32>
    %shift_right_arithmetic3A_584 = arith.constant 6 : i32
    %shift_right_arithmetic3A_585 = vector.broadcast %shift_right_arithmetic3A_584 : i32 to vector<1x256xi32>
    %shift_right_arithmetic3A_586 = arith.shrsi %broadcast_in_dim3A_79, %shift_right_arithmetic3A_585 : vector<1x256xi32>
    %and3A_587 = arith.constant 1 : i32
    %and3A_588 = vector.broadcast %and3A_587 : i32 to vector<1x256xi32>
    %and3A_589 = arith.andi %shift_right_arithmetic3A_586, %and3A_588 : vector<1x256xi32>
    %eq3A_590 = arith.constant 1 : i32
    %eq3A_591 = vector.broadcast %eq3A_590 : i32 to vector<1x256xi32>
    %eq3A_592 = arith.cmpi eq, %and3A_589, %eq3A_591 : vector<1x256xi32>
    %broadcast_in_dim3A_593 = vector.shape_cast %eq3A_592 : vector<1x256xi1> to vector<1x1x256xi1>
    %slice3A_594 = vector.extract_strided_slice %reshape3A_21 {offsets = [64, 0, 0], sizes = [64, 8, 256], strides = [1, 1, 1]} : vector<128x8x256xf32> to vector<64x8x256xf32>
    %slice3A_595 = vector.extract_strided_slice %reshape3A_21 {offsets = [0, 0, 0], sizes = [64, 8, 256], strides = [1, 1, 1]} : vector<128x8x256xf32> to vector<64x8x256xf32>
    %broadcast_in_dim3A_596 = vector.shape_cast %broadcast_in_dim3A_593 : vector<1x1x256xi1> to vector<1x1x256xi1>
    %broadcast_in_dim3A_597 = vector.broadcast %broadcast_in_dim3A_596 : vector<1x1x256xi1> to vector<64x8x256xi1>
    %select_n3A_598 = arith.select %broadcast_in_dim3A_597, %slice3A_594, %slice3A_595 : vector<64x8x256xi1>, vector<64x8x256xf32>
    %shift_right_arithmetic3A_599 = arith.constant 5 : i32
    %shift_right_arithmetic3A_600 = vector.broadcast %shift_right_arithmetic3A_599 : i32 to vector<1x256xi32>
    %shift_right_arithmetic3A_601 = arith.shrsi %broadcast_in_dim3A_79, %shift_right_arithmetic3A_600 : vector<1x256xi32>
    %and3A_602 = arith.constant 1 : i32
    %and3A_603 = vector.broadcast %and3A_602 : i32 to vector<1x256xi32>
    %and3A_604 = arith.andi %shift_right_arithmetic3A_601, %and3A_603 : vector<1x256xi32>
    %eq3A_605 = arith.constant 1 : i32
    %eq3A_606 = vector.broadcast %eq3A_605 : i32 to vector<1x256xi32>
    %eq3A_607 = arith.cmpi eq, %and3A_604, %eq3A_606 : vector<1x256xi32>
    %broadcast_in_dim3A_608 = vector.shape_cast %eq3A_607 : vector<1x256xi1> to vector<1x1x256xi1>
    %slice3A_609 = vector.extract_strided_slice %select_n3A_598 {offsets = [32, 0, 0], sizes = [32, 8, 256], strides = [1, 1, 1]} : vector<64x8x256xf32> to vector<32x8x256xf32>
    %slice3A_610 = vector.extract_strided_slice %select_n3A_598 {offsets = [0, 0, 0], sizes = [32, 8, 256], strides = [1, 1, 1]} : vector<64x8x256xf32> to vector<32x8x256xf32>
    %broadcast_in_dim3A_611 = vector.shape_cast %broadcast_in_dim3A_608 : vector<1x1x256xi1> to vector<1x1x256xi1>
    %broadcast_in_dim3A_612 = vector.broadcast %broadcast_in_dim3A_611 : vector<1x1x256xi1> to vector<32x8x256xi1>
    %select_n3A_613 = arith.select %broadcast_in_dim3A_612, %slice3A_609, %slice3A_610 : vector<32x8x256xi1>, vector<32x8x256xf32>
    %shift_right_arithmetic3A_614 = arith.constant 4 : i32
    %shift_right_arithmetic3A_615 = vector.broadcast %shift_right_arithmetic3A_614 : i32 to vector<1x256xi32>
    %shift_right_arithmetic3A_616 = arith.shrsi %broadcast_in_dim3A_79, %shift_right_arithmetic3A_615 : vector<1x256xi32>
    %and3A_617 = arith.constant 1 : i32
    %and3A_618 = vector.broadcast %and3A_617 : i32 to vector<1x256xi32>
    %and3A_619 = arith.andi %shift_right_arithmetic3A_616, %and3A_618 : vector<1x256xi32>
    %eq3A_620 = arith.constant 1 : i32
    %eq3A_621 = vector.broadcast %eq3A_620 : i32 to vector<1x256xi32>
    %eq3A_622 = arith.cmpi eq, %and3A_619, %eq3A_621 : vector<1x256xi32>
    %broadcast_in_dim3A_623 = vector.shape_cast %eq3A_622 : vector<1x256xi1> to vector<1x1x256xi1>
    %slice3A_624 = vector.extract_strided_slice %select_n3A_613 {offsets = [16, 0, 0], sizes = [16, 8, 256], strides = [1, 1, 1]} : vector<32x8x256xf32> to vector<16x8x256xf32>
    %slice3A_625 = vector.extract_strided_slice %select_n3A_613 {offsets = [0, 0, 0], sizes = [16, 8, 256], strides = [1, 1, 1]} : vector<32x8x256xf32> to vector<16x8x256xf32>
    %broadcast_in_dim3A_626 = vector.shape_cast %broadcast_in_dim3A_623 : vector<1x1x256xi1> to vector<1x1x256xi1>
    %broadcast_in_dim3A_627 = vector.broadcast %broadcast_in_dim3A_626 : vector<1x1x256xi1> to vector<16x8x256xi1>
    %select_n3A_628 = arith.select %broadcast_in_dim3A_627, %slice3A_624, %slice3A_625 : vector<16x8x256xi1>, vector<16x8x256xf32>
    %shift_right_arithmetic3A_629 = arith.constant 3 : i32
    %shift_right_arithmetic3A_630 = vector.broadcast %shift_right_arithmetic3A_629 : i32 to vector<1x256xi32>
    %shift_right_arithmetic3A_631 = arith.shrsi %broadcast_in_dim3A_79, %shift_right_arithmetic3A_630 : vector<1x256xi32>
    %and3A_632 = arith.constant 1 : i32
    %and3A_633 = vector.broadcast %and3A_632 : i32 to vector<1x256xi32>
    %and3A_634 = arith.andi %shift_right_arithmetic3A_631, %and3A_633 : vector<1x256xi32>
    %eq3A_635 = arith.constant 1 : i32
    %eq3A_636 = vector.broadcast %eq3A_635 : i32 to vector<1x256xi32>
    %eq3A_637 = arith.cmpi eq, %and3A_634, %eq3A_636 : vector<1x256xi32>
    %broadcast_in_dim3A_638 = vector.shape_cast %eq3A_637 : vector<1x256xi1> to vector<1x1x256xi1>
    %slice3A_639 = vector.extract_strided_slice %select_n3A_628 {offsets = [8, 0, 0], sizes = [8, 8, 256], strides = [1, 1, 1]} : vector<16x8x256xf32> to vector<8x8x256xf32>
    %slice3A_640 = vector.extract_strided_slice %select_n3A_628 {offsets = [0, 0, 0], sizes = [8, 8, 256], strides = [1, 1, 1]} : vector<16x8x256xf32> to vector<8x8x256xf32>
    %broadcast_in_dim3A_641 = vector.shape_cast %broadcast_in_dim3A_638 : vector<1x1x256xi1> to vector<1x1x256xi1>
    %broadcast_in_dim3A_642 = vector.broadcast %broadcast_in_dim3A_641 : vector<1x1x256xi1> to vector<8x8x256xi1>
    %select_n3A_643 = arith.select %broadcast_in_dim3A_642, %slice3A_639, %slice3A_640 : vector<8x8x256xi1>, vector<8x8x256xf32>
    %shift_right_arithmetic3A_644 = arith.constant 2 : i32
    %shift_right_arithmetic3A_645 = vector.broadcast %shift_right_arithmetic3A_644 : i32 to vector<1x256xi32>
    %shift_right_arithmetic3A_646 = arith.shrsi %broadcast_in_dim3A_79, %shift_right_arithmetic3A_645 : vector<1x256xi32>
    %and3A_647 = arith.constant 1 : i32
    %and3A_648 = vector.broadcast %and3A_647 : i32 to vector<1x256xi32>
    %and3A_649 = arith.andi %shift_right_arithmetic3A_646, %and3A_648 : vector<1x256xi32>
    %eq3A_650 = arith.constant 1 : i32
    %eq3A_651 = vector.broadcast %eq3A_650 : i32 to vector<1x256xi32>
    %eq3A_652 = arith.cmpi eq, %and3A_649, %eq3A_651 : vector<1x256xi32>
    %broadcast_in_dim3A_653 = vector.shape_cast %eq3A_652 : vector<1x256xi1> to vector<1x1x256xi1>
    %slice3A_654 = vector.extract_strided_slice %select_n3A_643 {offsets = [4, 0, 0], sizes = [4, 8, 256], strides = [1, 1, 1]} : vector<8x8x256xf32> to vector<4x8x256xf32>
    %slice3A_655 = vector.extract_strided_slice %select_n3A_643 {offsets = [0, 0, 0], sizes = [4, 8, 256], strides = [1, 1, 1]} : vector<8x8x256xf32> to vector<4x8x256xf32>
    %broadcast_in_dim3A_656 = vector.shape_cast %broadcast_in_dim3A_653 : vector<1x1x256xi1> to vector<1x1x256xi1>
    %broadcast_in_dim3A_657 = vector.broadcast %broadcast_in_dim3A_656 : vector<1x1x256xi1> to vector<4x8x256xi1>
    %select_n3A_658 = arith.select %broadcast_in_dim3A_657, %slice3A_654, %slice3A_655 : vector<4x8x256xi1>, vector<4x8x256xf32>
    %shift_right_arithmetic3A_659 = arith.constant 1 : i32
    %shift_right_arithmetic3A_660 = vector.broadcast %shift_right_arithmetic3A_659 : i32 to vector<1x256xi32>
    %shift_right_arithmetic3A_661 = arith.shrsi %broadcast_in_dim3A_79, %shift_right_arithmetic3A_660 : vector<1x256xi32>
    %and3A_662 = arith.constant 1 : i32
    %and3A_663 = vector.broadcast %and3A_662 : i32 to vector<1x256xi32>
    %and3A_664 = arith.andi %shift_right_arithmetic3A_661, %and3A_663 : vector<1x256xi32>
    %eq3A_665 = arith.constant 1 : i32
    %eq3A_666 = vector.broadcast %eq3A_665 : i32 to vector<1x256xi32>
    %eq3A_667 = arith.cmpi eq, %and3A_664, %eq3A_666 : vector<1x256xi32>
    %broadcast_in_dim3A_668 = vector.shape_cast %eq3A_667 : vector<1x256xi1> to vector<1x1x256xi1>
    %slice3A_669 = vector.extract_strided_slice %select_n3A_658 {offsets = [2, 0, 0], sizes = [2, 8, 256], strides = [1, 1, 1]} : vector<4x8x256xf32> to vector<2x8x256xf32>
    %slice3A_670 = vector.extract_strided_slice %select_n3A_658 {offsets = [0, 0, 0], sizes = [2, 8, 256], strides = [1, 1, 1]} : vector<4x8x256xf32> to vector<2x8x256xf32>
    %broadcast_in_dim3A_671 = vector.shape_cast %broadcast_in_dim3A_668 : vector<1x1x256xi1> to vector<1x1x256xi1>
    %broadcast_in_dim3A_672 = vector.broadcast %broadcast_in_dim3A_671 : vector<1x1x256xi1> to vector<2x8x256xi1>
    %select_n3A_673 = arith.select %broadcast_in_dim3A_672, %slice3A_669, %slice3A_670 : vector<2x8x256xi1>, vector<2x8x256xf32>
    %shift_right_arithmetic3A_674 = arith.constant 0 : i32
    %shift_right_arithmetic3A_675 = vector.broadcast %shift_right_arithmetic3A_674 : i32 to vector<1x256xi32>
    %shift_right_arithmetic3A_676 = arith.shrsi %broadcast_in_dim3A_79, %shift_right_arithmetic3A_675 : vector<1x256xi32>
    %and3A_677 = arith.constant 1 : i32
    %and3A_678 = vector.broadcast %and3A_677 : i32 to vector<1x256xi32>
    %and3A_679 = arith.andi %shift_right_arithmetic3A_676, %and3A_678 : vector<1x256xi32>
    %eq3A_680 = arith.constant 1 : i32
    %eq3A_681 = vector.broadcast %eq3A_680 : i32 to vector<1x256xi32>
    %eq3A_682 = arith.cmpi eq, %and3A_679, %eq3A_681 : vector<1x256xi32>
    %broadcast_in_dim3A_683 = vector.shape_cast %eq3A_682 : vector<1x256xi1> to vector<1x1x256xi1>
    %slice3A_684 = vector.extract_strided_slice %select_n3A_673 {offsets = [1, 0, 0], sizes = [1, 8, 256], strides = [1, 1, 1]} : vector<2x8x256xf32> to vector<1x8x256xf32>
    %slice3A_685 = vector.extract_strided_slice %select_n3A_673 {offsets = [0, 0, 0], sizes = [1, 8, 256], strides = [1, 1, 1]} : vector<2x8x256xf32> to vector<1x8x256xf32>
    %broadcast_in_dim3A_686 = vector.shape_cast %broadcast_in_dim3A_683 : vector<1x1x256xi1> to vector<1x1x256xi1>
    %broadcast_in_dim3A_687 = vector.broadcast %broadcast_in_dim3A_686 : vector<1x1x256xi1> to vector<1x8x256xi1>
    %select_n3A_688 = arith.select %broadcast_in_dim3A_687, %slice3A_684, %slice3A_685 : vector<1x8x256xi1>, vector<1x8x256xf32>
    %shift_right_arithmetic3A_689 = arith.constant 6 : i32
    %shift_right_arithmetic3A_690 = vector.broadcast %shift_right_arithmetic3A_689 : i32 to vector<1x256xi32>
    %shift_right_arithmetic3A_691 = arith.shrsi %broadcast_in_dim3A_95, %shift_right_arithmetic3A_690 : vector<1x256xi32>
    %and3A_692 = arith.constant 1 : i32
    %and3A_693 = vector.broadcast %and3A_692 : i32 to vector<1x256xi32>
    %and3A_694 = arith.andi %shift_right_arithmetic3A_691, %and3A_693 : vector<1x256xi32>
    %eq3A_695 = arith.constant 1 : i32
    %eq3A_696 = vector.broadcast %eq3A_695 : i32 to vector<1x256xi32>
    %eq3A_697 = arith.cmpi eq, %and3A_694, %eq3A_696 : vector<1x256xi32>
    %broadcast_in_dim3A_698 = vector.shape_cast %eq3A_697 : vector<1x256xi1> to vector<1x1x256xi1>
    %slice3A_699 = vector.extract_strided_slice %reshape3A_21 {offsets = [64, 0, 0], sizes = [64, 8, 256], strides = [1, 1, 1]} : vector<128x8x256xf32> to vector<64x8x256xf32>
    %slice3A_700 = vector.extract_strided_slice %reshape3A_21 {offsets = [0, 0, 0], sizes = [64, 8, 256], strides = [1, 1, 1]} : vector<128x8x256xf32> to vector<64x8x256xf32>
    %broadcast_in_dim3A_701 = vector.shape_cast %broadcast_in_dim3A_698 : vector<1x1x256xi1> to vector<1x1x256xi1>
    %broadcast_in_dim3A_702 = vector.broadcast %broadcast_in_dim3A_701 : vector<1x1x256xi1> to vector<64x8x256xi1>
    %select_n3A_703 = arith.select %broadcast_in_dim3A_702, %slice3A_699, %slice3A_700 : vector<64x8x256xi1>, vector<64x8x256xf32>
    %shift_right_arithmetic3A_704 = arith.constant 5 : i32
    %shift_right_arithmetic3A_705 = vector.broadcast %shift_right_arithmetic3A_704 : i32 to vector<1x256xi32>
    %shift_right_arithmetic3A_706 = arith.shrsi %broadcast_in_dim3A_95, %shift_right_arithmetic3A_705 : vector<1x256xi32>
    %and3A_707 = arith.constant 1 : i32
    %and3A_708 = vector.broadcast %and3A_707 : i32 to vector<1x256xi32>
    %and3A_709 = arith.andi %shift_right_arithmetic3A_706, %and3A_708 : vector<1x256xi32>
    %eq3A_710 = arith.constant 1 : i32
    %eq3A_711 = vector.broadcast %eq3A_710 : i32 to vector<1x256xi32>
    %eq3A_712 = arith.cmpi eq, %and3A_709, %eq3A_711 : vector<1x256xi32>
    %broadcast_in_dim3A_713 = vector.shape_cast %eq3A_712 : vector<1x256xi1> to vector<1x1x256xi1>
    %slice3A_714 = vector.extract_strided_slice %select_n3A_703 {offsets = [32, 0, 0], sizes = [32, 8, 256], strides = [1, 1, 1]} : vector<64x8x256xf32> to vector<32x8x256xf32>
    %slice3A_715 = vector.extract_strided_slice %select_n3A_703 {offsets = [0, 0, 0], sizes = [32, 8, 256], strides = [1, 1, 1]} : vector<64x8x256xf32> to vector<32x8x256xf32>
    %broadcast_in_dim3A_716 = vector.shape_cast %broadcast_in_dim3A_713 : vector<1x1x256xi1> to vector<1x1x256xi1>
    %broadcast_in_dim3A_717 = vector.broadcast %broadcast_in_dim3A_716 : vector<1x1x256xi1> to vector<32x8x256xi1>
    %select_n3A_718 = arith.select %broadcast_in_dim3A_717, %slice3A_714, %slice3A_715 : vector<32x8x256xi1>, vector<32x8x256xf32>
    %shift_right_arithmetic3A_719 = arith.constant 4 : i32
    %shift_right_arithmetic3A_720 = vector.broadcast %shift_right_arithmetic3A_719 : i32 to vector<1x256xi32>
    %shift_right_arithmetic3A_721 = arith.shrsi %broadcast_in_dim3A_95, %shift_right_arithmetic3A_720 : vector<1x256xi32>
    %and3A_722 = arith.constant 1 : i32
    %and3A_723 = vector.broadcast %and3A_722 : i32 to vector<1x256xi32>
    %and3A_724 = arith.andi %shift_right_arithmetic3A_721, %and3A_723 : vector<1x256xi32>
    %eq3A_725 = arith.constant 1 : i32
    %eq3A_726 = vector.broadcast %eq3A_725 : i32 to vector<1x256xi32>
    %eq3A_727 = arith.cmpi eq, %and3A_724, %eq3A_726 : vector<1x256xi32>
    %broadcast_in_dim3A_728 = vector.shape_cast %eq3A_727 : vector<1x256xi1> to vector<1x1x256xi1>
    %slice3A_729 = vector.extract_strided_slice %select_n3A_718 {offsets = [16, 0, 0], sizes = [16, 8, 256], strides = [1, 1, 1]} : vector<32x8x256xf32> to vector<16x8x256xf32>
    %slice3A_730 = vector.extract_strided_slice %select_n3A_718 {offsets = [0, 0, 0], sizes = [16, 8, 256], strides = [1, 1, 1]} : vector<32x8x256xf32> to vector<16x8x256xf32>
    %broadcast_in_dim3A_731 = vector.shape_cast %broadcast_in_dim3A_728 : vector<1x1x256xi1> to vector<1x1x256xi1>
    %broadcast_in_dim3A_732 = vector.broadcast %broadcast_in_dim3A_731 : vector<1x1x256xi1> to vector<16x8x256xi1>
    %select_n3A_733 = arith.select %broadcast_in_dim3A_732, %slice3A_729, %slice3A_730 : vector<16x8x256xi1>, vector<16x8x256xf32>
    %shift_right_arithmetic3A_734 = arith.constant 3 : i32
    %shift_right_arithmetic3A_735 = vector.broadcast %shift_right_arithmetic3A_734 : i32 to vector<1x256xi32>
    %shift_right_arithmetic3A_736 = arith.shrsi %broadcast_in_dim3A_95, %shift_right_arithmetic3A_735 : vector<1x256xi32>
    %and3A_737 = arith.constant 1 : i32
    %and3A_738 = vector.broadcast %and3A_737 : i32 to vector<1x256xi32>
    %and3A_739 = arith.andi %shift_right_arithmetic3A_736, %and3A_738 : vector<1x256xi32>
    %eq3A_740 = arith.constant 1 : i32
    %eq3A_741 = vector.broadcast %eq3A_740 : i32 to vector<1x256xi32>
    %eq3A_742 = arith.cmpi eq, %and3A_739, %eq3A_741 : vector<1x256xi32>
    %broadcast_in_dim3A_743 = vector.shape_cast %eq3A_742 : vector<1x256xi1> to vector<1x1x256xi1>
    %slice3A_744 = vector.extract_strided_slice %select_n3A_733 {offsets = [8, 0, 0], sizes = [8, 8, 256], strides = [1, 1, 1]} : vector<16x8x256xf32> to vector<8x8x256xf32>
    %slice3A_745 = vector.extract_strided_slice %select_n3A_733 {offsets = [0, 0, 0], sizes = [8, 8, 256], strides = [1, 1, 1]} : vector<16x8x256xf32> to vector<8x8x256xf32>
    %broadcast_in_dim3A_746 = vector.shape_cast %broadcast_in_dim3A_743 : vector<1x1x256xi1> to vector<1x1x256xi1>
    %broadcast_in_dim3A_747 = vector.broadcast %broadcast_in_dim3A_746 : vector<1x1x256xi1> to vector<8x8x256xi1>
    %select_n3A_748 = arith.select %broadcast_in_dim3A_747, %slice3A_744, %slice3A_745 : vector<8x8x256xi1>, vector<8x8x256xf32>
    %shift_right_arithmetic3A_749 = arith.constant 2 : i32
    %shift_right_arithmetic3A_750 = vector.broadcast %shift_right_arithmetic3A_749 : i32 to vector<1x256xi32>
    %shift_right_arithmetic3A_751 = arith.shrsi %broadcast_in_dim3A_95, %shift_right_arithmetic3A_750 : vector<1x256xi32>
    %and3A_752 = arith.constant 1 : i32
    %and3A_753 = vector.broadcast %and3A_752 : i32 to vector<1x256xi32>
    %and3A_754 = arith.andi %shift_right_arithmetic3A_751, %and3A_753 : vector<1x256xi32>
    %eq3A_755 = arith.constant 1 : i32
    %eq3A_756 = vector.broadcast %eq3A_755 : i32 to vector<1x256xi32>
    %eq3A_757 = arith.cmpi eq, %and3A_754, %eq3A_756 : vector<1x256xi32>
    %broadcast_in_dim3A_758 = vector.shape_cast %eq3A_757 : vector<1x256xi1> to vector<1x1x256xi1>
    %slice3A_759 = vector.extract_strided_slice %select_n3A_748 {offsets = [4, 0, 0], sizes = [4, 8, 256], strides = [1, 1, 1]} : vector<8x8x256xf32> to vector<4x8x256xf32>
    %slice3A_760 = vector.extract_strided_slice %select_n3A_748 {offsets = [0, 0, 0], sizes = [4, 8, 256], strides = [1, 1, 1]} : vector<8x8x256xf32> to vector<4x8x256xf32>
    %broadcast_in_dim3A_761 = vector.shape_cast %broadcast_in_dim3A_758 : vector<1x1x256xi1> to vector<1x1x256xi1>
    %broadcast_in_dim3A_762 = vector.broadcast %broadcast_in_dim3A_761 : vector<1x1x256xi1> to vector<4x8x256xi1>
    %select_n3A_763 = arith.select %broadcast_in_dim3A_762, %slice3A_759, %slice3A_760 : vector<4x8x256xi1>, vector<4x8x256xf32>
    %shift_right_arithmetic3A_764 = arith.constant 1 : i32
    %shift_right_arithmetic3A_765 = vector.broadcast %shift_right_arithmetic3A_764 : i32 to vector<1x256xi32>
    %shift_right_arithmetic3A_766 = arith.shrsi %broadcast_in_dim3A_95, %shift_right_arithmetic3A_765 : vector<1x256xi32>
    %and3A_767 = arith.constant 1 : i32
    %and3A_768 = vector.broadcast %and3A_767 : i32 to vector<1x256xi32>
    %and3A_769 = arith.andi %shift_right_arithmetic3A_766, %and3A_768 : vector<1x256xi32>
    %eq3A_770 = arith.constant 1 : i32
    %eq3A_771 = vector.broadcast %eq3A_770 : i32 to vector<1x256xi32>
    %eq3A_772 = arith.cmpi eq, %and3A_769, %eq3A_771 : vector<1x256xi32>
    %broadcast_in_dim3A_773 = vector.shape_cast %eq3A_772 : vector<1x256xi1> to vector<1x1x256xi1>
    %slice3A_774 = vector.extract_strided_slice %select_n3A_763 {offsets = [2, 0, 0], sizes = [2, 8, 256], strides = [1, 1, 1]} : vector<4x8x256xf32> to vector<2x8x256xf32>
    %slice3A_775 = vector.extract_strided_slice %select_n3A_763 {offsets = [0, 0, 0], sizes = [2, 8, 256], strides = [1, 1, 1]} : vector<4x8x256xf32> to vector<2x8x256xf32>
    %broadcast_in_dim3A_776 = vector.shape_cast %broadcast_in_dim3A_773 : vector<1x1x256xi1> to vector<1x1x256xi1>
    %broadcast_in_dim3A_777 = vector.broadcast %broadcast_in_dim3A_776 : vector<1x1x256xi1> to vector<2x8x256xi1>
    %select_n3A_778 = arith.select %broadcast_in_dim3A_777, %slice3A_774, %slice3A_775 : vector<2x8x256xi1>, vector<2x8x256xf32>
    %shift_right_arithmetic3A_779 = arith.constant 0 : i32
    %shift_right_arithmetic3A_780 = vector.broadcast %shift_right_arithmetic3A_779 : i32 to vector<1x256xi32>
    %shift_right_arithmetic3A_781 = arith.shrsi %broadcast_in_dim3A_95, %shift_right_arithmetic3A_780 : vector<1x256xi32>
    %and3A_782 = arith.constant 1 : i32
    %and3A_783 = vector.broadcast %and3A_782 : i32 to vector<1x256xi32>
    %and3A_784 = arith.andi %shift_right_arithmetic3A_781, %and3A_783 : vector<1x256xi32>
    %eq3A_785 = arith.constant 1 : i32
    %eq3A_786 = vector.broadcast %eq3A_785 : i32 to vector<1x256xi32>
    %eq3A_787 = arith.cmpi eq, %and3A_784, %eq3A_786 : vector<1x256xi32>
    %broadcast_in_dim3A_788 = vector.shape_cast %eq3A_787 : vector<1x256xi1> to vector<1x1x256xi1>
    %slice3A_789 = vector.extract_strided_slice %select_n3A_778 {offsets = [1, 0, 0], sizes = [1, 8, 256], strides = [1, 1, 1]} : vector<2x8x256xf32> to vector<1x8x256xf32>
    %slice3A_790 = vector.extract_strided_slice %select_n3A_778 {offsets = [0, 0, 0], sizes = [1, 8, 256], strides = [1, 1, 1]} : vector<2x8x256xf32> to vector<1x8x256xf32>
    %broadcast_in_dim3A_791 = vector.shape_cast %broadcast_in_dim3A_788 : vector<1x1x256xi1> to vector<1x1x256xi1>
    %broadcast_in_dim3A_792 = vector.broadcast %broadcast_in_dim3A_791 : vector<1x1x256xi1> to vector<1x8x256xi1>
    %select_n3A_793 = arith.select %broadcast_in_dim3A_792, %slice3A_789, %slice3A_790 : vector<1x8x256xi1>, vector<1x8x256xf32>
    %shift_right_arithmetic3A_794 = arith.constant 6 : i32
    %shift_right_arithmetic3A_795 = vector.broadcast %shift_right_arithmetic3A_794 : i32 to vector<1x256xi32>
    %shift_right_arithmetic3A_796 = arith.shrsi %broadcast_in_dim3A_111, %shift_right_arithmetic3A_795 : vector<1x256xi32>
    %and3A_797 = arith.constant 1 : i32
    %and3A_798 = vector.broadcast %and3A_797 : i32 to vector<1x256xi32>
    %and3A_799 = arith.andi %shift_right_arithmetic3A_796, %and3A_798 : vector<1x256xi32>
    %eq3A_800 = arith.constant 1 : i32
    %eq3A_801 = vector.broadcast %eq3A_800 : i32 to vector<1x256xi32>
    %eq3A_802 = arith.cmpi eq, %and3A_799, %eq3A_801 : vector<1x256xi32>
    %broadcast_in_dim3A_803 = vector.shape_cast %eq3A_802 : vector<1x256xi1> to vector<1x1x256xi1>
    %slice3A_804 = vector.extract_strided_slice %reshape3A_21 {offsets = [64, 0, 0], sizes = [64, 8, 256], strides = [1, 1, 1]} : vector<128x8x256xf32> to vector<64x8x256xf32>
    %slice3A_805 = vector.extract_strided_slice %reshape3A_21 {offsets = [0, 0, 0], sizes = [64, 8, 256], strides = [1, 1, 1]} : vector<128x8x256xf32> to vector<64x8x256xf32>
    %broadcast_in_dim3A_806 = vector.shape_cast %broadcast_in_dim3A_803 : vector<1x1x256xi1> to vector<1x1x256xi1>
    %broadcast_in_dim3A_807 = vector.broadcast %broadcast_in_dim3A_806 : vector<1x1x256xi1> to vector<64x8x256xi1>
    %select_n3A_808 = arith.select %broadcast_in_dim3A_807, %slice3A_804, %slice3A_805 : vector<64x8x256xi1>, vector<64x8x256xf32>
    %shift_right_arithmetic3A_809 = arith.constant 5 : i32
    %shift_right_arithmetic3A_810 = vector.broadcast %shift_right_arithmetic3A_809 : i32 to vector<1x256xi32>
    %shift_right_arithmetic3A_811 = arith.shrsi %broadcast_in_dim3A_111, %shift_right_arithmetic3A_810 : vector<1x256xi32>
    %and3A_812 = arith.constant 1 : i32
    %and3A_813 = vector.broadcast %and3A_812 : i32 to vector<1x256xi32>
    %and3A_814 = arith.andi %shift_right_arithmetic3A_811, %and3A_813 : vector<1x256xi32>
    %eq3A_815 = arith.constant 1 : i32
    %eq3A_816 = vector.broadcast %eq3A_815 : i32 to vector<1x256xi32>
    %eq3A_817 = arith.cmpi eq, %and3A_814, %eq3A_816 : vector<1x256xi32>
    %broadcast_in_dim3A_818 = vector.shape_cast %eq3A_817 : vector<1x256xi1> to vector<1x1x256xi1>
    %slice3A_819 = vector.extract_strided_slice %select_n3A_808 {offsets = [32, 0, 0], sizes = [32, 8, 256], strides = [1, 1, 1]} : vector<64x8x256xf32> to vector<32x8x256xf32>
    %slice3A_820 = vector.extract_strided_slice %select_n3A_808 {offsets = [0, 0, 0], sizes = [32, 8, 256], strides = [1, 1, 1]} : vector<64x8x256xf32> to vector<32x8x256xf32>
    %broadcast_in_dim3A_821 = vector.shape_cast %broadcast_in_dim3A_818 : vector<1x1x256xi1> to vector<1x1x256xi1>
    %broadcast_in_dim3A_822 = vector.broadcast %broadcast_in_dim3A_821 : vector<1x1x256xi1> to vector<32x8x256xi1>
    %select_n3A_823 = arith.select %broadcast_in_dim3A_822, %slice3A_819, %slice3A_820 : vector<32x8x256xi1>, vector<32x8x256xf32>
    %shift_right_arithmetic3A_824 = arith.constant 4 : i32
    %shift_right_arithmetic3A_825 = vector.broadcast %shift_right_arithmetic3A_824 : i32 to vector<1x256xi32>
    %shift_right_arithmetic3A_826 = arith.shrsi %broadcast_in_dim3A_111, %shift_right_arithmetic3A_825 : vector<1x256xi32>
    %and3A_827 = arith.constant 1 : i32
    %and3A_828 = vector.broadcast %and3A_827 : i32 to vector<1x256xi32>
    %and3A_829 = arith.andi %shift_right_arithmetic3A_826, %and3A_828 : vector<1x256xi32>
    %eq3A_830 = arith.constant 1 : i32
    %eq3A_831 = vector.broadcast %eq3A_830 : i32 to vector<1x256xi32>
    %eq3A_832 = arith.cmpi eq, %and3A_829, %eq3A_831 : vector<1x256xi32>
    %broadcast_in_dim3A_833 = vector.shape_cast %eq3A_832 : vector<1x256xi1> to vector<1x1x256xi1>
    %slice3A_834 = vector.extract_strided_slice %select_n3A_823 {offsets = [16, 0, 0], sizes = [16, 8, 256], strides = [1, 1, 1]} : vector<32x8x256xf32> to vector<16x8x256xf32>
    %slice3A_835 = vector.extract_strided_slice %select_n3A_823 {offsets = [0, 0, 0], sizes = [16, 8, 256], strides = [1, 1, 1]} : vector<32x8x256xf32> to vector<16x8x256xf32>
    %broadcast_in_dim3A_836 = vector.shape_cast %broadcast_in_dim3A_833 : vector<1x1x256xi1> to vector<1x1x256xi1>
    %broadcast_in_dim3A_837 = vector.broadcast %broadcast_in_dim3A_836 : vector<1x1x256xi1> to vector<16x8x256xi1>
    %select_n3A_838 = arith.select %broadcast_in_dim3A_837, %slice3A_834, %slice3A_835 : vector<16x8x256xi1>, vector<16x8x256xf32>
    %shift_right_arithmetic3A_839 = arith.constant 3 : i32
    %shift_right_arithmetic3A_840 = vector.broadcast %shift_right_arithmetic3A_839 : i32 to vector<1x256xi32>
    %shift_right_arithmetic3A_841 = arith.shrsi %broadcast_in_dim3A_111, %shift_right_arithmetic3A_840 : vector<1x256xi32>
    %and3A_842 = arith.constant 1 : i32
    %and3A_843 = vector.broadcast %and3A_842 : i32 to vector<1x256xi32>
    %and3A_844 = arith.andi %shift_right_arithmetic3A_841, %and3A_843 : vector<1x256xi32>
    %eq3A_845 = arith.constant 1 : i32
    %eq3A_846 = vector.broadcast %eq3A_845 : i32 to vector<1x256xi32>
    %eq3A_847 = arith.cmpi eq, %and3A_844, %eq3A_846 : vector<1x256xi32>
    %broadcast_in_dim3A_848 = vector.shape_cast %eq3A_847 : vector<1x256xi1> to vector<1x1x256xi1>
    %slice3A_849 = vector.extract_strided_slice %select_n3A_838 {offsets = [8, 0, 0], sizes = [8, 8, 256], strides = [1, 1, 1]} : vector<16x8x256xf32> to vector<8x8x256xf32>
    %slice3A_850 = vector.extract_strided_slice %select_n3A_838 {offsets = [0, 0, 0], sizes = [8, 8, 256], strides = [1, 1, 1]} : vector<16x8x256xf32> to vector<8x8x256xf32>
    %broadcast_in_dim3A_851 = vector.shape_cast %broadcast_in_dim3A_848 : vector<1x1x256xi1> to vector<1x1x256xi1>
    %broadcast_in_dim3A_852 = vector.broadcast %broadcast_in_dim3A_851 : vector<1x1x256xi1> to vector<8x8x256xi1>
    %select_n3A_853 = arith.select %broadcast_in_dim3A_852, %slice3A_849, %slice3A_850 : vector<8x8x256xi1>, vector<8x8x256xf32>
    %shift_right_arithmetic3A_854 = arith.constant 2 : i32
    %shift_right_arithmetic3A_855 = vector.broadcast %shift_right_arithmetic3A_854 : i32 to vector<1x256xi32>
    %shift_right_arithmetic3A_856 = arith.shrsi %broadcast_in_dim3A_111, %shift_right_arithmetic3A_855 : vector<1x256xi32>
    %and3A_857 = arith.constant 1 : i32
    %and3A_858 = vector.broadcast %and3A_857 : i32 to vector<1x256xi32>
    %and3A_859 = arith.andi %shift_right_arithmetic3A_856, %and3A_858 : vector<1x256xi32>
    %eq3A_860 = arith.constant 1 : i32
    %eq3A_861 = vector.broadcast %eq3A_860 : i32 to vector<1x256xi32>
    %eq3A_862 = arith.cmpi eq, %and3A_859, %eq3A_861 : vector<1x256xi32>
    %broadcast_in_dim3A_863 = vector.shape_cast %eq3A_862 : vector<1x256xi1> to vector<1x1x256xi1>
    %slice3A_864 = vector.extract_strided_slice %select_n3A_853 {offsets = [4, 0, 0], sizes = [4, 8, 256], strides = [1, 1, 1]} : vector<8x8x256xf32> to vector<4x8x256xf32>
    %slice3A_865 = vector.extract_strided_slice %select_n3A_853 {offsets = [0, 0, 0], sizes = [4, 8, 256], strides = [1, 1, 1]} : vector<8x8x256xf32> to vector<4x8x256xf32>
    %broadcast_in_dim3A_866 = vector.shape_cast %broadcast_in_dim3A_863 : vector<1x1x256xi1> to vector<1x1x256xi1>
    %broadcast_in_dim3A_867 = vector.broadcast %broadcast_in_dim3A_866 : vector<1x1x256xi1> to vector<4x8x256xi1>
    %select_n3A_868 = arith.select %broadcast_in_dim3A_867, %slice3A_864, %slice3A_865 : vector<4x8x256xi1>, vector<4x8x256xf32>
    %shift_right_arithmetic3A_869 = arith.constant 1 : i32
    %shift_right_arithmetic3A_870 = vector.broadcast %shift_right_arithmetic3A_869 : i32 to vector<1x256xi32>
    %shift_right_arithmetic3A_871 = arith.shrsi %broadcast_in_dim3A_111, %shift_right_arithmetic3A_870 : vector<1x256xi32>
    %and3A_872 = arith.constant 1 : i32
    %and3A_873 = vector.broadcast %and3A_872 : i32 to vector<1x256xi32>
    %and3A_874 = arith.andi %shift_right_arithmetic3A_871, %and3A_873 : vector<1x256xi32>
    %eq3A_875 = arith.constant 1 : i32
    %eq3A_876 = vector.broadcast %eq3A_875 : i32 to vector<1x256xi32>
    %eq3A_877 = arith.cmpi eq, %and3A_874, %eq3A_876 : vector<1x256xi32>
    %broadcast_in_dim3A_878 = vector.shape_cast %eq3A_877 : vector<1x256xi1> to vector<1x1x256xi1>
    %slice3A_879 = vector.extract_strided_slice %select_n3A_868 {offsets = [2, 0, 0], sizes = [2, 8, 256], strides = [1, 1, 1]} : vector<4x8x256xf32> to vector<2x8x256xf32>
    %slice3A_880 = vector.extract_strided_slice %select_n3A_868 {offsets = [0, 0, 0], sizes = [2, 8, 256], strides = [1, 1, 1]} : vector<4x8x256xf32> to vector<2x8x256xf32>
    %broadcast_in_dim3A_881 = vector.shape_cast %broadcast_in_dim3A_878 : vector<1x1x256xi1> to vector<1x1x256xi1>
    %broadcast_in_dim3A_882 = vector.broadcast %broadcast_in_dim3A_881 : vector<1x1x256xi1> to vector<2x8x256xi1>
    %select_n3A_883 = arith.select %broadcast_in_dim3A_882, %slice3A_879, %slice3A_880 : vector<2x8x256xi1>, vector<2x8x256xf32>
    %shift_right_arithmetic3A_884 = arith.constant 0 : i32
    %shift_right_arithmetic3A_885 = vector.broadcast %shift_right_arithmetic3A_884 : i32 to vector<1x256xi32>
    %shift_right_arithmetic3A_886 = arith.shrsi %broadcast_in_dim3A_111, %shift_right_arithmetic3A_885 : vector<1x256xi32>
    %and3A_887 = arith.constant 1 : i32
    %and3A_888 = vector.broadcast %and3A_887 : i32 to vector<1x256xi32>
    %and3A_889 = arith.andi %shift_right_arithmetic3A_886, %and3A_888 : vector<1x256xi32>
    %eq3A_890 = arith.constant 1 : i32
    %eq3A_891 = vector.broadcast %eq3A_890 : i32 to vector<1x256xi32>
    %eq3A_892 = arith.cmpi eq, %and3A_889, %eq3A_891 : vector<1x256xi32>
    %broadcast_in_dim3A_893 = vector.shape_cast %eq3A_892 : vector<1x256xi1> to vector<1x1x256xi1>
    %slice3A_894 = vector.extract_strided_slice %select_n3A_883 {offsets = [1, 0, 0], sizes = [1, 8, 256], strides = [1, 1, 1]} : vector<2x8x256xf32> to vector<1x8x256xf32>
    %slice3A_895 = vector.extract_strided_slice %select_n3A_883 {offsets = [0, 0, 0], sizes = [1, 8, 256], strides = [1, 1, 1]} : vector<2x8x256xf32> to vector<1x8x256xf32>
    %broadcast_in_dim3A_896 = vector.shape_cast %broadcast_in_dim3A_893 : vector<1x1x256xi1> to vector<1x1x256xi1>
    %broadcast_in_dim3A_897 = vector.broadcast %broadcast_in_dim3A_896 : vector<1x1x256xi1> to vector<1x8x256xi1>
    %select_n3A_898 = arith.select %broadcast_in_dim3A_897, %slice3A_894, %slice3A_895 : vector<1x8x256xi1>, vector<1x8x256xf32>
    %shift_right_arithmetic3A_899 = arith.constant 6 : i32
    %shift_right_arithmetic3A_900 = vector.broadcast %shift_right_arithmetic3A_899 : i32 to vector<1x256xi32>
    %shift_right_arithmetic3A_901 = arith.shrsi %broadcast_in_dim3A_127, %shift_right_arithmetic3A_900 : vector<1x256xi32>
    %and3A_902 = arith.constant 1 : i32
    %and3A_903 = vector.broadcast %and3A_902 : i32 to vector<1x256xi32>
    %and3A_904 = arith.andi %shift_right_arithmetic3A_901, %and3A_903 : vector<1x256xi32>
    %eq3A_905 = arith.constant 1 : i32
    %eq3A_906 = vector.broadcast %eq3A_905 : i32 to vector<1x256xi32>
    %eq3A_907 = arith.cmpi eq, %and3A_904, %eq3A_906 : vector<1x256xi32>
    %broadcast_in_dim3A_908 = vector.shape_cast %eq3A_907 : vector<1x256xi1> to vector<1x1x256xi1>
    %slice3A_909 = vector.extract_strided_slice %reshape3A_21 {offsets = [64, 0, 0], sizes = [64, 8, 256], strides = [1, 1, 1]} : vector<128x8x256xf32> to vector<64x8x256xf32>
    %slice3A_910 = vector.extract_strided_slice %reshape3A_21 {offsets = [0, 0, 0], sizes = [64, 8, 256], strides = [1, 1, 1]} : vector<128x8x256xf32> to vector<64x8x256xf32>
    %broadcast_in_dim3A_911 = vector.shape_cast %broadcast_in_dim3A_908 : vector<1x1x256xi1> to vector<1x1x256xi1>
    %broadcast_in_dim3A_912 = vector.broadcast %broadcast_in_dim3A_911 : vector<1x1x256xi1> to vector<64x8x256xi1>
    %select_n3A_913 = arith.select %broadcast_in_dim3A_912, %slice3A_909, %slice3A_910 : vector<64x8x256xi1>, vector<64x8x256xf32>
    %shift_right_arithmetic3A_914 = arith.constant 5 : i32
    %shift_right_arithmetic3A_915 = vector.broadcast %shift_right_arithmetic3A_914 : i32 to vector<1x256xi32>
    %shift_right_arithmetic3A_916 = arith.shrsi %broadcast_in_dim3A_127, %shift_right_arithmetic3A_915 : vector<1x256xi32>
    %and3A_917 = arith.constant 1 : i32
    %and3A_918 = vector.broadcast %and3A_917 : i32 to vector<1x256xi32>
    %and3A_919 = arith.andi %shift_right_arithmetic3A_916, %and3A_918 : vector<1x256xi32>
    %eq3A_920 = arith.constant 1 : i32
    %eq3A_921 = vector.broadcast %eq3A_920 : i32 to vector<1x256xi32>
    %eq3A_922 = arith.cmpi eq, %and3A_919, %eq3A_921 : vector<1x256xi32>
    %broadcast_in_dim3A_923 = vector.shape_cast %eq3A_922 : vector<1x256xi1> to vector<1x1x256xi1>
    %slice3A_924 = vector.extract_strided_slice %select_n3A_913 {offsets = [32, 0, 0], sizes = [32, 8, 256], strides = [1, 1, 1]} : vector<64x8x256xf32> to vector<32x8x256xf32>
    %slice3A_925 = vector.extract_strided_slice %select_n3A_913 {offsets = [0, 0, 0], sizes = [32, 8, 256], strides = [1, 1, 1]} : vector<64x8x256xf32> to vector<32x8x256xf32>
    %broadcast_in_dim3A_926 = vector.shape_cast %broadcast_in_dim3A_923 : vector<1x1x256xi1> to vector<1x1x256xi1>
    %broadcast_in_dim3A_927 = vector.broadcast %broadcast_in_dim3A_926 : vector<1x1x256xi1> to vector<32x8x256xi1>
    %select_n3A_928 = arith.select %broadcast_in_dim3A_927, %slice3A_924, %slice3A_925 : vector<32x8x256xi1>, vector<32x8x256xf32>
    %shift_right_arithmetic3A_929 = arith.constant 4 : i32
    %shift_right_arithmetic3A_930 = vector.broadcast %shift_right_arithmetic3A_929 : i32 to vector<1x256xi32>
    %shift_right_arithmetic3A_931 = arith.shrsi %broadcast_in_dim3A_127, %shift_right_arithmetic3A_930 : vector<1x256xi32>
    %and3A_932 = arith.constant 1 : i32
    %and3A_933 = vector.broadcast %and3A_932 : i32 to vector<1x256xi32>
    %and3A_934 = arith.andi %shift_right_arithmetic3A_931, %and3A_933 : vector<1x256xi32>
    %eq3A_935 = arith.constant 1 : i32
    %eq3A_936 = vector.broadcast %eq3A_935 : i32 to vector<1x256xi32>
    %eq3A_937 = arith.cmpi eq, %and3A_934, %eq3A_936 : vector<1x256xi32>
    %broadcast_in_dim3A_938 = vector.shape_cast %eq3A_937 : vector<1x256xi1> to vector<1x1x256xi1>
    %slice3A_939 = vector.extract_strided_slice %select_n3A_928 {offsets = [16, 0, 0], sizes = [16, 8, 256], strides = [1, 1, 1]} : vector<32x8x256xf32> to vector<16x8x256xf32>
    %slice3A_940 = vector.extract_strided_slice %select_n3A_928 {offsets = [0, 0, 0], sizes = [16, 8, 256], strides = [1, 1, 1]} : vector<32x8x256xf32> to vector<16x8x256xf32>
    %broadcast_in_dim3A_941 = vector.shape_cast %broadcast_in_dim3A_938 : vector<1x1x256xi1> to vector<1x1x256xi1>
    %broadcast_in_dim3A_942 = vector.broadcast %broadcast_in_dim3A_941 : vector<1x1x256xi1> to vector<16x8x256xi1>
    %select_n3A_943 = arith.select %broadcast_in_dim3A_942, %slice3A_939, %slice3A_940 : vector<16x8x256xi1>, vector<16x8x256xf32>
    %shift_right_arithmetic3A_944 = arith.constant 3 : i32
    %shift_right_arithmetic3A_945 = vector.broadcast %shift_right_arithmetic3A_944 : i32 to vector<1x256xi32>
    %shift_right_arithmetic3A_946 = arith.shrsi %broadcast_in_dim3A_127, %shift_right_arithmetic3A_945 : vector<1x256xi32>
    %and3A_947 = arith.constant 1 : i32
    %and3A_948 = vector.broadcast %and3A_947 : i32 to vector<1x256xi32>
    %and3A_949 = arith.andi %shift_right_arithmetic3A_946, %and3A_948 : vector<1x256xi32>
    %eq3A_950 = arith.constant 1 : i32
    %eq3A_951 = vector.broadcast %eq3A_950 : i32 to vector<1x256xi32>
    %eq3A_952 = arith.cmpi eq, %and3A_949, %eq3A_951 : vector<1x256xi32>
    %broadcast_in_dim3A_953 = vector.shape_cast %eq3A_952 : vector<1x256xi1> to vector<1x1x256xi1>
    %slice3A_954 = vector.extract_strided_slice %select_n3A_943 {offsets = [8, 0, 0], sizes = [8, 8, 256], strides = [1, 1, 1]} : vector<16x8x256xf32> to vector<8x8x256xf32>
    %slice3A_955 = vector.extract_strided_slice %select_n3A_943 {offsets = [0, 0, 0], sizes = [8, 8, 256], strides = [1, 1, 1]} : vector<16x8x256xf32> to vector<8x8x256xf32>
    %broadcast_in_dim3A_956 = vector.shape_cast %broadcast_in_dim3A_953 : vector<1x1x256xi1> to vector<1x1x256xi1>
    %broadcast_in_dim3A_957 = vector.broadcast %broadcast_in_dim3A_956 : vector<1x1x256xi1> to vector<8x8x256xi1>
    %select_n3A_958 = arith.select %broadcast_in_dim3A_957, %slice3A_954, %slice3A_955 : vector<8x8x256xi1>, vector<8x8x256xf32>
    %shift_right_arithmetic3A_959 = arith.constant 2 : i32
    %shift_right_arithmetic3A_960 = vector.broadcast %shift_right_arithmetic3A_959 : i32 to vector<1x256xi32>
    %shift_right_arithmetic3A_961 = arith.shrsi %broadcast_in_dim3A_127, %shift_right_arithmetic3A_960 : vector<1x256xi32>
    %and3A_962 = arith.constant 1 : i32
    %and3A_963 = vector.broadcast %and3A_962 : i32 to vector<1x256xi32>
    %and3A_964 = arith.andi %shift_right_arithmetic3A_961, %and3A_963 : vector<1x256xi32>
    %eq3A_965 = arith.constant 1 : i32
    %eq3A_966 = vector.broadcast %eq3A_965 : i32 to vector<1x256xi32>
    %eq3A_967 = arith.cmpi eq, %and3A_964, %eq3A_966 : vector<1x256xi32>
    %broadcast_in_dim3A_968 = vector.shape_cast %eq3A_967 : vector<1x256xi1> to vector<1x1x256xi1>
    %slice3A_969 = vector.extract_strided_slice %select_n3A_958 {offsets = [4, 0, 0], sizes = [4, 8, 256], strides = [1, 1, 1]} : vector<8x8x256xf32> to vector<4x8x256xf32>
    %slice3A_970 = vector.extract_strided_slice %select_n3A_958 {offsets = [0, 0, 0], sizes = [4, 8, 256], strides = [1, 1, 1]} : vector<8x8x256xf32> to vector<4x8x256xf32>
    %broadcast_in_dim3A_971 = vector.shape_cast %broadcast_in_dim3A_968 : vector<1x1x256xi1> to vector<1x1x256xi1>
    %broadcast_in_dim3A_972 = vector.broadcast %broadcast_in_dim3A_971 : vector<1x1x256xi1> to vector<4x8x256xi1>
    %select_n3A_973 = arith.select %broadcast_in_dim3A_972, %slice3A_969, %slice3A_970 : vector<4x8x256xi1>, vector<4x8x256xf32>
    %shift_right_arithmetic3A_974 = arith.constant 1 : i32
    %shift_right_arithmetic3A_975 = vector.broadcast %shift_right_arithmetic3A_974 : i32 to vector<1x256xi32>
    %shift_right_arithmetic3A_976 = arith.shrsi %broadcast_in_dim3A_127, %shift_right_arithmetic3A_975 : vector<1x256xi32>
    %and3A_977 = arith.constant 1 : i32
    %and3A_978 = vector.broadcast %and3A_977 : i32 to vector<1x256xi32>
    %and3A_979 = arith.andi %shift_right_arithmetic3A_976, %and3A_978 : vector<1x256xi32>
    %eq3A_980 = arith.constant 1 : i32
    %eq3A_981 = vector.broadcast %eq3A_980 : i32 to vector<1x256xi32>
    %eq3A_982 = arith.cmpi eq, %and3A_979, %eq3A_981 : vector<1x256xi32>
    %broadcast_in_dim3A_983 = vector.shape_cast %eq3A_982 : vector<1x256xi1> to vector<1x1x256xi1>
    %slice3A_984 = vector.extract_strided_slice %select_n3A_973 {offsets = [2, 0, 0], sizes = [2, 8, 256], strides = [1, 1, 1]} : vector<4x8x256xf32> to vector<2x8x256xf32>
    %slice3A_985 = vector.extract_strided_slice %select_n3A_973 {offsets = [0, 0, 0], sizes = [2, 8, 256], strides = [1, 1, 1]} : vector<4x8x256xf32> to vector<2x8x256xf32>
    %broadcast_in_dim3A_986 = vector.shape_cast %broadcast_in_dim3A_983 : vector<1x1x256xi1> to vector<1x1x256xi1>
    %broadcast_in_dim3A_987 = vector.broadcast %broadcast_in_dim3A_986 : vector<1x1x256xi1> to vector<2x8x256xi1>
    %select_n3A_988 = arith.select %broadcast_in_dim3A_987, %slice3A_984, %slice3A_985 : vector<2x8x256xi1>, vector<2x8x256xf32>
    %shift_right_arithmetic3A_989 = arith.constant 0 : i32
    %shift_right_arithmetic3A_990 = vector.broadcast %shift_right_arithmetic3A_989 : i32 to vector<1x256xi32>
    %shift_right_arithmetic3A_991 = arith.shrsi %broadcast_in_dim3A_127, %shift_right_arithmetic3A_990 : vector<1x256xi32>
    %and3A_992 = arith.constant 1 : i32
    %and3A_993 = vector.broadcast %and3A_992 : i32 to vector<1x256xi32>
    %and3A_994 = arith.andi %shift_right_arithmetic3A_991, %and3A_993 : vector<1x256xi32>
    %eq3A_995 = arith.constant 1 : i32
    %eq3A_996 = vector.broadcast %eq3A_995 : i32 to vector<1x256xi32>
    %eq3A_997 = arith.cmpi eq, %and3A_994, %eq3A_996 : vector<1x256xi32>
    %broadcast_in_dim3A_998 = vector.shape_cast %eq3A_997 : vector<1x256xi1> to vector<1x1x256xi1>
    %slice3A_999 = vector.extract_strided_slice %select_n3A_988 {offsets = [1, 0, 0], sizes = [1, 8, 256], strides = [1, 1, 1]} : vector<2x8x256xf32> to vector<1x8x256xf32>
    %slice3A_1000 = vector.extract_strided_slice %select_n3A_988 {offsets = [0, 0, 0], sizes = [1, 8, 256], strides = [1, 1, 1]} : vector<2x8x256xf32> to vector<1x8x256xf32>
    %broadcast_in_dim3A_1001 = vector.shape_cast %broadcast_in_dim3A_998 : vector<1x1x256xi1> to vector<1x1x256xi1>
    %broadcast_in_dim3A_1002 = vector.broadcast %broadcast_in_dim3A_1001 : vector<1x1x256xi1> to vector<1x8x256xi1>
    %select_n3A_1003 = arith.select %broadcast_in_dim3A_1002, %slice3A_999, %slice3A_1000 : vector<1x8x256xi1>, vector<1x8x256xf32>
    %shift_right_arithmetic3A_1004 = arith.constant 6 : i32
    %shift_right_arithmetic3A_1005 = vector.broadcast %shift_right_arithmetic3A_1004 : i32 to vector<1x256xi32>
    %shift_right_arithmetic3A_1006 = arith.shrsi %broadcast_in_dim3A_143, %shift_right_arithmetic3A_1005 : vector<1x256xi32>
    %and3A_1007 = arith.constant 1 : i32
    %and3A_1008 = vector.broadcast %and3A_1007 : i32 to vector<1x256xi32>
    %and3A_1009 = arith.andi %shift_right_arithmetic3A_1006, %and3A_1008 : vector<1x256xi32>
    %eq3A_1010 = arith.constant 1 : i32
    %eq3A_1011 = vector.broadcast %eq3A_1010 : i32 to vector<1x256xi32>
    %eq3A_1012 = arith.cmpi eq, %and3A_1009, %eq3A_1011 : vector<1x256xi32>
    %broadcast_in_dim3A_1013 = vector.shape_cast %eq3A_1012 : vector<1x256xi1> to vector<1x1x256xi1>
    %slice3A_1014 = vector.extract_strided_slice %reshape3A_21 {offsets = [64, 0, 0], sizes = [64, 8, 256], strides = [1, 1, 1]} : vector<128x8x256xf32> to vector<64x8x256xf32>
    %slice3A_1015 = vector.extract_strided_slice %reshape3A_21 {offsets = [0, 0, 0], sizes = [64, 8, 256], strides = [1, 1, 1]} : vector<128x8x256xf32> to vector<64x8x256xf32>
    %broadcast_in_dim3A_1016 = vector.shape_cast %broadcast_in_dim3A_1013 : vector<1x1x256xi1> to vector<1x1x256xi1>
    %broadcast_in_dim3A_1017 = vector.broadcast %broadcast_in_dim3A_1016 : vector<1x1x256xi1> to vector<64x8x256xi1>
    %select_n3A_1018 = arith.select %broadcast_in_dim3A_1017, %slice3A_1014, %slice3A_1015 : vector<64x8x256xi1>, vector<64x8x256xf32>
    %shift_right_arithmetic3A_1019 = arith.constant 5 : i32
    %shift_right_arithmetic3A_1020 = vector.broadcast %shift_right_arithmetic3A_1019 : i32 to vector<1x256xi32>
    %shift_right_arithmetic3A_1021 = arith.shrsi %broadcast_in_dim3A_143, %shift_right_arithmetic3A_1020 : vector<1x256xi32>
    %and3A_1022 = arith.constant 1 : i32
    %and3A_1023 = vector.broadcast %and3A_1022 : i32 to vector<1x256xi32>
    %and3A_1024 = arith.andi %shift_right_arithmetic3A_1021, %and3A_1023 : vector<1x256xi32>
    %eq3A_1025 = arith.constant 1 : i32
    %eq3A_1026 = vector.broadcast %eq3A_1025 : i32 to vector<1x256xi32>
    %eq3A_1027 = arith.cmpi eq, %and3A_1024, %eq3A_1026 : vector<1x256xi32>
    %broadcast_in_dim3A_1028 = vector.shape_cast %eq3A_1027 : vector<1x256xi1> to vector<1x1x256xi1>
    %slice3A_1029 = vector.extract_strided_slice %select_n3A_1018 {offsets = [32, 0, 0], sizes = [32, 8, 256], strides = [1, 1, 1]} : vector<64x8x256xf32> to vector<32x8x256xf32>
    %slice3A_1030 = vector.extract_strided_slice %select_n3A_1018 {offsets = [0, 0, 0], sizes = [32, 8, 256], strides = [1, 1, 1]} : vector<64x8x256xf32> to vector<32x8x256xf32>
    %broadcast_in_dim3A_1031 = vector.shape_cast %broadcast_in_dim3A_1028 : vector<1x1x256xi1> to vector<1x1x256xi1>
    %broadcast_in_dim3A_1032 = vector.broadcast %broadcast_in_dim3A_1031 : vector<1x1x256xi1> to vector<32x8x256xi1>
    %select_n3A_1033 = arith.select %broadcast_in_dim3A_1032, %slice3A_1029, %slice3A_1030 : vector<32x8x256xi1>, vector<32x8x256xf32>
    %shift_right_arithmetic3A_1034 = arith.constant 4 : i32
    %shift_right_arithmetic3A_1035 = vector.broadcast %shift_right_arithmetic3A_1034 : i32 to vector<1x256xi32>
    %shift_right_arithmetic3A_1036 = arith.shrsi %broadcast_in_dim3A_143, %shift_right_arithmetic3A_1035 : vector<1x256xi32>
    %and3A_1037 = arith.constant 1 : i32
    %and3A_1038 = vector.broadcast %and3A_1037 : i32 to vector<1x256xi32>
    %and3A_1039 = arith.andi %shift_right_arithmetic3A_1036, %and3A_1038 : vector<1x256xi32>
    %eq3A_1040 = arith.constant 1 : i32
    %eq3A_1041 = vector.broadcast %eq3A_1040 : i32 to vector<1x256xi32>
    %eq3A_1042 = arith.cmpi eq, %and3A_1039, %eq3A_1041 : vector<1x256xi32>
    %broadcast_in_dim3A_1043 = vector.shape_cast %eq3A_1042 : vector<1x256xi1> to vector<1x1x256xi1>
    %slice3A_1044 = vector.extract_strided_slice %select_n3A_1033 {offsets = [16, 0, 0], sizes = [16, 8, 256], strides = [1, 1, 1]} : vector<32x8x256xf32> to vector<16x8x256xf32>
    %slice3A_1045 = vector.extract_strided_slice %select_n3A_1033 {offsets = [0, 0, 0], sizes = [16, 8, 256], strides = [1, 1, 1]} : vector<32x8x256xf32> to vector<16x8x256xf32>
    %broadcast_in_dim3A_1046 = vector.shape_cast %broadcast_in_dim3A_1043 : vector<1x1x256xi1> to vector<1x1x256xi1>
    %broadcast_in_dim3A_1047 = vector.broadcast %broadcast_in_dim3A_1046 : vector<1x1x256xi1> to vector<16x8x256xi1>
    %select_n3A_1048 = arith.select %broadcast_in_dim3A_1047, %slice3A_1044, %slice3A_1045 : vector<16x8x256xi1>, vector<16x8x256xf32>
    %shift_right_arithmetic3A_1049 = arith.constant 3 : i32
    %shift_right_arithmetic3A_1050 = vector.broadcast %shift_right_arithmetic3A_1049 : i32 to vector<1x256xi32>
    %shift_right_arithmetic3A_1051 = arith.shrsi %broadcast_in_dim3A_143, %shift_right_arithmetic3A_1050 : vector<1x256xi32>
    %and3A_1052 = arith.constant 1 : i32
    %and3A_1053 = vector.broadcast %and3A_1052 : i32 to vector<1x256xi32>
    %and3A_1054 = arith.andi %shift_right_arithmetic3A_1051, %and3A_1053 : vector<1x256xi32>
    %eq3A_1055 = arith.constant 1 : i32
    %eq3A_1056 = vector.broadcast %eq3A_1055 : i32 to vector<1x256xi32>
    %eq3A_1057 = arith.cmpi eq, %and3A_1054, %eq3A_1056 : vector<1x256xi32>
    %broadcast_in_dim3A_1058 = vector.shape_cast %eq3A_1057 : vector<1x256xi1> to vector<1x1x256xi1>
    %slice3A_1059 = vector.extract_strided_slice %select_n3A_1048 {offsets = [8, 0, 0], sizes = [8, 8, 256], strides = [1, 1, 1]} : vector<16x8x256xf32> to vector<8x8x256xf32>
    %slice3A_1060 = vector.extract_strided_slice %select_n3A_1048 {offsets = [0, 0, 0], sizes = [8, 8, 256], strides = [1, 1, 1]} : vector<16x8x256xf32> to vector<8x8x256xf32>
    %broadcast_in_dim3A_1061 = vector.shape_cast %broadcast_in_dim3A_1058 : vector<1x1x256xi1> to vector<1x1x256xi1>
    %broadcast_in_dim3A_1062 = vector.broadcast %broadcast_in_dim3A_1061 : vector<1x1x256xi1> to vector<8x8x256xi1>
    %select_n3A_1063 = arith.select %broadcast_in_dim3A_1062, %slice3A_1059, %slice3A_1060 : vector<8x8x256xi1>, vector<8x8x256xf32>
    %shift_right_arithmetic3A_1064 = arith.constant 2 : i32
    %shift_right_arithmetic3A_1065 = vector.broadcast %shift_right_arithmetic3A_1064 : i32 to vector<1x256xi32>
    %shift_right_arithmetic3A_1066 = arith.shrsi %broadcast_in_dim3A_143, %shift_right_arithmetic3A_1065 : vector<1x256xi32>
    %and3A_1067 = arith.constant 1 : i32
    %and3A_1068 = vector.broadcast %and3A_1067 : i32 to vector<1x256xi32>
    %and3A_1069 = arith.andi %shift_right_arithmetic3A_1066, %and3A_1068 : vector<1x256xi32>
    %eq3A_1070 = arith.constant 1 : i32
    %eq3A_1071 = vector.broadcast %eq3A_1070 : i32 to vector<1x256xi32>
    %eq3A_1072 = arith.cmpi eq, %and3A_1069, %eq3A_1071 : vector<1x256xi32>
    %broadcast_in_dim3A_1073 = vector.shape_cast %eq3A_1072 : vector<1x256xi1> to vector<1x1x256xi1>
    %slice3A_1074 = vector.extract_strided_slice %select_n3A_1063 {offsets = [4, 0, 0], sizes = [4, 8, 256], strides = [1, 1, 1]} : vector<8x8x256xf32> to vector<4x8x256xf32>
    %slice3A_1075 = vector.extract_strided_slice %select_n3A_1063 {offsets = [0, 0, 0], sizes = [4, 8, 256], strides = [1, 1, 1]} : vector<8x8x256xf32> to vector<4x8x256xf32>
    %broadcast_in_dim3A_1076 = vector.shape_cast %broadcast_in_dim3A_1073 : vector<1x1x256xi1> to vector<1x1x256xi1>
    %broadcast_in_dim3A_1077 = vector.broadcast %broadcast_in_dim3A_1076 : vector<1x1x256xi1> to vector<4x8x256xi1>
    %select_n3A_1078 = arith.select %broadcast_in_dim3A_1077, %slice3A_1074, %slice3A_1075 : vector<4x8x256xi1>, vector<4x8x256xf32>
    %shift_right_arithmetic3A_1079 = arith.constant 1 : i32
    %shift_right_arithmetic3A_1080 = vector.broadcast %shift_right_arithmetic3A_1079 : i32 to vector<1x256xi32>
    %shift_right_arithmetic3A_1081 = arith.shrsi %broadcast_in_dim3A_143, %shift_right_arithmetic3A_1080 : vector<1x256xi32>
    %and3A_1082 = arith.constant 1 : i32
    %and3A_1083 = vector.broadcast %and3A_1082 : i32 to vector<1x256xi32>
    %and3A_1084 = arith.andi %shift_right_arithmetic3A_1081, %and3A_1083 : vector<1x256xi32>
    %eq3A_1085 = arith.constant 1 : i32
    %eq3A_1086 = vector.broadcast %eq3A_1085 : i32 to vector<1x256xi32>
    %eq3A_1087 = arith.cmpi eq, %and3A_1084, %eq3A_1086 : vector<1x256xi32>
    %broadcast_in_dim3A_1088 = vector.shape_cast %eq3A_1087 : vector<1x256xi1> to vector<1x1x256xi1>
    %slice3A_1089 = vector.extract_strided_slice %select_n3A_1078 {offsets = [2, 0, 0], sizes = [2, 8, 256], strides = [1, 1, 1]} : vector<4x8x256xf32> to vector<2x8x256xf32>
    %slice3A_1090 = vector.extract_strided_slice %select_n3A_1078 {offsets = [0, 0, 0], sizes = [2, 8, 256], strides = [1, 1, 1]} : vector<4x8x256xf32> to vector<2x8x256xf32>
    %broadcast_in_dim3A_1091 = vector.shape_cast %broadcast_in_dim3A_1088 : vector<1x1x256xi1> to vector<1x1x256xi1>
    %broadcast_in_dim3A_1092 = vector.broadcast %broadcast_in_dim3A_1091 : vector<1x1x256xi1> to vector<2x8x256xi1>
    %select_n3A_1093 = arith.select %broadcast_in_dim3A_1092, %slice3A_1089, %slice3A_1090 : vector<2x8x256xi1>, vector<2x8x256xf32>
    %shift_right_arithmetic3A_1094 = arith.constant 0 : i32
    %shift_right_arithmetic3A_1095 = vector.broadcast %shift_right_arithmetic3A_1094 : i32 to vector<1x256xi32>
    %shift_right_arithmetic3A_1096 = arith.shrsi %broadcast_in_dim3A_143, %shift_right_arithmetic3A_1095 : vector<1x256xi32>
    %and3A_1097 = arith.constant 1 : i32
    %and3A_1098 = vector.broadcast %and3A_1097 : i32 to vector<1x256xi32>
    %and3A_1099 = arith.andi %shift_right_arithmetic3A_1096, %and3A_1098 : vector<1x256xi32>
    %eq3A_1100 = arith.constant 1 : i32
    %eq3A_1101 = vector.broadcast %eq3A_1100 : i32 to vector<1x256xi32>
    %eq3A_1102 = arith.cmpi eq, %and3A_1099, %eq3A_1101 : vector<1x256xi32>
    %broadcast_in_dim3A_1103 = vector.shape_cast %eq3A_1102 : vector<1x256xi1> to vector<1x1x256xi1>
    %slice3A_1104 = vector.extract_strided_slice %select_n3A_1093 {offsets = [1, 0, 0], sizes = [1, 8, 256], strides = [1, 1, 1]} : vector<2x8x256xf32> to vector<1x8x256xf32>
    %slice3A_1105 = vector.extract_strided_slice %select_n3A_1093 {offsets = [0, 0, 0], sizes = [1, 8, 256], strides = [1, 1, 1]} : vector<2x8x256xf32> to vector<1x8x256xf32>
    %broadcast_in_dim3A_1106 = vector.shape_cast %broadcast_in_dim3A_1103 : vector<1x1x256xi1> to vector<1x1x256xi1>
    %broadcast_in_dim3A_1107 = vector.broadcast %broadcast_in_dim3A_1106 : vector<1x1x256xi1> to vector<1x8x256xi1>
    %select_n3A_1108 = arith.select %broadcast_in_dim3A_1107, %slice3A_1104, %slice3A_1105 : vector<1x8x256xi1>, vector<1x8x256xf32>
    %shift_right_arithmetic3A_1109 = arith.constant 6 : i32
    %shift_right_arithmetic3A_1110 = vector.broadcast %shift_right_arithmetic3A_1109 : i32 to vector<1x256xi32>
    %shift_right_arithmetic3A_1111 = arith.shrsi %broadcast_in_dim3A_159, %shift_right_arithmetic3A_1110 : vector<1x256xi32>
    %and3A_1112 = arith.constant 1 : i32
    %and3A_1113 = vector.broadcast %and3A_1112 : i32 to vector<1x256xi32>
    %and3A_1114 = arith.andi %shift_right_arithmetic3A_1111, %and3A_1113 : vector<1x256xi32>
    %eq3A_1115 = arith.constant 1 : i32
    %eq3A_1116 = vector.broadcast %eq3A_1115 : i32 to vector<1x256xi32>
    %eq3A_1117 = arith.cmpi eq, %and3A_1114, %eq3A_1116 : vector<1x256xi32>
    %broadcast_in_dim3A_1118 = vector.shape_cast %eq3A_1117 : vector<1x256xi1> to vector<1x1x256xi1>
    %slice3A_1119 = vector.extract_strided_slice %reshape3A_21 {offsets = [64, 0, 0], sizes = [64, 8, 256], strides = [1, 1, 1]} : vector<128x8x256xf32> to vector<64x8x256xf32>
    %slice3A_1120 = vector.extract_strided_slice %reshape3A_21 {offsets = [0, 0, 0], sizes = [64, 8, 256], strides = [1, 1, 1]} : vector<128x8x256xf32> to vector<64x8x256xf32>
    %broadcast_in_dim3A_1121 = vector.shape_cast %broadcast_in_dim3A_1118 : vector<1x1x256xi1> to vector<1x1x256xi1>
    %broadcast_in_dim3A_1122 = vector.broadcast %broadcast_in_dim3A_1121 : vector<1x1x256xi1> to vector<64x8x256xi1>
    %select_n3A_1123 = arith.select %broadcast_in_dim3A_1122, %slice3A_1119, %slice3A_1120 : vector<64x8x256xi1>, vector<64x8x256xf32>
    %shift_right_arithmetic3A_1124 = arith.constant 5 : i32
    %shift_right_arithmetic3A_1125 = vector.broadcast %shift_right_arithmetic3A_1124 : i32 to vector<1x256xi32>
    %shift_right_arithmetic3A_1126 = arith.shrsi %broadcast_in_dim3A_159, %shift_right_arithmetic3A_1125 : vector<1x256xi32>
    %and3A_1127 = arith.constant 1 : i32
    %and3A_1128 = vector.broadcast %and3A_1127 : i32 to vector<1x256xi32>
    %and3A_1129 = arith.andi %shift_right_arithmetic3A_1126, %and3A_1128 : vector<1x256xi32>
    %eq3A_1130 = arith.constant 1 : i32
    %eq3A_1131 = vector.broadcast %eq3A_1130 : i32 to vector<1x256xi32>
    %eq3A_1132 = arith.cmpi eq, %and3A_1129, %eq3A_1131 : vector<1x256xi32>
    %broadcast_in_dim3A_1133 = vector.shape_cast %eq3A_1132 : vector<1x256xi1> to vector<1x1x256xi1>
    %slice3A_1134 = vector.extract_strided_slice %select_n3A_1123 {offsets = [32, 0, 0], sizes = [32, 8, 256], strides = [1, 1, 1]} : vector<64x8x256xf32> to vector<32x8x256xf32>
    %slice3A_1135 = vector.extract_strided_slice %select_n3A_1123 {offsets = [0, 0, 0], sizes = [32, 8, 256], strides = [1, 1, 1]} : vector<64x8x256xf32> to vector<32x8x256xf32>
    %broadcast_in_dim3A_1136 = vector.shape_cast %broadcast_in_dim3A_1133 : vector<1x1x256xi1> to vector<1x1x256xi1>
    %broadcast_in_dim3A_1137 = vector.broadcast %broadcast_in_dim3A_1136 : vector<1x1x256xi1> to vector<32x8x256xi1>
    %select_n3A_1138 = arith.select %broadcast_in_dim3A_1137, %slice3A_1134, %slice3A_1135 : vector<32x8x256xi1>, vector<32x8x256xf32>
    %shift_right_arithmetic3A_1139 = arith.constant 4 : i32
    %shift_right_arithmetic3A_1140 = vector.broadcast %shift_right_arithmetic3A_1139 : i32 to vector<1x256xi32>
    %shift_right_arithmetic3A_1141 = arith.shrsi %broadcast_in_dim3A_159, %shift_right_arithmetic3A_1140 : vector<1x256xi32>
    %and3A_1142 = arith.constant 1 : i32
    %and3A_1143 = vector.broadcast %and3A_1142 : i32 to vector<1x256xi32>
    %and3A_1144 = arith.andi %shift_right_arithmetic3A_1141, %and3A_1143 : vector<1x256xi32>
    %eq3A_1145 = arith.constant 1 : i32
    %eq3A_1146 = vector.broadcast %eq3A_1145 : i32 to vector<1x256xi32>
    %eq3A_1147 = arith.cmpi eq, %and3A_1144, %eq3A_1146 : vector<1x256xi32>
    %broadcast_in_dim3A_1148 = vector.shape_cast %eq3A_1147 : vector<1x256xi1> to vector<1x1x256xi1>
    %slice3A_1149 = vector.extract_strided_slice %select_n3A_1138 {offsets = [16, 0, 0], sizes = [16, 8, 256], strides = [1, 1, 1]} : vector<32x8x256xf32> to vector<16x8x256xf32>
    %slice3A_1150 = vector.extract_strided_slice %select_n3A_1138 {offsets = [0, 0, 0], sizes = [16, 8, 256], strides = [1, 1, 1]} : vector<32x8x256xf32> to vector<16x8x256xf32>
    %broadcast_in_dim3A_1151 = vector.shape_cast %broadcast_in_dim3A_1148 : vector<1x1x256xi1> to vector<1x1x256xi1>
    %broadcast_in_dim3A_1152 = vector.broadcast %broadcast_in_dim3A_1151 : vector<1x1x256xi1> to vector<16x8x256xi1>
    %select_n3A_1153 = arith.select %broadcast_in_dim3A_1152, %slice3A_1149, %slice3A_1150 : vector<16x8x256xi1>, vector<16x8x256xf32>
    %shift_right_arithmetic3A_1154 = arith.constant 3 : i32
    %shift_right_arithmetic3A_1155 = vector.broadcast %shift_right_arithmetic3A_1154 : i32 to vector<1x256xi32>
    %shift_right_arithmetic3A_1156 = arith.shrsi %broadcast_in_dim3A_159, %shift_right_arithmetic3A_1155 : vector<1x256xi32>
    %and3A_1157 = arith.constant 1 : i32
    %and3A_1158 = vector.broadcast %and3A_1157 : i32 to vector<1x256xi32>
    %and3A_1159 = arith.andi %shift_right_arithmetic3A_1156, %and3A_1158 : vector<1x256xi32>
    %eq3A_1160 = arith.constant 1 : i32
    %eq3A_1161 = vector.broadcast %eq3A_1160 : i32 to vector<1x256xi32>
    %eq3A_1162 = arith.cmpi eq, %and3A_1159, %eq3A_1161 : vector<1x256xi32>
    %broadcast_in_dim3A_1163 = vector.shape_cast %eq3A_1162 : vector<1x256xi1> to vector<1x1x256xi1>
    %slice3A_1164 = vector.extract_strided_slice %select_n3A_1153 {offsets = [8, 0, 0], sizes = [8, 8, 256], strides = [1, 1, 1]} : vector<16x8x256xf32> to vector<8x8x256xf32>
    %slice3A_1165 = vector.extract_strided_slice %select_n3A_1153 {offsets = [0, 0, 0], sizes = [8, 8, 256], strides = [1, 1, 1]} : vector<16x8x256xf32> to vector<8x8x256xf32>
    %broadcast_in_dim3A_1166 = vector.shape_cast %broadcast_in_dim3A_1163 : vector<1x1x256xi1> to vector<1x1x256xi1>
    %broadcast_in_dim3A_1167 = vector.broadcast %broadcast_in_dim3A_1166 : vector<1x1x256xi1> to vector<8x8x256xi1>
    %select_n3A_1168 = arith.select %broadcast_in_dim3A_1167, %slice3A_1164, %slice3A_1165 : vector<8x8x256xi1>, vector<8x8x256xf32>
    %shift_right_arithmetic3A_1169 = arith.constant 2 : i32
    %shift_right_arithmetic3A_1170 = vector.broadcast %shift_right_arithmetic3A_1169 : i32 to vector<1x256xi32>
    %shift_right_arithmetic3A_1171 = arith.shrsi %broadcast_in_dim3A_159, %shift_right_arithmetic3A_1170 : vector<1x256xi32>
    %and3A_1172 = arith.constant 1 : i32
    %and3A_1173 = vector.broadcast %and3A_1172 : i32 to vector<1x256xi32>
    %and3A_1174 = arith.andi %shift_right_arithmetic3A_1171, %and3A_1173 : vector<1x256xi32>
    %eq3A_1175 = arith.constant 1 : i32
    %eq3A_1176 = vector.broadcast %eq3A_1175 : i32 to vector<1x256xi32>
    %eq3A_1177 = arith.cmpi eq, %and3A_1174, %eq3A_1176 : vector<1x256xi32>
    %broadcast_in_dim3A_1178 = vector.shape_cast %eq3A_1177 : vector<1x256xi1> to vector<1x1x256xi1>
    %slice3A_1179 = vector.extract_strided_slice %select_n3A_1168 {offsets = [4, 0, 0], sizes = [4, 8, 256], strides = [1, 1, 1]} : vector<8x8x256xf32> to vector<4x8x256xf32>
    %slice3A_1180 = vector.extract_strided_slice %select_n3A_1168 {offsets = [0, 0, 0], sizes = [4, 8, 256], strides = [1, 1, 1]} : vector<8x8x256xf32> to vector<4x8x256xf32>
    %broadcast_in_dim3A_1181 = vector.shape_cast %broadcast_in_dim3A_1178 : vector<1x1x256xi1> to vector<1x1x256xi1>
    %broadcast_in_dim3A_1182 = vector.broadcast %broadcast_in_dim3A_1181 : vector<1x1x256xi1> to vector<4x8x256xi1>
    %select_n3A_1183 = arith.select %broadcast_in_dim3A_1182, %slice3A_1179, %slice3A_1180 : vector<4x8x256xi1>, vector<4x8x256xf32>
    %shift_right_arithmetic3A_1184 = arith.constant 1 : i32
    %shift_right_arithmetic3A_1185 = vector.broadcast %shift_right_arithmetic3A_1184 : i32 to vector<1x256xi32>
    %shift_right_arithmetic3A_1186 = arith.shrsi %broadcast_in_dim3A_159, %shift_right_arithmetic3A_1185 : vector<1x256xi32>
    %and3A_1187 = arith.constant 1 : i32
    %and3A_1188 = vector.broadcast %and3A_1187 : i32 to vector<1x256xi32>
    %and3A_1189 = arith.andi %shift_right_arithmetic3A_1186, %and3A_1188 : vector<1x256xi32>
    %eq3A_1190 = arith.constant 1 : i32
    %eq3A_1191 = vector.broadcast %eq3A_1190 : i32 to vector<1x256xi32>
    %eq3A_1192 = arith.cmpi eq, %and3A_1189, %eq3A_1191 : vector<1x256xi32>
    %broadcast_in_dim3A_1193 = vector.shape_cast %eq3A_1192 : vector<1x256xi1> to vector<1x1x256xi1>
    %slice3A_1194 = vector.extract_strided_slice %select_n3A_1183 {offsets = [2, 0, 0], sizes = [2, 8, 256], strides = [1, 1, 1]} : vector<4x8x256xf32> to vector<2x8x256xf32>
    %slice3A_1195 = vector.extract_strided_slice %select_n3A_1183 {offsets = [0, 0, 0], sizes = [2, 8, 256], strides = [1, 1, 1]} : vector<4x8x256xf32> to vector<2x8x256xf32>
    %broadcast_in_dim3A_1196 = vector.shape_cast %broadcast_in_dim3A_1193 : vector<1x1x256xi1> to vector<1x1x256xi1>
    %broadcast_in_dim3A_1197 = vector.broadcast %broadcast_in_dim3A_1196 : vector<1x1x256xi1> to vector<2x8x256xi1>
    %select_n3A_1198 = arith.select %broadcast_in_dim3A_1197, %slice3A_1194, %slice3A_1195 : vector<2x8x256xi1>, vector<2x8x256xf32>
    %shift_right_arithmetic3A_1199 = arith.constant 0 : i32
    %shift_right_arithmetic3A_1200 = vector.broadcast %shift_right_arithmetic3A_1199 : i32 to vector<1x256xi32>
    %shift_right_arithmetic3A_1201 = arith.shrsi %broadcast_in_dim3A_159, %shift_right_arithmetic3A_1200 : vector<1x256xi32>
    %and3A_1202 = arith.constant 1 : i32
    %and3A_1203 = vector.broadcast %and3A_1202 : i32 to vector<1x256xi32>
    %and3A_1204 = arith.andi %shift_right_arithmetic3A_1201, %and3A_1203 : vector<1x256xi32>
    %eq3A_1205 = arith.constant 1 : i32
    %eq3A_1206 = vector.broadcast %eq3A_1205 : i32 to vector<1x256xi32>
    %eq3A_1207 = arith.cmpi eq, %and3A_1204, %eq3A_1206 : vector<1x256xi32>
    %broadcast_in_dim3A_1208 = vector.shape_cast %eq3A_1207 : vector<1x256xi1> to vector<1x1x256xi1>
    %slice3A_1209 = vector.extract_strided_slice %select_n3A_1198 {offsets = [1, 0, 0], sizes = [1, 8, 256], strides = [1, 1, 1]} : vector<2x8x256xf32> to vector<1x8x256xf32>
    %slice3A_1210 = vector.extract_strided_slice %select_n3A_1198 {offsets = [0, 0, 0], sizes = [1, 8, 256], strides = [1, 1, 1]} : vector<2x8x256xf32> to vector<1x8x256xf32>
    %broadcast_in_dim3A_1211 = vector.shape_cast %broadcast_in_dim3A_1208 : vector<1x1x256xi1> to vector<1x1x256xi1>
    %broadcast_in_dim3A_1212 = vector.broadcast %broadcast_in_dim3A_1211 : vector<1x1x256xi1> to vector<1x8x256xi1>
    %select_n3A_1213 = arith.select %broadcast_in_dim3A_1212, %slice3A_1209, %slice3A_1210 : vector<1x8x256xi1>, vector<1x8x256xf32>
    %shift_right_arithmetic3A_1214 = arith.constant 6 : i32
    %shift_right_arithmetic3A_1215 = vector.broadcast %shift_right_arithmetic3A_1214 : i32 to vector<1x256xi32>
    %shift_right_arithmetic3A_1216 = arith.shrsi %broadcast_in_dim3A_175, %shift_right_arithmetic3A_1215 : vector<1x256xi32>
    %and3A_1217 = arith.constant 1 : i32
    %and3A_1218 = vector.broadcast %and3A_1217 : i32 to vector<1x256xi32>
    %and3A_1219 = arith.andi %shift_right_arithmetic3A_1216, %and3A_1218 : vector<1x256xi32>
    %eq3A_1220 = arith.constant 1 : i32
    %eq3A_1221 = vector.broadcast %eq3A_1220 : i32 to vector<1x256xi32>
    %eq3A_1222 = arith.cmpi eq, %and3A_1219, %eq3A_1221 : vector<1x256xi32>
    %broadcast_in_dim3A_1223 = vector.shape_cast %eq3A_1222 : vector<1x256xi1> to vector<1x1x256xi1>
    %slice3A_1224 = vector.extract_strided_slice %reshape3A_21 {offsets = [64, 0, 0], sizes = [64, 8, 256], strides = [1, 1, 1]} : vector<128x8x256xf32> to vector<64x8x256xf32>
    %slice3A_1225 = vector.extract_strided_slice %reshape3A_21 {offsets = [0, 0, 0], sizes = [64, 8, 256], strides = [1, 1, 1]} : vector<128x8x256xf32> to vector<64x8x256xf32>
    %broadcast_in_dim3A_1226 = vector.shape_cast %broadcast_in_dim3A_1223 : vector<1x1x256xi1> to vector<1x1x256xi1>
    %broadcast_in_dim3A_1227 = vector.broadcast %broadcast_in_dim3A_1226 : vector<1x1x256xi1> to vector<64x8x256xi1>
    %select_n3A_1228 = arith.select %broadcast_in_dim3A_1227, %slice3A_1224, %slice3A_1225 : vector<64x8x256xi1>, vector<64x8x256xf32>
    %shift_right_arithmetic3A_1229 = arith.constant 5 : i32
    %shift_right_arithmetic3A_1230 = vector.broadcast %shift_right_arithmetic3A_1229 : i32 to vector<1x256xi32>
    %shift_right_arithmetic3A_1231 = arith.shrsi %broadcast_in_dim3A_175, %shift_right_arithmetic3A_1230 : vector<1x256xi32>
    %and3A_1232 = arith.constant 1 : i32
    %and3A_1233 = vector.broadcast %and3A_1232 : i32 to vector<1x256xi32>
    %and3A_1234 = arith.andi %shift_right_arithmetic3A_1231, %and3A_1233 : vector<1x256xi32>
    %eq3A_1235 = arith.constant 1 : i32
    %eq3A_1236 = vector.broadcast %eq3A_1235 : i32 to vector<1x256xi32>
    %eq3A_1237 = arith.cmpi eq, %and3A_1234, %eq3A_1236 : vector<1x256xi32>
    %broadcast_in_dim3A_1238 = vector.shape_cast %eq3A_1237 : vector<1x256xi1> to vector<1x1x256xi1>
    %slice3A_1239 = vector.extract_strided_slice %select_n3A_1228 {offsets = [32, 0, 0], sizes = [32, 8, 256], strides = [1, 1, 1]} : vector<64x8x256xf32> to vector<32x8x256xf32>
    %slice3A_1240 = vector.extract_strided_slice %select_n3A_1228 {offsets = [0, 0, 0], sizes = [32, 8, 256], strides = [1, 1, 1]} : vector<64x8x256xf32> to vector<32x8x256xf32>
    %broadcast_in_dim3A_1241 = vector.shape_cast %broadcast_in_dim3A_1238 : vector<1x1x256xi1> to vector<1x1x256xi1>
    %broadcast_in_dim3A_1242 = vector.broadcast %broadcast_in_dim3A_1241 : vector<1x1x256xi1> to vector<32x8x256xi1>
    %select_n3A_1243 = arith.select %broadcast_in_dim3A_1242, %slice3A_1239, %slice3A_1240 : vector<32x8x256xi1>, vector<32x8x256xf32>
    %shift_right_arithmetic3A_1244 = arith.constant 4 : i32
    %shift_right_arithmetic3A_1245 = vector.broadcast %shift_right_arithmetic3A_1244 : i32 to vector<1x256xi32>
    %shift_right_arithmetic3A_1246 = arith.shrsi %broadcast_in_dim3A_175, %shift_right_arithmetic3A_1245 : vector<1x256xi32>
    %and3A_1247 = arith.constant 1 : i32
    %and3A_1248 = vector.broadcast %and3A_1247 : i32 to vector<1x256xi32>
    %and3A_1249 = arith.andi %shift_right_arithmetic3A_1246, %and3A_1248 : vector<1x256xi32>
    %eq3A_1250 = arith.constant 1 : i32
    %eq3A_1251 = vector.broadcast %eq3A_1250 : i32 to vector<1x256xi32>
    %eq3A_1252 = arith.cmpi eq, %and3A_1249, %eq3A_1251 : vector<1x256xi32>
    %broadcast_in_dim3A_1253 = vector.shape_cast %eq3A_1252 : vector<1x256xi1> to vector<1x1x256xi1>
    %slice3A_1254 = vector.extract_strided_slice %select_n3A_1243 {offsets = [16, 0, 0], sizes = [16, 8, 256], strides = [1, 1, 1]} : vector<32x8x256xf32> to vector<16x8x256xf32>
    %slice3A_1255 = vector.extract_strided_slice %select_n3A_1243 {offsets = [0, 0, 0], sizes = [16, 8, 256], strides = [1, 1, 1]} : vector<32x8x256xf32> to vector<16x8x256xf32>
    %broadcast_in_dim3A_1256 = vector.shape_cast %broadcast_in_dim3A_1253 : vector<1x1x256xi1> to vector<1x1x256xi1>
    %broadcast_in_dim3A_1257 = vector.broadcast %broadcast_in_dim3A_1256 : vector<1x1x256xi1> to vector<16x8x256xi1>
    %select_n3A_1258 = arith.select %broadcast_in_dim3A_1257, %slice3A_1254, %slice3A_1255 : vector<16x8x256xi1>, vector<16x8x256xf32>
    %shift_right_arithmetic3A_1259 = arith.constant 3 : i32
    %shift_right_arithmetic3A_1260 = vector.broadcast %shift_right_arithmetic3A_1259 : i32 to vector<1x256xi32>
    %shift_right_arithmetic3A_1261 = arith.shrsi %broadcast_in_dim3A_175, %shift_right_arithmetic3A_1260 : vector<1x256xi32>
    %and3A_1262 = arith.constant 1 : i32
    %and3A_1263 = vector.broadcast %and3A_1262 : i32 to vector<1x256xi32>
    %and3A_1264 = arith.andi %shift_right_arithmetic3A_1261, %and3A_1263 : vector<1x256xi32>
    %eq3A_1265 = arith.constant 1 : i32
    %eq3A_1266 = vector.broadcast %eq3A_1265 : i32 to vector<1x256xi32>
    %eq3A_1267 = arith.cmpi eq, %and3A_1264, %eq3A_1266 : vector<1x256xi32>
    %broadcast_in_dim3A_1268 = vector.shape_cast %eq3A_1267 : vector<1x256xi1> to vector<1x1x256xi1>
    %slice3A_1269 = vector.extract_strided_slice %select_n3A_1258 {offsets = [8, 0, 0], sizes = [8, 8, 256], strides = [1, 1, 1]} : vector<16x8x256xf32> to vector<8x8x256xf32>
    %slice3A_1270 = vector.extract_strided_slice %select_n3A_1258 {offsets = [0, 0, 0], sizes = [8, 8, 256], strides = [1, 1, 1]} : vector<16x8x256xf32> to vector<8x8x256xf32>
    %broadcast_in_dim3A_1271 = vector.shape_cast %broadcast_in_dim3A_1268 : vector<1x1x256xi1> to vector<1x1x256xi1>
    %broadcast_in_dim3A_1272 = vector.broadcast %broadcast_in_dim3A_1271 : vector<1x1x256xi1> to vector<8x8x256xi1>
    %select_n3A_1273 = arith.select %broadcast_in_dim3A_1272, %slice3A_1269, %slice3A_1270 : vector<8x8x256xi1>, vector<8x8x256xf32>
    %shift_right_arithmetic3A_1274 = arith.constant 2 : i32
    %shift_right_arithmetic3A_1275 = vector.broadcast %shift_right_arithmetic3A_1274 : i32 to vector<1x256xi32>
    %shift_right_arithmetic3A_1276 = arith.shrsi %broadcast_in_dim3A_175, %shift_right_arithmetic3A_1275 : vector<1x256xi32>
    %and3A_1277 = arith.constant 1 : i32
    %and3A_1278 = vector.broadcast %and3A_1277 : i32 to vector<1x256xi32>
    %and3A_1279 = arith.andi %shift_right_arithmetic3A_1276, %and3A_1278 : vector<1x256xi32>
    %eq3A_1280 = arith.constant 1 : i32
    %eq3A_1281 = vector.broadcast %eq3A_1280 : i32 to vector<1x256xi32>
    %eq3A_1282 = arith.cmpi eq, %and3A_1279, %eq3A_1281 : vector<1x256xi32>
    %broadcast_in_dim3A_1283 = vector.shape_cast %eq3A_1282 : vector<1x256xi1> to vector<1x1x256xi1>
    %slice3A_1284 = vector.extract_strided_slice %select_n3A_1273 {offsets = [4, 0, 0], sizes = [4, 8, 256], strides = [1, 1, 1]} : vector<8x8x256xf32> to vector<4x8x256xf32>
    %slice3A_1285 = vector.extract_strided_slice %select_n3A_1273 {offsets = [0, 0, 0], sizes = [4, 8, 256], strides = [1, 1, 1]} : vector<8x8x256xf32> to vector<4x8x256xf32>
    %broadcast_in_dim3A_1286 = vector.shape_cast %broadcast_in_dim3A_1283 : vector<1x1x256xi1> to vector<1x1x256xi1>
    %broadcast_in_dim3A_1287 = vector.broadcast %broadcast_in_dim3A_1286 : vector<1x1x256xi1> to vector<4x8x256xi1>
    %select_n3A_1288 = arith.select %broadcast_in_dim3A_1287, %slice3A_1284, %slice3A_1285 : vector<4x8x256xi1>, vector<4x8x256xf32>
    %shift_right_arithmetic3A_1289 = arith.constant 1 : i32
    %shift_right_arithmetic3A_1290 = vector.broadcast %shift_right_arithmetic3A_1289 : i32 to vector<1x256xi32>
    %shift_right_arithmetic3A_1291 = arith.shrsi %broadcast_in_dim3A_175, %shift_right_arithmetic3A_1290 : vector<1x256xi32>
    %and3A_1292 = arith.constant 1 : i32
    %and3A_1293 = vector.broadcast %and3A_1292 : i32 to vector<1x256xi32>
    %and3A_1294 = arith.andi %shift_right_arithmetic3A_1291, %and3A_1293 : vector<1x256xi32>
    %eq3A_1295 = arith.constant 1 : i32
    %eq3A_1296 = vector.broadcast %eq3A_1295 : i32 to vector<1x256xi32>
    %eq3A_1297 = arith.cmpi eq, %and3A_1294, %eq3A_1296 : vector<1x256xi32>
    %broadcast_in_dim3A_1298 = vector.shape_cast %eq3A_1297 : vector<1x256xi1> to vector<1x1x256xi1>
    %slice3A_1299 = vector.extract_strided_slice %select_n3A_1288 {offsets = [2, 0, 0], sizes = [2, 8, 256], strides = [1, 1, 1]} : vector<4x8x256xf32> to vector<2x8x256xf32>
    %slice3A_1300 = vector.extract_strided_slice %select_n3A_1288 {offsets = [0, 0, 0], sizes = [2, 8, 256], strides = [1, 1, 1]} : vector<4x8x256xf32> to vector<2x8x256xf32>
    %broadcast_in_dim3A_1301 = vector.shape_cast %broadcast_in_dim3A_1298 : vector<1x1x256xi1> to vector<1x1x256xi1>
    %broadcast_in_dim3A_1302 = vector.broadcast %broadcast_in_dim3A_1301 : vector<1x1x256xi1> to vector<2x8x256xi1>
    %select_n3A_1303 = arith.select %broadcast_in_dim3A_1302, %slice3A_1299, %slice3A_1300 : vector<2x8x256xi1>, vector<2x8x256xf32>
    %shift_right_arithmetic3A_1304 = arith.constant 0 : i32
    %shift_right_arithmetic3A_1305 = vector.broadcast %shift_right_arithmetic3A_1304 : i32 to vector<1x256xi32>
    %shift_right_arithmetic3A_1306 = arith.shrsi %broadcast_in_dim3A_175, %shift_right_arithmetic3A_1305 : vector<1x256xi32>
    %and3A_1307 = arith.constant 1 : i32
    %and3A_1308 = vector.broadcast %and3A_1307 : i32 to vector<1x256xi32>
    %and3A_1309 = arith.andi %shift_right_arithmetic3A_1306, %and3A_1308 : vector<1x256xi32>
    %eq3A_1310 = arith.constant 1 : i32
    %eq3A_1311 = vector.broadcast %eq3A_1310 : i32 to vector<1x256xi32>
    %eq3A_1312 = arith.cmpi eq, %and3A_1309, %eq3A_1311 : vector<1x256xi32>
    %broadcast_in_dim3A_1313 = vector.shape_cast %eq3A_1312 : vector<1x256xi1> to vector<1x1x256xi1>
    %slice3A_1314 = vector.extract_strided_slice %select_n3A_1303 {offsets = [1, 0, 0], sizes = [1, 8, 256], strides = [1, 1, 1]} : vector<2x8x256xf32> to vector<1x8x256xf32>
    %slice3A_1315 = vector.extract_strided_slice %select_n3A_1303 {offsets = [0, 0, 0], sizes = [1, 8, 256], strides = [1, 1, 1]} : vector<2x8x256xf32> to vector<1x8x256xf32>
    %broadcast_in_dim3A_1316 = vector.shape_cast %broadcast_in_dim3A_1313 : vector<1x1x256xi1> to vector<1x1x256xi1>
    %broadcast_in_dim3A_1317 = vector.broadcast %broadcast_in_dim3A_1316 : vector<1x1x256xi1> to vector<1x8x256xi1>
    %select_n3A_1318 = arith.select %broadcast_in_dim3A_1317, %slice3A_1314, %slice3A_1315 : vector<1x8x256xi1>, vector<1x8x256xf32>
    %shift_right_arithmetic3A_1319 = arith.constant 6 : i32
    %shift_right_arithmetic3A_1320 = vector.broadcast %shift_right_arithmetic3A_1319 : i32 to vector<1x256xi32>
    %shift_right_arithmetic3A_1321 = arith.shrsi %broadcast_in_dim3A_191, %shift_right_arithmetic3A_1320 : vector<1x256xi32>
    %and3A_1322 = arith.constant 1 : i32
    %and3A_1323 = vector.broadcast %and3A_1322 : i32 to vector<1x256xi32>
    %and3A_1324 = arith.andi %shift_right_arithmetic3A_1321, %and3A_1323 : vector<1x256xi32>
    %eq3A_1325 = arith.constant 1 : i32
    %eq3A_1326 = vector.broadcast %eq3A_1325 : i32 to vector<1x256xi32>
    %eq3A_1327 = arith.cmpi eq, %and3A_1324, %eq3A_1326 : vector<1x256xi32>
    %broadcast_in_dim3A_1328 = vector.shape_cast %eq3A_1327 : vector<1x256xi1> to vector<1x1x256xi1>
    %slice3A_1329 = vector.extract_strided_slice %reshape3A_21 {offsets = [64, 0, 0], sizes = [64, 8, 256], strides = [1, 1, 1]} : vector<128x8x256xf32> to vector<64x8x256xf32>
    %slice3A_1330 = vector.extract_strided_slice %reshape3A_21 {offsets = [0, 0, 0], sizes = [64, 8, 256], strides = [1, 1, 1]} : vector<128x8x256xf32> to vector<64x8x256xf32>
    %broadcast_in_dim3A_1331 = vector.shape_cast %broadcast_in_dim3A_1328 : vector<1x1x256xi1> to vector<1x1x256xi1>
    %broadcast_in_dim3A_1332 = vector.broadcast %broadcast_in_dim3A_1331 : vector<1x1x256xi1> to vector<64x8x256xi1>
    %select_n3A_1333 = arith.select %broadcast_in_dim3A_1332, %slice3A_1329, %slice3A_1330 : vector<64x8x256xi1>, vector<64x8x256xf32>
    %shift_right_arithmetic3A_1334 = arith.constant 5 : i32
    %shift_right_arithmetic3A_1335 = vector.broadcast %shift_right_arithmetic3A_1334 : i32 to vector<1x256xi32>
    %shift_right_arithmetic3A_1336 = arith.shrsi %broadcast_in_dim3A_191, %shift_right_arithmetic3A_1335 : vector<1x256xi32>
    %and3A_1337 = arith.constant 1 : i32
    %and3A_1338 = vector.broadcast %and3A_1337 : i32 to vector<1x256xi32>
    %and3A_1339 = arith.andi %shift_right_arithmetic3A_1336, %and3A_1338 : vector<1x256xi32>
    %eq3A_1340 = arith.constant 1 : i32
    %eq3A_1341 = vector.broadcast %eq3A_1340 : i32 to vector<1x256xi32>
    %eq3A_1342 = arith.cmpi eq, %and3A_1339, %eq3A_1341 : vector<1x256xi32>
    %broadcast_in_dim3A_1343 = vector.shape_cast %eq3A_1342 : vector<1x256xi1> to vector<1x1x256xi1>
    %slice3A_1344 = vector.extract_strided_slice %select_n3A_1333 {offsets = [32, 0, 0], sizes = [32, 8, 256], strides = [1, 1, 1]} : vector<64x8x256xf32> to vector<32x8x256xf32>
    %slice3A_1345 = vector.extract_strided_slice %select_n3A_1333 {offsets = [0, 0, 0], sizes = [32, 8, 256], strides = [1, 1, 1]} : vector<64x8x256xf32> to vector<32x8x256xf32>
    %broadcast_in_dim3A_1346 = vector.shape_cast %broadcast_in_dim3A_1343 : vector<1x1x256xi1> to vector<1x1x256xi1>
    %broadcast_in_dim3A_1347 = vector.broadcast %broadcast_in_dim3A_1346 : vector<1x1x256xi1> to vector<32x8x256xi1>
    %select_n3A_1348 = arith.select %broadcast_in_dim3A_1347, %slice3A_1344, %slice3A_1345 : vector<32x8x256xi1>, vector<32x8x256xf32>
    %shift_right_arithmetic3A_1349 = arith.constant 4 : i32
    %shift_right_arithmetic3A_1350 = vector.broadcast %shift_right_arithmetic3A_1349 : i32 to vector<1x256xi32>
    %shift_right_arithmetic3A_1351 = arith.shrsi %broadcast_in_dim3A_191, %shift_right_arithmetic3A_1350 : vector<1x256xi32>
    %and3A_1352 = arith.constant 1 : i32
    %and3A_1353 = vector.broadcast %and3A_1352 : i32 to vector<1x256xi32>
    %and3A_1354 = arith.andi %shift_right_arithmetic3A_1351, %and3A_1353 : vector<1x256xi32>
    %eq3A_1355 = arith.constant 1 : i32
    %eq3A_1356 = vector.broadcast %eq3A_1355 : i32 to vector<1x256xi32>
    %eq3A_1357 = arith.cmpi eq, %and3A_1354, %eq3A_1356 : vector<1x256xi32>
    %broadcast_in_dim3A_1358 = vector.shape_cast %eq3A_1357 : vector<1x256xi1> to vector<1x1x256xi1>
    %slice3A_1359 = vector.extract_strided_slice %select_n3A_1348 {offsets = [16, 0, 0], sizes = [16, 8, 256], strides = [1, 1, 1]} : vector<32x8x256xf32> to vector<16x8x256xf32>
    %slice3A_1360 = vector.extract_strided_slice %select_n3A_1348 {offsets = [0, 0, 0], sizes = [16, 8, 256], strides = [1, 1, 1]} : vector<32x8x256xf32> to vector<16x8x256xf32>
    %broadcast_in_dim3A_1361 = vector.shape_cast %broadcast_in_dim3A_1358 : vector<1x1x256xi1> to vector<1x1x256xi1>
    %broadcast_in_dim3A_1362 = vector.broadcast %broadcast_in_dim3A_1361 : vector<1x1x256xi1> to vector<16x8x256xi1>
    %select_n3A_1363 = arith.select %broadcast_in_dim3A_1362, %slice3A_1359, %slice3A_1360 : vector<16x8x256xi1>, vector<16x8x256xf32>
    %shift_right_arithmetic3A_1364 = arith.constant 3 : i32
    %shift_right_arithmetic3A_1365 = vector.broadcast %shift_right_arithmetic3A_1364 : i32 to vector<1x256xi32>
    %shift_right_arithmetic3A_1366 = arith.shrsi %broadcast_in_dim3A_191, %shift_right_arithmetic3A_1365 : vector<1x256xi32>
    %and3A_1367 = arith.constant 1 : i32
    %and3A_1368 = vector.broadcast %and3A_1367 : i32 to vector<1x256xi32>
    %and3A_1369 = arith.andi %shift_right_arithmetic3A_1366, %and3A_1368 : vector<1x256xi32>
    %eq3A_1370 = arith.constant 1 : i32
    %eq3A_1371 = vector.broadcast %eq3A_1370 : i32 to vector<1x256xi32>
    %eq3A_1372 = arith.cmpi eq, %and3A_1369, %eq3A_1371 : vector<1x256xi32>
    %broadcast_in_dim3A_1373 = vector.shape_cast %eq3A_1372 : vector<1x256xi1> to vector<1x1x256xi1>
    %slice3A_1374 = vector.extract_strided_slice %select_n3A_1363 {offsets = [8, 0, 0], sizes = [8, 8, 256], strides = [1, 1, 1]} : vector<16x8x256xf32> to vector<8x8x256xf32>
    %slice3A_1375 = vector.extract_strided_slice %select_n3A_1363 {offsets = [0, 0, 0], sizes = [8, 8, 256], strides = [1, 1, 1]} : vector<16x8x256xf32> to vector<8x8x256xf32>
    %broadcast_in_dim3A_1376 = vector.shape_cast %broadcast_in_dim3A_1373 : vector<1x1x256xi1> to vector<1x1x256xi1>
    %broadcast_in_dim3A_1377 = vector.broadcast %broadcast_in_dim3A_1376 : vector<1x1x256xi1> to vector<8x8x256xi1>
    %select_n3A_1378 = arith.select %broadcast_in_dim3A_1377, %slice3A_1374, %slice3A_1375 : vector<8x8x256xi1>, vector<8x8x256xf32>
    %shift_right_arithmetic3A_1379 = arith.constant 2 : i32
    %shift_right_arithmetic3A_1380 = vector.broadcast %shift_right_arithmetic3A_1379 : i32 to vector<1x256xi32>
    %shift_right_arithmetic3A_1381 = arith.shrsi %broadcast_in_dim3A_191, %shift_right_arithmetic3A_1380 : vector<1x256xi32>
    %and3A_1382 = arith.constant 1 : i32
    %and3A_1383 = vector.broadcast %and3A_1382 : i32 to vector<1x256xi32>
    %and3A_1384 = arith.andi %shift_right_arithmetic3A_1381, %and3A_1383 : vector<1x256xi32>
    %eq3A_1385 = arith.constant 1 : i32
    %eq3A_1386 = vector.broadcast %eq3A_1385 : i32 to vector<1x256xi32>
    %eq3A_1387 = arith.cmpi eq, %and3A_1384, %eq3A_1386 : vector<1x256xi32>
    %broadcast_in_dim3A_1388 = vector.shape_cast %eq3A_1387 : vector<1x256xi1> to vector<1x1x256xi1>
    %slice3A_1389 = vector.extract_strided_slice %select_n3A_1378 {offsets = [4, 0, 0], sizes = [4, 8, 256], strides = [1, 1, 1]} : vector<8x8x256xf32> to vector<4x8x256xf32>
    %slice3A_1390 = vector.extract_strided_slice %select_n3A_1378 {offsets = [0, 0, 0], sizes = [4, 8, 256], strides = [1, 1, 1]} : vector<8x8x256xf32> to vector<4x8x256xf32>
    %broadcast_in_dim3A_1391 = vector.shape_cast %broadcast_in_dim3A_1388 : vector<1x1x256xi1> to vector<1x1x256xi1>
    %broadcast_in_dim3A_1392 = vector.broadcast %broadcast_in_dim3A_1391 : vector<1x1x256xi1> to vector<4x8x256xi1>
    %select_n3A_1393 = arith.select %broadcast_in_dim3A_1392, %slice3A_1389, %slice3A_1390 : vector<4x8x256xi1>, vector<4x8x256xf32>
    %shift_right_arithmetic3A_1394 = arith.constant 1 : i32
    %shift_right_arithmetic3A_1395 = vector.broadcast %shift_right_arithmetic3A_1394 : i32 to vector<1x256xi32>
    %shift_right_arithmetic3A_1396 = arith.shrsi %broadcast_in_dim3A_191, %shift_right_arithmetic3A_1395 : vector<1x256xi32>
    %and3A_1397 = arith.constant 1 : i32
    %and3A_1398 = vector.broadcast %and3A_1397 : i32 to vector<1x256xi32>
    %and3A_1399 = arith.andi %shift_right_arithmetic3A_1396, %and3A_1398 : vector<1x256xi32>
    %eq3A_1400 = arith.constant 1 : i32
    %eq3A_1401 = vector.broadcast %eq3A_1400 : i32 to vector<1x256xi32>
    %eq3A_1402 = arith.cmpi eq, %and3A_1399, %eq3A_1401 : vector<1x256xi32>
    %broadcast_in_dim3A_1403 = vector.shape_cast %eq3A_1402 : vector<1x256xi1> to vector<1x1x256xi1>
    %slice3A_1404 = vector.extract_strided_slice %select_n3A_1393 {offsets = [2, 0, 0], sizes = [2, 8, 256], strides = [1, 1, 1]} : vector<4x8x256xf32> to vector<2x8x256xf32>
    %slice3A_1405 = vector.extract_strided_slice %select_n3A_1393 {offsets = [0, 0, 0], sizes = [2, 8, 256], strides = [1, 1, 1]} : vector<4x8x256xf32> to vector<2x8x256xf32>
    %broadcast_in_dim3A_1406 = vector.shape_cast %broadcast_in_dim3A_1403 : vector<1x1x256xi1> to vector<1x1x256xi1>
    %broadcast_in_dim3A_1407 = vector.broadcast %broadcast_in_dim3A_1406 : vector<1x1x256xi1> to vector<2x8x256xi1>
    %select_n3A_1408 = arith.select %broadcast_in_dim3A_1407, %slice3A_1404, %slice3A_1405 : vector<2x8x256xi1>, vector<2x8x256xf32>
    %shift_right_arithmetic3A_1409 = arith.constant 0 : i32
    %shift_right_arithmetic3A_1410 = vector.broadcast %shift_right_arithmetic3A_1409 : i32 to vector<1x256xi32>
    %shift_right_arithmetic3A_1411 = arith.shrsi %broadcast_in_dim3A_191, %shift_right_arithmetic3A_1410 : vector<1x256xi32>
    %and3A_1412 = arith.constant 1 : i32
    %and3A_1413 = vector.broadcast %and3A_1412 : i32 to vector<1x256xi32>
    %and3A_1414 = arith.andi %shift_right_arithmetic3A_1411, %and3A_1413 : vector<1x256xi32>
    %eq3A_1415 = arith.constant 1 : i32
    %eq3A_1416 = vector.broadcast %eq3A_1415 : i32 to vector<1x256xi32>
    %eq3A_1417 = arith.cmpi eq, %and3A_1414, %eq3A_1416 : vector<1x256xi32>
    %broadcast_in_dim3A_1418 = vector.shape_cast %eq3A_1417 : vector<1x256xi1> to vector<1x1x256xi1>
    %slice3A_1419 = vector.extract_strided_slice %select_n3A_1408 {offsets = [1, 0, 0], sizes = [1, 8, 256], strides = [1, 1, 1]} : vector<2x8x256xf32> to vector<1x8x256xf32>
    %slice3A_1420 = vector.extract_strided_slice %select_n3A_1408 {offsets = [0, 0, 0], sizes = [1, 8, 256], strides = [1, 1, 1]} : vector<2x8x256xf32> to vector<1x8x256xf32>
    %broadcast_in_dim3A_1421 = vector.shape_cast %broadcast_in_dim3A_1418 : vector<1x1x256xi1> to vector<1x1x256xi1>
    %broadcast_in_dim3A_1422 = vector.broadcast %broadcast_in_dim3A_1421 : vector<1x1x256xi1> to vector<1x8x256xi1>
    %select_n3A_1423 = arith.select %broadcast_in_dim3A_1422, %slice3A_1419, %slice3A_1420 : vector<1x8x256xi1>, vector<1x8x256xf32>
    %shift_right_arithmetic3A_1424 = arith.constant 6 : i32
    %shift_right_arithmetic3A_1425 = vector.broadcast %shift_right_arithmetic3A_1424 : i32 to vector<1x256xi32>
    %shift_right_arithmetic3A_1426 = arith.shrsi %broadcast_in_dim3A_207, %shift_right_arithmetic3A_1425 : vector<1x256xi32>
    %and3A_1427 = arith.constant 1 : i32
    %and3A_1428 = vector.broadcast %and3A_1427 : i32 to vector<1x256xi32>
    %and3A_1429 = arith.andi %shift_right_arithmetic3A_1426, %and3A_1428 : vector<1x256xi32>
    %eq3A_1430 = arith.constant 1 : i32
    %eq3A_1431 = vector.broadcast %eq3A_1430 : i32 to vector<1x256xi32>
    %eq3A_1432 = arith.cmpi eq, %and3A_1429, %eq3A_1431 : vector<1x256xi32>
    %broadcast_in_dim3A_1433 = vector.shape_cast %eq3A_1432 : vector<1x256xi1> to vector<1x1x256xi1>
    %slice3A_1434 = vector.extract_strided_slice %reshape3A_21 {offsets = [64, 0, 0], sizes = [64, 8, 256], strides = [1, 1, 1]} : vector<128x8x256xf32> to vector<64x8x256xf32>
    %slice3A_1435 = vector.extract_strided_slice %reshape3A_21 {offsets = [0, 0, 0], sizes = [64, 8, 256], strides = [1, 1, 1]} : vector<128x8x256xf32> to vector<64x8x256xf32>
    %broadcast_in_dim3A_1436 = vector.shape_cast %broadcast_in_dim3A_1433 : vector<1x1x256xi1> to vector<1x1x256xi1>
    %broadcast_in_dim3A_1437 = vector.broadcast %broadcast_in_dim3A_1436 : vector<1x1x256xi1> to vector<64x8x256xi1>
    %select_n3A_1438 = arith.select %broadcast_in_dim3A_1437, %slice3A_1434, %slice3A_1435 : vector<64x8x256xi1>, vector<64x8x256xf32>
    %shift_right_arithmetic3A_1439 = arith.constant 5 : i32
    %shift_right_arithmetic3A_1440 = vector.broadcast %shift_right_arithmetic3A_1439 : i32 to vector<1x256xi32>
    %shift_right_arithmetic3A_1441 = arith.shrsi %broadcast_in_dim3A_207, %shift_right_arithmetic3A_1440 : vector<1x256xi32>
    %and3A_1442 = arith.constant 1 : i32
    %and3A_1443 = vector.broadcast %and3A_1442 : i32 to vector<1x256xi32>
    %and3A_1444 = arith.andi %shift_right_arithmetic3A_1441, %and3A_1443 : vector<1x256xi32>
    %eq3A_1445 = arith.constant 1 : i32
    %eq3A_1446 = vector.broadcast %eq3A_1445 : i32 to vector<1x256xi32>
    %eq3A_1447 = arith.cmpi eq, %and3A_1444, %eq3A_1446 : vector<1x256xi32>
    %broadcast_in_dim3A_1448 = vector.shape_cast %eq3A_1447 : vector<1x256xi1> to vector<1x1x256xi1>
    %slice3A_1449 = vector.extract_strided_slice %select_n3A_1438 {offsets = [32, 0, 0], sizes = [32, 8, 256], strides = [1, 1, 1]} : vector<64x8x256xf32> to vector<32x8x256xf32>
    %slice3A_1450 = vector.extract_strided_slice %select_n3A_1438 {offsets = [0, 0, 0], sizes = [32, 8, 256], strides = [1, 1, 1]} : vector<64x8x256xf32> to vector<32x8x256xf32>
    %broadcast_in_dim3A_1451 = vector.shape_cast %broadcast_in_dim3A_1448 : vector<1x1x256xi1> to vector<1x1x256xi1>
    %broadcast_in_dim3A_1452 = vector.broadcast %broadcast_in_dim3A_1451 : vector<1x1x256xi1> to vector<32x8x256xi1>
    %select_n3A_1453 = arith.select %broadcast_in_dim3A_1452, %slice3A_1449, %slice3A_1450 : vector<32x8x256xi1>, vector<32x8x256xf32>
    %shift_right_arithmetic3A_1454 = arith.constant 4 : i32
    %shift_right_arithmetic3A_1455 = vector.broadcast %shift_right_arithmetic3A_1454 : i32 to vector<1x256xi32>
    %shift_right_arithmetic3A_1456 = arith.shrsi %broadcast_in_dim3A_207, %shift_right_arithmetic3A_1455 : vector<1x256xi32>
    %and3A_1457 = arith.constant 1 : i32
    %and3A_1458 = vector.broadcast %and3A_1457 : i32 to vector<1x256xi32>
    %and3A_1459 = arith.andi %shift_right_arithmetic3A_1456, %and3A_1458 : vector<1x256xi32>
    %eq3A_1460 = arith.constant 1 : i32
    %eq3A_1461 = vector.broadcast %eq3A_1460 : i32 to vector<1x256xi32>
    %eq3A_1462 = arith.cmpi eq, %and3A_1459, %eq3A_1461 : vector<1x256xi32>
    %broadcast_in_dim3A_1463 = vector.shape_cast %eq3A_1462 : vector<1x256xi1> to vector<1x1x256xi1>
    %slice3A_1464 = vector.extract_strided_slice %select_n3A_1453 {offsets = [16, 0, 0], sizes = [16, 8, 256], strides = [1, 1, 1]} : vector<32x8x256xf32> to vector<16x8x256xf32>
    %slice3A_1465 = vector.extract_strided_slice %select_n3A_1453 {offsets = [0, 0, 0], sizes = [16, 8, 256], strides = [1, 1, 1]} : vector<32x8x256xf32> to vector<16x8x256xf32>
    %broadcast_in_dim3A_1466 = vector.shape_cast %broadcast_in_dim3A_1463 : vector<1x1x256xi1> to vector<1x1x256xi1>
    %broadcast_in_dim3A_1467 = vector.broadcast %broadcast_in_dim3A_1466 : vector<1x1x256xi1> to vector<16x8x256xi1>
    %select_n3A_1468 = arith.select %broadcast_in_dim3A_1467, %slice3A_1464, %slice3A_1465 : vector<16x8x256xi1>, vector<16x8x256xf32>
    %shift_right_arithmetic3A_1469 = arith.constant 3 : i32
    %shift_right_arithmetic3A_1470 = vector.broadcast %shift_right_arithmetic3A_1469 : i32 to vector<1x256xi32>
    %shift_right_arithmetic3A_1471 = arith.shrsi %broadcast_in_dim3A_207, %shift_right_arithmetic3A_1470 : vector<1x256xi32>
    %and3A_1472 = arith.constant 1 : i32
    %and3A_1473 = vector.broadcast %and3A_1472 : i32 to vector<1x256xi32>
    %and3A_1474 = arith.andi %shift_right_arithmetic3A_1471, %and3A_1473 : vector<1x256xi32>
    %eq3A_1475 = arith.constant 1 : i32
    %eq3A_1476 = vector.broadcast %eq3A_1475 : i32 to vector<1x256xi32>
    %eq3A_1477 = arith.cmpi eq, %and3A_1474, %eq3A_1476 : vector<1x256xi32>
    %broadcast_in_dim3A_1478 = vector.shape_cast %eq3A_1477 : vector<1x256xi1> to vector<1x1x256xi1>
    %slice3A_1479 = vector.extract_strided_slice %select_n3A_1468 {offsets = [8, 0, 0], sizes = [8, 8, 256], strides = [1, 1, 1]} : vector<16x8x256xf32> to vector<8x8x256xf32>
    %slice3A_1480 = vector.extract_strided_slice %select_n3A_1468 {offsets = [0, 0, 0], sizes = [8, 8, 256], strides = [1, 1, 1]} : vector<16x8x256xf32> to vector<8x8x256xf32>
    %broadcast_in_dim3A_1481 = vector.shape_cast %broadcast_in_dim3A_1478 : vector<1x1x256xi1> to vector<1x1x256xi1>
    %broadcast_in_dim3A_1482 = vector.broadcast %broadcast_in_dim3A_1481 : vector<1x1x256xi1> to vector<8x8x256xi1>
    %select_n3A_1483 = arith.select %broadcast_in_dim3A_1482, %slice3A_1479, %slice3A_1480 : vector<8x8x256xi1>, vector<8x8x256xf32>
    %shift_right_arithmetic3A_1484 = arith.constant 2 : i32
    %shift_right_arithmetic3A_1485 = vector.broadcast %shift_right_arithmetic3A_1484 : i32 to vector<1x256xi32>
    %shift_right_arithmetic3A_1486 = arith.shrsi %broadcast_in_dim3A_207, %shift_right_arithmetic3A_1485 : vector<1x256xi32>
    %and3A_1487 = arith.constant 1 : i32
    %and3A_1488 = vector.broadcast %and3A_1487 : i32 to vector<1x256xi32>
    %and3A_1489 = arith.andi %shift_right_arithmetic3A_1486, %and3A_1488 : vector<1x256xi32>
    %eq3A_1490 = arith.constant 1 : i32
    %eq3A_1491 = vector.broadcast %eq3A_1490 : i32 to vector<1x256xi32>
    %eq3A_1492 = arith.cmpi eq, %and3A_1489, %eq3A_1491 : vector<1x256xi32>
    %broadcast_in_dim3A_1493 = vector.shape_cast %eq3A_1492 : vector<1x256xi1> to vector<1x1x256xi1>
    %slice3A_1494 = vector.extract_strided_slice %select_n3A_1483 {offsets = [4, 0, 0], sizes = [4, 8, 256], strides = [1, 1, 1]} : vector<8x8x256xf32> to vector<4x8x256xf32>
    %slice3A_1495 = vector.extract_strided_slice %select_n3A_1483 {offsets = [0, 0, 0], sizes = [4, 8, 256], strides = [1, 1, 1]} : vector<8x8x256xf32> to vector<4x8x256xf32>
    %broadcast_in_dim3A_1496 = vector.shape_cast %broadcast_in_dim3A_1493 : vector<1x1x256xi1> to vector<1x1x256xi1>
    %broadcast_in_dim3A_1497 = vector.broadcast %broadcast_in_dim3A_1496 : vector<1x1x256xi1> to vector<4x8x256xi1>
    %select_n3A_1498 = arith.select %broadcast_in_dim3A_1497, %slice3A_1494, %slice3A_1495 : vector<4x8x256xi1>, vector<4x8x256xf32>
    %shift_right_arithmetic3A_1499 = arith.constant 1 : i32
    %shift_right_arithmetic3A_1500 = vector.broadcast %shift_right_arithmetic3A_1499 : i32 to vector<1x256xi32>
    %shift_right_arithmetic3A_1501 = arith.shrsi %broadcast_in_dim3A_207, %shift_right_arithmetic3A_1500 : vector<1x256xi32>
    %and3A_1502 = arith.constant 1 : i32
    %and3A_1503 = vector.broadcast %and3A_1502 : i32 to vector<1x256xi32>
    %and3A_1504 = arith.andi %shift_right_arithmetic3A_1501, %and3A_1503 : vector<1x256xi32>
    %eq3A_1505 = arith.constant 1 : i32
    %eq3A_1506 = vector.broadcast %eq3A_1505 : i32 to vector<1x256xi32>
    %eq3A_1507 = arith.cmpi eq, %and3A_1504, %eq3A_1506 : vector<1x256xi32>
    %broadcast_in_dim3A_1508 = vector.shape_cast %eq3A_1507 : vector<1x256xi1> to vector<1x1x256xi1>
    %slice3A_1509 = vector.extract_strided_slice %select_n3A_1498 {offsets = [2, 0, 0], sizes = [2, 8, 256], strides = [1, 1, 1]} : vector<4x8x256xf32> to vector<2x8x256xf32>
    %slice3A_1510 = vector.extract_strided_slice %select_n3A_1498 {offsets = [0, 0, 0], sizes = [2, 8, 256], strides = [1, 1, 1]} : vector<4x8x256xf32> to vector<2x8x256xf32>
    %broadcast_in_dim3A_1511 = vector.shape_cast %broadcast_in_dim3A_1508 : vector<1x1x256xi1> to vector<1x1x256xi1>
    %broadcast_in_dim3A_1512 = vector.broadcast %broadcast_in_dim3A_1511 : vector<1x1x256xi1> to vector<2x8x256xi1>
    %select_n3A_1513 = arith.select %broadcast_in_dim3A_1512, %slice3A_1509, %slice3A_1510 : vector<2x8x256xi1>, vector<2x8x256xf32>
    %shift_right_arithmetic3A_1514 = arith.constant 0 : i32
    %shift_right_arithmetic3A_1515 = vector.broadcast %shift_right_arithmetic3A_1514 : i32 to vector<1x256xi32>
    %shift_right_arithmetic3A_1516 = arith.shrsi %broadcast_in_dim3A_207, %shift_right_arithmetic3A_1515 : vector<1x256xi32>
    %and3A_1517 = arith.constant 1 : i32
    %and3A_1518 = vector.broadcast %and3A_1517 : i32 to vector<1x256xi32>
    %and3A_1519 = arith.andi %shift_right_arithmetic3A_1516, %and3A_1518 : vector<1x256xi32>
    %eq3A_1520 = arith.constant 1 : i32
    %eq3A_1521 = vector.broadcast %eq3A_1520 : i32 to vector<1x256xi32>
    %eq3A_1522 = arith.cmpi eq, %and3A_1519, %eq3A_1521 : vector<1x256xi32>
    %broadcast_in_dim3A_1523 = vector.shape_cast %eq3A_1522 : vector<1x256xi1> to vector<1x1x256xi1>
    %slice3A_1524 = vector.extract_strided_slice %select_n3A_1513 {offsets = [1, 0, 0], sizes = [1, 8, 256], strides = [1, 1, 1]} : vector<2x8x256xf32> to vector<1x8x256xf32>
    %slice3A_1525 = vector.extract_strided_slice %select_n3A_1513 {offsets = [0, 0, 0], sizes = [1, 8, 256], strides = [1, 1, 1]} : vector<2x8x256xf32> to vector<1x8x256xf32>
    %broadcast_in_dim3A_1526 = vector.shape_cast %broadcast_in_dim3A_1523 : vector<1x1x256xi1> to vector<1x1x256xi1>
    %broadcast_in_dim3A_1527 = vector.broadcast %broadcast_in_dim3A_1526 : vector<1x1x256xi1> to vector<1x8x256xi1>
    %select_n3A_1528 = arith.select %broadcast_in_dim3A_1527, %slice3A_1524, %slice3A_1525 : vector<1x8x256xi1>, vector<1x8x256xf32>
    %shift_right_arithmetic3A_1529 = arith.constant 6 : i32
    %shift_right_arithmetic3A_1530 = vector.broadcast %shift_right_arithmetic3A_1529 : i32 to vector<1x256xi32>
    %shift_right_arithmetic3A_1531 = arith.shrsi %broadcast_in_dim3A_223, %shift_right_arithmetic3A_1530 : vector<1x256xi32>
    %and3A_1532 = arith.constant 1 : i32
    %and3A_1533 = vector.broadcast %and3A_1532 : i32 to vector<1x256xi32>
    %and3A_1534 = arith.andi %shift_right_arithmetic3A_1531, %and3A_1533 : vector<1x256xi32>
    %eq3A_1535 = arith.constant 1 : i32
    %eq3A_1536 = vector.broadcast %eq3A_1535 : i32 to vector<1x256xi32>
    %eq3A_1537 = arith.cmpi eq, %and3A_1534, %eq3A_1536 : vector<1x256xi32>
    %broadcast_in_dim3A_1538 = vector.shape_cast %eq3A_1537 : vector<1x256xi1> to vector<1x1x256xi1>
    %slice3A_1539 = vector.extract_strided_slice %reshape3A_21 {offsets = [64, 0, 0], sizes = [64, 8, 256], strides = [1, 1, 1]} : vector<128x8x256xf32> to vector<64x8x256xf32>
    %slice3A_1540 = vector.extract_strided_slice %reshape3A_21 {offsets = [0, 0, 0], sizes = [64, 8, 256], strides = [1, 1, 1]} : vector<128x8x256xf32> to vector<64x8x256xf32>
    %broadcast_in_dim3A_1541 = vector.shape_cast %broadcast_in_dim3A_1538 : vector<1x1x256xi1> to vector<1x1x256xi1>
    %broadcast_in_dim3A_1542 = vector.broadcast %broadcast_in_dim3A_1541 : vector<1x1x256xi1> to vector<64x8x256xi1>
    %select_n3A_1543 = arith.select %broadcast_in_dim3A_1542, %slice3A_1539, %slice3A_1540 : vector<64x8x256xi1>, vector<64x8x256xf32>
    %shift_right_arithmetic3A_1544 = arith.constant 5 : i32
    %shift_right_arithmetic3A_1545 = vector.broadcast %shift_right_arithmetic3A_1544 : i32 to vector<1x256xi32>
    %shift_right_arithmetic3A_1546 = arith.shrsi %broadcast_in_dim3A_223, %shift_right_arithmetic3A_1545 : vector<1x256xi32>
    %and3A_1547 = arith.constant 1 : i32
    %and3A_1548 = vector.broadcast %and3A_1547 : i32 to vector<1x256xi32>
    %and3A_1549 = arith.andi %shift_right_arithmetic3A_1546, %and3A_1548 : vector<1x256xi32>
    %eq3A_1550 = arith.constant 1 : i32
    %eq3A_1551 = vector.broadcast %eq3A_1550 : i32 to vector<1x256xi32>
    %eq3A_1552 = arith.cmpi eq, %and3A_1549, %eq3A_1551 : vector<1x256xi32>
    %broadcast_in_dim3A_1553 = vector.shape_cast %eq3A_1552 : vector<1x256xi1> to vector<1x1x256xi1>
    %slice3A_1554 = vector.extract_strided_slice %select_n3A_1543 {offsets = [32, 0, 0], sizes = [32, 8, 256], strides = [1, 1, 1]} : vector<64x8x256xf32> to vector<32x8x256xf32>
    %slice3A_1555 = vector.extract_strided_slice %select_n3A_1543 {offsets = [0, 0, 0], sizes = [32, 8, 256], strides = [1, 1, 1]} : vector<64x8x256xf32> to vector<32x8x256xf32>
    %broadcast_in_dim3A_1556 = vector.shape_cast %broadcast_in_dim3A_1553 : vector<1x1x256xi1> to vector<1x1x256xi1>
    %broadcast_in_dim3A_1557 = vector.broadcast %broadcast_in_dim3A_1556 : vector<1x1x256xi1> to vector<32x8x256xi1>
    %select_n3A_1558 = arith.select %broadcast_in_dim3A_1557, %slice3A_1554, %slice3A_1555 : vector<32x8x256xi1>, vector<32x8x256xf32>
    %shift_right_arithmetic3A_1559 = arith.constant 4 : i32
    %shift_right_arithmetic3A_1560 = vector.broadcast %shift_right_arithmetic3A_1559 : i32 to vector<1x256xi32>
    %shift_right_arithmetic3A_1561 = arith.shrsi %broadcast_in_dim3A_223, %shift_right_arithmetic3A_1560 : vector<1x256xi32>
    %and3A_1562 = arith.constant 1 : i32
    %and3A_1563 = vector.broadcast %and3A_1562 : i32 to vector<1x256xi32>
    %and3A_1564 = arith.andi %shift_right_arithmetic3A_1561, %and3A_1563 : vector<1x256xi32>
    %eq3A_1565 = arith.constant 1 : i32
    %eq3A_1566 = vector.broadcast %eq3A_1565 : i32 to vector<1x256xi32>
    %eq3A_1567 = arith.cmpi eq, %and3A_1564, %eq3A_1566 : vector<1x256xi32>
    %broadcast_in_dim3A_1568 = vector.shape_cast %eq3A_1567 : vector<1x256xi1> to vector<1x1x256xi1>
    %slice3A_1569 = vector.extract_strided_slice %select_n3A_1558 {offsets = [16, 0, 0], sizes = [16, 8, 256], strides = [1, 1, 1]} : vector<32x8x256xf32> to vector<16x8x256xf32>
    %slice3A_1570 = vector.extract_strided_slice %select_n3A_1558 {offsets = [0, 0, 0], sizes = [16, 8, 256], strides = [1, 1, 1]} : vector<32x8x256xf32> to vector<16x8x256xf32>
    %broadcast_in_dim3A_1571 = vector.shape_cast %broadcast_in_dim3A_1568 : vector<1x1x256xi1> to vector<1x1x256xi1>
    %broadcast_in_dim3A_1572 = vector.broadcast %broadcast_in_dim3A_1571 : vector<1x1x256xi1> to vector<16x8x256xi1>
    %select_n3A_1573 = arith.select %broadcast_in_dim3A_1572, %slice3A_1569, %slice3A_1570 : vector<16x8x256xi1>, vector<16x8x256xf32>
    %shift_right_arithmetic3A_1574 = arith.constant 3 : i32
    %shift_right_arithmetic3A_1575 = vector.broadcast %shift_right_arithmetic3A_1574 : i32 to vector<1x256xi32>
    %shift_right_arithmetic3A_1576 = arith.shrsi %broadcast_in_dim3A_223, %shift_right_arithmetic3A_1575 : vector<1x256xi32>
    %and3A_1577 = arith.constant 1 : i32
    %and3A_1578 = vector.broadcast %and3A_1577 : i32 to vector<1x256xi32>
    %and3A_1579 = arith.andi %shift_right_arithmetic3A_1576, %and3A_1578 : vector<1x256xi32>
    %eq3A_1580 = arith.constant 1 : i32
    %eq3A_1581 = vector.broadcast %eq3A_1580 : i32 to vector<1x256xi32>
    %eq3A_1582 = arith.cmpi eq, %and3A_1579, %eq3A_1581 : vector<1x256xi32>
    %broadcast_in_dim3A_1583 = vector.shape_cast %eq3A_1582 : vector<1x256xi1> to vector<1x1x256xi1>
    %slice3A_1584 = vector.extract_strided_slice %select_n3A_1573 {offsets = [8, 0, 0], sizes = [8, 8, 256], strides = [1, 1, 1]} : vector<16x8x256xf32> to vector<8x8x256xf32>
    %slice3A_1585 = vector.extract_strided_slice %select_n3A_1573 {offsets = [0, 0, 0], sizes = [8, 8, 256], strides = [1, 1, 1]} : vector<16x8x256xf32> to vector<8x8x256xf32>
    %broadcast_in_dim3A_1586 = vector.shape_cast %broadcast_in_dim3A_1583 : vector<1x1x256xi1> to vector<1x1x256xi1>
    %broadcast_in_dim3A_1587 = vector.broadcast %broadcast_in_dim3A_1586 : vector<1x1x256xi1> to vector<8x8x256xi1>
    %select_n3A_1588 = arith.select %broadcast_in_dim3A_1587, %slice3A_1584, %slice3A_1585 : vector<8x8x256xi1>, vector<8x8x256xf32>
    %shift_right_arithmetic3A_1589 = arith.constant 2 : i32
    %shift_right_arithmetic3A_1590 = vector.broadcast %shift_right_arithmetic3A_1589 : i32 to vector<1x256xi32>
    %shift_right_arithmetic3A_1591 = arith.shrsi %broadcast_in_dim3A_223, %shift_right_arithmetic3A_1590 : vector<1x256xi32>
    %and3A_1592 = arith.constant 1 : i32
    %and3A_1593 = vector.broadcast %and3A_1592 : i32 to vector<1x256xi32>
    %and3A_1594 = arith.andi %shift_right_arithmetic3A_1591, %and3A_1593 : vector<1x256xi32>
    %eq3A_1595 = arith.constant 1 : i32
    %eq3A_1596 = vector.broadcast %eq3A_1595 : i32 to vector<1x256xi32>
    %eq3A_1597 = arith.cmpi eq, %and3A_1594, %eq3A_1596 : vector<1x256xi32>
    %broadcast_in_dim3A_1598 = vector.shape_cast %eq3A_1597 : vector<1x256xi1> to vector<1x1x256xi1>
    %slice3A_1599 = vector.extract_strided_slice %select_n3A_1588 {offsets = [4, 0, 0], sizes = [4, 8, 256], strides = [1, 1, 1]} : vector<8x8x256xf32> to vector<4x8x256xf32>
    %slice3A_1600 = vector.extract_strided_slice %select_n3A_1588 {offsets = [0, 0, 0], sizes = [4, 8, 256], strides = [1, 1, 1]} : vector<8x8x256xf32> to vector<4x8x256xf32>
    %broadcast_in_dim3A_1601 = vector.shape_cast %broadcast_in_dim3A_1598 : vector<1x1x256xi1> to vector<1x1x256xi1>
    %broadcast_in_dim3A_1602 = vector.broadcast %broadcast_in_dim3A_1601 : vector<1x1x256xi1> to vector<4x8x256xi1>
    %select_n3A_1603 = arith.select %broadcast_in_dim3A_1602, %slice3A_1599, %slice3A_1600 : vector<4x8x256xi1>, vector<4x8x256xf32>
    %shift_right_arithmetic3A_1604 = arith.constant 1 : i32
    %shift_right_arithmetic3A_1605 = vector.broadcast %shift_right_arithmetic3A_1604 : i32 to vector<1x256xi32>
    %shift_right_arithmetic3A_1606 = arith.shrsi %broadcast_in_dim3A_223, %shift_right_arithmetic3A_1605 : vector<1x256xi32>
    %and3A_1607 = arith.constant 1 : i32
    %and3A_1608 = vector.broadcast %and3A_1607 : i32 to vector<1x256xi32>
    %and3A_1609 = arith.andi %shift_right_arithmetic3A_1606, %and3A_1608 : vector<1x256xi32>
    %eq3A_1610 = arith.constant 1 : i32
    %eq3A_1611 = vector.broadcast %eq3A_1610 : i32 to vector<1x256xi32>
    %eq3A_1612 = arith.cmpi eq, %and3A_1609, %eq3A_1611 : vector<1x256xi32>
    %broadcast_in_dim3A_1613 = vector.shape_cast %eq3A_1612 : vector<1x256xi1> to vector<1x1x256xi1>
    %slice3A_1614 = vector.extract_strided_slice %select_n3A_1603 {offsets = [2, 0, 0], sizes = [2, 8, 256], strides = [1, 1, 1]} : vector<4x8x256xf32> to vector<2x8x256xf32>
    %slice3A_1615 = vector.extract_strided_slice %select_n3A_1603 {offsets = [0, 0, 0], sizes = [2, 8, 256], strides = [1, 1, 1]} : vector<4x8x256xf32> to vector<2x8x256xf32>
    %broadcast_in_dim3A_1616 = vector.shape_cast %broadcast_in_dim3A_1613 : vector<1x1x256xi1> to vector<1x1x256xi1>
    %broadcast_in_dim3A_1617 = vector.broadcast %broadcast_in_dim3A_1616 : vector<1x1x256xi1> to vector<2x8x256xi1>
    %select_n3A_1618 = arith.select %broadcast_in_dim3A_1617, %slice3A_1614, %slice3A_1615 : vector<2x8x256xi1>, vector<2x8x256xf32>
    %shift_right_arithmetic3A_1619 = arith.constant 0 : i32
    %shift_right_arithmetic3A_1620 = vector.broadcast %shift_right_arithmetic3A_1619 : i32 to vector<1x256xi32>
    %shift_right_arithmetic3A_1621 = arith.shrsi %broadcast_in_dim3A_223, %shift_right_arithmetic3A_1620 : vector<1x256xi32>
    %and3A_1622 = arith.constant 1 : i32
    %and3A_1623 = vector.broadcast %and3A_1622 : i32 to vector<1x256xi32>
    %and3A_1624 = arith.andi %shift_right_arithmetic3A_1621, %and3A_1623 : vector<1x256xi32>
    %eq3A_1625 = arith.constant 1 : i32
    %eq3A_1626 = vector.broadcast %eq3A_1625 : i32 to vector<1x256xi32>
    %eq3A_1627 = arith.cmpi eq, %and3A_1624, %eq3A_1626 : vector<1x256xi32>
    %broadcast_in_dim3A_1628 = vector.shape_cast %eq3A_1627 : vector<1x256xi1> to vector<1x1x256xi1>
    %slice3A_1629 = vector.extract_strided_slice %select_n3A_1618 {offsets = [1, 0, 0], sizes = [1, 8, 256], strides = [1, 1, 1]} : vector<2x8x256xf32> to vector<1x8x256xf32>
    %slice3A_1630 = vector.extract_strided_slice %select_n3A_1618 {offsets = [0, 0, 0], sizes = [1, 8, 256], strides = [1, 1, 1]} : vector<2x8x256xf32> to vector<1x8x256xf32>
    %broadcast_in_dim3A_1631 = vector.shape_cast %broadcast_in_dim3A_1628 : vector<1x1x256xi1> to vector<1x1x256xi1>
    %broadcast_in_dim3A_1632 = vector.broadcast %broadcast_in_dim3A_1631 : vector<1x1x256xi1> to vector<1x8x256xi1>
    %select_n3A_1633 = arith.select %broadcast_in_dim3A_1632, %slice3A_1629, %slice3A_1630 : vector<1x8x256xi1>, vector<1x8x256xf32>
    %shift_right_arithmetic3A_1634 = arith.constant 6 : i32
    %shift_right_arithmetic3A_1635 = vector.broadcast %shift_right_arithmetic3A_1634 : i32 to vector<1x256xi32>
    %shift_right_arithmetic3A_1636 = arith.shrsi %broadcast_in_dim3A_239, %shift_right_arithmetic3A_1635 : vector<1x256xi32>
    %and3A_1637 = arith.constant 1 : i32
    %and3A_1638 = vector.broadcast %and3A_1637 : i32 to vector<1x256xi32>
    %and3A_1639 = arith.andi %shift_right_arithmetic3A_1636, %and3A_1638 : vector<1x256xi32>
    %eq3A_1640 = arith.constant 1 : i32
    %eq3A_1641 = vector.broadcast %eq3A_1640 : i32 to vector<1x256xi32>
    %eq3A_1642 = arith.cmpi eq, %and3A_1639, %eq3A_1641 : vector<1x256xi32>
    %broadcast_in_dim3A_1643 = vector.shape_cast %eq3A_1642 : vector<1x256xi1> to vector<1x1x256xi1>
    %slice3A_1644 = vector.extract_strided_slice %reshape3A_21 {offsets = [64, 0, 0], sizes = [64, 8, 256], strides = [1, 1, 1]} : vector<128x8x256xf32> to vector<64x8x256xf32>
    %slice3A_1645 = vector.extract_strided_slice %reshape3A_21 {offsets = [0, 0, 0], sizes = [64, 8, 256], strides = [1, 1, 1]} : vector<128x8x256xf32> to vector<64x8x256xf32>
    %broadcast_in_dim3A_1646 = vector.shape_cast %broadcast_in_dim3A_1643 : vector<1x1x256xi1> to vector<1x1x256xi1>
    %broadcast_in_dim3A_1647 = vector.broadcast %broadcast_in_dim3A_1646 : vector<1x1x256xi1> to vector<64x8x256xi1>
    %select_n3A_1648 = arith.select %broadcast_in_dim3A_1647, %slice3A_1644, %slice3A_1645 : vector<64x8x256xi1>, vector<64x8x256xf32>
    %shift_right_arithmetic3A_1649 = arith.constant 5 : i32
    %shift_right_arithmetic3A_1650 = vector.broadcast %shift_right_arithmetic3A_1649 : i32 to vector<1x256xi32>
    %shift_right_arithmetic3A_1651 = arith.shrsi %broadcast_in_dim3A_239, %shift_right_arithmetic3A_1650 : vector<1x256xi32>
    %and3A_1652 = arith.constant 1 : i32
    %and3A_1653 = vector.broadcast %and3A_1652 : i32 to vector<1x256xi32>
    %and3A_1654 = arith.andi %shift_right_arithmetic3A_1651, %and3A_1653 : vector<1x256xi32>
    %eq3A_1655 = arith.constant 1 : i32
    %eq3A_1656 = vector.broadcast %eq3A_1655 : i32 to vector<1x256xi32>
    %eq3A_1657 = arith.cmpi eq, %and3A_1654, %eq3A_1656 : vector<1x256xi32>
    %broadcast_in_dim3A_1658 = vector.shape_cast %eq3A_1657 : vector<1x256xi1> to vector<1x1x256xi1>
    %slice3A_1659 = vector.extract_strided_slice %select_n3A_1648 {offsets = [32, 0, 0], sizes = [32, 8, 256], strides = [1, 1, 1]} : vector<64x8x256xf32> to vector<32x8x256xf32>
    %slice3A_1660 = vector.extract_strided_slice %select_n3A_1648 {offsets = [0, 0, 0], sizes = [32, 8, 256], strides = [1, 1, 1]} : vector<64x8x256xf32> to vector<32x8x256xf32>
    %broadcast_in_dim3A_1661 = vector.shape_cast %broadcast_in_dim3A_1658 : vector<1x1x256xi1> to vector<1x1x256xi1>
    %broadcast_in_dim3A_1662 = vector.broadcast %broadcast_in_dim3A_1661 : vector<1x1x256xi1> to vector<32x8x256xi1>
    %select_n3A_1663 = arith.select %broadcast_in_dim3A_1662, %slice3A_1659, %slice3A_1660 : vector<32x8x256xi1>, vector<32x8x256xf32>
    %shift_right_arithmetic3A_1664 = arith.constant 4 : i32
    %shift_right_arithmetic3A_1665 = vector.broadcast %shift_right_arithmetic3A_1664 : i32 to vector<1x256xi32>
    %shift_right_arithmetic3A_1666 = arith.shrsi %broadcast_in_dim3A_239, %shift_right_arithmetic3A_1665 : vector<1x256xi32>
    %and3A_1667 = arith.constant 1 : i32
    %and3A_1668 = vector.broadcast %and3A_1667 : i32 to vector<1x256xi32>
    %and3A_1669 = arith.andi %shift_right_arithmetic3A_1666, %and3A_1668 : vector<1x256xi32>
    %eq3A_1670 = arith.constant 1 : i32
    %eq3A_1671 = vector.broadcast %eq3A_1670 : i32 to vector<1x256xi32>
    %eq3A_1672 = arith.cmpi eq, %and3A_1669, %eq3A_1671 : vector<1x256xi32>
    %broadcast_in_dim3A_1673 = vector.shape_cast %eq3A_1672 : vector<1x256xi1> to vector<1x1x256xi1>
    %slice3A_1674 = vector.extract_strided_slice %select_n3A_1663 {offsets = [16, 0, 0], sizes = [16, 8, 256], strides = [1, 1, 1]} : vector<32x8x256xf32> to vector<16x8x256xf32>
    %slice3A_1675 = vector.extract_strided_slice %select_n3A_1663 {offsets = [0, 0, 0], sizes = [16, 8, 256], strides = [1, 1, 1]} : vector<32x8x256xf32> to vector<16x8x256xf32>
    %broadcast_in_dim3A_1676 = vector.shape_cast %broadcast_in_dim3A_1673 : vector<1x1x256xi1> to vector<1x1x256xi1>
    %broadcast_in_dim3A_1677 = vector.broadcast %broadcast_in_dim3A_1676 : vector<1x1x256xi1> to vector<16x8x256xi1>
    %select_n3A_1678 = arith.select %broadcast_in_dim3A_1677, %slice3A_1674, %slice3A_1675 : vector<16x8x256xi1>, vector<16x8x256xf32>
    %shift_right_arithmetic3A_1679 = arith.constant 3 : i32
    %shift_right_arithmetic3A_1680 = vector.broadcast %shift_right_arithmetic3A_1679 : i32 to vector<1x256xi32>
    %shift_right_arithmetic3A_1681 = arith.shrsi %broadcast_in_dim3A_239, %shift_right_arithmetic3A_1680 : vector<1x256xi32>
    %and3A_1682 = arith.constant 1 : i32
    %and3A_1683 = vector.broadcast %and3A_1682 : i32 to vector<1x256xi32>
    %and3A_1684 = arith.andi %shift_right_arithmetic3A_1681, %and3A_1683 : vector<1x256xi32>
    %eq3A_1685 = arith.constant 1 : i32
    %eq3A_1686 = vector.broadcast %eq3A_1685 : i32 to vector<1x256xi32>
    %eq3A_1687 = arith.cmpi eq, %and3A_1684, %eq3A_1686 : vector<1x256xi32>
    %broadcast_in_dim3A_1688 = vector.shape_cast %eq3A_1687 : vector<1x256xi1> to vector<1x1x256xi1>
    %slice3A_1689 = vector.extract_strided_slice %select_n3A_1678 {offsets = [8, 0, 0], sizes = [8, 8, 256], strides = [1, 1, 1]} : vector<16x8x256xf32> to vector<8x8x256xf32>
    %slice3A_1690 = vector.extract_strided_slice %select_n3A_1678 {offsets = [0, 0, 0], sizes = [8, 8, 256], strides = [1, 1, 1]} : vector<16x8x256xf32> to vector<8x8x256xf32>
    %broadcast_in_dim3A_1691 = vector.shape_cast %broadcast_in_dim3A_1688 : vector<1x1x256xi1> to vector<1x1x256xi1>
    %broadcast_in_dim3A_1692 = vector.broadcast %broadcast_in_dim3A_1691 : vector<1x1x256xi1> to vector<8x8x256xi1>
    %select_n3A_1693 = arith.select %broadcast_in_dim3A_1692, %slice3A_1689, %slice3A_1690 : vector<8x8x256xi1>, vector<8x8x256xf32>
    %shift_right_arithmetic3A_1694 = arith.constant 2 : i32
    %shift_right_arithmetic3A_1695 = vector.broadcast %shift_right_arithmetic3A_1694 : i32 to vector<1x256xi32>
    %shift_right_arithmetic3A_1696 = arith.shrsi %broadcast_in_dim3A_239, %shift_right_arithmetic3A_1695 : vector<1x256xi32>
    %and3A_1697 = arith.constant 1 : i32
    %and3A_1698 = vector.broadcast %and3A_1697 : i32 to vector<1x256xi32>
    %and3A_1699 = arith.andi %shift_right_arithmetic3A_1696, %and3A_1698 : vector<1x256xi32>
    %eq3A_1700 = arith.constant 1 : i32
    %eq3A_1701 = vector.broadcast %eq3A_1700 : i32 to vector<1x256xi32>
    %eq3A_1702 = arith.cmpi eq, %and3A_1699, %eq3A_1701 : vector<1x256xi32>
    %broadcast_in_dim3A_1703 = vector.shape_cast %eq3A_1702 : vector<1x256xi1> to vector<1x1x256xi1>
    %slice3A_1704 = vector.extract_strided_slice %select_n3A_1693 {offsets = [4, 0, 0], sizes = [4, 8, 256], strides = [1, 1, 1]} : vector<8x8x256xf32> to vector<4x8x256xf32>
    %slice3A_1705 = vector.extract_strided_slice %select_n3A_1693 {offsets = [0, 0, 0], sizes = [4, 8, 256], strides = [1, 1, 1]} : vector<8x8x256xf32> to vector<4x8x256xf32>
    %broadcast_in_dim3A_1706 = vector.shape_cast %broadcast_in_dim3A_1703 : vector<1x1x256xi1> to vector<1x1x256xi1>
    %broadcast_in_dim3A_1707 = vector.broadcast %broadcast_in_dim3A_1706 : vector<1x1x256xi1> to vector<4x8x256xi1>
    %select_n3A_1708 = arith.select %broadcast_in_dim3A_1707, %slice3A_1704, %slice3A_1705 : vector<4x8x256xi1>, vector<4x8x256xf32>
    %shift_right_arithmetic3A_1709 = arith.constant 1 : i32
    %shift_right_arithmetic3A_1710 = vector.broadcast %shift_right_arithmetic3A_1709 : i32 to vector<1x256xi32>
    %shift_right_arithmetic3A_1711 = arith.shrsi %broadcast_in_dim3A_239, %shift_right_arithmetic3A_1710 : vector<1x256xi32>
    %and3A_1712 = arith.constant 1 : i32
    %and3A_1713 = vector.broadcast %and3A_1712 : i32 to vector<1x256xi32>
    %and3A_1714 = arith.andi %shift_right_arithmetic3A_1711, %and3A_1713 : vector<1x256xi32>
    %eq3A_1715 = arith.constant 1 : i32
    %eq3A_1716 = vector.broadcast %eq3A_1715 : i32 to vector<1x256xi32>
    %eq3A_1717 = arith.cmpi eq, %and3A_1714, %eq3A_1716 : vector<1x256xi32>
    %broadcast_in_dim3A_1718 = vector.shape_cast %eq3A_1717 : vector<1x256xi1> to vector<1x1x256xi1>
    %slice3A_1719 = vector.extract_strided_slice %select_n3A_1708 {offsets = [2, 0, 0], sizes = [2, 8, 256], strides = [1, 1, 1]} : vector<4x8x256xf32> to vector<2x8x256xf32>
    %slice3A_1720 = vector.extract_strided_slice %select_n3A_1708 {offsets = [0, 0, 0], sizes = [2, 8, 256], strides = [1, 1, 1]} : vector<4x8x256xf32> to vector<2x8x256xf32>
    %broadcast_in_dim3A_1721 = vector.shape_cast %broadcast_in_dim3A_1718 : vector<1x1x256xi1> to vector<1x1x256xi1>
    %broadcast_in_dim3A_1722 = vector.broadcast %broadcast_in_dim3A_1721 : vector<1x1x256xi1> to vector<2x8x256xi1>
    %select_n3A_1723 = arith.select %broadcast_in_dim3A_1722, %slice3A_1719, %slice3A_1720 : vector<2x8x256xi1>, vector<2x8x256xf32>
    %shift_right_arithmetic3A_1724 = arith.constant 0 : i32
    %shift_right_arithmetic3A_1725 = vector.broadcast %shift_right_arithmetic3A_1724 : i32 to vector<1x256xi32>
    %shift_right_arithmetic3A_1726 = arith.shrsi %broadcast_in_dim3A_239, %shift_right_arithmetic3A_1725 : vector<1x256xi32>
    %and3A_1727 = arith.constant 1 : i32
    %and3A_1728 = vector.broadcast %and3A_1727 : i32 to vector<1x256xi32>
    %and3A_1729 = arith.andi %shift_right_arithmetic3A_1726, %and3A_1728 : vector<1x256xi32>
    %eq3A_1730 = arith.constant 1 : i32
    %eq3A_1731 = vector.broadcast %eq3A_1730 : i32 to vector<1x256xi32>
    %eq3A_1732 = arith.cmpi eq, %and3A_1729, %eq3A_1731 : vector<1x256xi32>
    %broadcast_in_dim3A_1733 = vector.shape_cast %eq3A_1732 : vector<1x256xi1> to vector<1x1x256xi1>
    %slice3A_1734 = vector.extract_strided_slice %select_n3A_1723 {offsets = [1, 0, 0], sizes = [1, 8, 256], strides = [1, 1, 1]} : vector<2x8x256xf32> to vector<1x8x256xf32>
    %slice3A_1735 = vector.extract_strided_slice %select_n3A_1723 {offsets = [0, 0, 0], sizes = [1, 8, 256], strides = [1, 1, 1]} : vector<2x8x256xf32> to vector<1x8x256xf32>
    %broadcast_in_dim3A_1736 = vector.shape_cast %broadcast_in_dim3A_1733 : vector<1x1x256xi1> to vector<1x1x256xi1>
    %broadcast_in_dim3A_1737 = vector.broadcast %broadcast_in_dim3A_1736 : vector<1x1x256xi1> to vector<1x8x256xi1>
    %select_n3A_1738 = arith.select %broadcast_in_dim3A_1737, %slice3A_1734, %slice3A_1735 : vector<1x8x256xi1>, vector<1x8x256xf32>
    %shift_right_arithmetic3A_1739 = arith.constant 6 : i32
    %shift_right_arithmetic3A_1740 = vector.broadcast %shift_right_arithmetic3A_1739 : i32 to vector<1x256xi32>
    %shift_right_arithmetic3A_1741 = arith.shrsi %broadcast_in_dim3A_255, %shift_right_arithmetic3A_1740 : vector<1x256xi32>
    %and3A_1742 = arith.constant 1 : i32
    %and3A_1743 = vector.broadcast %and3A_1742 : i32 to vector<1x256xi32>
    %and3A_1744 = arith.andi %shift_right_arithmetic3A_1741, %and3A_1743 : vector<1x256xi32>
    %eq3A_1745 = arith.constant 1 : i32
    %eq3A_1746 = vector.broadcast %eq3A_1745 : i32 to vector<1x256xi32>
    %eq3A_1747 = arith.cmpi eq, %and3A_1744, %eq3A_1746 : vector<1x256xi32>
    %broadcast_in_dim3A_1748 = vector.shape_cast %eq3A_1747 : vector<1x256xi1> to vector<1x1x256xi1>
    %slice3A_1749 = vector.extract_strided_slice %reshape3A_21 {offsets = [64, 0, 0], sizes = [64, 8, 256], strides = [1, 1, 1]} : vector<128x8x256xf32> to vector<64x8x256xf32>
    %slice3A_1750 = vector.extract_strided_slice %reshape3A_21 {offsets = [0, 0, 0], sizes = [64, 8, 256], strides = [1, 1, 1]} : vector<128x8x256xf32> to vector<64x8x256xf32>
    %broadcast_in_dim3A_1751 = vector.shape_cast %broadcast_in_dim3A_1748 : vector<1x1x256xi1> to vector<1x1x256xi1>
    %broadcast_in_dim3A_1752 = vector.broadcast %broadcast_in_dim3A_1751 : vector<1x1x256xi1> to vector<64x8x256xi1>
    %select_n3A_1753 = arith.select %broadcast_in_dim3A_1752, %slice3A_1749, %slice3A_1750 : vector<64x8x256xi1>, vector<64x8x256xf32>
    %shift_right_arithmetic3A_1754 = arith.constant 5 : i32
    %shift_right_arithmetic3A_1755 = vector.broadcast %shift_right_arithmetic3A_1754 : i32 to vector<1x256xi32>
    %shift_right_arithmetic3A_1756 = arith.shrsi %broadcast_in_dim3A_255, %shift_right_arithmetic3A_1755 : vector<1x256xi32>
    %and3A_1757 = arith.constant 1 : i32
    %and3A_1758 = vector.broadcast %and3A_1757 : i32 to vector<1x256xi32>
    %and3A_1759 = arith.andi %shift_right_arithmetic3A_1756, %and3A_1758 : vector<1x256xi32>
    %eq3A_1760 = arith.constant 1 : i32
    %eq3A_1761 = vector.broadcast %eq3A_1760 : i32 to vector<1x256xi32>
    %eq3A_1762 = arith.cmpi eq, %and3A_1759, %eq3A_1761 : vector<1x256xi32>
    %broadcast_in_dim3A_1763 = vector.shape_cast %eq3A_1762 : vector<1x256xi1> to vector<1x1x256xi1>
    %slice3A_1764 = vector.extract_strided_slice %select_n3A_1753 {offsets = [32, 0, 0], sizes = [32, 8, 256], strides = [1, 1, 1]} : vector<64x8x256xf32> to vector<32x8x256xf32>
    %slice3A_1765 = vector.extract_strided_slice %select_n3A_1753 {offsets = [0, 0, 0], sizes = [32, 8, 256], strides = [1, 1, 1]} : vector<64x8x256xf32> to vector<32x8x256xf32>
    %broadcast_in_dim3A_1766 = vector.shape_cast %broadcast_in_dim3A_1763 : vector<1x1x256xi1> to vector<1x1x256xi1>
    %broadcast_in_dim3A_1767 = vector.broadcast %broadcast_in_dim3A_1766 : vector<1x1x256xi1> to vector<32x8x256xi1>
    %select_n3A_1768 = arith.select %broadcast_in_dim3A_1767, %slice3A_1764, %slice3A_1765 : vector<32x8x256xi1>, vector<32x8x256xf32>
    %shift_right_arithmetic3A_1769 = arith.constant 4 : i32
    %shift_right_arithmetic3A_1770 = vector.broadcast %shift_right_arithmetic3A_1769 : i32 to vector<1x256xi32>
    %shift_right_arithmetic3A_1771 = arith.shrsi %broadcast_in_dim3A_255, %shift_right_arithmetic3A_1770 : vector<1x256xi32>
    %and3A_1772 = arith.constant 1 : i32
    %and3A_1773 = vector.broadcast %and3A_1772 : i32 to vector<1x256xi32>
    %and3A_1774 = arith.andi %shift_right_arithmetic3A_1771, %and3A_1773 : vector<1x256xi32>
    %eq3A_1775 = arith.constant 1 : i32
    %eq3A_1776 = vector.broadcast %eq3A_1775 : i32 to vector<1x256xi32>
    %eq3A_1777 = arith.cmpi eq, %and3A_1774, %eq3A_1776 : vector<1x256xi32>
    %broadcast_in_dim3A_1778 = vector.shape_cast %eq3A_1777 : vector<1x256xi1> to vector<1x1x256xi1>
    %slice3A_1779 = vector.extract_strided_slice %select_n3A_1768 {offsets = [16, 0, 0], sizes = [16, 8, 256], strides = [1, 1, 1]} : vector<32x8x256xf32> to vector<16x8x256xf32>
    %slice3A_1780 = vector.extract_strided_slice %select_n3A_1768 {offsets = [0, 0, 0], sizes = [16, 8, 256], strides = [1, 1, 1]} : vector<32x8x256xf32> to vector<16x8x256xf32>
    %broadcast_in_dim3A_1781 = vector.shape_cast %broadcast_in_dim3A_1778 : vector<1x1x256xi1> to vector<1x1x256xi1>
    %broadcast_in_dim3A_1782 = vector.broadcast %broadcast_in_dim3A_1781 : vector<1x1x256xi1> to vector<16x8x256xi1>
    %select_n3A_1783 = arith.select %broadcast_in_dim3A_1782, %slice3A_1779, %slice3A_1780 : vector<16x8x256xi1>, vector<16x8x256xf32>
    %shift_right_arithmetic3A_1784 = arith.constant 3 : i32
    %shift_right_arithmetic3A_1785 = vector.broadcast %shift_right_arithmetic3A_1784 : i32 to vector<1x256xi32>
    %shift_right_arithmetic3A_1786 = arith.shrsi %broadcast_in_dim3A_255, %shift_right_arithmetic3A_1785 : vector<1x256xi32>
    %and3A_1787 = arith.constant 1 : i32
    %and3A_1788 = vector.broadcast %and3A_1787 : i32 to vector<1x256xi32>
    %and3A_1789 = arith.andi %shift_right_arithmetic3A_1786, %and3A_1788 : vector<1x256xi32>
    %eq3A_1790 = arith.constant 1 : i32
    %eq3A_1791 = vector.broadcast %eq3A_1790 : i32 to vector<1x256xi32>
    %eq3A_1792 = arith.cmpi eq, %and3A_1789, %eq3A_1791 : vector<1x256xi32>
    %broadcast_in_dim3A_1793 = vector.shape_cast %eq3A_1792 : vector<1x256xi1> to vector<1x1x256xi1>
    %slice3A_1794 = vector.extract_strided_slice %select_n3A_1783 {offsets = [8, 0, 0], sizes = [8, 8, 256], strides = [1, 1, 1]} : vector<16x8x256xf32> to vector<8x8x256xf32>
    %slice3A_1795 = vector.extract_strided_slice %select_n3A_1783 {offsets = [0, 0, 0], sizes = [8, 8, 256], strides = [1, 1, 1]} : vector<16x8x256xf32> to vector<8x8x256xf32>
    %broadcast_in_dim3A_1796 = vector.shape_cast %broadcast_in_dim3A_1793 : vector<1x1x256xi1> to vector<1x1x256xi1>
    %broadcast_in_dim3A_1797 = vector.broadcast %broadcast_in_dim3A_1796 : vector<1x1x256xi1> to vector<8x8x256xi1>
    %select_n3A_1798 = arith.select %broadcast_in_dim3A_1797, %slice3A_1794, %slice3A_1795 : vector<8x8x256xi1>, vector<8x8x256xf32>
    %shift_right_arithmetic3A_1799 = arith.constant 2 : i32
    %shift_right_arithmetic3A_1800 = vector.broadcast %shift_right_arithmetic3A_1799 : i32 to vector<1x256xi32>
    %shift_right_arithmetic3A_1801 = arith.shrsi %broadcast_in_dim3A_255, %shift_right_arithmetic3A_1800 : vector<1x256xi32>
    %and3A_1802 = arith.constant 1 : i32
    %and3A_1803 = vector.broadcast %and3A_1802 : i32 to vector<1x256xi32>
    %and3A_1804 = arith.andi %shift_right_arithmetic3A_1801, %and3A_1803 : vector<1x256xi32>
    %eq3A_1805 = arith.constant 1 : i32
    %eq3A_1806 = vector.broadcast %eq3A_1805 : i32 to vector<1x256xi32>
    %eq3A_1807 = arith.cmpi eq, %and3A_1804, %eq3A_1806 : vector<1x256xi32>
    %broadcast_in_dim3A_1808 = vector.shape_cast %eq3A_1807 : vector<1x256xi1> to vector<1x1x256xi1>
    %slice3A_1809 = vector.extract_strided_slice %select_n3A_1798 {offsets = [4, 0, 0], sizes = [4, 8, 256], strides = [1, 1, 1]} : vector<8x8x256xf32> to vector<4x8x256xf32>
    %slice3A_1810 = vector.extract_strided_slice %select_n3A_1798 {offsets = [0, 0, 0], sizes = [4, 8, 256], strides = [1, 1, 1]} : vector<8x8x256xf32> to vector<4x8x256xf32>
    %broadcast_in_dim3A_1811 = vector.shape_cast %broadcast_in_dim3A_1808 : vector<1x1x256xi1> to vector<1x1x256xi1>
    %broadcast_in_dim3A_1812 = vector.broadcast %broadcast_in_dim3A_1811 : vector<1x1x256xi1> to vector<4x8x256xi1>
    %select_n3A_1813 = arith.select %broadcast_in_dim3A_1812, %slice3A_1809, %slice3A_1810 : vector<4x8x256xi1>, vector<4x8x256xf32>
    %shift_right_arithmetic3A_1814 = arith.constant 1 : i32
    %shift_right_arithmetic3A_1815 = vector.broadcast %shift_right_arithmetic3A_1814 : i32 to vector<1x256xi32>
    %shift_right_arithmetic3A_1816 = arith.shrsi %broadcast_in_dim3A_255, %shift_right_arithmetic3A_1815 : vector<1x256xi32>
    %and3A_1817 = arith.constant 1 : i32
    %and3A_1818 = vector.broadcast %and3A_1817 : i32 to vector<1x256xi32>
    %and3A_1819 = arith.andi %shift_right_arithmetic3A_1816, %and3A_1818 : vector<1x256xi32>
    %eq3A_1820 = arith.constant 1 : i32
    %eq3A_1821 = vector.broadcast %eq3A_1820 : i32 to vector<1x256xi32>
    %eq3A_1822 = arith.cmpi eq, %and3A_1819, %eq3A_1821 : vector<1x256xi32>
    %broadcast_in_dim3A_1823 = vector.shape_cast %eq3A_1822 : vector<1x256xi1> to vector<1x1x256xi1>
    %slice3A_1824 = vector.extract_strided_slice %select_n3A_1813 {offsets = [2, 0, 0], sizes = [2, 8, 256], strides = [1, 1, 1]} : vector<4x8x256xf32> to vector<2x8x256xf32>
    %slice3A_1825 = vector.extract_strided_slice %select_n3A_1813 {offsets = [0, 0, 0], sizes = [2, 8, 256], strides = [1, 1, 1]} : vector<4x8x256xf32> to vector<2x8x256xf32>
    %broadcast_in_dim3A_1826 = vector.shape_cast %broadcast_in_dim3A_1823 : vector<1x1x256xi1> to vector<1x1x256xi1>
    %broadcast_in_dim3A_1827 = vector.broadcast %broadcast_in_dim3A_1826 : vector<1x1x256xi1> to vector<2x8x256xi1>
    %select_n3A_1828 = arith.select %broadcast_in_dim3A_1827, %slice3A_1824, %slice3A_1825 : vector<2x8x256xi1>, vector<2x8x256xf32>
    %shift_right_arithmetic3A_1829 = arith.constant 0 : i32
    %shift_right_arithmetic3A_1830 = vector.broadcast %shift_right_arithmetic3A_1829 : i32 to vector<1x256xi32>
    %shift_right_arithmetic3A_1831 = arith.shrsi %broadcast_in_dim3A_255, %shift_right_arithmetic3A_1830 : vector<1x256xi32>
    %and3A_1832 = arith.constant 1 : i32
    %and3A_1833 = vector.broadcast %and3A_1832 : i32 to vector<1x256xi32>
    %and3A_1834 = arith.andi %shift_right_arithmetic3A_1831, %and3A_1833 : vector<1x256xi32>
    %eq3A_1835 = arith.constant 1 : i32
    %eq3A_1836 = vector.broadcast %eq3A_1835 : i32 to vector<1x256xi32>
    %eq3A_1837 = arith.cmpi eq, %and3A_1834, %eq3A_1836 : vector<1x256xi32>
    %broadcast_in_dim3A_1838 = vector.shape_cast %eq3A_1837 : vector<1x256xi1> to vector<1x1x256xi1>
    %slice3A_1839 = vector.extract_strided_slice %select_n3A_1828 {offsets = [1, 0, 0], sizes = [1, 8, 256], strides = [1, 1, 1]} : vector<2x8x256xf32> to vector<1x8x256xf32>
    %slice3A_1840 = vector.extract_strided_slice %select_n3A_1828 {offsets = [0, 0, 0], sizes = [1, 8, 256], strides = [1, 1, 1]} : vector<2x8x256xf32> to vector<1x8x256xf32>
    %broadcast_in_dim3A_1841 = vector.shape_cast %broadcast_in_dim3A_1838 : vector<1x1x256xi1> to vector<1x1x256xi1>
    %broadcast_in_dim3A_1842 = vector.broadcast %broadcast_in_dim3A_1841 : vector<1x1x256xi1> to vector<1x8x256xi1>
    %select_n3A_1843 = arith.select %broadcast_in_dim3A_1842, %slice3A_1839, %slice3A_1840 : vector<1x8x256xi1>, vector<1x8x256xf32>
    %shift_right_arithmetic3A_1844 = arith.constant 6 : i32
    %shift_right_arithmetic3A_1845 = vector.broadcast %shift_right_arithmetic3A_1844 : i32 to vector<1x256xi32>
    %shift_right_arithmetic3A_1846 = arith.shrsi %broadcast_in_dim3A_271, %shift_right_arithmetic3A_1845 : vector<1x256xi32>
    %and3A_1847 = arith.constant 1 : i32
    %and3A_1848 = vector.broadcast %and3A_1847 : i32 to vector<1x256xi32>
    %and3A_1849 = arith.andi %shift_right_arithmetic3A_1846, %and3A_1848 : vector<1x256xi32>
    %eq3A_1850 = arith.constant 1 : i32
    %eq3A_1851 = vector.broadcast %eq3A_1850 : i32 to vector<1x256xi32>
    %eq3A_1852 = arith.cmpi eq, %and3A_1849, %eq3A_1851 : vector<1x256xi32>
    %broadcast_in_dim3A_1853 = vector.shape_cast %eq3A_1852 : vector<1x256xi1> to vector<1x1x256xi1>
    %slice3A_1854 = vector.extract_strided_slice %reshape3A_21 {offsets = [64, 0, 0], sizes = [64, 8, 256], strides = [1, 1, 1]} : vector<128x8x256xf32> to vector<64x8x256xf32>
    %slice3A_1855 = vector.extract_strided_slice %reshape3A_21 {offsets = [0, 0, 0], sizes = [64, 8, 256], strides = [1, 1, 1]} : vector<128x8x256xf32> to vector<64x8x256xf32>
    %broadcast_in_dim3A_1856 = vector.shape_cast %broadcast_in_dim3A_1853 : vector<1x1x256xi1> to vector<1x1x256xi1>
    %broadcast_in_dim3A_1857 = vector.broadcast %broadcast_in_dim3A_1856 : vector<1x1x256xi1> to vector<64x8x256xi1>
    %select_n3A_1858 = arith.select %broadcast_in_dim3A_1857, %slice3A_1854, %slice3A_1855 : vector<64x8x256xi1>, vector<64x8x256xf32>
    %shift_right_arithmetic3A_1859 = arith.constant 5 : i32
    %shift_right_arithmetic3A_1860 = vector.broadcast %shift_right_arithmetic3A_1859 : i32 to vector<1x256xi32>
    %shift_right_arithmetic3A_1861 = arith.shrsi %broadcast_in_dim3A_271, %shift_right_arithmetic3A_1860 : vector<1x256xi32>
    %and3A_1862 = arith.constant 1 : i32
    %and3A_1863 = vector.broadcast %and3A_1862 : i32 to vector<1x256xi32>
    %and3A_1864 = arith.andi %shift_right_arithmetic3A_1861, %and3A_1863 : vector<1x256xi32>
    %eq3A_1865 = arith.constant 1 : i32
    %eq3A_1866 = vector.broadcast %eq3A_1865 : i32 to vector<1x256xi32>
    %eq3A_1867 = arith.cmpi eq, %and3A_1864, %eq3A_1866 : vector<1x256xi32>
    %broadcast_in_dim3A_1868 = vector.shape_cast %eq3A_1867 : vector<1x256xi1> to vector<1x1x256xi1>
    %slice3A_1869 = vector.extract_strided_slice %select_n3A_1858 {offsets = [32, 0, 0], sizes = [32, 8, 256], strides = [1, 1, 1]} : vector<64x8x256xf32> to vector<32x8x256xf32>
    %slice3A_1870 = vector.extract_strided_slice %select_n3A_1858 {offsets = [0, 0, 0], sizes = [32, 8, 256], strides = [1, 1, 1]} : vector<64x8x256xf32> to vector<32x8x256xf32>
    %broadcast_in_dim3A_1871 = vector.shape_cast %broadcast_in_dim3A_1868 : vector<1x1x256xi1> to vector<1x1x256xi1>
    %broadcast_in_dim3A_1872 = vector.broadcast %broadcast_in_dim3A_1871 : vector<1x1x256xi1> to vector<32x8x256xi1>
    %select_n3A_1873 = arith.select %broadcast_in_dim3A_1872, %slice3A_1869, %slice3A_1870 : vector<32x8x256xi1>, vector<32x8x256xf32>
    %shift_right_arithmetic3A_1874 = arith.constant 4 : i32
    %shift_right_arithmetic3A_1875 = vector.broadcast %shift_right_arithmetic3A_1874 : i32 to vector<1x256xi32>
    %shift_right_arithmetic3A_1876 = arith.shrsi %broadcast_in_dim3A_271, %shift_right_arithmetic3A_1875 : vector<1x256xi32>
    %and3A_1877 = arith.constant 1 : i32
    %and3A_1878 = vector.broadcast %and3A_1877 : i32 to vector<1x256xi32>
    %and3A_1879 = arith.andi %shift_right_arithmetic3A_1876, %and3A_1878 : vector<1x256xi32>
    %eq3A_1880 = arith.constant 1 : i32
    %eq3A_1881 = vector.broadcast %eq3A_1880 : i32 to vector<1x256xi32>
    %eq3A_1882 = arith.cmpi eq, %and3A_1879, %eq3A_1881 : vector<1x256xi32>
    %broadcast_in_dim3A_1883 = vector.shape_cast %eq3A_1882 : vector<1x256xi1> to vector<1x1x256xi1>
    %slice3A_1884 = vector.extract_strided_slice %select_n3A_1873 {offsets = [16, 0, 0], sizes = [16, 8, 256], strides = [1, 1, 1]} : vector<32x8x256xf32> to vector<16x8x256xf32>
    %slice3A_1885 = vector.extract_strided_slice %select_n3A_1873 {offsets = [0, 0, 0], sizes = [16, 8, 256], strides = [1, 1, 1]} : vector<32x8x256xf32> to vector<16x8x256xf32>
    %broadcast_in_dim3A_1886 = vector.shape_cast %broadcast_in_dim3A_1883 : vector<1x1x256xi1> to vector<1x1x256xi1>
    %broadcast_in_dim3A_1887 = vector.broadcast %broadcast_in_dim3A_1886 : vector<1x1x256xi1> to vector<16x8x256xi1>
    %select_n3A_1888 = arith.select %broadcast_in_dim3A_1887, %slice3A_1884, %slice3A_1885 : vector<16x8x256xi1>, vector<16x8x256xf32>
    %shift_right_arithmetic3A_1889 = arith.constant 3 : i32
    %shift_right_arithmetic3A_1890 = vector.broadcast %shift_right_arithmetic3A_1889 : i32 to vector<1x256xi32>
    %shift_right_arithmetic3A_1891 = arith.shrsi %broadcast_in_dim3A_271, %shift_right_arithmetic3A_1890 : vector<1x256xi32>
    %and3A_1892 = arith.constant 1 : i32
    %and3A_1893 = vector.broadcast %and3A_1892 : i32 to vector<1x256xi32>
    %and3A_1894 = arith.andi %shift_right_arithmetic3A_1891, %and3A_1893 : vector<1x256xi32>
    %eq3A_1895 = arith.constant 1 : i32
    %eq3A_1896 = vector.broadcast %eq3A_1895 : i32 to vector<1x256xi32>
    %eq3A_1897 = arith.cmpi eq, %and3A_1894, %eq3A_1896 : vector<1x256xi32>
    %broadcast_in_dim3A_1898 = vector.shape_cast %eq3A_1897 : vector<1x256xi1> to vector<1x1x256xi1>
    %slice3A_1899 = vector.extract_strided_slice %select_n3A_1888 {offsets = [8, 0, 0], sizes = [8, 8, 256], strides = [1, 1, 1]} : vector<16x8x256xf32> to vector<8x8x256xf32>
    %slice3A_1900 = vector.extract_strided_slice %select_n3A_1888 {offsets = [0, 0, 0], sizes = [8, 8, 256], strides = [1, 1, 1]} : vector<16x8x256xf32> to vector<8x8x256xf32>
    %broadcast_in_dim3A_1901 = vector.shape_cast %broadcast_in_dim3A_1898 : vector<1x1x256xi1> to vector<1x1x256xi1>
    %broadcast_in_dim3A_1902 = vector.broadcast %broadcast_in_dim3A_1901 : vector<1x1x256xi1> to vector<8x8x256xi1>
    %select_n3A_1903 = arith.select %broadcast_in_dim3A_1902, %slice3A_1899, %slice3A_1900 : vector<8x8x256xi1>, vector<8x8x256xf32>
    %shift_right_arithmetic3A_1904 = arith.constant 2 : i32
    %shift_right_arithmetic3A_1905 = vector.broadcast %shift_right_arithmetic3A_1904 : i32 to vector<1x256xi32>
    %shift_right_arithmetic3A_1906 = arith.shrsi %broadcast_in_dim3A_271, %shift_right_arithmetic3A_1905 : vector<1x256xi32>
    %and3A_1907 = arith.constant 1 : i32
    %and3A_1908 = vector.broadcast %and3A_1907 : i32 to vector<1x256xi32>
    %and3A_1909 = arith.andi %shift_right_arithmetic3A_1906, %and3A_1908 : vector<1x256xi32>
    %eq3A_1910 = arith.constant 1 : i32
    %eq3A_1911 = vector.broadcast %eq3A_1910 : i32 to vector<1x256xi32>
    %eq3A_1912 = arith.cmpi eq, %and3A_1909, %eq3A_1911 : vector<1x256xi32>
    %broadcast_in_dim3A_1913 = vector.shape_cast %eq3A_1912 : vector<1x256xi1> to vector<1x1x256xi1>
    %slice3A_1914 = vector.extract_strided_slice %select_n3A_1903 {offsets = [4, 0, 0], sizes = [4, 8, 256], strides = [1, 1, 1]} : vector<8x8x256xf32> to vector<4x8x256xf32>
    %slice3A_1915 = vector.extract_strided_slice %select_n3A_1903 {offsets = [0, 0, 0], sizes = [4, 8, 256], strides = [1, 1, 1]} : vector<8x8x256xf32> to vector<4x8x256xf32>
    %broadcast_in_dim3A_1916 = vector.shape_cast %broadcast_in_dim3A_1913 : vector<1x1x256xi1> to vector<1x1x256xi1>
    %broadcast_in_dim3A_1917 = vector.broadcast %broadcast_in_dim3A_1916 : vector<1x1x256xi1> to vector<4x8x256xi1>
    %select_n3A_1918 = arith.select %broadcast_in_dim3A_1917, %slice3A_1914, %slice3A_1915 : vector<4x8x256xi1>, vector<4x8x256xf32>
    %shift_right_arithmetic3A_1919 = arith.constant 1 : i32
    %shift_right_arithmetic3A_1920 = vector.broadcast %shift_right_arithmetic3A_1919 : i32 to vector<1x256xi32>
    %shift_right_arithmetic3A_1921 = arith.shrsi %broadcast_in_dim3A_271, %shift_right_arithmetic3A_1920 : vector<1x256xi32>
    %and3A_1922 = arith.constant 1 : i32
    %and3A_1923 = vector.broadcast %and3A_1922 : i32 to vector<1x256xi32>
    %and3A_1924 = arith.andi %shift_right_arithmetic3A_1921, %and3A_1923 : vector<1x256xi32>
    %eq3A_1925 = arith.constant 1 : i32
    %eq3A_1926 = vector.broadcast %eq3A_1925 : i32 to vector<1x256xi32>
    %eq3A_1927 = arith.cmpi eq, %and3A_1924, %eq3A_1926 : vector<1x256xi32>
    %broadcast_in_dim3A_1928 = vector.shape_cast %eq3A_1927 : vector<1x256xi1> to vector<1x1x256xi1>
    %slice3A_1929 = vector.extract_strided_slice %select_n3A_1918 {offsets = [2, 0, 0], sizes = [2, 8, 256], strides = [1, 1, 1]} : vector<4x8x256xf32> to vector<2x8x256xf32>
    %slice3A_1930 = vector.extract_strided_slice %select_n3A_1918 {offsets = [0, 0, 0], sizes = [2, 8, 256], strides = [1, 1, 1]} : vector<4x8x256xf32> to vector<2x8x256xf32>
    %broadcast_in_dim3A_1931 = vector.shape_cast %broadcast_in_dim3A_1928 : vector<1x1x256xi1> to vector<1x1x256xi1>
    %broadcast_in_dim3A_1932 = vector.broadcast %broadcast_in_dim3A_1931 : vector<1x1x256xi1> to vector<2x8x256xi1>
    %select_n3A_1933 = arith.select %broadcast_in_dim3A_1932, %slice3A_1929, %slice3A_1930 : vector<2x8x256xi1>, vector<2x8x256xf32>
    %shift_right_arithmetic3A_1934 = arith.constant 0 : i32
    %shift_right_arithmetic3A_1935 = vector.broadcast %shift_right_arithmetic3A_1934 : i32 to vector<1x256xi32>
    %shift_right_arithmetic3A_1936 = arith.shrsi %broadcast_in_dim3A_271, %shift_right_arithmetic3A_1935 : vector<1x256xi32>
    %and3A_1937 = arith.constant 1 : i32
    %and3A_1938 = vector.broadcast %and3A_1937 : i32 to vector<1x256xi32>
    %and3A_1939 = arith.andi %shift_right_arithmetic3A_1936, %and3A_1938 : vector<1x256xi32>
    %eq3A_1940 = arith.constant 1 : i32
    %eq3A_1941 = vector.broadcast %eq3A_1940 : i32 to vector<1x256xi32>
    %eq3A_1942 = arith.cmpi eq, %and3A_1939, %eq3A_1941 : vector<1x256xi32>
    %broadcast_in_dim3A_1943 = vector.shape_cast %eq3A_1942 : vector<1x256xi1> to vector<1x1x256xi1>
    %slice3A_1944 = vector.extract_strided_slice %select_n3A_1933 {offsets = [1, 0, 0], sizes = [1, 8, 256], strides = [1, 1, 1]} : vector<2x8x256xf32> to vector<1x8x256xf32>
    %slice3A_1945 = vector.extract_strided_slice %select_n3A_1933 {offsets = [0, 0, 0], sizes = [1, 8, 256], strides = [1, 1, 1]} : vector<2x8x256xf32> to vector<1x8x256xf32>
    %broadcast_in_dim3A_1946 = vector.shape_cast %broadcast_in_dim3A_1943 : vector<1x1x256xi1> to vector<1x1x256xi1>
    %broadcast_in_dim3A_1947 = vector.broadcast %broadcast_in_dim3A_1946 : vector<1x1x256xi1> to vector<1x8x256xi1>
    %select_n3A_1948 = arith.select %broadcast_in_dim3A_1947, %slice3A_1944, %slice3A_1945 : vector<1x8x256xi1>, vector<1x8x256xf32>
    %concatenate3A = tpu.concatenate %select_n3A_373, %select_n3A_478, %select_n3A_583, %select_n3A_688, %select_n3A_793, %select_n3A_898, %select_n3A_1003, %select_n3A_1108, %select_n3A_1213, %select_n3A_1318, %select_n3A_1423, %select_n3A_1528, %select_n3A_1633, %select_n3A_1738, %select_n3A_1843, %select_n3A_1948 in 0 : vector<1x8x256xf32>, vector<1x8x256xf32>, vector<1x8x256xf32>, vector<1x8x256xf32>, vector<1x8x256xf32>, vector<1x8x256xf32>, vector<1x8x256xf32>, vector<1x8x256xf32>, vector<1x8x256xf32>, vector<1x8x256xf32>, vector<1x8x256xf32>, vector<1x8x256xf32>, vector<1x8x256xf32>, vector<1x8x256xf32>, vector<1x8x256xf32>, vector<1x8x256xf32> -> vector<16x8x256xf32>
    %reshape3A_1949 = vector.shape_cast %concatenate3A : vector<16x8x256xf32> to vector<128x256xf32>
    %iota3A_1950 = tpu.iota {dimensions = array<i32: 1>} : vector<16x8x256xi32>
    %concatenate3A_1951 = tpu.concatenate %broadcast_in_dim3A_31, %broadcast_in_dim3A_47, %broadcast_in_dim3A_63, %broadcast_in_dim3A_79, %broadcast_in_dim3A_95, %broadcast_in_dim3A_111, %broadcast_in_dim3A_127, %broadcast_in_dim3A_143, %broadcast_in_dim3A_159, %broadcast_in_dim3A_175, %broadcast_in_dim3A_191, %broadcast_in_dim3A_207, %broadcast_in_dim3A_223, %broadcast_in_dim3A_239, %broadcast_in_dim3A_255, %broadcast_in_dim3A_271 in 0 : vector<1x256xi32>, vector<1x256xi32>, vector<1x256xi32>, vector<1x256xi32>, vector<1x256xi32>, vector<1x256xi32>, vector<1x256xi32>, vector<1x256xi32>, vector<1x256xi32>, vector<1x256xi32>, vector<1x256xi32>, vector<1x256xi32>, vector<1x256xi32>, vector<1x256xi32>, vector<1x256xi32>, vector<1x256xi32> -> vector<16x256xi32>
    %broadcast_in_dim3A_1952 = vector.shape_cast %concatenate3A_1951 : vector<16x256xi32> to vector<16x1x256xi32>
    %mul3A_1953 = arith.constant 8 : i32
    %mul3A_1954 = vector.broadcast %mul3A_1953 : i32 to vector<16x1x256xi32>
    %mul3A_1955 = arith.muli %broadcast_in_dim3A_1952, %mul3A_1954 : vector<16x1x256xi32>
    %add3A_1956 = vector.broadcast %mul3A_1955 : vector<16x1x256xi32> to vector<16x8x256xi32>
    %add3A_1957 = arith.addi %add3A_1956, %iota3A_1950 : vector<16x8x256xi32>
    %reshape3A_1958 = vector.shape_cast %add3A_1957 : vector<16x8x256xi32> to vector<128x256xi32>
    %reduce_min3A_1959 = arith.constant dense<0x7F800000> : vector<256xf32>
    %reduce_min3A_1960 = vector.multi_reduction <minimumf>, %reshape3A_1949, %reduce_min3A_1959 [0] : vector<128x256xf32> to vector<256xf32>
    %broadcast_in_dim3A_1961 = vector.shape_cast %reduce_min3A_1960 : vector<256xf32> to vector<1x256xf32>
    %eq3A_1962 = vector.broadcast %broadcast_in_dim3A_1961 : vector<1x256xf32> to vector<128x256xf32>
    %eq3A_1963 = arith.cmpf oeq, %reshape3A_1949, %eq3A_1962 : vector<128x256xf32>
    %jit3A_1964 = arith.constant 1024 : i32
    %broadcast_in_dim3A_1965 = vector.broadcast %jit3A_1964 : i32 to vector<128x256xi32>
    %select_n3A_1966 = arith.select %eq3A_1963, %reshape3A_1958, %broadcast_in_dim3A_1965 : vector<128x256xi1>, vector<128x256xi32>
    %reduce_min3A_1967 = arith.constant dense<2147483647> : vector<256xi32>
    %reduce_min3A_1968 = vector.multi_reduction <minsi>, %select_n3A_1966, %reduce_min3A_1967 [0] : vector<128x256xi32> to vector<256xi32>
    %broadcast_in_dim3A_1969 = vector.shape_cast %reduce_min3A_1968 : vector<256xi32> to vector<1x256xi32>
    %eq3A_1970 = vector.broadcast %broadcast_in_dim3A_1969 : vector<1x256xi32> to vector<128x256xi32>
    %eq3A_1971 = arith.cmpi eq, %reshape3A_1958, %eq3A_1970 : vector<128x256xi32>
    %jit3A_1972 = arith.constant 3.000000e+38 : f32
    %broadcast_in_dim3A_1973 = vector.broadcast %jit3A_1972 : f32 to vector<128x256xf32>
    %select_n3A_1974 = arith.select %eq3A_1971, %broadcast_in_dim3A_1973, %reshape3A_1949 : vector<128x256xi1>, vector<128x256xf32>
    %reduce_min3A_1975 = arith.constant dense<0x7F800000> : vector<256xf32>
    %reduce_min3A_1976 = vector.multi_reduction <minimumf>, %select_n3A_1974, %reduce_min3A_1975 [0] : vector<128x256xf32> to vector<256xf32>
    %broadcast_in_dim3A_1977 = vector.shape_cast %reduce_min3A_1976 : vector<256xf32> to vector<1x256xf32>
    %eq3A_1978 = vector.broadcast %broadcast_in_dim3A_1977 : vector<1x256xf32> to vector<128x256xf32>
    %eq3A_1979 = arith.cmpf oeq, %select_n3A_1974, %eq3A_1978 : vector<128x256xf32>
    %jit3A_1980 = arith.constant 1024 : i32
    %broadcast_in_dim3A_1981 = vector.broadcast %jit3A_1980 : i32 to vector<128x256xi32>
    %select_n3A_1982 = arith.select %eq3A_1979, %reshape3A_1958, %broadcast_in_dim3A_1981 : vector<128x256xi1>, vector<128x256xi32>
    %reduce_min3A_1983 = arith.constant dense<2147483647> : vector<256xi32>
    %reduce_min3A_1984 = vector.multi_reduction <minsi>, %select_n3A_1982, %reduce_min3A_1983 [0] : vector<128x256xi32> to vector<256xi32>
    %broadcast_in_dim3A_1985 = vector.shape_cast %reduce_min3A_1984 : vector<256xi32> to vector<1x256xi32>
    %eq3A_1986 = vector.broadcast %broadcast_in_dim3A_1985 : vector<1x256xi32> to vector<128x256xi32>
    %eq3A_1987 = arith.cmpi eq, %reshape3A_1958, %eq3A_1986 : vector<128x256xi32>
    %jit3A_1988 = arith.constant 3.000000e+38 : f32
    %broadcast_in_dim3A_1989 = vector.broadcast %jit3A_1988 : f32 to vector<128x256xf32>
    %select_n3A_1990 = arith.select %eq3A_1987, %broadcast_in_dim3A_1989, %select_n3A_1974 : vector<128x256xi1>, vector<128x256xf32>
    %reduce_min3A_1991 = arith.constant dense<0x7F800000> : vector<256xf32>
    %reduce_min3A_1992 = vector.multi_reduction <minimumf>, %select_n3A_1990, %reduce_min3A_1991 [0] : vector<128x256xf32> to vector<256xf32>
    %broadcast_in_dim3A_1993 = vector.shape_cast %reduce_min3A_1992 : vector<256xf32> to vector<1x256xf32>
    %eq3A_1994 = vector.broadcast %broadcast_in_dim3A_1993 : vector<1x256xf32> to vector<128x256xf32>
    %eq3A_1995 = arith.cmpf oeq, %select_n3A_1990, %eq3A_1994 : vector<128x256xf32>
    %jit3A_1996 = arith.constant 1024 : i32
    %broadcast_in_dim3A_1997 = vector.broadcast %jit3A_1996 : i32 to vector<128x256xi32>
    %select_n3A_1998 = arith.select %eq3A_1995, %reshape3A_1958, %broadcast_in_dim3A_1997 : vector<128x256xi1>, vector<128x256xi32>
    %reduce_min3A_1999 = arith.constant dense<2147483647> : vector<256xi32>
    %reduce_min3A_2000 = vector.multi_reduction <minsi>, %select_n3A_1998, %reduce_min3A_1999 [0] : vector<128x256xi32> to vector<256xi32>
    %broadcast_in_dim3A_2001 = vector.shape_cast %reduce_min3A_2000 : vector<256xi32> to vector<1x256xi32>
    %eq3A_2002 = vector.broadcast %broadcast_in_dim3A_2001 : vector<1x256xi32> to vector<128x256xi32>
    %eq3A_2003 = arith.cmpi eq, %reshape3A_1958, %eq3A_2002 : vector<128x256xi32>
    %jit3A_2004 = arith.constant 3.000000e+38 : f32
    %broadcast_in_dim3A_2005 = vector.broadcast %jit3A_2004 : f32 to vector<128x256xf32>
    %select_n3A_2006 = arith.select %eq3A_2003, %broadcast_in_dim3A_2005, %select_n3A_1990 : vector<128x256xi1>, vector<128x256xf32>
    %reduce_min3A_2007 = arith.constant dense<0x7F800000> : vector<256xf32>
    %reduce_min3A_2008 = vector.multi_reduction <minimumf>, %select_n3A_2006, %reduce_min3A_2007 [0] : vector<128x256xf32> to vector<256xf32>
    %broadcast_in_dim3A_2009 = vector.shape_cast %reduce_min3A_2008 : vector<256xf32> to vector<1x256xf32>
    %eq3A_2010 = vector.broadcast %broadcast_in_dim3A_2009 : vector<1x256xf32> to vector<128x256xf32>
    %eq3A_2011 = arith.cmpf oeq, %select_n3A_2006, %eq3A_2010 : vector<128x256xf32>
    %jit3A_2012 = arith.constant 1024 : i32
    %broadcast_in_dim3A_2013 = vector.broadcast %jit3A_2012 : i32 to vector<128x256xi32>
    %select_n3A_2014 = arith.select %eq3A_2011, %reshape3A_1958, %broadcast_in_dim3A_2013 : vector<128x256xi1>, vector<128x256xi32>
    %reduce_min3A_2015 = arith.constant dense<2147483647> : vector<256xi32>
    %reduce_min3A_2016 = vector.multi_reduction <minsi>, %select_n3A_2014, %reduce_min3A_2015 [0] : vector<128x256xi32> to vector<256xi32>
    %broadcast_in_dim3A_2017 = vector.shape_cast %reduce_min3A_2016 : vector<256xi32> to vector<1x256xi32>
    %eq3A_2018 = vector.broadcast %broadcast_in_dim3A_2017 : vector<1x256xi32> to vector<128x256xi32>
    %eq3A_2019 = arith.cmpi eq, %reshape3A_1958, %eq3A_2018 : vector<128x256xi32>
    %jit3A_2020 = arith.constant 3.000000e+38 : f32
    %broadcast_in_dim3A_2021 = vector.broadcast %jit3A_2020 : f32 to vector<128x256xf32>
    %select_n3A_2022 = arith.select %eq3A_2019, %broadcast_in_dim3A_2021, %select_n3A_2006 : vector<128x256xi1>, vector<128x256xf32>
    %reduce_min3A_2023 = arith.constant dense<0x7F800000> : vector<256xf32>
    %reduce_min3A_2024 = vector.multi_reduction <minimumf>, %select_n3A_2022, %reduce_min3A_2023 [0] : vector<128x256xf32> to vector<256xf32>
    %broadcast_in_dim3A_2025 = vector.shape_cast %reduce_min3A_2024 : vector<256xf32> to vector<1x256xf32>
    %eq3A_2026 = vector.broadcast %broadcast_in_dim3A_2025 : vector<1x256xf32> to vector<128x256xf32>
    %eq3A_2027 = arith.cmpf oeq, %select_n3A_2022, %eq3A_2026 : vector<128x256xf32>
    %jit3A_2028 = arith.constant 1024 : i32
    %broadcast_in_dim3A_2029 = vector.broadcast %jit3A_2028 : i32 to vector<128x256xi32>
    %select_n3A_2030 = arith.select %eq3A_2027, %reshape3A_1958, %broadcast_in_dim3A_2029 : vector<128x256xi1>, vector<128x256xi32>
    %reduce_min3A_2031 = arith.constant dense<2147483647> : vector<256xi32>
    %reduce_min3A_2032 = vector.multi_reduction <minsi>, %select_n3A_2030, %reduce_min3A_2031 [0] : vector<128x256xi32> to vector<256xi32>
    %broadcast_in_dim3A_2033 = vector.shape_cast %reduce_min3A_2032 : vector<256xi32> to vector<1x256xi32>
    %eq3A_2034 = vector.broadcast %broadcast_in_dim3A_2033 : vector<1x256xi32> to vector<128x256xi32>
    %eq3A_2035 = arith.cmpi eq, %reshape3A_1958, %eq3A_2034 : vector<128x256xi32>
    %jit3A_2036 = arith.constant 3.000000e+38 : f32
    %broadcast_in_dim3A_2037 = vector.broadcast %jit3A_2036 : f32 to vector<128x256xf32>
    %select_n3A_2038 = arith.select %eq3A_2035, %broadcast_in_dim3A_2037, %select_n3A_2022 : vector<128x256xi1>, vector<128x256xf32>
    %reduce_min3A_2039 = arith.constant dense<0x7F800000> : vector<256xf32>
    %reduce_min3A_2040 = vector.multi_reduction <minimumf>, %select_n3A_2038, %reduce_min3A_2039 [0] : vector<128x256xf32> to vector<256xf32>
    %broadcast_in_dim3A_2041 = vector.shape_cast %reduce_min3A_2040 : vector<256xf32> to vector<1x256xf32>
    %eq3A_2042 = vector.broadcast %broadcast_in_dim3A_2041 : vector<1x256xf32> to vector<128x256xf32>
    %eq3A_2043 = arith.cmpf oeq, %select_n3A_2038, %eq3A_2042 : vector<128x256xf32>
    %jit3A_2044 = arith.constant 1024 : i32
    %broadcast_in_dim3A_2045 = vector.broadcast %jit3A_2044 : i32 to vector<128x256xi32>
    %select_n3A_2046 = arith.select %eq3A_2043, %reshape3A_1958, %broadcast_in_dim3A_2045 : vector<128x256xi1>, vector<128x256xi32>
    %reduce_min3A_2047 = arith.constant dense<2147483647> : vector<256xi32>
    %reduce_min3A_2048 = vector.multi_reduction <minsi>, %select_n3A_2046, %reduce_min3A_2047 [0] : vector<128x256xi32> to vector<256xi32>
    %broadcast_in_dim3A_2049 = vector.shape_cast %reduce_min3A_2048 : vector<256xi32> to vector<1x256xi32>
    %eq3A_2050 = vector.broadcast %broadcast_in_dim3A_2049 : vector<1x256xi32> to vector<128x256xi32>
    %eq3A_2051 = arith.cmpi eq, %reshape3A_1958, %eq3A_2050 : vector<128x256xi32>
    %jit3A_2052 = arith.constant 3.000000e+38 : f32
    %broadcast_in_dim3A_2053 = vector.broadcast %jit3A_2052 : f32 to vector<128x256xf32>
    %select_n3A_2054 = arith.select %eq3A_2051, %broadcast_in_dim3A_2053, %select_n3A_2038 : vector<128x256xi1>, vector<128x256xf32>
    %reduce_min3A_2055 = arith.constant dense<0x7F800000> : vector<256xf32>
    %reduce_min3A_2056 = vector.multi_reduction <minimumf>, %select_n3A_2054, %reduce_min3A_2055 [0] : vector<128x256xf32> to vector<256xf32>
    %broadcast_in_dim3A_2057 = vector.shape_cast %reduce_min3A_2056 : vector<256xf32> to vector<1x256xf32>
    %eq3A_2058 = vector.broadcast %broadcast_in_dim3A_2057 : vector<1x256xf32> to vector<128x256xf32>
    %eq3A_2059 = arith.cmpf oeq, %select_n3A_2054, %eq3A_2058 : vector<128x256xf32>
    %jit3A_2060 = arith.constant 1024 : i32
    %broadcast_in_dim3A_2061 = vector.broadcast %jit3A_2060 : i32 to vector<128x256xi32>
    %select_n3A_2062 = arith.select %eq3A_2059, %reshape3A_1958, %broadcast_in_dim3A_2061 : vector<128x256xi1>, vector<128x256xi32>
    %reduce_min3A_2063 = arith.constant dense<2147483647> : vector<256xi32>
    %reduce_min3A_2064 = vector.multi_reduction <minsi>, %select_n3A_2062, %reduce_min3A_2063 [0] : vector<128x256xi32> to vector<256xi32>
    %broadcast_in_dim3A_2065 = vector.shape_cast %reduce_min3A_2064 : vector<256xi32> to vector<1x256xi32>
    %eq3A_2066 = vector.broadcast %broadcast_in_dim3A_2065 : vector<1x256xi32> to vector<128x256xi32>
    %eq3A_2067 = arith.cmpi eq, %reshape3A_1958, %eq3A_2066 : vector<128x256xi32>
    %jit3A_2068 = arith.constant 3.000000e+38 : f32
    %broadcast_in_dim3A_2069 = vector.broadcast %jit3A_2068 : f32 to vector<128x256xf32>
    %select_n3A_2070 = arith.select %eq3A_2067, %broadcast_in_dim3A_2069, %select_n3A_2054 : vector<128x256xi1>, vector<128x256xf32>
    %reduce_min3A_2071 = arith.constant dense<0x7F800000> : vector<256xf32>
    %reduce_min3A_2072 = vector.multi_reduction <minimumf>, %select_n3A_2070, %reduce_min3A_2071 [0] : vector<128x256xf32> to vector<256xf32>
    %broadcast_in_dim3A_2073 = vector.shape_cast %reduce_min3A_2072 : vector<256xf32> to vector<1x256xf32>
    %eq3A_2074 = vector.broadcast %broadcast_in_dim3A_2073 : vector<1x256xf32> to vector<128x256xf32>
    %eq3A_2075 = arith.cmpf oeq, %select_n3A_2070, %eq3A_2074 : vector<128x256xf32>
    %jit3A_2076 = arith.constant 1024 : i32
    %broadcast_in_dim3A_2077 = vector.broadcast %jit3A_2076 : i32 to vector<128x256xi32>
    %select_n3A_2078 = arith.select %eq3A_2075, %reshape3A_1958, %broadcast_in_dim3A_2077 : vector<128x256xi1>, vector<128x256xi32>
    %reduce_min3A_2079 = arith.constant dense<2147483647> : vector<256xi32>
    %reduce_min3A_2080 = vector.multi_reduction <minsi>, %select_n3A_2078, %reduce_min3A_2079 [0] : vector<128x256xi32> to vector<256xi32>
    %broadcast_in_dim3A_2081 = vector.shape_cast %reduce_min3A_2080 : vector<256xi32> to vector<1x256xi32>
    %eq3A_2082 = vector.broadcast %broadcast_in_dim3A_2081 : vector<1x256xi32> to vector<128x256xi32>
    %eq3A_2083 = arith.cmpi eq, %reshape3A_1958, %eq3A_2082 : vector<128x256xi32>
    %jit3A_2084 = arith.constant 3.000000e+38 : f32
    %broadcast_in_dim3A_2085 = vector.broadcast %jit3A_2084 : f32 to vector<128x256xf32>
    %select_n3A_2086 = arith.select %eq3A_2083, %broadcast_in_dim3A_2085, %select_n3A_2070 : vector<128x256xi1>, vector<128x256xf32>
    %reduce_min3A_2087 = arith.constant dense<0x7F800000> : vector<256xf32>
    %reduce_min3A_2088 = vector.multi_reduction <minimumf>, %select_n3A_2086, %reduce_min3A_2087 [0] : vector<128x256xf32> to vector<256xf32>
    %broadcast_in_dim3A_2089 = vector.shape_cast %reduce_min3A_2088 : vector<256xf32> to vector<1x256xf32>
    %eq3A_2090 = vector.broadcast %broadcast_in_dim3A_2089 : vector<1x256xf32> to vector<128x256xf32>
    %eq3A_2091 = arith.cmpf oeq, %select_n3A_2086, %eq3A_2090 : vector<128x256xf32>
    %jit3A_2092 = arith.constant 1024 : i32
    %broadcast_in_dim3A_2093 = vector.broadcast %jit3A_2092 : i32 to vector<128x256xi32>
    %select_n3A_2094 = arith.select %eq3A_2091, %reshape3A_1958, %broadcast_in_dim3A_2093 : vector<128x256xi1>, vector<128x256xi32>
    %reduce_min3A_2095 = arith.constant dense<2147483647> : vector<256xi32>
    %reduce_min3A_2096 = vector.multi_reduction <minsi>, %select_n3A_2094, %reduce_min3A_2095 [0] : vector<128x256xi32> to vector<256xi32>
    %broadcast_in_dim3A_2097 = vector.shape_cast %reduce_min3A_2096 : vector<256xi32> to vector<1x256xi32>
    %eq3A_2098 = vector.broadcast %broadcast_in_dim3A_2097 : vector<1x256xi32> to vector<128x256xi32>
    %eq3A_2099 = arith.cmpi eq, %reshape3A_1958, %eq3A_2098 : vector<128x256xi32>
    %jit3A_2100 = arith.constant 3.000000e+38 : f32
    %broadcast_in_dim3A_2101 = vector.broadcast %jit3A_2100 : f32 to vector<128x256xf32>
    %select_n3A_2102 = arith.select %eq3A_2099, %broadcast_in_dim3A_2101, %select_n3A_2086 : vector<128x256xi1>, vector<128x256xf32>
    %reduce_min3A_2103 = arith.constant dense<0x7F800000> : vector<256xf32>
    %reduce_min3A_2104 = vector.multi_reduction <minimumf>, %select_n3A_2102, %reduce_min3A_2103 [0] : vector<128x256xf32> to vector<256xf32>
    %broadcast_in_dim3A_2105 = vector.shape_cast %reduce_min3A_2104 : vector<256xf32> to vector<1x256xf32>
    %eq3A_2106 = vector.broadcast %broadcast_in_dim3A_2105 : vector<1x256xf32> to vector<128x256xf32>
    %eq3A_2107 = arith.cmpf oeq, %select_n3A_2102, %eq3A_2106 : vector<128x256xf32>
    %jit3A_2108 = arith.constant 1024 : i32
    %broadcast_in_dim3A_2109 = vector.broadcast %jit3A_2108 : i32 to vector<128x256xi32>
    %select_n3A_2110 = arith.select %eq3A_2107, %reshape3A_1958, %broadcast_in_dim3A_2109 : vector<128x256xi1>, vector<128x256xi32>
    %reduce_min3A_2111 = arith.constant dense<2147483647> : vector<256xi32>
    %reduce_min3A_2112 = vector.multi_reduction <minsi>, %select_n3A_2110, %reduce_min3A_2111 [0] : vector<128x256xi32> to vector<256xi32>
    %broadcast_in_dim3A_2113 = vector.shape_cast %reduce_min3A_2112 : vector<256xi32> to vector<1x256xi32>
    %eq3A_2114 = vector.broadcast %broadcast_in_dim3A_2113 : vector<1x256xi32> to vector<128x256xi32>
    %eq3A_2115 = arith.cmpi eq, %reshape3A_1958, %eq3A_2114 : vector<128x256xi32>
    %jit3A_2116 = arith.constant 3.000000e+38 : f32
    %broadcast_in_dim3A_2117 = vector.broadcast %jit3A_2116 : f32 to vector<128x256xf32>
    %select_n3A_2118 = arith.select %eq3A_2115, %broadcast_in_dim3A_2117, %select_n3A_2102 : vector<128x256xi1>, vector<128x256xf32>
    %reduce_min3A_2119 = arith.constant dense<0x7F800000> : vector<256xf32>
    %reduce_min3A_2120 = vector.multi_reduction <minimumf>, %select_n3A_2118, %reduce_min3A_2119 [0] : vector<128x256xf32> to vector<256xf32>
    %broadcast_in_dim3A_2121 = vector.shape_cast %reduce_min3A_2120 : vector<256xf32> to vector<1x256xf32>
    %eq3A_2122 = vector.broadcast %broadcast_in_dim3A_2121 : vector<1x256xf32> to vector<128x256xf32>
    %eq3A_2123 = arith.cmpf oeq, %select_n3A_2118, %eq3A_2122 : vector<128x256xf32>
    %jit3A_2124 = arith.constant 1024 : i32
    %broadcast_in_dim3A_2125 = vector.broadcast %jit3A_2124 : i32 to vector<128x256xi32>
    %select_n3A_2126 = arith.select %eq3A_2123, %reshape3A_1958, %broadcast_in_dim3A_2125 : vector<128x256xi1>, vector<128x256xi32>
    %reduce_min3A_2127 = arith.constant dense<2147483647> : vector<256xi32>
    %reduce_min3A_2128 = vector.multi_reduction <minsi>, %select_n3A_2126, %reduce_min3A_2127 [0] : vector<128x256xi32> to vector<256xi32>
    %broadcast_in_dim3A_2129 = vector.shape_cast %reduce_min3A_2128 : vector<256xi32> to vector<1x256xi32>
    %eq3A_2130 = vector.broadcast %broadcast_in_dim3A_2129 : vector<1x256xi32> to vector<128x256xi32>
    %eq3A_2131 = arith.cmpi eq, %reshape3A_1958, %eq3A_2130 : vector<128x256xi32>
    %jit3A_2132 = arith.constant 3.000000e+38 : f32
    %broadcast_in_dim3A_2133 = vector.broadcast %jit3A_2132 : f32 to vector<128x256xf32>
    %select_n3A_2134 = arith.select %eq3A_2131, %broadcast_in_dim3A_2133, %select_n3A_2118 : vector<128x256xi1>, vector<128x256xf32>
    %reduce_min3A_2135 = arith.constant dense<0x7F800000> : vector<256xf32>
    %reduce_min3A_2136 = vector.multi_reduction <minimumf>, %select_n3A_2134, %reduce_min3A_2135 [0] : vector<128x256xf32> to vector<256xf32>
    %broadcast_in_dim3A_2137 = vector.shape_cast %reduce_min3A_2136 : vector<256xf32> to vector<1x256xf32>
    %eq3A_2138 = vector.broadcast %broadcast_in_dim3A_2137 : vector<1x256xf32> to vector<128x256xf32>
    %eq3A_2139 = arith.cmpf oeq, %select_n3A_2134, %eq3A_2138 : vector<128x256xf32>
    %jit3A_2140 = arith.constant 1024 : i32
    %broadcast_in_dim3A_2141 = vector.broadcast %jit3A_2140 : i32 to vector<128x256xi32>
    %select_n3A_2142 = arith.select %eq3A_2139, %reshape3A_1958, %broadcast_in_dim3A_2141 : vector<128x256xi1>, vector<128x256xi32>
    %reduce_min3A_2143 = arith.constant dense<2147483647> : vector<256xi32>
    %reduce_min3A_2144 = vector.multi_reduction <minsi>, %select_n3A_2142, %reduce_min3A_2143 [0] : vector<128x256xi32> to vector<256xi32>
    %broadcast_in_dim3A_2145 = vector.shape_cast %reduce_min3A_2144 : vector<256xi32> to vector<1x256xi32>
    %eq3A_2146 = vector.broadcast %broadcast_in_dim3A_2145 : vector<1x256xi32> to vector<128x256xi32>
    %eq3A_2147 = arith.cmpi eq, %reshape3A_1958, %eq3A_2146 : vector<128x256xi32>
    %jit3A_2148 = arith.constant 3.000000e+38 : f32
    %broadcast_in_dim3A_2149 = vector.broadcast %jit3A_2148 : f32 to vector<128x256xf32>
    %select_n3A_2150 = arith.select %eq3A_2147, %broadcast_in_dim3A_2149, %select_n3A_2134 : vector<128x256xi1>, vector<128x256xf32>
    %reduce_min3A_2151 = arith.constant dense<0x7F800000> : vector<256xf32>
    %reduce_min3A_2152 = vector.multi_reduction <minimumf>, %select_n3A_2150, %reduce_min3A_2151 [0] : vector<128x256xf32> to vector<256xf32>
    %broadcast_in_dim3A_2153 = vector.shape_cast %reduce_min3A_2152 : vector<256xf32> to vector<1x256xf32>
    %eq3A_2154 = vector.broadcast %broadcast_in_dim3A_2153 : vector<1x256xf32> to vector<128x256xf32>
    %eq3A_2155 = arith.cmpf oeq, %select_n3A_2150, %eq3A_2154 : vector<128x256xf32>
    %jit3A_2156 = arith.constant 1024 : i32
    %broadcast_in_dim3A_2157 = vector.broadcast %jit3A_2156 : i32 to vector<128x256xi32>
    %select_n3A_2158 = arith.select %eq3A_2155, %reshape3A_1958, %broadcast_in_dim3A_2157 : vector<128x256xi1>, vector<128x256xi32>
    %reduce_min3A_2159 = arith.constant dense<2147483647> : vector<256xi32>
    %reduce_min3A_2160 = vector.multi_reduction <minsi>, %select_n3A_2158, %reduce_min3A_2159 [0] : vector<128x256xi32> to vector<256xi32>
    %broadcast_in_dim3A_2161 = vector.shape_cast %reduce_min3A_2160 : vector<256xi32> to vector<1x256xi32>
    %eq3A_2162 = vector.broadcast %broadcast_in_dim3A_2161 : vector<1x256xi32> to vector<128x256xi32>
    %eq3A_2163 = arith.cmpi eq, %reshape3A_1958, %eq3A_2162 : vector<128x256xi32>
    %jit3A_2164 = arith.constant 3.000000e+38 : f32
    %broadcast_in_dim3A_2165 = vector.broadcast %jit3A_2164 : f32 to vector<128x256xf32>
    %select_n3A_2166 = arith.select %eq3A_2163, %broadcast_in_dim3A_2165, %select_n3A_2150 : vector<128x256xi1>, vector<128x256xf32>
    %reduce_min3A_2167 = arith.constant dense<0x7F800000> : vector<256xf32>
    %reduce_min3A_2168 = vector.multi_reduction <minimumf>, %select_n3A_2166, %reduce_min3A_2167 [0] : vector<128x256xf32> to vector<256xf32>
    %broadcast_in_dim3A_2169 = vector.shape_cast %reduce_min3A_2168 : vector<256xf32> to vector<1x256xf32>
    %eq3A_2170 = vector.broadcast %broadcast_in_dim3A_2169 : vector<1x256xf32> to vector<128x256xf32>
    %eq3A_2171 = arith.cmpf oeq, %select_n3A_2166, %eq3A_2170 : vector<128x256xf32>
    %jit3A_2172 = arith.constant 1024 : i32
    %broadcast_in_dim3A_2173 = vector.broadcast %jit3A_2172 : i32 to vector<128x256xi32>
    %select_n3A_2174 = arith.select %eq3A_2171, %reshape3A_1958, %broadcast_in_dim3A_2173 : vector<128x256xi1>, vector<128x256xi32>
    %reduce_min3A_2175 = arith.constant dense<2147483647> : vector<256xi32>
    %reduce_min3A_2176 = vector.multi_reduction <minsi>, %select_n3A_2174, %reduce_min3A_2175 [0] : vector<128x256xi32> to vector<256xi32>
    %broadcast_in_dim3A_2177 = vector.shape_cast %reduce_min3A_2176 : vector<256xi32> to vector<1x256xi32>
    %eq3A_2178 = vector.broadcast %broadcast_in_dim3A_2177 : vector<1x256xi32> to vector<128x256xi32>
    %eq3A_2179 = arith.cmpi eq, %reshape3A_1958, %eq3A_2178 : vector<128x256xi32>
    %jit3A_2180 = arith.constant 3.000000e+38 : f32
    %broadcast_in_dim3A_2181 = vector.broadcast %jit3A_2180 : f32 to vector<128x256xf32>
    %select_n3A_2182 = arith.select %eq3A_2179, %broadcast_in_dim3A_2181, %select_n3A_2166 : vector<128x256xi1>, vector<128x256xf32>
    %reduce_min3A_2183 = arith.constant dense<0x7F800000> : vector<256xf32>
    %reduce_min3A_2184 = vector.multi_reduction <minimumf>, %select_n3A_2182, %reduce_min3A_2183 [0] : vector<128x256xf32> to vector<256xf32>
    %broadcast_in_dim3A_2185 = vector.shape_cast %reduce_min3A_2184 : vector<256xf32> to vector<1x256xf32>
    %eq3A_2186 = vector.broadcast %broadcast_in_dim3A_2185 : vector<1x256xf32> to vector<128x256xf32>
    %eq3A_2187 = arith.cmpf oeq, %select_n3A_2182, %eq3A_2186 : vector<128x256xf32>
    %jit3A_2188 = arith.constant 1024 : i32
    %broadcast_in_dim3A_2189 = vector.broadcast %jit3A_2188 : i32 to vector<128x256xi32>
    %select_n3A_2190 = arith.select %eq3A_2187, %reshape3A_1958, %broadcast_in_dim3A_2189 : vector<128x256xi1>, vector<128x256xi32>
    %reduce_min3A_2191 = arith.constant dense<2147483647> : vector<256xi32>
    %reduce_min3A_2192 = vector.multi_reduction <minsi>, %select_n3A_2190, %reduce_min3A_2191 [0] : vector<128x256xi32> to vector<256xi32>
    %broadcast_in_dim3A_2193 = vector.shape_cast %reduce_min3A_2192 : vector<256xi32> to vector<1x256xi32>
    %eq3A_2194 = vector.broadcast %broadcast_in_dim3A_2193 : vector<1x256xi32> to vector<128x256xi32>
    %eq3A_2195 = arith.cmpi eq, %reshape3A_1958, %eq3A_2194 : vector<128x256xi32>
    %jit3A_2196 = arith.constant 3.000000e+38 : f32
    %broadcast_in_dim3A_2197 = vector.broadcast %jit3A_2196 : f32 to vector<128x256xf32>
    %select_n3A_2198 = arith.select %eq3A_2195, %broadcast_in_dim3A_2197, %select_n3A_2182 : vector<128x256xi1>, vector<128x256xf32>
    %reduce_min3A_2199 = arith.constant dense<0x7F800000> : vector<256xf32>
    %reduce_min3A_2200 = vector.multi_reduction <minimumf>, %select_n3A_2198, %reduce_min3A_2199 [0] : vector<128x256xf32> to vector<256xf32>
    %broadcast_in_dim3A_2201 = vector.shape_cast %reduce_min3A_2200 : vector<256xf32> to vector<1x256xf32>
    %eq3A_2202 = vector.broadcast %broadcast_in_dim3A_2201 : vector<1x256xf32> to vector<128x256xf32>
    %eq3A_2203 = arith.cmpf oeq, %select_n3A_2198, %eq3A_2202 : vector<128x256xf32>
    %jit3A_2204 = arith.constant 1024 : i32
    %broadcast_in_dim3A_2205 = vector.broadcast %jit3A_2204 : i32 to vector<128x256xi32>
    %select_n3A_2206 = arith.select %eq3A_2203, %reshape3A_1958, %broadcast_in_dim3A_2205 : vector<128x256xi1>, vector<128x256xi32>
    %reduce_min3A_2207 = arith.constant dense<2147483647> : vector<256xi32>
    %reduce_min3A_2208 = vector.multi_reduction <minsi>, %select_n3A_2206, %reduce_min3A_2207 [0] : vector<128x256xi32> to vector<256xi32>
    %broadcast_in_dim3A_2209 = vector.shape_cast %reduce_min3A_2208 : vector<256xi32> to vector<1x256xi32>
    %shift_right_arithmetic3A_2210 = arith.constant 9 : i32
    %shift_right_arithmetic3A_2211 = vector.broadcast %shift_right_arithmetic3A_2210 : i32 to vector<1x256xi32>
    %shift_right_arithmetic3A_2212 = arith.shrsi %broadcast_in_dim3A_1969, %shift_right_arithmetic3A_2211 : vector<1x256xi32>
    %and3A_2213 = arith.constant 1 : i32
    %and3A_2214 = vector.broadcast %and3A_2213 : i32 to vector<1x256xi32>
    %and3A_2215 = arith.andi %shift_right_arithmetic3A_2212, %and3A_2214 : vector<1x256xi32>
    %eq3A_2216 = arith.constant 1 : i32
    %eq3A_2217 = vector.broadcast %eq3A_2216 : i32 to vector<1x256xi32>
    %eq3A_2218 = arith.cmpi eq, %and3A_2215, %eq3A_2217 : vector<1x256xi32>
    %broadcast_in_dim3A_2219 = vector.shape_cast %eq3A_2218 : vector<1x256xi1> to vector<1x1x256xi1>
    %slice3A_2220 = vector.extract_strided_slice %reshape3A {offsets = [512, 0, 0], sizes = [512, 8, 256], strides = [1, 1, 1]} : vector<1024x8x256xf32> to vector<512x8x256xf32>
    %slice3A_2221 = vector.extract_strided_slice %reshape3A {offsets = [0, 0, 0], sizes = [512, 8, 256], strides = [1, 1, 1]} : vector<1024x8x256xf32> to vector<512x8x256xf32>
    %broadcast_in_dim3A_2222 = vector.shape_cast %broadcast_in_dim3A_2219 : vector<1x1x256xi1> to vector<1x1x256xi1>
    %broadcast_in_dim3A_2223 = vector.broadcast %broadcast_in_dim3A_2222 : vector<1x1x256xi1> to vector<512x8x256xi1>
    %select_n3A_2224 = arith.select %broadcast_in_dim3A_2223, %slice3A_2220, %slice3A_2221 : vector<512x8x256xi1>, vector<512x8x256xf32>
    %shift_right_arithmetic3A_2225 = arith.constant 8 : i32
    %shift_right_arithmetic3A_2226 = vector.broadcast %shift_right_arithmetic3A_2225 : i32 to vector<1x256xi32>
    %shift_right_arithmetic3A_2227 = arith.shrsi %broadcast_in_dim3A_1969, %shift_right_arithmetic3A_2226 : vector<1x256xi32>
    %and3A_2228 = arith.constant 1 : i32
    %and3A_2229 = vector.broadcast %and3A_2228 : i32 to vector<1x256xi32>
    %and3A_2230 = arith.andi %shift_right_arithmetic3A_2227, %and3A_2229 : vector<1x256xi32>
    %eq3A_2231 = arith.constant 1 : i32
    %eq3A_2232 = vector.broadcast %eq3A_2231 : i32 to vector<1x256xi32>
    %eq3A_2233 = arith.cmpi eq, %and3A_2230, %eq3A_2232 : vector<1x256xi32>
    %broadcast_in_dim3A_2234 = vector.shape_cast %eq3A_2233 : vector<1x256xi1> to vector<1x1x256xi1>
    %slice3A_2235 = vector.extract_strided_slice %select_n3A_2224 {offsets = [256, 0, 0], sizes = [256, 8, 256], strides = [1, 1, 1]} : vector<512x8x256xf32> to vector<256x8x256xf32>
    %slice3A_2236 = vector.extract_strided_slice %select_n3A_2224 {offsets = [0, 0, 0], sizes = [256, 8, 256], strides = [1, 1, 1]} : vector<512x8x256xf32> to vector<256x8x256xf32>
    %broadcast_in_dim3A_2237 = vector.shape_cast %broadcast_in_dim3A_2234 : vector<1x1x256xi1> to vector<1x1x256xi1>
    %broadcast_in_dim3A_2238 = vector.broadcast %broadcast_in_dim3A_2237 : vector<1x1x256xi1> to vector<256x8x256xi1>
    %select_n3A_2239 = arith.select %broadcast_in_dim3A_2238, %slice3A_2235, %slice3A_2236 : vector<256x8x256xi1>, vector<256x8x256xf32>
    %shift_right_arithmetic3A_2240 = arith.constant 7 : i32
    %shift_right_arithmetic3A_2241 = vector.broadcast %shift_right_arithmetic3A_2240 : i32 to vector<1x256xi32>
    %shift_right_arithmetic3A_2242 = arith.shrsi %broadcast_in_dim3A_1969, %shift_right_arithmetic3A_2241 : vector<1x256xi32>
    %and3A_2243 = arith.constant 1 : i32
    %and3A_2244 = vector.broadcast %and3A_2243 : i32 to vector<1x256xi32>
    %and3A_2245 = arith.andi %shift_right_arithmetic3A_2242, %and3A_2244 : vector<1x256xi32>
    %eq3A_2246 = arith.constant 1 : i32
    %eq3A_2247 = vector.broadcast %eq3A_2246 : i32 to vector<1x256xi32>
    %eq3A_2248 = arith.cmpi eq, %and3A_2245, %eq3A_2247 : vector<1x256xi32>
    %broadcast_in_dim3A_2249 = vector.shape_cast %eq3A_2248 : vector<1x256xi1> to vector<1x1x256xi1>
    %slice3A_2250 = vector.extract_strided_slice %select_n3A_2239 {offsets = [128, 0, 0], sizes = [128, 8, 256], strides = [1, 1, 1]} : vector<256x8x256xf32> to vector<128x8x256xf32>
    %slice3A_2251 = vector.extract_strided_slice %select_n3A_2239 {offsets = [0, 0, 0], sizes = [128, 8, 256], strides = [1, 1, 1]} : vector<256x8x256xf32> to vector<128x8x256xf32>
    %broadcast_in_dim3A_2252 = vector.shape_cast %broadcast_in_dim3A_2249 : vector<1x1x256xi1> to vector<1x1x256xi1>
    %broadcast_in_dim3A_2253 = vector.broadcast %broadcast_in_dim3A_2252 : vector<1x1x256xi1> to vector<128x8x256xi1>
    %select_n3A_2254 = arith.select %broadcast_in_dim3A_2253, %slice3A_2250, %slice3A_2251 : vector<128x8x256xi1>, vector<128x8x256xf32>
    %shift_right_arithmetic3A_2255 = arith.constant 6 : i32
    %shift_right_arithmetic3A_2256 = vector.broadcast %shift_right_arithmetic3A_2255 : i32 to vector<1x256xi32>
    %shift_right_arithmetic3A_2257 = arith.shrsi %broadcast_in_dim3A_1969, %shift_right_arithmetic3A_2256 : vector<1x256xi32>
    %and3A_2258 = arith.constant 1 : i32
    %and3A_2259 = vector.broadcast %and3A_2258 : i32 to vector<1x256xi32>
    %and3A_2260 = arith.andi %shift_right_arithmetic3A_2257, %and3A_2259 : vector<1x256xi32>
    %eq3A_2261 = arith.constant 1 : i32
    %eq3A_2262 = vector.broadcast %eq3A_2261 : i32 to vector<1x256xi32>
    %eq3A_2263 = arith.cmpi eq, %and3A_2260, %eq3A_2262 : vector<1x256xi32>
    %broadcast_in_dim3A_2264 = vector.shape_cast %eq3A_2263 : vector<1x256xi1> to vector<1x1x256xi1>
    %slice3A_2265 = vector.extract_strided_slice %select_n3A_2254 {offsets = [64, 0, 0], sizes = [64, 8, 256], strides = [1, 1, 1]} : vector<128x8x256xf32> to vector<64x8x256xf32>
    %slice3A_2266 = vector.extract_strided_slice %select_n3A_2254 {offsets = [0, 0, 0], sizes = [64, 8, 256], strides = [1, 1, 1]} : vector<128x8x256xf32> to vector<64x8x256xf32>
    %broadcast_in_dim3A_2267 = vector.shape_cast %broadcast_in_dim3A_2264 : vector<1x1x256xi1> to vector<1x1x256xi1>
    %broadcast_in_dim3A_2268 = vector.broadcast %broadcast_in_dim3A_2267 : vector<1x1x256xi1> to vector<64x8x256xi1>
    %select_n3A_2269 = arith.select %broadcast_in_dim3A_2268, %slice3A_2265, %slice3A_2266 : vector<64x8x256xi1>, vector<64x8x256xf32>
    %shift_right_arithmetic3A_2270 = arith.constant 5 : i32
    %shift_right_arithmetic3A_2271 = vector.broadcast %shift_right_arithmetic3A_2270 : i32 to vector<1x256xi32>
    %shift_right_arithmetic3A_2272 = arith.shrsi %broadcast_in_dim3A_1969, %shift_right_arithmetic3A_2271 : vector<1x256xi32>
    %and3A_2273 = arith.constant 1 : i32
    %and3A_2274 = vector.broadcast %and3A_2273 : i32 to vector<1x256xi32>
    %and3A_2275 = arith.andi %shift_right_arithmetic3A_2272, %and3A_2274 : vector<1x256xi32>
    %eq3A_2276 = arith.constant 1 : i32
    %eq3A_2277 = vector.broadcast %eq3A_2276 : i32 to vector<1x256xi32>
    %eq3A_2278 = arith.cmpi eq, %and3A_2275, %eq3A_2277 : vector<1x256xi32>
    %broadcast_in_dim3A_2279 = vector.shape_cast %eq3A_2278 : vector<1x256xi1> to vector<1x1x256xi1>
    %slice3A_2280 = vector.extract_strided_slice %select_n3A_2269 {offsets = [32, 0, 0], sizes = [32, 8, 256], strides = [1, 1, 1]} : vector<64x8x256xf32> to vector<32x8x256xf32>
    %slice3A_2281 = vector.extract_strided_slice %select_n3A_2269 {offsets = [0, 0, 0], sizes = [32, 8, 256], strides = [1, 1, 1]} : vector<64x8x256xf32> to vector<32x8x256xf32>
    %broadcast_in_dim3A_2282 = vector.shape_cast %broadcast_in_dim3A_2279 : vector<1x1x256xi1> to vector<1x1x256xi1>
    %broadcast_in_dim3A_2283 = vector.broadcast %broadcast_in_dim3A_2282 : vector<1x1x256xi1> to vector<32x8x256xi1>
    %select_n3A_2284 = arith.select %broadcast_in_dim3A_2283, %slice3A_2280, %slice3A_2281 : vector<32x8x256xi1>, vector<32x8x256xf32>
    %shift_right_arithmetic3A_2285 = arith.constant 4 : i32
    %shift_right_arithmetic3A_2286 = vector.broadcast %shift_right_arithmetic3A_2285 : i32 to vector<1x256xi32>
    %shift_right_arithmetic3A_2287 = arith.shrsi %broadcast_in_dim3A_1969, %shift_right_arithmetic3A_2286 : vector<1x256xi32>
    %and3A_2288 = arith.constant 1 : i32
    %and3A_2289 = vector.broadcast %and3A_2288 : i32 to vector<1x256xi32>
    %and3A_2290 = arith.andi %shift_right_arithmetic3A_2287, %and3A_2289 : vector<1x256xi32>
    %eq3A_2291 = arith.constant 1 : i32
    %eq3A_2292 = vector.broadcast %eq3A_2291 : i32 to vector<1x256xi32>
    %eq3A_2293 = arith.cmpi eq, %and3A_2290, %eq3A_2292 : vector<1x256xi32>
    %broadcast_in_dim3A_2294 = vector.shape_cast %eq3A_2293 : vector<1x256xi1> to vector<1x1x256xi1>
    %slice3A_2295 = vector.extract_strided_slice %select_n3A_2284 {offsets = [16, 0, 0], sizes = [16, 8, 256], strides = [1, 1, 1]} : vector<32x8x256xf32> to vector<16x8x256xf32>
    %slice3A_2296 = vector.extract_strided_slice %select_n3A_2284 {offsets = [0, 0, 0], sizes = [16, 8, 256], strides = [1, 1, 1]} : vector<32x8x256xf32> to vector<16x8x256xf32>
    %broadcast_in_dim3A_2297 = vector.shape_cast %broadcast_in_dim3A_2294 : vector<1x1x256xi1> to vector<1x1x256xi1>
    %broadcast_in_dim3A_2298 = vector.broadcast %broadcast_in_dim3A_2297 : vector<1x1x256xi1> to vector<16x8x256xi1>
    %select_n3A_2299 = arith.select %broadcast_in_dim3A_2298, %slice3A_2295, %slice3A_2296 : vector<16x8x256xi1>, vector<16x8x256xf32>
    %shift_right_arithmetic3A_2300 = arith.constant 3 : i32
    %shift_right_arithmetic3A_2301 = vector.broadcast %shift_right_arithmetic3A_2300 : i32 to vector<1x256xi32>
    %shift_right_arithmetic3A_2302 = arith.shrsi %broadcast_in_dim3A_1969, %shift_right_arithmetic3A_2301 : vector<1x256xi32>
    %and3A_2303 = arith.constant 1 : i32
    %and3A_2304 = vector.broadcast %and3A_2303 : i32 to vector<1x256xi32>
    %and3A_2305 = arith.andi %shift_right_arithmetic3A_2302, %and3A_2304 : vector<1x256xi32>
    %eq3A_2306 = arith.constant 1 : i32
    %eq3A_2307 = vector.broadcast %eq3A_2306 : i32 to vector<1x256xi32>
    %eq3A_2308 = arith.cmpi eq, %and3A_2305, %eq3A_2307 : vector<1x256xi32>
    %broadcast_in_dim3A_2309 = vector.shape_cast %eq3A_2308 : vector<1x256xi1> to vector<1x1x256xi1>
    %slice3A_2310 = vector.extract_strided_slice %select_n3A_2299 {offsets = [8, 0, 0], sizes = [8, 8, 256], strides = [1, 1, 1]} : vector<16x8x256xf32> to vector<8x8x256xf32>
    %slice3A_2311 = vector.extract_strided_slice %select_n3A_2299 {offsets = [0, 0, 0], sizes = [8, 8, 256], strides = [1, 1, 1]} : vector<16x8x256xf32> to vector<8x8x256xf32>
    %broadcast_in_dim3A_2312 = vector.shape_cast %broadcast_in_dim3A_2309 : vector<1x1x256xi1> to vector<1x1x256xi1>
    %broadcast_in_dim3A_2313 = vector.broadcast %broadcast_in_dim3A_2312 : vector<1x1x256xi1> to vector<8x8x256xi1>
    %select_n3A_2314 = arith.select %broadcast_in_dim3A_2313, %slice3A_2310, %slice3A_2311 : vector<8x8x256xi1>, vector<8x8x256xf32>
    %shift_right_arithmetic3A_2315 = arith.constant 2 : i32
    %shift_right_arithmetic3A_2316 = vector.broadcast %shift_right_arithmetic3A_2315 : i32 to vector<1x256xi32>
    %shift_right_arithmetic3A_2317 = arith.shrsi %broadcast_in_dim3A_1969, %shift_right_arithmetic3A_2316 : vector<1x256xi32>
    %and3A_2318 = arith.constant 1 : i32
    %and3A_2319 = vector.broadcast %and3A_2318 : i32 to vector<1x256xi32>
    %and3A_2320 = arith.andi %shift_right_arithmetic3A_2317, %and3A_2319 : vector<1x256xi32>
    %eq3A_2321 = arith.constant 1 : i32
    %eq3A_2322 = vector.broadcast %eq3A_2321 : i32 to vector<1x256xi32>
    %eq3A_2323 = arith.cmpi eq, %and3A_2320, %eq3A_2322 : vector<1x256xi32>
    %broadcast_in_dim3A_2324 = vector.shape_cast %eq3A_2323 : vector<1x256xi1> to vector<1x1x256xi1>
    %slice3A_2325 = vector.extract_strided_slice %select_n3A_2314 {offsets = [4, 0, 0], sizes = [4, 8, 256], strides = [1, 1, 1]} : vector<8x8x256xf32> to vector<4x8x256xf32>
    %slice3A_2326 = vector.extract_strided_slice %select_n3A_2314 {offsets = [0, 0, 0], sizes = [4, 8, 256], strides = [1, 1, 1]} : vector<8x8x256xf32> to vector<4x8x256xf32>
    %broadcast_in_dim3A_2327 = vector.shape_cast %broadcast_in_dim3A_2324 : vector<1x1x256xi1> to vector<1x1x256xi1>
    %broadcast_in_dim3A_2328 = vector.broadcast %broadcast_in_dim3A_2327 : vector<1x1x256xi1> to vector<4x8x256xi1>
    %select_n3A_2329 = arith.select %broadcast_in_dim3A_2328, %slice3A_2325, %slice3A_2326 : vector<4x8x256xi1>, vector<4x8x256xf32>
    %shift_right_arithmetic3A_2330 = arith.constant 1 : i32
    %shift_right_arithmetic3A_2331 = vector.broadcast %shift_right_arithmetic3A_2330 : i32 to vector<1x256xi32>
    %shift_right_arithmetic3A_2332 = arith.shrsi %broadcast_in_dim3A_1969, %shift_right_arithmetic3A_2331 : vector<1x256xi32>
    %and3A_2333 = arith.constant 1 : i32
    %and3A_2334 = vector.broadcast %and3A_2333 : i32 to vector<1x256xi32>
    %and3A_2335 = arith.andi %shift_right_arithmetic3A_2332, %and3A_2334 : vector<1x256xi32>
    %eq3A_2336 = arith.constant 1 : i32
    %eq3A_2337 = vector.broadcast %eq3A_2336 : i32 to vector<1x256xi32>
    %eq3A_2338 = arith.cmpi eq, %and3A_2335, %eq3A_2337 : vector<1x256xi32>
    %broadcast_in_dim3A_2339 = vector.shape_cast %eq3A_2338 : vector<1x256xi1> to vector<1x1x256xi1>
    %slice3A_2340 = vector.extract_strided_slice %select_n3A_2329 {offsets = [2, 0, 0], sizes = [2, 8, 256], strides = [1, 1, 1]} : vector<4x8x256xf32> to vector<2x8x256xf32>
    %slice3A_2341 = vector.extract_strided_slice %select_n3A_2329 {offsets = [0, 0, 0], sizes = [2, 8, 256], strides = [1, 1, 1]} : vector<4x8x256xf32> to vector<2x8x256xf32>
    %broadcast_in_dim3A_2342 = vector.shape_cast %broadcast_in_dim3A_2339 : vector<1x1x256xi1> to vector<1x1x256xi1>
    %broadcast_in_dim3A_2343 = vector.broadcast %broadcast_in_dim3A_2342 : vector<1x1x256xi1> to vector<2x8x256xi1>
    %select_n3A_2344 = arith.select %broadcast_in_dim3A_2343, %slice3A_2340, %slice3A_2341 : vector<2x8x256xi1>, vector<2x8x256xf32>
    %shift_right_arithmetic3A_2345 = arith.constant 0 : i32
    %shift_right_arithmetic3A_2346 = vector.broadcast %shift_right_arithmetic3A_2345 : i32 to vector<1x256xi32>
    %shift_right_arithmetic3A_2347 = arith.shrsi %broadcast_in_dim3A_1969, %shift_right_arithmetic3A_2346 : vector<1x256xi32>
    %and3A_2348 = arith.constant 1 : i32
    %and3A_2349 = vector.broadcast %and3A_2348 : i32 to vector<1x256xi32>
    %and3A_2350 = arith.andi %shift_right_arithmetic3A_2347, %and3A_2349 : vector<1x256xi32>
    %eq3A_2351 = arith.constant 1 : i32
    %eq3A_2352 = vector.broadcast %eq3A_2351 : i32 to vector<1x256xi32>
    %eq3A_2353 = arith.cmpi eq, %and3A_2350, %eq3A_2352 : vector<1x256xi32>
    %broadcast_in_dim3A_2354 = vector.shape_cast %eq3A_2353 : vector<1x256xi1> to vector<1x1x256xi1>
    %slice3A_2355 = vector.extract_strided_slice %select_n3A_2344 {offsets = [1, 0, 0], sizes = [1, 8, 256], strides = [1, 1, 1]} : vector<2x8x256xf32> to vector<1x8x256xf32>
    %slice3A_2356 = vector.extract_strided_slice %select_n3A_2344 {offsets = [0, 0, 0], sizes = [1, 8, 256], strides = [1, 1, 1]} : vector<2x8x256xf32> to vector<1x8x256xf32>
    %broadcast_in_dim3A_2357 = vector.shape_cast %broadcast_in_dim3A_2354 : vector<1x1x256xi1> to vector<1x1x256xi1>
    %broadcast_in_dim3A_2358 = vector.broadcast %broadcast_in_dim3A_2357 : vector<1x1x256xi1> to vector<1x8x256xi1>
    %select_n3A_2359 = arith.select %broadcast_in_dim3A_2358, %slice3A_2355, %slice3A_2356 : vector<1x8x256xi1>, vector<1x8x256xf32>
    %shift_right_arithmetic3A_2360 = arith.constant 9 : i32
    %shift_right_arithmetic3A_2361 = vector.broadcast %shift_right_arithmetic3A_2360 : i32 to vector<1x256xi32>
    %shift_right_arithmetic3A_2362 = arith.shrsi %broadcast_in_dim3A_1985, %shift_right_arithmetic3A_2361 : vector<1x256xi32>
    %and3A_2363 = arith.constant 1 : i32
    %and3A_2364 = vector.broadcast %and3A_2363 : i32 to vector<1x256xi32>
    %and3A_2365 = arith.andi %shift_right_arithmetic3A_2362, %and3A_2364 : vector<1x256xi32>
    %eq3A_2366 = arith.constant 1 : i32
    %eq3A_2367 = vector.broadcast %eq3A_2366 : i32 to vector<1x256xi32>
    %eq3A_2368 = arith.cmpi eq, %and3A_2365, %eq3A_2367 : vector<1x256xi32>
    %broadcast_in_dim3A_2369 = vector.shape_cast %eq3A_2368 : vector<1x256xi1> to vector<1x1x256xi1>
    %slice3A_2370 = vector.extract_strided_slice %reshape3A {offsets = [512, 0, 0], sizes = [512, 8, 256], strides = [1, 1, 1]} : vector<1024x8x256xf32> to vector<512x8x256xf32>
    %slice3A_2371 = vector.extract_strided_slice %reshape3A {offsets = [0, 0, 0], sizes = [512, 8, 256], strides = [1, 1, 1]} : vector<1024x8x256xf32> to vector<512x8x256xf32>
    %broadcast_in_dim3A_2372 = vector.shape_cast %broadcast_in_dim3A_2369 : vector<1x1x256xi1> to vector<1x1x256xi1>
    %broadcast_in_dim3A_2373 = vector.broadcast %broadcast_in_dim3A_2372 : vector<1x1x256xi1> to vector<512x8x256xi1>
    %select_n3A_2374 = arith.select %broadcast_in_dim3A_2373, %slice3A_2370, %slice3A_2371 : vector<512x8x256xi1>, vector<512x8x256xf32>
    %shift_right_arithmetic3A_2375 = arith.constant 8 : i32
    %shift_right_arithmetic3A_2376 = vector.broadcast %shift_right_arithmetic3A_2375 : i32 to vector<1x256xi32>
    %shift_right_arithmetic3A_2377 = arith.shrsi %broadcast_in_dim3A_1985, %shift_right_arithmetic3A_2376 : vector<1x256xi32>
    %and3A_2378 = arith.constant 1 : i32
    %and3A_2379 = vector.broadcast %and3A_2378 : i32 to vector<1x256xi32>
    %and3A_2380 = arith.andi %shift_right_arithmetic3A_2377, %and3A_2379 : vector<1x256xi32>
    %eq3A_2381 = arith.constant 1 : i32
    %eq3A_2382 = vector.broadcast %eq3A_2381 : i32 to vector<1x256xi32>
    %eq3A_2383 = arith.cmpi eq, %and3A_2380, %eq3A_2382 : vector<1x256xi32>
    %broadcast_in_dim3A_2384 = vector.shape_cast %eq3A_2383 : vector<1x256xi1> to vector<1x1x256xi1>
    %slice3A_2385 = vector.extract_strided_slice %select_n3A_2374 {offsets = [256, 0, 0], sizes = [256, 8, 256], strides = [1, 1, 1]} : vector<512x8x256xf32> to vector<256x8x256xf32>
    %slice3A_2386 = vector.extract_strided_slice %select_n3A_2374 {offsets = [0, 0, 0], sizes = [256, 8, 256], strides = [1, 1, 1]} : vector<512x8x256xf32> to vector<256x8x256xf32>
    %broadcast_in_dim3A_2387 = vector.shape_cast %broadcast_in_dim3A_2384 : vector<1x1x256xi1> to vector<1x1x256xi1>
    %broadcast_in_dim3A_2388 = vector.broadcast %broadcast_in_dim3A_2387 : vector<1x1x256xi1> to vector<256x8x256xi1>
    %select_n3A_2389 = arith.select %broadcast_in_dim3A_2388, %slice3A_2385, %slice3A_2386 : vector<256x8x256xi1>, vector<256x8x256xf32>
    %shift_right_arithmetic3A_2390 = arith.constant 7 : i32
    %shift_right_arithmetic3A_2391 = vector.broadcast %shift_right_arithmetic3A_2390 : i32 to vector<1x256xi32>
    %shift_right_arithmetic3A_2392 = arith.shrsi %broadcast_in_dim3A_1985, %shift_right_arithmetic3A_2391 : vector<1x256xi32>
    %and3A_2393 = arith.constant 1 : i32
    %and3A_2394 = vector.broadcast %and3A_2393 : i32 to vector<1x256xi32>
    %and3A_2395 = arith.andi %shift_right_arithmetic3A_2392, %and3A_2394 : vector<1x256xi32>
    %eq3A_2396 = arith.constant 1 : i32
    %eq3A_2397 = vector.broadcast %eq3A_2396 : i32 to vector<1x256xi32>
    %eq3A_2398 = arith.cmpi eq, %and3A_2395, %eq3A_2397 : vector<1x256xi32>
    %broadcast_in_dim3A_2399 = vector.shape_cast %eq3A_2398 : vector<1x256xi1> to vector<1x1x256xi1>
    %slice3A_2400 = vector.extract_strided_slice %select_n3A_2389 {offsets = [128, 0, 0], sizes = [128, 8, 256], strides = [1, 1, 1]} : vector<256x8x256xf32> to vector<128x8x256xf32>
    %slice3A_2401 = vector.extract_strided_slice %select_n3A_2389 {offsets = [0, 0, 0], sizes = [128, 8, 256], strides = [1, 1, 1]} : vector<256x8x256xf32> to vector<128x8x256xf32>
    %broadcast_in_dim3A_2402 = vector.shape_cast %broadcast_in_dim3A_2399 : vector<1x1x256xi1> to vector<1x1x256xi1>
    %broadcast_in_dim3A_2403 = vector.broadcast %broadcast_in_dim3A_2402 : vector<1x1x256xi1> to vector<128x8x256xi1>
    %select_n3A_2404 = arith.select %broadcast_in_dim3A_2403, %slice3A_2400, %slice3A_2401 : vector<128x8x256xi1>, vector<128x8x256xf32>
    %shift_right_arithmetic3A_2405 = arith.constant 6 : i32
    %shift_right_arithmetic3A_2406 = vector.broadcast %shift_right_arithmetic3A_2405 : i32 to vector<1x256xi32>
    %shift_right_arithmetic3A_2407 = arith.shrsi %broadcast_in_dim3A_1985, %shift_right_arithmetic3A_2406 : vector<1x256xi32>
    %and3A_2408 = arith.constant 1 : i32
    %and3A_2409 = vector.broadcast %and3A_2408 : i32 to vector<1x256xi32>
    %and3A_2410 = arith.andi %shift_right_arithmetic3A_2407, %and3A_2409 : vector<1x256xi32>
    %eq3A_2411 = arith.constant 1 : i32
    %eq3A_2412 = vector.broadcast %eq3A_2411 : i32 to vector<1x256xi32>
    %eq3A_2413 = arith.cmpi eq, %and3A_2410, %eq3A_2412 : vector<1x256xi32>
    %broadcast_in_dim3A_2414 = vector.shape_cast %eq3A_2413 : vector<1x256xi1> to vector<1x1x256xi1>
    %slice3A_2415 = vector.extract_strided_slice %select_n3A_2404 {offsets = [64, 0, 0], sizes = [64, 8, 256], strides = [1, 1, 1]} : vector<128x8x256xf32> to vector<64x8x256xf32>
    %slice3A_2416 = vector.extract_strided_slice %select_n3A_2404 {offsets = [0, 0, 0], sizes = [64, 8, 256], strides = [1, 1, 1]} : vector<128x8x256xf32> to vector<64x8x256xf32>
    %broadcast_in_dim3A_2417 = vector.shape_cast %broadcast_in_dim3A_2414 : vector<1x1x256xi1> to vector<1x1x256xi1>
    %broadcast_in_dim3A_2418 = vector.broadcast %broadcast_in_dim3A_2417 : vector<1x1x256xi1> to vector<64x8x256xi1>
    %select_n3A_2419 = arith.select %broadcast_in_dim3A_2418, %slice3A_2415, %slice3A_2416 : vector<64x8x256xi1>, vector<64x8x256xf32>
    %shift_right_arithmetic3A_2420 = arith.constant 5 : i32
    %shift_right_arithmetic3A_2421 = vector.broadcast %shift_right_arithmetic3A_2420 : i32 to vector<1x256xi32>
    %shift_right_arithmetic3A_2422 = arith.shrsi %broadcast_in_dim3A_1985, %shift_right_arithmetic3A_2421 : vector<1x256xi32>
    %and3A_2423 = arith.constant 1 : i32
    %and3A_2424 = vector.broadcast %and3A_2423 : i32 to vector<1x256xi32>
    %and3A_2425 = arith.andi %shift_right_arithmetic3A_2422, %and3A_2424 : vector<1x256xi32>
    %eq3A_2426 = arith.constant 1 : i32
    %eq3A_2427 = vector.broadcast %eq3A_2426 : i32 to vector<1x256xi32>
    %eq3A_2428 = arith.cmpi eq, %and3A_2425, %eq3A_2427 : vector<1x256xi32>
    %broadcast_in_dim3A_2429 = vector.shape_cast %eq3A_2428 : vector<1x256xi1> to vector<1x1x256xi1>
    %slice3A_2430 = vector.extract_strided_slice %select_n3A_2419 {offsets = [32, 0, 0], sizes = [32, 8, 256], strides = [1, 1, 1]} : vector<64x8x256xf32> to vector<32x8x256xf32>
    %slice3A_2431 = vector.extract_strided_slice %select_n3A_2419 {offsets = [0, 0, 0], sizes = [32, 8, 256], strides = [1, 1, 1]} : vector<64x8x256xf32> to vector<32x8x256xf32>
    %broadcast_in_dim3A_2432 = vector.shape_cast %broadcast_in_dim3A_2429 : vector<1x1x256xi1> to vector<1x1x256xi1>
    %broadcast_in_dim3A_2433 = vector.broadcast %broadcast_in_dim3A_2432 : vector<1x1x256xi1> to vector<32x8x256xi1>
    %select_n3A_2434 = arith.select %broadcast_in_dim3A_2433, %slice3A_2430, %slice3A_2431 : vector<32x8x256xi1>, vector<32x8x256xf32>
    %shift_right_arithmetic3A_2435 = arith.constant 4 : i32
    %shift_right_arithmetic3A_2436 = vector.broadcast %shift_right_arithmetic3A_2435 : i32 to vector<1x256xi32>
    %shift_right_arithmetic3A_2437 = arith.shrsi %broadcast_in_dim3A_1985, %shift_right_arithmetic3A_2436 : vector<1x256xi32>
    %and3A_2438 = arith.constant 1 : i32
    %and3A_2439 = vector.broadcast %and3A_2438 : i32 to vector<1x256xi32>
    %and3A_2440 = arith.andi %shift_right_arithmetic3A_2437, %and3A_2439 : vector<1x256xi32>
    %eq3A_2441 = arith.constant 1 : i32
    %eq3A_2442 = vector.broadcast %eq3A_2441 : i32 to vector<1x256xi32>
    %eq3A_2443 = arith.cmpi eq, %and3A_2440, %eq3A_2442 : vector<1x256xi32>
    %broadcast_in_dim3A_2444 = vector.shape_cast %eq3A_2443 : vector<1x256xi1> to vector<1x1x256xi1>
    %slice3A_2445 = vector.extract_strided_slice %select_n3A_2434 {offsets = [16, 0, 0], sizes = [16, 8, 256], strides = [1, 1, 1]} : vector<32x8x256xf32> to vector<16x8x256xf32>
    %slice3A_2446 = vector.extract_strided_slice %select_n3A_2434 {offsets = [0, 0, 0], sizes = [16, 8, 256], strides = [1, 1, 1]} : vector<32x8x256xf32> to vector<16x8x256xf32>
    %broadcast_in_dim3A_2447 = vector.shape_cast %broadcast_in_dim3A_2444 : vector<1x1x256xi1> to vector<1x1x256xi1>
    %broadcast_in_dim3A_2448 = vector.broadcast %broadcast_in_dim3A_2447 : vector<1x1x256xi1> to vector<16x8x256xi1>
    %select_n3A_2449 = arith.select %broadcast_in_dim3A_2448, %slice3A_2445, %slice3A_2446 : vector<16x8x256xi1>, vector<16x8x256xf32>
    %shift_right_arithmetic3A_2450 = arith.constant 3 : i32
    %shift_right_arithmetic3A_2451 = vector.broadcast %shift_right_arithmetic3A_2450 : i32 to vector<1x256xi32>
    %shift_right_arithmetic3A_2452 = arith.shrsi %broadcast_in_dim3A_1985, %shift_right_arithmetic3A_2451 : vector<1x256xi32>
    %and3A_2453 = arith.constant 1 : i32
    %and3A_2454 = vector.broadcast %and3A_2453 : i32 to vector<1x256xi32>
    %and3A_2455 = arith.andi %shift_right_arithmetic3A_2452, %and3A_2454 : vector<1x256xi32>
    %eq3A_2456 = arith.constant 1 : i32
    %eq3A_2457 = vector.broadcast %eq3A_2456 : i32 to vector<1x256xi32>
    %eq3A_2458 = arith.cmpi eq, %and3A_2455, %eq3A_2457 : vector<1x256xi32>
    %broadcast_in_dim3A_2459 = vector.shape_cast %eq3A_2458 : vector<1x256xi1> to vector<1x1x256xi1>
    %slice3A_2460 = vector.extract_strided_slice %select_n3A_2449 {offsets = [8, 0, 0], sizes = [8, 8, 256], strides = [1, 1, 1]} : vector<16x8x256xf32> to vector<8x8x256xf32>
    %slice3A_2461 = vector.extract_strided_slice %select_n3A_2449 {offsets = [0, 0, 0], sizes = [8, 8, 256], strides = [1, 1, 1]} : vector<16x8x256xf32> to vector<8x8x256xf32>
    %broadcast_in_dim3A_2462 = vector.shape_cast %broadcast_in_dim3A_2459 : vector<1x1x256xi1> to vector<1x1x256xi1>
    %broadcast_in_dim3A_2463 = vector.broadcast %broadcast_in_dim3A_2462 : vector<1x1x256xi1> to vector<8x8x256xi1>
    %select_n3A_2464 = arith.select %broadcast_in_dim3A_2463, %slice3A_2460, %slice3A_2461 : vector<8x8x256xi1>, vector<8x8x256xf32>
    %shift_right_arithmetic3A_2465 = arith.constant 2 : i32
    %shift_right_arithmetic3A_2466 = vector.broadcast %shift_right_arithmetic3A_2465 : i32 to vector<1x256xi32>
    %shift_right_arithmetic3A_2467 = arith.shrsi %broadcast_in_dim3A_1985, %shift_right_arithmetic3A_2466 : vector<1x256xi32>
    %and3A_2468 = arith.constant 1 : i32
    %and3A_2469 = vector.broadcast %and3A_2468 : i32 to vector<1x256xi32>
    %and3A_2470 = arith.andi %shift_right_arithmetic3A_2467, %and3A_2469 : vector<1x256xi32>
    %eq3A_2471 = arith.constant 1 : i32
    %eq3A_2472 = vector.broadcast %eq3A_2471 : i32 to vector<1x256xi32>
    %eq3A_2473 = arith.cmpi eq, %and3A_2470, %eq3A_2472 : vector<1x256xi32>
    %broadcast_in_dim3A_2474 = vector.shape_cast %eq3A_2473 : vector<1x256xi1> to vector<1x1x256xi1>
    %slice3A_2475 = vector.extract_strided_slice %select_n3A_2464 {offsets = [4, 0, 0], sizes = [4, 8, 256], strides = [1, 1, 1]} : vector<8x8x256xf32> to vector<4x8x256xf32>
    %slice3A_2476 = vector.extract_strided_slice %select_n3A_2464 {offsets = [0, 0, 0], sizes = [4, 8, 256], strides = [1, 1, 1]} : vector<8x8x256xf32> to vector<4x8x256xf32>
    %broadcast_in_dim3A_2477 = vector.shape_cast %broadcast_in_dim3A_2474 : vector<1x1x256xi1> to vector<1x1x256xi1>
    %broadcast_in_dim3A_2478 = vector.broadcast %broadcast_in_dim3A_2477 : vector<1x1x256xi1> to vector<4x8x256xi1>
    %select_n3A_2479 = arith.select %broadcast_in_dim3A_2478, %slice3A_2475, %slice3A_2476 : vector<4x8x256xi1>, vector<4x8x256xf32>
    %shift_right_arithmetic3A_2480 = arith.constant 1 : i32
    %shift_right_arithmetic3A_2481 = vector.broadcast %shift_right_arithmetic3A_2480 : i32 to vector<1x256xi32>
    %shift_right_arithmetic3A_2482 = arith.shrsi %broadcast_in_dim3A_1985, %shift_right_arithmetic3A_2481 : vector<1x256xi32>
    %and3A_2483 = arith.constant 1 : i32
    %and3A_2484 = vector.broadcast %and3A_2483 : i32 to vector<1x256xi32>
    %and3A_2485 = arith.andi %shift_right_arithmetic3A_2482, %and3A_2484 : vector<1x256xi32>
    %eq3A_2486 = arith.constant 1 : i32
    %eq3A_2487 = vector.broadcast %eq3A_2486 : i32 to vector<1x256xi32>
    %eq3A_2488 = arith.cmpi eq, %and3A_2485, %eq3A_2487 : vector<1x256xi32>
    %broadcast_in_dim3A_2489 = vector.shape_cast %eq3A_2488 : vector<1x256xi1> to vector<1x1x256xi1>
    %slice3A_2490 = vector.extract_strided_slice %select_n3A_2479 {offsets = [2, 0, 0], sizes = [2, 8, 256], strides = [1, 1, 1]} : vector<4x8x256xf32> to vector<2x8x256xf32>
    %slice3A_2491 = vector.extract_strided_slice %select_n3A_2479 {offsets = [0, 0, 0], sizes = [2, 8, 256], strides = [1, 1, 1]} : vector<4x8x256xf32> to vector<2x8x256xf32>
    %broadcast_in_dim3A_2492 = vector.shape_cast %broadcast_in_dim3A_2489 : vector<1x1x256xi1> to vector<1x1x256xi1>
    %broadcast_in_dim3A_2493 = vector.broadcast %broadcast_in_dim3A_2492 : vector<1x1x256xi1> to vector<2x8x256xi1>
    %select_n3A_2494 = arith.select %broadcast_in_dim3A_2493, %slice3A_2490, %slice3A_2491 : vector<2x8x256xi1>, vector<2x8x256xf32>
    %shift_right_arithmetic3A_2495 = arith.constant 0 : i32
    %shift_right_arithmetic3A_2496 = vector.broadcast %shift_right_arithmetic3A_2495 : i32 to vector<1x256xi32>
    %shift_right_arithmetic3A_2497 = arith.shrsi %broadcast_in_dim3A_1985, %shift_right_arithmetic3A_2496 : vector<1x256xi32>
    %and3A_2498 = arith.constant 1 : i32
    %and3A_2499 = vector.broadcast %and3A_2498 : i32 to vector<1x256xi32>
    %and3A_2500 = arith.andi %shift_right_arithmetic3A_2497, %and3A_2499 : vector<1x256xi32>
    %eq3A_2501 = arith.constant 1 : i32
    %eq3A_2502 = vector.broadcast %eq3A_2501 : i32 to vector<1x256xi32>
    %eq3A_2503 = arith.cmpi eq, %and3A_2500, %eq3A_2502 : vector<1x256xi32>
    %broadcast_in_dim3A_2504 = vector.shape_cast %eq3A_2503 : vector<1x256xi1> to vector<1x1x256xi1>
    %slice3A_2505 = vector.extract_strided_slice %select_n3A_2494 {offsets = [1, 0, 0], sizes = [1, 8, 256], strides = [1, 1, 1]} : vector<2x8x256xf32> to vector<1x8x256xf32>
    %slice3A_2506 = vector.extract_strided_slice %select_n3A_2494 {offsets = [0, 0, 0], sizes = [1, 8, 256], strides = [1, 1, 1]} : vector<2x8x256xf32> to vector<1x8x256xf32>
    %broadcast_in_dim3A_2507 = vector.shape_cast %broadcast_in_dim3A_2504 : vector<1x1x256xi1> to vector<1x1x256xi1>
    %broadcast_in_dim3A_2508 = vector.broadcast %broadcast_in_dim3A_2507 : vector<1x1x256xi1> to vector<1x8x256xi1>
    %select_n3A_2509 = arith.select %broadcast_in_dim3A_2508, %slice3A_2505, %slice3A_2506 : vector<1x8x256xi1>, vector<1x8x256xf32>
    %shift_right_arithmetic3A_2510 = arith.constant 9 : i32
    %shift_right_arithmetic3A_2511 = vector.broadcast %shift_right_arithmetic3A_2510 : i32 to vector<1x256xi32>
    %shift_right_arithmetic3A_2512 = arith.shrsi %broadcast_in_dim3A_2001, %shift_right_arithmetic3A_2511 : vector<1x256xi32>
    %and3A_2513 = arith.constant 1 : i32
    %and3A_2514 = vector.broadcast %and3A_2513 : i32 to vector<1x256xi32>
    %and3A_2515 = arith.andi %shift_right_arithmetic3A_2512, %and3A_2514 : vector<1x256xi32>
    %eq3A_2516 = arith.constant 1 : i32
    %eq3A_2517 = vector.broadcast %eq3A_2516 : i32 to vector<1x256xi32>
    %eq3A_2518 = arith.cmpi eq, %and3A_2515, %eq3A_2517 : vector<1x256xi32>
    %broadcast_in_dim3A_2519 = vector.shape_cast %eq3A_2518 : vector<1x256xi1> to vector<1x1x256xi1>
    %slice3A_2520 = vector.extract_strided_slice %reshape3A {offsets = [512, 0, 0], sizes = [512, 8, 256], strides = [1, 1, 1]} : vector<1024x8x256xf32> to vector<512x8x256xf32>
    %slice3A_2521 = vector.extract_strided_slice %reshape3A {offsets = [0, 0, 0], sizes = [512, 8, 256], strides = [1, 1, 1]} : vector<1024x8x256xf32> to vector<512x8x256xf32>
    %broadcast_in_dim3A_2522 = vector.shape_cast %broadcast_in_dim3A_2519 : vector<1x1x256xi1> to vector<1x1x256xi1>
    %broadcast_in_dim3A_2523 = vector.broadcast %broadcast_in_dim3A_2522 : vector<1x1x256xi1> to vector<512x8x256xi1>
    %select_n3A_2524 = arith.select %broadcast_in_dim3A_2523, %slice3A_2520, %slice3A_2521 : vector<512x8x256xi1>, vector<512x8x256xf32>
    %shift_right_arithmetic3A_2525 = arith.constant 8 : i32
    %shift_right_arithmetic3A_2526 = vector.broadcast %shift_right_arithmetic3A_2525 : i32 to vector<1x256xi32>
    %shift_right_arithmetic3A_2527 = arith.shrsi %broadcast_in_dim3A_2001, %shift_right_arithmetic3A_2526 : vector<1x256xi32>
    %and3A_2528 = arith.constant 1 : i32
    %and3A_2529 = vector.broadcast %and3A_2528 : i32 to vector<1x256xi32>
    %and3A_2530 = arith.andi %shift_right_arithmetic3A_2527, %and3A_2529 : vector<1x256xi32>
    %eq3A_2531 = arith.constant 1 : i32
    %eq3A_2532 = vector.broadcast %eq3A_2531 : i32 to vector<1x256xi32>
    %eq3A_2533 = arith.cmpi eq, %and3A_2530, %eq3A_2532 : vector<1x256xi32>
    %broadcast_in_dim3A_2534 = vector.shape_cast %eq3A_2533 : vector<1x256xi1> to vector<1x1x256xi1>
    %slice3A_2535 = vector.extract_strided_slice %select_n3A_2524 {offsets = [256, 0, 0], sizes = [256, 8, 256], strides = [1, 1, 1]} : vector<512x8x256xf32> to vector<256x8x256xf32>
    %slice3A_2536 = vector.extract_strided_slice %select_n3A_2524 {offsets = [0, 0, 0], sizes = [256, 8, 256], strides = [1, 1, 1]} : vector<512x8x256xf32> to vector<256x8x256xf32>
    %broadcast_in_dim3A_2537 = vector.shape_cast %broadcast_in_dim3A_2534 : vector<1x1x256xi1> to vector<1x1x256xi1>
    %broadcast_in_dim3A_2538 = vector.broadcast %broadcast_in_dim3A_2537 : vector<1x1x256xi1> to vector<256x8x256xi1>
    %select_n3A_2539 = arith.select %broadcast_in_dim3A_2538, %slice3A_2535, %slice3A_2536 : vector<256x8x256xi1>, vector<256x8x256xf32>
    %shift_right_arithmetic3A_2540 = arith.constant 7 : i32
    %shift_right_arithmetic3A_2541 = vector.broadcast %shift_right_arithmetic3A_2540 : i32 to vector<1x256xi32>
    %shift_right_arithmetic3A_2542 = arith.shrsi %broadcast_in_dim3A_2001, %shift_right_arithmetic3A_2541 : vector<1x256xi32>
    %and3A_2543 = arith.constant 1 : i32
    %and3A_2544 = vector.broadcast %and3A_2543 : i32 to vector<1x256xi32>
    %and3A_2545 = arith.andi %shift_right_arithmetic3A_2542, %and3A_2544 : vector<1x256xi32>
    %eq3A_2546 = arith.constant 1 : i32
    %eq3A_2547 = vector.broadcast %eq3A_2546 : i32 to vector<1x256xi32>
    %eq3A_2548 = arith.cmpi eq, %and3A_2545, %eq3A_2547 : vector<1x256xi32>
    %broadcast_in_dim3A_2549 = vector.shape_cast %eq3A_2548 : vector<1x256xi1> to vector<1x1x256xi1>
    %slice3A_2550 = vector.extract_strided_slice %select_n3A_2539 {offsets = [128, 0, 0], sizes = [128, 8, 256], strides = [1, 1, 1]} : vector<256x8x256xf32> to vector<128x8x256xf32>
    %slice3A_2551 = vector.extract_strided_slice %select_n3A_2539 {offsets = [0, 0, 0], sizes = [128, 8, 256], strides = [1, 1, 1]} : vector<256x8x256xf32> to vector<128x8x256xf32>
    %broadcast_in_dim3A_2552 = vector.shape_cast %broadcast_in_dim3A_2549 : vector<1x1x256xi1> to vector<1x1x256xi1>
    %broadcast_in_dim3A_2553 = vector.broadcast %broadcast_in_dim3A_2552 : vector<1x1x256xi1> to vector<128x8x256xi1>
    %select_n3A_2554 = arith.select %broadcast_in_dim3A_2553, %slice3A_2550, %slice3A_2551 : vector<128x8x256xi1>, vector<128x8x256xf32>
    %shift_right_arithmetic3A_2555 = arith.constant 6 : i32
    %shift_right_arithmetic3A_2556 = vector.broadcast %shift_right_arithmetic3A_2555 : i32 to vector<1x256xi32>
    %shift_right_arithmetic3A_2557 = arith.shrsi %broadcast_in_dim3A_2001, %shift_right_arithmetic3A_2556 : vector<1x256xi32>
    %and3A_2558 = arith.constant 1 : i32
    %and3A_2559 = vector.broadcast %and3A_2558 : i32 to vector<1x256xi32>
    %and3A_2560 = arith.andi %shift_right_arithmetic3A_2557, %and3A_2559 : vector<1x256xi32>
    %eq3A_2561 = arith.constant 1 : i32
    %eq3A_2562 = vector.broadcast %eq3A_2561 : i32 to vector<1x256xi32>
    %eq3A_2563 = arith.cmpi eq, %and3A_2560, %eq3A_2562 : vector<1x256xi32>
    %broadcast_in_dim3A_2564 = vector.shape_cast %eq3A_2563 : vector<1x256xi1> to vector<1x1x256xi1>
    %slice3A_2565 = vector.extract_strided_slice %select_n3A_2554 {offsets = [64, 0, 0], sizes = [64, 8, 256], strides = [1, 1, 1]} : vector<128x8x256xf32> to vector<64x8x256xf32>
    %slice3A_2566 = vector.extract_strided_slice %select_n3A_2554 {offsets = [0, 0, 0], sizes = [64, 8, 256], strides = [1, 1, 1]} : vector<128x8x256xf32> to vector<64x8x256xf32>
    %broadcast_in_dim3A_2567 = vector.shape_cast %broadcast_in_dim3A_2564 : vector<1x1x256xi1> to vector<1x1x256xi1>
    %broadcast_in_dim3A_2568 = vector.broadcast %broadcast_in_dim3A_2567 : vector<1x1x256xi1> to vector<64x8x256xi1>
    %select_n3A_2569 = arith.select %broadcast_in_dim3A_2568, %slice3A_2565, %slice3A_2566 : vector<64x8x256xi1>, vector<64x8x256xf32>
    %shift_right_arithmetic3A_2570 = arith.constant 5 : i32
    %shift_right_arithmetic3A_2571 = vector.broadcast %shift_right_arithmetic3A_2570 : i32 to vector<1x256xi32>
    %shift_right_arithmetic3A_2572 = arith.shrsi %broadcast_in_dim3A_2001, %shift_right_arithmetic3A_2571 : vector<1x256xi32>
    %and3A_2573 = arith.constant 1 : i32
    %and3A_2574 = vector.broadcast %and3A_2573 : i32 to vector<1x256xi32>
    %and3A_2575 = arith.andi %shift_right_arithmetic3A_2572, %and3A_2574 : vector<1x256xi32>
    %eq3A_2576 = arith.constant 1 : i32
    %eq3A_2577 = vector.broadcast %eq3A_2576 : i32 to vector<1x256xi32>
    %eq3A_2578 = arith.cmpi eq, %and3A_2575, %eq3A_2577 : vector<1x256xi32>
    %broadcast_in_dim3A_2579 = vector.shape_cast %eq3A_2578 : vector<1x256xi1> to vector<1x1x256xi1>
    %slice3A_2580 = vector.extract_strided_slice %select_n3A_2569 {offsets = [32, 0, 0], sizes = [32, 8, 256], strides = [1, 1, 1]} : vector<64x8x256xf32> to vector<32x8x256xf32>
    %slice3A_2581 = vector.extract_strided_slice %select_n3A_2569 {offsets = [0, 0, 0], sizes = [32, 8, 256], strides = [1, 1, 1]} : vector<64x8x256xf32> to vector<32x8x256xf32>
    %broadcast_in_dim3A_2582 = vector.shape_cast %broadcast_in_dim3A_2579 : vector<1x1x256xi1> to vector<1x1x256xi1>
    %broadcast_in_dim3A_2583 = vector.broadcast %broadcast_in_dim3A_2582 : vector<1x1x256xi1> to vector<32x8x256xi1>
    %select_n3A_2584 = arith.select %broadcast_in_dim3A_2583, %slice3A_2580, %slice3A_2581 : vector<32x8x256xi1>, vector<32x8x256xf32>
    %shift_right_arithmetic3A_2585 = arith.constant 4 : i32
    %shift_right_arithmetic3A_2586 = vector.broadcast %shift_right_arithmetic3A_2585 : i32 to vector<1x256xi32>
    %shift_right_arithmetic3A_2587 = arith.shrsi %broadcast_in_dim3A_2001, %shift_right_arithmetic3A_2586 : vector<1x256xi32>
    %and3A_2588 = arith.constant 1 : i32
    %and3A_2589 = vector.broadcast %and3A_2588 : i32 to vector<1x256xi32>
    %and3A_2590 = arith.andi %shift_right_arithmetic3A_2587, %and3A_2589 : vector<1x256xi32>
    %eq3A_2591 = arith.constant 1 : i32
    %eq3A_2592 = vector.broadcast %eq3A_2591 : i32 to vector<1x256xi32>
    %eq3A_2593 = arith.cmpi eq, %and3A_2590, %eq3A_2592 : vector<1x256xi32>
    %broadcast_in_dim3A_2594 = vector.shape_cast %eq3A_2593 : vector<1x256xi1> to vector<1x1x256xi1>
    %slice3A_2595 = vector.extract_strided_slice %select_n3A_2584 {offsets = [16, 0, 0], sizes = [16, 8, 256], strides = [1, 1, 1]} : vector<32x8x256xf32> to vector<16x8x256xf32>
    %slice3A_2596 = vector.extract_strided_slice %select_n3A_2584 {offsets = [0, 0, 0], sizes = [16, 8, 256], strides = [1, 1, 1]} : vector<32x8x256xf32> to vector<16x8x256xf32>
    %broadcast_in_dim3A_2597 = vector.shape_cast %broadcast_in_dim3A_2594 : vector<1x1x256xi1> to vector<1x1x256xi1>
    %broadcast_in_dim3A_2598 = vector.broadcast %broadcast_in_dim3A_2597 : vector<1x1x256xi1> to vector<16x8x256xi1>
    %select_n3A_2599 = arith.select %broadcast_in_dim3A_2598, %slice3A_2595, %slice3A_2596 : vector<16x8x256xi1>, vector<16x8x256xf32>
    %shift_right_arithmetic3A_2600 = arith.constant 3 : i32
    %shift_right_arithmetic3A_2601 = vector.broadcast %shift_right_arithmetic3A_2600 : i32 to vector<1x256xi32>
    %shift_right_arithmetic3A_2602 = arith.shrsi %broadcast_in_dim3A_2001, %shift_right_arithmetic3A_2601 : vector<1x256xi32>
    %and3A_2603 = arith.constant 1 : i32
    %and3A_2604 = vector.broadcast %and3A_2603 : i32 to vector<1x256xi32>
    %and3A_2605 = arith.andi %shift_right_arithmetic3A_2602, %and3A_2604 : vector<1x256xi32>
    %eq3A_2606 = arith.constant 1 : i32
    %eq3A_2607 = vector.broadcast %eq3A_2606 : i32 to vector<1x256xi32>
    %eq3A_2608 = arith.cmpi eq, %and3A_2605, %eq3A_2607 : vector<1x256xi32>
    %broadcast_in_dim3A_2609 = vector.shape_cast %eq3A_2608 : vector<1x256xi1> to vector<1x1x256xi1>
    %slice3A_2610 = vector.extract_strided_slice %select_n3A_2599 {offsets = [8, 0, 0], sizes = [8, 8, 256], strides = [1, 1, 1]} : vector<16x8x256xf32> to vector<8x8x256xf32>
    %slice3A_2611 = vector.extract_strided_slice %select_n3A_2599 {offsets = [0, 0, 0], sizes = [8, 8, 256], strides = [1, 1, 1]} : vector<16x8x256xf32> to vector<8x8x256xf32>
    %broadcast_in_dim3A_2612 = vector.shape_cast %broadcast_in_dim3A_2609 : vector<1x1x256xi1> to vector<1x1x256xi1>
    %broadcast_in_dim3A_2613 = vector.broadcast %broadcast_in_dim3A_2612 : vector<1x1x256xi1> to vector<8x8x256xi1>
    %select_n3A_2614 = arith.select %broadcast_in_dim3A_2613, %slice3A_2610, %slice3A_2611 : vector<8x8x256xi1>, vector<8x8x256xf32>
    %shift_right_arithmetic3A_2615 = arith.constant 2 : i32
    %shift_right_arithmetic3A_2616 = vector.broadcast %shift_right_arithmetic3A_2615 : i32 to vector<1x256xi32>
    %shift_right_arithmetic3A_2617 = arith.shrsi %broadcast_in_dim3A_2001, %shift_right_arithmetic3A_2616 : vector<1x256xi32>
    %and3A_2618 = arith.constant 1 : i32
    %and3A_2619 = vector.broadcast %and3A_2618 : i32 to vector<1x256xi32>
    %and3A_2620 = arith.andi %shift_right_arithmetic3A_2617, %and3A_2619 : vector<1x256xi32>
    %eq3A_2621 = arith.constant 1 : i32
    %eq3A_2622 = vector.broadcast %eq3A_2621 : i32 to vector<1x256xi32>
    %eq3A_2623 = arith.cmpi eq, %and3A_2620, %eq3A_2622 : vector<1x256xi32>
    %broadcast_in_dim3A_2624 = vector.shape_cast %eq3A_2623 : vector<1x256xi1> to vector<1x1x256xi1>
    %slice3A_2625 = vector.extract_strided_slice %select_n3A_2614 {offsets = [4, 0, 0], sizes = [4, 8, 256], strides = [1, 1, 1]} : vector<8x8x256xf32> to vector<4x8x256xf32>
    %slice3A_2626 = vector.extract_strided_slice %select_n3A_2614 {offsets = [0, 0, 0], sizes = [4, 8, 256], strides = [1, 1, 1]} : vector<8x8x256xf32> to vector<4x8x256xf32>
    %broadcast_in_dim3A_2627 = vector.shape_cast %broadcast_in_dim3A_2624 : vector<1x1x256xi1> to vector<1x1x256xi1>
    %broadcast_in_dim3A_2628 = vector.broadcast %broadcast_in_dim3A_2627 : vector<1x1x256xi1> to vector<4x8x256xi1>
    %select_n3A_2629 = arith.select %broadcast_in_dim3A_2628, %slice3A_2625, %slice3A_2626 : vector<4x8x256xi1>, vector<4x8x256xf32>
    %shift_right_arithmetic3A_2630 = arith.constant 1 : i32
    %shift_right_arithmetic3A_2631 = vector.broadcast %shift_right_arithmetic3A_2630 : i32 to vector<1x256xi32>
    %shift_right_arithmetic3A_2632 = arith.shrsi %broadcast_in_dim3A_2001, %shift_right_arithmetic3A_2631 : vector<1x256xi32>
    %and3A_2633 = arith.constant 1 : i32
    %and3A_2634 = vector.broadcast %and3A_2633 : i32 to vector<1x256xi32>
    %and3A_2635 = arith.andi %shift_right_arithmetic3A_2632, %and3A_2634 : vector<1x256xi32>
    %eq3A_2636 = arith.constant 1 : i32
    %eq3A_2637 = vector.broadcast %eq3A_2636 : i32 to vector<1x256xi32>
    %eq3A_2638 = arith.cmpi eq, %and3A_2635, %eq3A_2637 : vector<1x256xi32>
    %broadcast_in_dim3A_2639 = vector.shape_cast %eq3A_2638 : vector<1x256xi1> to vector<1x1x256xi1>
    %slice3A_2640 = vector.extract_strided_slice %select_n3A_2629 {offsets = [2, 0, 0], sizes = [2, 8, 256], strides = [1, 1, 1]} : vector<4x8x256xf32> to vector<2x8x256xf32>
    %slice3A_2641 = vector.extract_strided_slice %select_n3A_2629 {offsets = [0, 0, 0], sizes = [2, 8, 256], strides = [1, 1, 1]} : vector<4x8x256xf32> to vector<2x8x256xf32>
    %broadcast_in_dim3A_2642 = vector.shape_cast %broadcast_in_dim3A_2639 : vector<1x1x256xi1> to vector<1x1x256xi1>
    %broadcast_in_dim3A_2643 = vector.broadcast %broadcast_in_dim3A_2642 : vector<1x1x256xi1> to vector<2x8x256xi1>
    %select_n3A_2644 = arith.select %broadcast_in_dim3A_2643, %slice3A_2640, %slice3A_2641 : vector<2x8x256xi1>, vector<2x8x256xf32>
    %shift_right_arithmetic3A_2645 = arith.constant 0 : i32
    %shift_right_arithmetic3A_2646 = vector.broadcast %shift_right_arithmetic3A_2645 : i32 to vector<1x256xi32>
    %shift_right_arithmetic3A_2647 = arith.shrsi %broadcast_in_dim3A_2001, %shift_right_arithmetic3A_2646 : vector<1x256xi32>
    %and3A_2648 = arith.constant 1 : i32
    %and3A_2649 = vector.broadcast %and3A_2648 : i32 to vector<1x256xi32>
    %and3A_2650 = arith.andi %shift_right_arithmetic3A_2647, %and3A_2649 : vector<1x256xi32>
    %eq3A_2651 = arith.constant 1 : i32
    %eq3A_2652 = vector.broadcast %eq3A_2651 : i32 to vector<1x256xi32>
    %eq3A_2653 = arith.cmpi eq, %and3A_2650, %eq3A_2652 : vector<1x256xi32>
    %broadcast_in_dim3A_2654 = vector.shape_cast %eq3A_2653 : vector<1x256xi1> to vector<1x1x256xi1>
    %slice3A_2655 = vector.extract_strided_slice %select_n3A_2644 {offsets = [1, 0, 0], sizes = [1, 8, 256], strides = [1, 1, 1]} : vector<2x8x256xf32> to vector<1x8x256xf32>
    %slice3A_2656 = vector.extract_strided_slice %select_n3A_2644 {offsets = [0, 0, 0], sizes = [1, 8, 256], strides = [1, 1, 1]} : vector<2x8x256xf32> to vector<1x8x256xf32>
    %broadcast_in_dim3A_2657 = vector.shape_cast %broadcast_in_dim3A_2654 : vector<1x1x256xi1> to vector<1x1x256xi1>
    %broadcast_in_dim3A_2658 = vector.broadcast %broadcast_in_dim3A_2657 : vector<1x1x256xi1> to vector<1x8x256xi1>
    %select_n3A_2659 = arith.select %broadcast_in_dim3A_2658, %slice3A_2655, %slice3A_2656 : vector<1x8x256xi1>, vector<1x8x256xf32>
    %shift_right_arithmetic3A_2660 = arith.constant 9 : i32
    %shift_right_arithmetic3A_2661 = vector.broadcast %shift_right_arithmetic3A_2660 : i32 to vector<1x256xi32>
    %shift_right_arithmetic3A_2662 = arith.shrsi %broadcast_in_dim3A_2017, %shift_right_arithmetic3A_2661 : vector<1x256xi32>
    %and3A_2663 = arith.constant 1 : i32
    %and3A_2664 = vector.broadcast %and3A_2663 : i32 to vector<1x256xi32>
    %and3A_2665 = arith.andi %shift_right_arithmetic3A_2662, %and3A_2664 : vector<1x256xi32>
    %eq3A_2666 = arith.constant 1 : i32
    %eq3A_2667 = vector.broadcast %eq3A_2666 : i32 to vector<1x256xi32>
    %eq3A_2668 = arith.cmpi eq, %and3A_2665, %eq3A_2667 : vector<1x256xi32>
    %broadcast_in_dim3A_2669 = vector.shape_cast %eq3A_2668 : vector<1x256xi1> to vector<1x1x256xi1>
    %slice3A_2670 = vector.extract_strided_slice %reshape3A {offsets = [512, 0, 0], sizes = [512, 8, 256], strides = [1, 1, 1]} : vector<1024x8x256xf32> to vector<512x8x256xf32>
    %slice3A_2671 = vector.extract_strided_slice %reshape3A {offsets = [0, 0, 0], sizes = [512, 8, 256], strides = [1, 1, 1]} : vector<1024x8x256xf32> to vector<512x8x256xf32>
    %broadcast_in_dim3A_2672 = vector.shape_cast %broadcast_in_dim3A_2669 : vector<1x1x256xi1> to vector<1x1x256xi1>
    %broadcast_in_dim3A_2673 = vector.broadcast %broadcast_in_dim3A_2672 : vector<1x1x256xi1> to vector<512x8x256xi1>
    %select_n3A_2674 = arith.select %broadcast_in_dim3A_2673, %slice3A_2670, %slice3A_2671 : vector<512x8x256xi1>, vector<512x8x256xf32>
    %shift_right_arithmetic3A_2675 = arith.constant 8 : i32
    %shift_right_arithmetic3A_2676 = vector.broadcast %shift_right_arithmetic3A_2675 : i32 to vector<1x256xi32>
    %shift_right_arithmetic3A_2677 = arith.shrsi %broadcast_in_dim3A_2017, %shift_right_arithmetic3A_2676 : vector<1x256xi32>
    %and3A_2678 = arith.constant 1 : i32
    %and3A_2679 = vector.broadcast %and3A_2678 : i32 to vector<1x256xi32>
    %and3A_2680 = arith.andi %shift_right_arithmetic3A_2677, %and3A_2679 : vector<1x256xi32>
    %eq3A_2681 = arith.constant 1 : i32
    %eq3A_2682 = vector.broadcast %eq3A_2681 : i32 to vector<1x256xi32>
    %eq3A_2683 = arith.cmpi eq, %and3A_2680, %eq3A_2682 : vector<1x256xi32>
    %broadcast_in_dim3A_2684 = vector.shape_cast %eq3A_2683 : vector<1x256xi1> to vector<1x1x256xi1>
    %slice3A_2685 = vector.extract_strided_slice %select_n3A_2674 {offsets = [256, 0, 0], sizes = [256, 8, 256], strides = [1, 1, 1]} : vector<512x8x256xf32> to vector<256x8x256xf32>
    %slice3A_2686 = vector.extract_strided_slice %select_n3A_2674 {offsets = [0, 0, 0], sizes = [256, 8, 256], strides = [1, 1, 1]} : vector<512x8x256xf32> to vector<256x8x256xf32>
    %broadcast_in_dim3A_2687 = vector.shape_cast %broadcast_in_dim3A_2684 : vector<1x1x256xi1> to vector<1x1x256xi1>
    %broadcast_in_dim3A_2688 = vector.broadcast %broadcast_in_dim3A_2687 : vector<1x1x256xi1> to vector<256x8x256xi1>
    %select_n3A_2689 = arith.select %broadcast_in_dim3A_2688, %slice3A_2685, %slice3A_2686 : vector<256x8x256xi1>, vector<256x8x256xf32>
    %shift_right_arithmetic3A_2690 = arith.constant 7 : i32
    %shift_right_arithmetic3A_2691 = vector.broadcast %shift_right_arithmetic3A_2690 : i32 to vector<1x256xi32>
    %shift_right_arithmetic3A_2692 = arith.shrsi %broadcast_in_dim3A_2017, %shift_right_arithmetic3A_2691 : vector<1x256xi32>
    %and3A_2693 = arith.constant 1 : i32
    %and3A_2694 = vector.broadcast %and3A_2693 : i32 to vector<1x256xi32>
    %and3A_2695 = arith.andi %shift_right_arithmetic3A_2692, %and3A_2694 : vector<1x256xi32>
    %eq3A_2696 = arith.constant 1 : i32
    %eq3A_2697 = vector.broadcast %eq3A_2696 : i32 to vector<1x256xi32>
    %eq3A_2698 = arith.cmpi eq, %and3A_2695, %eq3A_2697 : vector<1x256xi32>
    %broadcast_in_dim3A_2699 = vector.shape_cast %eq3A_2698 : vector<1x256xi1> to vector<1x1x256xi1>
    %slice3A_2700 = vector.extract_strided_slice %select_n3A_2689 {offsets = [128, 0, 0], sizes = [128, 8, 256], strides = [1, 1, 1]} : vector<256x8x256xf32> to vector<128x8x256xf32>
    %slice3A_2701 = vector.extract_strided_slice %select_n3A_2689 {offsets = [0, 0, 0], sizes = [128, 8, 256], strides = [1, 1, 1]} : vector<256x8x256xf32> to vector<128x8x256xf32>
    %broadcast_in_dim3A_2702 = vector.shape_cast %broadcast_in_dim3A_2699 : vector<1x1x256xi1> to vector<1x1x256xi1>
    %broadcast_in_dim3A_2703 = vector.broadcast %broadcast_in_dim3A_2702 : vector<1x1x256xi1> to vector<128x8x256xi1>
    %select_n3A_2704 = arith.select %broadcast_in_dim3A_2703, %slice3A_2700, %slice3A_2701 : vector<128x8x256xi1>, vector<128x8x256xf32>
    %shift_right_arithmetic3A_2705 = arith.constant 6 : i32
    %shift_right_arithmetic3A_2706 = vector.broadcast %shift_right_arithmetic3A_2705 : i32 to vector<1x256xi32>
    %shift_right_arithmetic3A_2707 = arith.shrsi %broadcast_in_dim3A_2017, %shift_right_arithmetic3A_2706 : vector<1x256xi32>
    %and3A_2708 = arith.constant 1 : i32
    %and3A_2709 = vector.broadcast %and3A_2708 : i32 to vector<1x256xi32>
    %and3A_2710 = arith.andi %shift_right_arithmetic3A_2707, %and3A_2709 : vector<1x256xi32>
    %eq3A_2711 = arith.constant 1 : i32
    %eq3A_2712 = vector.broadcast %eq3A_2711 : i32 to vector<1x256xi32>
    %eq3A_2713 = arith.cmpi eq, %and3A_2710, %eq3A_2712 : vector<1x256xi32>
    %broadcast_in_dim3A_2714 = vector.shape_cast %eq3A_2713 : vector<1x256xi1> to vector<1x1x256xi1>
    %slice3A_2715 = vector.extract_strided_slice %select_n3A_2704 {offsets = [64, 0, 0], sizes = [64, 8, 256], strides = [1, 1, 1]} : vector<128x8x256xf32> to vector<64x8x256xf32>
    %slice3A_2716 = vector.extract_strided_slice %select_n3A_2704 {offsets = [0, 0, 0], sizes = [64, 8, 256], strides = [1, 1, 1]} : vector<128x8x256xf32> to vector<64x8x256xf32>
    %broadcast_in_dim3A_2717 = vector.shape_cast %broadcast_in_dim3A_2714 : vector<1x1x256xi1> to vector<1x1x256xi1>
    %broadcast_in_dim3A_2718 = vector.broadcast %broadcast_in_dim3A_2717 : vector<1x1x256xi1> to vector<64x8x256xi1>
    %select_n3A_2719 = arith.select %broadcast_in_dim3A_2718, %slice3A_2715, %slice3A_2716 : vector<64x8x256xi1>, vector<64x8x256xf32>
    %shift_right_arithmetic3A_2720 = arith.constant 5 : i32
    %shift_right_arithmetic3A_2721 = vector.broadcast %shift_right_arithmetic3A_2720 : i32 to vector<1x256xi32>
    %shift_right_arithmetic3A_2722 = arith.shrsi %broadcast_in_dim3A_2017, %shift_right_arithmetic3A_2721 : vector<1x256xi32>
    %and3A_2723 = arith.constant 1 : i32
    %and3A_2724 = vector.broadcast %and3A_2723 : i32 to vector<1x256xi32>
    %and3A_2725 = arith.andi %shift_right_arithmetic3A_2722, %and3A_2724 : vector<1x256xi32>
    %eq3A_2726 = arith.constant 1 : i32
    %eq3A_2727 = vector.broadcast %eq3A_2726 : i32 to vector<1x256xi32>
    %eq3A_2728 = arith.cmpi eq, %and3A_2725, %eq3A_2727 : vector<1x256xi32>
    %broadcast_in_dim3A_2729 = vector.shape_cast %eq3A_2728 : vector<1x256xi1> to vector<1x1x256xi1>
    %slice3A_2730 = vector.extract_strided_slice %select_n3A_2719 {offsets = [32, 0, 0], sizes = [32, 8, 256], strides = [1, 1, 1]} : vector<64x8x256xf32> to vector<32x8x256xf32>
    %slice3A_2731 = vector.extract_strided_slice %select_n3A_2719 {offsets = [0, 0, 0], sizes = [32, 8, 256], strides = [1, 1, 1]} : vector<64x8x256xf32> to vector<32x8x256xf32>
    %broadcast_in_dim3A_2732 = vector.shape_cast %broadcast_in_dim3A_2729 : vector<1x1x256xi1> to vector<1x1x256xi1>
    %broadcast_in_dim3A_2733 = vector.broadcast %broadcast_in_dim3A_2732 : vector<1x1x256xi1> to vector<32x8x256xi1>
    %select_n3A_2734 = arith.select %broadcast_in_dim3A_2733, %slice3A_2730, %slice3A_2731 : vector<32x8x256xi1>, vector<32x8x256xf32>
    %shift_right_arithmetic3A_2735 = arith.constant 4 : i32
    %shift_right_arithmetic3A_2736 = vector.broadcast %shift_right_arithmetic3A_2735 : i32 to vector<1x256xi32>
    %shift_right_arithmetic3A_2737 = arith.shrsi %broadcast_in_dim3A_2017, %shift_right_arithmetic3A_2736 : vector<1x256xi32>
    %and3A_2738 = arith.constant 1 : i32
    %and3A_2739 = vector.broadcast %and3A_2738 : i32 to vector<1x256xi32>
    %and3A_2740 = arith.andi %shift_right_arithmetic3A_2737, %and3A_2739 : vector<1x256xi32>
    %eq3A_2741 = arith.constant 1 : i32
    %eq3A_2742 = vector.broadcast %eq3A_2741 : i32 to vector<1x256xi32>
    %eq3A_2743 = arith.cmpi eq, %and3A_2740, %eq3A_2742 : vector<1x256xi32>
    %broadcast_in_dim3A_2744 = vector.shape_cast %eq3A_2743 : vector<1x256xi1> to vector<1x1x256xi1>
    %slice3A_2745 = vector.extract_strided_slice %select_n3A_2734 {offsets = [16, 0, 0], sizes = [16, 8, 256], strides = [1, 1, 1]} : vector<32x8x256xf32> to vector<16x8x256xf32>
    %slice3A_2746 = vector.extract_strided_slice %select_n3A_2734 {offsets = [0, 0, 0], sizes = [16, 8, 256], strides = [1, 1, 1]} : vector<32x8x256xf32> to vector<16x8x256xf32>
    %broadcast_in_dim3A_2747 = vector.shape_cast %broadcast_in_dim3A_2744 : vector<1x1x256xi1> to vector<1x1x256xi1>
    %broadcast_in_dim3A_2748 = vector.broadcast %broadcast_in_dim3A_2747 : vector<1x1x256xi1> to vector<16x8x256xi1>
    %select_n3A_2749 = arith.select %broadcast_in_dim3A_2748, %slice3A_2745, %slice3A_2746 : vector<16x8x256xi1>, vector<16x8x256xf32>
    %shift_right_arithmetic3A_2750 = arith.constant 3 : i32
    %shift_right_arithmetic3A_2751 = vector.broadcast %shift_right_arithmetic3A_2750 : i32 to vector<1x256xi32>
    %shift_right_arithmetic3A_2752 = arith.shrsi %broadcast_in_dim3A_2017, %shift_right_arithmetic3A_2751 : vector<1x256xi32>
    %and3A_2753 = arith.constant 1 : i32
    %and3A_2754 = vector.broadcast %and3A_2753 : i32 to vector<1x256xi32>
    %and3A_2755 = arith.andi %shift_right_arithmetic3A_2752, %and3A_2754 : vector<1x256xi32>
    %eq3A_2756 = arith.constant 1 : i32
    %eq3A_2757 = vector.broadcast %eq3A_2756 : i32 to vector<1x256xi32>
    %eq3A_2758 = arith.cmpi eq, %and3A_2755, %eq3A_2757 : vector<1x256xi32>
    %broadcast_in_dim3A_2759 = vector.shape_cast %eq3A_2758 : vector<1x256xi1> to vector<1x1x256xi1>
    %slice3A_2760 = vector.extract_strided_slice %select_n3A_2749 {offsets = [8, 0, 0], sizes = [8, 8, 256], strides = [1, 1, 1]} : vector<16x8x256xf32> to vector<8x8x256xf32>
    %slice3A_2761 = vector.extract_strided_slice %select_n3A_2749 {offsets = [0, 0, 0], sizes = [8, 8, 256], strides = [1, 1, 1]} : vector<16x8x256xf32> to vector<8x8x256xf32>
    %broadcast_in_dim3A_2762 = vector.shape_cast %broadcast_in_dim3A_2759 : vector<1x1x256xi1> to vector<1x1x256xi1>
    %broadcast_in_dim3A_2763 = vector.broadcast %broadcast_in_dim3A_2762 : vector<1x1x256xi1> to vector<8x8x256xi1>
    %select_n3A_2764 = arith.select %broadcast_in_dim3A_2763, %slice3A_2760, %slice3A_2761 : vector<8x8x256xi1>, vector<8x8x256xf32>
    %shift_right_arithmetic3A_2765 = arith.constant 2 : i32
    %shift_right_arithmetic3A_2766 = vector.broadcast %shift_right_arithmetic3A_2765 : i32 to vector<1x256xi32>
    %shift_right_arithmetic3A_2767 = arith.shrsi %broadcast_in_dim3A_2017, %shift_right_arithmetic3A_2766 : vector<1x256xi32>
    %and3A_2768 = arith.constant 1 : i32
    %and3A_2769 = vector.broadcast %and3A_2768 : i32 to vector<1x256xi32>
    %and3A_2770 = arith.andi %shift_right_arithmetic3A_2767, %and3A_2769 : vector<1x256xi32>
    %eq3A_2771 = arith.constant 1 : i32
    %eq3A_2772 = vector.broadcast %eq3A_2771 : i32 to vector<1x256xi32>
    %eq3A_2773 = arith.cmpi eq, %and3A_2770, %eq3A_2772 : vector<1x256xi32>
    %broadcast_in_dim3A_2774 = vector.shape_cast %eq3A_2773 : vector<1x256xi1> to vector<1x1x256xi1>
    %slice3A_2775 = vector.extract_strided_slice %select_n3A_2764 {offsets = [4, 0, 0], sizes = [4, 8, 256], strides = [1, 1, 1]} : vector<8x8x256xf32> to vector<4x8x256xf32>
    %slice3A_2776 = vector.extract_strided_slice %select_n3A_2764 {offsets = [0, 0, 0], sizes = [4, 8, 256], strides = [1, 1, 1]} : vector<8x8x256xf32> to vector<4x8x256xf32>
    %broadcast_in_dim3A_2777 = vector.shape_cast %broadcast_in_dim3A_2774 : vector<1x1x256xi1> to vector<1x1x256xi1>
    %broadcast_in_dim3A_2778 = vector.broadcast %broadcast_in_dim3A_2777 : vector<1x1x256xi1> to vector<4x8x256xi1>
    %select_n3A_2779 = arith.select %broadcast_in_dim3A_2778, %slice3A_2775, %slice3A_2776 : vector<4x8x256xi1>, vector<4x8x256xf32>
    %shift_right_arithmetic3A_2780 = arith.constant 1 : i32
    %shift_right_arithmetic3A_2781 = vector.broadcast %shift_right_arithmetic3A_2780 : i32 to vector<1x256xi32>
    %shift_right_arithmetic3A_2782 = arith.shrsi %broadcast_in_dim3A_2017, %shift_right_arithmetic3A_2781 : vector<1x256xi32>
    %and3A_2783 = arith.constant 1 : i32
    %and3A_2784 = vector.broadcast %and3A_2783 : i32 to vector<1x256xi32>
    %and3A_2785 = arith.andi %shift_right_arithmetic3A_2782, %and3A_2784 : vector<1x256xi32>
    %eq3A_2786 = arith.constant 1 : i32
    %eq3A_2787 = vector.broadcast %eq3A_2786 : i32 to vector<1x256xi32>
    %eq3A_2788 = arith.cmpi eq, %and3A_2785, %eq3A_2787 : vector<1x256xi32>
    %broadcast_in_dim3A_2789 = vector.shape_cast %eq3A_2788 : vector<1x256xi1> to vector<1x1x256xi1>
    %slice3A_2790 = vector.extract_strided_slice %select_n3A_2779 {offsets = [2, 0, 0], sizes = [2, 8, 256], strides = [1, 1, 1]} : vector<4x8x256xf32> to vector<2x8x256xf32>
    %slice3A_2791 = vector.extract_strided_slice %select_n3A_2779 {offsets = [0, 0, 0], sizes = [2, 8, 256], strides = [1, 1, 1]} : vector<4x8x256xf32> to vector<2x8x256xf32>
    %broadcast_in_dim3A_2792 = vector.shape_cast %broadcast_in_dim3A_2789 : vector<1x1x256xi1> to vector<1x1x256xi1>
    %broadcast_in_dim3A_2793 = vector.broadcast %broadcast_in_dim3A_2792 : vector<1x1x256xi1> to vector<2x8x256xi1>
    %select_n3A_2794 = arith.select %broadcast_in_dim3A_2793, %slice3A_2790, %slice3A_2791 : vector<2x8x256xi1>, vector<2x8x256xf32>
    %shift_right_arithmetic3A_2795 = arith.constant 0 : i32
    %shift_right_arithmetic3A_2796 = vector.broadcast %shift_right_arithmetic3A_2795 : i32 to vector<1x256xi32>
    %shift_right_arithmetic3A_2797 = arith.shrsi %broadcast_in_dim3A_2017, %shift_right_arithmetic3A_2796 : vector<1x256xi32>
    %and3A_2798 = arith.constant 1 : i32
    %and3A_2799 = vector.broadcast %and3A_2798 : i32 to vector<1x256xi32>
    %and3A_2800 = arith.andi %shift_right_arithmetic3A_2797, %and3A_2799 : vector<1x256xi32>
    %eq3A_2801 = arith.constant 1 : i32
    %eq3A_2802 = vector.broadcast %eq3A_2801 : i32 to vector<1x256xi32>
    %eq3A_2803 = arith.cmpi eq, %and3A_2800, %eq3A_2802 : vector<1x256xi32>
    %broadcast_in_dim3A_2804 = vector.shape_cast %eq3A_2803 : vector<1x256xi1> to vector<1x1x256xi1>
    %slice3A_2805 = vector.extract_strided_slice %select_n3A_2794 {offsets = [1, 0, 0], sizes = [1, 8, 256], strides = [1, 1, 1]} : vector<2x8x256xf32> to vector<1x8x256xf32>
    %slice3A_2806 = vector.extract_strided_slice %select_n3A_2794 {offsets = [0, 0, 0], sizes = [1, 8, 256], strides = [1, 1, 1]} : vector<2x8x256xf32> to vector<1x8x256xf32>
    %broadcast_in_dim3A_2807 = vector.shape_cast %broadcast_in_dim3A_2804 : vector<1x1x256xi1> to vector<1x1x256xi1>
    %broadcast_in_dim3A_2808 = vector.broadcast %broadcast_in_dim3A_2807 : vector<1x1x256xi1> to vector<1x8x256xi1>
    %select_n3A_2809 = arith.select %broadcast_in_dim3A_2808, %slice3A_2805, %slice3A_2806 : vector<1x8x256xi1>, vector<1x8x256xf32>
    %shift_right_arithmetic3A_2810 = arith.constant 9 : i32
    %shift_right_arithmetic3A_2811 = vector.broadcast %shift_right_arithmetic3A_2810 : i32 to vector<1x256xi32>
    %shift_right_arithmetic3A_2812 = arith.shrsi %broadcast_in_dim3A_2033, %shift_right_arithmetic3A_2811 : vector<1x256xi32>
    %and3A_2813 = arith.constant 1 : i32
    %and3A_2814 = vector.broadcast %and3A_2813 : i32 to vector<1x256xi32>
    %and3A_2815 = arith.andi %shift_right_arithmetic3A_2812, %and3A_2814 : vector<1x256xi32>
    %eq3A_2816 = arith.constant 1 : i32
    %eq3A_2817 = vector.broadcast %eq3A_2816 : i32 to vector<1x256xi32>
    %eq3A_2818 = arith.cmpi eq, %and3A_2815, %eq3A_2817 : vector<1x256xi32>
    %broadcast_in_dim3A_2819 = vector.shape_cast %eq3A_2818 : vector<1x256xi1> to vector<1x1x256xi1>
    %slice3A_2820 = vector.extract_strided_slice %reshape3A {offsets = [512, 0, 0], sizes = [512, 8, 256], strides = [1, 1, 1]} : vector<1024x8x256xf32> to vector<512x8x256xf32>
    %slice3A_2821 = vector.extract_strided_slice %reshape3A {offsets = [0, 0, 0], sizes = [512, 8, 256], strides = [1, 1, 1]} : vector<1024x8x256xf32> to vector<512x8x256xf32>
    %broadcast_in_dim3A_2822 = vector.shape_cast %broadcast_in_dim3A_2819 : vector<1x1x256xi1> to vector<1x1x256xi1>
    %broadcast_in_dim3A_2823 = vector.broadcast %broadcast_in_dim3A_2822 : vector<1x1x256xi1> to vector<512x8x256xi1>
    %select_n3A_2824 = arith.select %broadcast_in_dim3A_2823, %slice3A_2820, %slice3A_2821 : vector<512x8x256xi1>, vector<512x8x256xf32>
    %shift_right_arithmetic3A_2825 = arith.constant 8 : i32
    %shift_right_arithmetic3A_2826 = vector.broadcast %shift_right_arithmetic3A_2825 : i32 to vector<1x256xi32>
    %shift_right_arithmetic3A_2827 = arith.shrsi %broadcast_in_dim3A_2033, %shift_right_arithmetic3A_2826 : vector<1x256xi32>
    %and3A_2828 = arith.constant 1 : i32
    %and3A_2829 = vector.broadcast %and3A_2828 : i32 to vector<1x256xi32>
    %and3A_2830 = arith.andi %shift_right_arithmetic3A_2827, %and3A_2829 : vector<1x256xi32>
    %eq3A_2831 = arith.constant 1 : i32
    %eq3A_2832 = vector.broadcast %eq3A_2831 : i32 to vector<1x256xi32>
    %eq3A_2833 = arith.cmpi eq, %and3A_2830, %eq3A_2832 : vector<1x256xi32>
    %broadcast_in_dim3A_2834 = vector.shape_cast %eq3A_2833 : vector<1x256xi1> to vector<1x1x256xi1>
    %slice3A_2835 = vector.extract_strided_slice %select_n3A_2824 {offsets = [256, 0, 0], sizes = [256, 8, 256], strides = [1, 1, 1]} : vector<512x8x256xf32> to vector<256x8x256xf32>
    %slice3A_2836 = vector.extract_strided_slice %select_n3A_2824 {offsets = [0, 0, 0], sizes = [256, 8, 256], strides = [1, 1, 1]} : vector<512x8x256xf32> to vector<256x8x256xf32>
    %broadcast_in_dim3A_2837 = vector.shape_cast %broadcast_in_dim3A_2834 : vector<1x1x256xi1> to vector<1x1x256xi1>
    %broadcast_in_dim3A_2838 = vector.broadcast %broadcast_in_dim3A_2837 : vector<1x1x256xi1> to vector<256x8x256xi1>
    %select_n3A_2839 = arith.select %broadcast_in_dim3A_2838, %slice3A_2835, %slice3A_2836 : vector<256x8x256xi1>, vector<256x8x256xf32>
    %shift_right_arithmetic3A_2840 = arith.constant 7 : i32
    %shift_right_arithmetic3A_2841 = vector.broadcast %shift_right_arithmetic3A_2840 : i32 to vector<1x256xi32>
    %shift_right_arithmetic3A_2842 = arith.shrsi %broadcast_in_dim3A_2033, %shift_right_arithmetic3A_2841 : vector<1x256xi32>
    %and3A_2843 = arith.constant 1 : i32
    %and3A_2844 = vector.broadcast %and3A_2843 : i32 to vector<1x256xi32>
    %and3A_2845 = arith.andi %shift_right_arithmetic3A_2842, %and3A_2844 : vector<1x256xi32>
    %eq3A_2846 = arith.constant 1 : i32
    %eq3A_2847 = vector.broadcast %eq3A_2846 : i32 to vector<1x256xi32>
    %eq3A_2848 = arith.cmpi eq, %and3A_2845, %eq3A_2847 : vector<1x256xi32>
    %broadcast_in_dim3A_2849 = vector.shape_cast %eq3A_2848 : vector<1x256xi1> to vector<1x1x256xi1>
    %slice3A_2850 = vector.extract_strided_slice %select_n3A_2839 {offsets = [128, 0, 0], sizes = [128, 8, 256], strides = [1, 1, 1]} : vector<256x8x256xf32> to vector<128x8x256xf32>
    %slice3A_2851 = vector.extract_strided_slice %select_n3A_2839 {offsets = [0, 0, 0], sizes = [128, 8, 256], strides = [1, 1, 1]} : vector<256x8x256xf32> to vector<128x8x256xf32>
    %broadcast_in_dim3A_2852 = vector.shape_cast %broadcast_in_dim3A_2849 : vector<1x1x256xi1> to vector<1x1x256xi1>
    %broadcast_in_dim3A_2853 = vector.broadcast %broadcast_in_dim3A_2852 : vector<1x1x256xi1> to vector<128x8x256xi1>
    %select_n3A_2854 = arith.select %broadcast_in_dim3A_2853, %slice3A_2850, %slice3A_2851 : vector<128x8x256xi1>, vector<128x8x256xf32>
    %shift_right_arithmetic3A_2855 = arith.constant 6 : i32
    %shift_right_arithmetic3A_2856 = vector.broadcast %shift_right_arithmetic3A_2855 : i32 to vector<1x256xi32>
    %shift_right_arithmetic3A_2857 = arith.shrsi %broadcast_in_dim3A_2033, %shift_right_arithmetic3A_2856 : vector<1x256xi32>
    %and3A_2858 = arith.constant 1 : i32
    %and3A_2859 = vector.broadcast %and3A_2858 : i32 to vector<1x256xi32>
    %and3A_2860 = arith.andi %shift_right_arithmetic3A_2857, %and3A_2859 : vector<1x256xi32>
    %eq3A_2861 = arith.constant 1 : i32
    %eq3A_2862 = vector.broadcast %eq3A_2861 : i32 to vector<1x256xi32>
    %eq3A_2863 = arith.cmpi eq, %and3A_2860, %eq3A_2862 : vector<1x256xi32>
    %broadcast_in_dim3A_2864 = vector.shape_cast %eq3A_2863 : vector<1x256xi1> to vector<1x1x256xi1>
    %slice3A_2865 = vector.extract_strided_slice %select_n3A_2854 {offsets = [64, 0, 0], sizes = [64, 8, 256], strides = [1, 1, 1]} : vector<128x8x256xf32> to vector<64x8x256xf32>
    %slice3A_2866 = vector.extract_strided_slice %select_n3A_2854 {offsets = [0, 0, 0], sizes = [64, 8, 256], strides = [1, 1, 1]} : vector<128x8x256xf32> to vector<64x8x256xf32>
    %broadcast_in_dim3A_2867 = vector.shape_cast %broadcast_in_dim3A_2864 : vector<1x1x256xi1> to vector<1x1x256xi1>
    %broadcast_in_dim3A_2868 = vector.broadcast %broadcast_in_dim3A_2867 : vector<1x1x256xi1> to vector<64x8x256xi1>
    %select_n3A_2869 = arith.select %broadcast_in_dim3A_2868, %slice3A_2865, %slice3A_2866 : vector<64x8x256xi1>, vector<64x8x256xf32>
    %shift_right_arithmetic3A_2870 = arith.constant 5 : i32
    %shift_right_arithmetic3A_2871 = vector.broadcast %shift_right_arithmetic3A_2870 : i32 to vector<1x256xi32>
    %shift_right_arithmetic3A_2872 = arith.shrsi %broadcast_in_dim3A_2033, %shift_right_arithmetic3A_2871 : vector<1x256xi32>
    %and3A_2873 = arith.constant 1 : i32
    %and3A_2874 = vector.broadcast %and3A_2873 : i32 to vector<1x256xi32>
    %and3A_2875 = arith.andi %shift_right_arithmetic3A_2872, %and3A_2874 : vector<1x256xi32>
    %eq3A_2876 = arith.constant 1 : i32
    %eq3A_2877 = vector.broadcast %eq3A_2876 : i32 to vector<1x256xi32>
    %eq3A_2878 = arith.cmpi eq, %and3A_2875, %eq3A_2877 : vector<1x256xi32>
    %broadcast_in_dim3A_2879 = vector.shape_cast %eq3A_2878 : vector<1x256xi1> to vector<1x1x256xi1>
    %slice3A_2880 = vector.extract_strided_slice %select_n3A_2869 {offsets = [32, 0, 0], sizes = [32, 8, 256], strides = [1, 1, 1]} : vector<64x8x256xf32> to vector<32x8x256xf32>
    %slice3A_2881 = vector.extract_strided_slice %select_n3A_2869 {offsets = [0, 0, 0], sizes = [32, 8, 256], strides = [1, 1, 1]} : vector<64x8x256xf32> to vector<32x8x256xf32>
    %broadcast_in_dim3A_2882 = vector.shape_cast %broadcast_in_dim3A_2879 : vector<1x1x256xi1> to vector<1x1x256xi1>
    %broadcast_in_dim3A_2883 = vector.broadcast %broadcast_in_dim3A_2882 : vector<1x1x256xi1> to vector<32x8x256xi1>
    %select_n3A_2884 = arith.select %broadcast_in_dim3A_2883, %slice3A_2880, %slice3A_2881 : vector<32x8x256xi1>, vector<32x8x256xf32>
    %shift_right_arithmetic3A_2885 = arith.constant 4 : i32
    %shift_right_arithmetic3A_2886 = vector.broadcast %shift_right_arithmetic3A_2885 : i32 to vector<1x256xi32>
    %shift_right_arithmetic3A_2887 = arith.shrsi %broadcast_in_dim3A_2033, %shift_right_arithmetic3A_2886 : vector<1x256xi32>
    %and3A_2888 = arith.constant 1 : i32
    %and3A_2889 = vector.broadcast %and3A_2888 : i32 to vector<1x256xi32>
    %and3A_2890 = arith.andi %shift_right_arithmetic3A_2887, %and3A_2889 : vector<1x256xi32>
    %eq3A_2891 = arith.constant 1 : i32
    %eq3A_2892 = vector.broadcast %eq3A_2891 : i32 to vector<1x256xi32>
    %eq3A_2893 = arith.cmpi eq, %and3A_2890, %eq3A_2892 : vector<1x256xi32>
    %broadcast_in_dim3A_2894 = vector.shape_cast %eq3A_2893 : vector<1x256xi1> to vector<1x1x256xi1>
    %slice3A_2895 = vector.extract_strided_slice %select_n3A_2884 {offsets = [16, 0, 0], sizes = [16, 8, 256], strides = [1, 1, 1]} : vector<32x8x256xf32> to vector<16x8x256xf32>
    %slice3A_2896 = vector.extract_strided_slice %select_n3A_2884 {offsets = [0, 0, 0], sizes = [16, 8, 256], strides = [1, 1, 1]} : vector<32x8x256xf32> to vector<16x8x256xf32>
    %broadcast_in_dim3A_2897 = vector.shape_cast %broadcast_in_dim3A_2894 : vector<1x1x256xi1> to vector<1x1x256xi1>
    %broadcast_in_dim3A_2898 = vector.broadcast %broadcast_in_dim3A_2897 : vector<1x1x256xi1> to vector<16x8x256xi1>
    %select_n3A_2899 = arith.select %broadcast_in_dim3A_2898, %slice3A_2895, %slice3A_2896 : vector<16x8x256xi1>, vector<16x8x256xf32>
    %shift_right_arithmetic3A_2900 = arith.constant 3 : i32
    %shift_right_arithmetic3A_2901 = vector.broadcast %shift_right_arithmetic3A_2900 : i32 to vector<1x256xi32>
    %shift_right_arithmetic3A_2902 = arith.shrsi %broadcast_in_dim3A_2033, %shift_right_arithmetic3A_2901 : vector<1x256xi32>
    %and3A_2903 = arith.constant 1 : i32
    %and3A_2904 = vector.broadcast %and3A_2903 : i32 to vector<1x256xi32>
    %and3A_2905 = arith.andi %shift_right_arithmetic3A_2902, %and3A_2904 : vector<1x256xi32>
    %eq3A_2906 = arith.constant 1 : i32
    %eq3A_2907 = vector.broadcast %eq3A_2906 : i32 to vector<1x256xi32>
    %eq3A_2908 = arith.cmpi eq, %and3A_2905, %eq3A_2907 : vector<1x256xi32>
    %broadcast_in_dim3A_2909 = vector.shape_cast %eq3A_2908 : vector<1x256xi1> to vector<1x1x256xi1>
    %slice3A_2910 = vector.extract_strided_slice %select_n3A_2899 {offsets = [8, 0, 0], sizes = [8, 8, 256], strides = [1, 1, 1]} : vector<16x8x256xf32> to vector<8x8x256xf32>
    %slice3A_2911 = vector.extract_strided_slice %select_n3A_2899 {offsets = [0, 0, 0], sizes = [8, 8, 256], strides = [1, 1, 1]} : vector<16x8x256xf32> to vector<8x8x256xf32>
    %broadcast_in_dim3A_2912 = vector.shape_cast %broadcast_in_dim3A_2909 : vector<1x1x256xi1> to vector<1x1x256xi1>
    %broadcast_in_dim3A_2913 = vector.broadcast %broadcast_in_dim3A_2912 : vector<1x1x256xi1> to vector<8x8x256xi1>
    %select_n3A_2914 = arith.select %broadcast_in_dim3A_2913, %slice3A_2910, %slice3A_2911 : vector<8x8x256xi1>, vector<8x8x256xf32>
    %shift_right_arithmetic3A_2915 = arith.constant 2 : i32
    %shift_right_arithmetic3A_2916 = vector.broadcast %shift_right_arithmetic3A_2915 : i32 to vector<1x256xi32>
    %shift_right_arithmetic3A_2917 = arith.shrsi %broadcast_in_dim3A_2033, %shift_right_arithmetic3A_2916 : vector<1x256xi32>
    %and3A_2918 = arith.constant 1 : i32
    %and3A_2919 = vector.broadcast %and3A_2918 : i32 to vector<1x256xi32>
    %and3A_2920 = arith.andi %shift_right_arithmetic3A_2917, %and3A_2919 : vector<1x256xi32>
    %eq3A_2921 = arith.constant 1 : i32
    %eq3A_2922 = vector.broadcast %eq3A_2921 : i32 to vector<1x256xi32>
    %eq3A_2923 = arith.cmpi eq, %and3A_2920, %eq3A_2922 : vector<1x256xi32>
    %broadcast_in_dim3A_2924 = vector.shape_cast %eq3A_2923 : vector<1x256xi1> to vector<1x1x256xi1>
    %slice3A_2925 = vector.extract_strided_slice %select_n3A_2914 {offsets = [4, 0, 0], sizes = [4, 8, 256], strides = [1, 1, 1]} : vector<8x8x256xf32> to vector<4x8x256xf32>
    %slice3A_2926 = vector.extract_strided_slice %select_n3A_2914 {offsets = [0, 0, 0], sizes = [4, 8, 256], strides = [1, 1, 1]} : vector<8x8x256xf32> to vector<4x8x256xf32>
    %broadcast_in_dim3A_2927 = vector.shape_cast %broadcast_in_dim3A_2924 : vector<1x1x256xi1> to vector<1x1x256xi1>
    %broadcast_in_dim3A_2928 = vector.broadcast %broadcast_in_dim3A_2927 : vector<1x1x256xi1> to vector<4x8x256xi1>
    %select_n3A_2929 = arith.select %broadcast_in_dim3A_2928, %slice3A_2925, %slice3A_2926 : vector<4x8x256xi1>, vector<4x8x256xf32>
    %shift_right_arithmetic3A_2930 = arith.constant 1 : i32
    %shift_right_arithmetic3A_2931 = vector.broadcast %shift_right_arithmetic3A_2930 : i32 to vector<1x256xi32>
    %shift_right_arithmetic3A_2932 = arith.shrsi %broadcast_in_dim3A_2033, %shift_right_arithmetic3A_2931 : vector<1x256xi32>
    %and3A_2933 = arith.constant 1 : i32
    %and3A_2934 = vector.broadcast %and3A_2933 : i32 to vector<1x256xi32>
    %and3A_2935 = arith.andi %shift_right_arithmetic3A_2932, %and3A_2934 : vector<1x256xi32>
    %eq3A_2936 = arith.constant 1 : i32
    %eq3A_2937 = vector.broadcast %eq3A_2936 : i32 to vector<1x256xi32>
    %eq3A_2938 = arith.cmpi eq, %and3A_2935, %eq3A_2937 : vector<1x256xi32>
    %broadcast_in_dim3A_2939 = vector.shape_cast %eq3A_2938 : vector<1x256xi1> to vector<1x1x256xi1>
    %slice3A_2940 = vector.extract_strided_slice %select_n3A_2929 {offsets = [2, 0, 0], sizes = [2, 8, 256], strides = [1, 1, 1]} : vector<4x8x256xf32> to vector<2x8x256xf32>
    %slice3A_2941 = vector.extract_strided_slice %select_n3A_2929 {offsets = [0, 0, 0], sizes = [2, 8, 256], strides = [1, 1, 1]} : vector<4x8x256xf32> to vector<2x8x256xf32>
    %broadcast_in_dim3A_2942 = vector.shape_cast %broadcast_in_dim3A_2939 : vector<1x1x256xi1> to vector<1x1x256xi1>
    %broadcast_in_dim3A_2943 = vector.broadcast %broadcast_in_dim3A_2942 : vector<1x1x256xi1> to vector<2x8x256xi1>
    %select_n3A_2944 = arith.select %broadcast_in_dim3A_2943, %slice3A_2940, %slice3A_2941 : vector<2x8x256xi1>, vector<2x8x256xf32>
    %shift_right_arithmetic3A_2945 = arith.constant 0 : i32
    %shift_right_arithmetic3A_2946 = vector.broadcast %shift_right_arithmetic3A_2945 : i32 to vector<1x256xi32>
    %shift_right_arithmetic3A_2947 = arith.shrsi %broadcast_in_dim3A_2033, %shift_right_arithmetic3A_2946 : vector<1x256xi32>
    %and3A_2948 = arith.constant 1 : i32
    %and3A_2949 = vector.broadcast %and3A_2948 : i32 to vector<1x256xi32>
    %and3A_2950 = arith.andi %shift_right_arithmetic3A_2947, %and3A_2949 : vector<1x256xi32>
    %eq3A_2951 = arith.constant 1 : i32
    %eq3A_2952 = vector.broadcast %eq3A_2951 : i32 to vector<1x256xi32>
    %eq3A_2953 = arith.cmpi eq, %and3A_2950, %eq3A_2952 : vector<1x256xi32>
    %broadcast_in_dim3A_2954 = vector.shape_cast %eq3A_2953 : vector<1x256xi1> to vector<1x1x256xi1>
    %slice3A_2955 = vector.extract_strided_slice %select_n3A_2944 {offsets = [1, 0, 0], sizes = [1, 8, 256], strides = [1, 1, 1]} : vector<2x8x256xf32> to vector<1x8x256xf32>
    %slice3A_2956 = vector.extract_strided_slice %select_n3A_2944 {offsets = [0, 0, 0], sizes = [1, 8, 256], strides = [1, 1, 1]} : vector<2x8x256xf32> to vector<1x8x256xf32>
    %broadcast_in_dim3A_2957 = vector.shape_cast %broadcast_in_dim3A_2954 : vector<1x1x256xi1> to vector<1x1x256xi1>
    %broadcast_in_dim3A_2958 = vector.broadcast %broadcast_in_dim3A_2957 : vector<1x1x256xi1> to vector<1x8x256xi1>
    %select_n3A_2959 = arith.select %broadcast_in_dim3A_2958, %slice3A_2955, %slice3A_2956 : vector<1x8x256xi1>, vector<1x8x256xf32>
    %shift_right_arithmetic3A_2960 = arith.constant 9 : i32
    %shift_right_arithmetic3A_2961 = vector.broadcast %shift_right_arithmetic3A_2960 : i32 to vector<1x256xi32>
    %shift_right_arithmetic3A_2962 = arith.shrsi %broadcast_in_dim3A_2049, %shift_right_arithmetic3A_2961 : vector<1x256xi32>
    %and3A_2963 = arith.constant 1 : i32
    %and3A_2964 = vector.broadcast %and3A_2963 : i32 to vector<1x256xi32>
    %and3A_2965 = arith.andi %shift_right_arithmetic3A_2962, %and3A_2964 : vector<1x256xi32>
    %eq3A_2966 = arith.constant 1 : i32
    %eq3A_2967 = vector.broadcast %eq3A_2966 : i32 to vector<1x256xi32>
    %eq3A_2968 = arith.cmpi eq, %and3A_2965, %eq3A_2967 : vector<1x256xi32>
    %broadcast_in_dim3A_2969 = vector.shape_cast %eq3A_2968 : vector<1x256xi1> to vector<1x1x256xi1>
    %slice3A_2970 = vector.extract_strided_slice %reshape3A {offsets = [512, 0, 0], sizes = [512, 8, 256], strides = [1, 1, 1]} : vector<1024x8x256xf32> to vector<512x8x256xf32>
    %slice3A_2971 = vector.extract_strided_slice %reshape3A {offsets = [0, 0, 0], sizes = [512, 8, 256], strides = [1, 1, 1]} : vector<1024x8x256xf32> to vector<512x8x256xf32>
    %broadcast_in_dim3A_2972 = vector.shape_cast %broadcast_in_dim3A_2969 : vector<1x1x256xi1> to vector<1x1x256xi1>
    %broadcast_in_dim3A_2973 = vector.broadcast %broadcast_in_dim3A_2972 : vector<1x1x256xi1> to vector<512x8x256xi1>
    %select_n3A_2974 = arith.select %broadcast_in_dim3A_2973, %slice3A_2970, %slice3A_2971 : vector<512x8x256xi1>, vector<512x8x256xf32>
    %shift_right_arithmetic3A_2975 = arith.constant 8 : i32
    %shift_right_arithmetic3A_2976 = vector.broadcast %shift_right_arithmetic3A_2975 : i32 to vector<1x256xi32>
    %shift_right_arithmetic3A_2977 = arith.shrsi %broadcast_in_dim3A_2049, %shift_right_arithmetic3A_2976 : vector<1x256xi32>
    %and3A_2978 = arith.constant 1 : i32
    %and3A_2979 = vector.broadcast %and3A_2978 : i32 to vector<1x256xi32>
    %and3A_2980 = arith.andi %shift_right_arithmetic3A_2977, %and3A_2979 : vector<1x256xi32>
    %eq3A_2981 = arith.constant 1 : i32
    %eq3A_2982 = vector.broadcast %eq3A_2981 : i32 to vector<1x256xi32>
    %eq3A_2983 = arith.cmpi eq, %and3A_2980, %eq3A_2982 : vector<1x256xi32>
    %broadcast_in_dim3A_2984 = vector.shape_cast %eq3A_2983 : vector<1x256xi1> to vector<1x1x256xi1>
    %slice3A_2985 = vector.extract_strided_slice %select_n3A_2974 {offsets = [256, 0, 0], sizes = [256, 8, 256], strides = [1, 1, 1]} : vector<512x8x256xf32> to vector<256x8x256xf32>
    %slice3A_2986 = vector.extract_strided_slice %select_n3A_2974 {offsets = [0, 0, 0], sizes = [256, 8, 256], strides = [1, 1, 1]} : vector<512x8x256xf32> to vector<256x8x256xf32>
    %broadcast_in_dim3A_2987 = vector.shape_cast %broadcast_in_dim3A_2984 : vector<1x1x256xi1> to vector<1x1x256xi1>
    %broadcast_in_dim3A_2988 = vector.broadcast %broadcast_in_dim3A_2987 : vector<1x1x256xi1> to vector<256x8x256xi1>
    %select_n3A_2989 = arith.select %broadcast_in_dim3A_2988, %slice3A_2985, %slice3A_2986 : vector<256x8x256xi1>, vector<256x8x256xf32>
    %shift_right_arithmetic3A_2990 = arith.constant 7 : i32
    %shift_right_arithmetic3A_2991 = vector.broadcast %shift_right_arithmetic3A_2990 : i32 to vector<1x256xi32>
    %shift_right_arithmetic3A_2992 = arith.shrsi %broadcast_in_dim3A_2049, %shift_right_arithmetic3A_2991 : vector<1x256xi32>
    %and3A_2993 = arith.constant 1 : i32
    %and3A_2994 = vector.broadcast %and3A_2993 : i32 to vector<1x256xi32>
    %and3A_2995 = arith.andi %shift_right_arithmetic3A_2992, %and3A_2994 : vector<1x256xi32>
    %eq3A_2996 = arith.constant 1 : i32
    %eq3A_2997 = vector.broadcast %eq3A_2996 : i32 to vector<1x256xi32>
    %eq3A_2998 = arith.cmpi eq, %and3A_2995, %eq3A_2997 : vector<1x256xi32>
    %broadcast_in_dim3A_2999 = vector.shape_cast %eq3A_2998 : vector<1x256xi1> to vector<1x1x256xi1>
    %slice3A_3000 = vector.extract_strided_slice %select_n3A_2989 {offsets = [128, 0, 0], sizes = [128, 8, 256], strides = [1, 1, 1]} : vector<256x8x256xf32> to vector<128x8x256xf32>
    %slice3A_3001 = vector.extract_strided_slice %select_n3A_2989 {offsets = [0, 0, 0], sizes = [128, 8, 256], strides = [1, 1, 1]} : vector<256x8x256xf32> to vector<128x8x256xf32>
    %broadcast_in_dim3A_3002 = vector.shape_cast %broadcast_in_dim3A_2999 : vector<1x1x256xi1> to vector<1x1x256xi1>
    %broadcast_in_dim3A_3003 = vector.broadcast %broadcast_in_dim3A_3002 : vector<1x1x256xi1> to vector<128x8x256xi1>
    %select_n3A_3004 = arith.select %broadcast_in_dim3A_3003, %slice3A_3000, %slice3A_3001 : vector<128x8x256xi1>, vector<128x8x256xf32>
    %shift_right_arithmetic3A_3005 = arith.constant 6 : i32
    %shift_right_arithmetic3A_3006 = vector.broadcast %shift_right_arithmetic3A_3005 : i32 to vector<1x256xi32>
    %shift_right_arithmetic3A_3007 = arith.shrsi %broadcast_in_dim3A_2049, %shift_right_arithmetic3A_3006 : vector<1x256xi32>
    %and3A_3008 = arith.constant 1 : i32
    %and3A_3009 = vector.broadcast %and3A_3008 : i32 to vector<1x256xi32>
    %and3A_3010 = arith.andi %shift_right_arithmetic3A_3007, %and3A_3009 : vector<1x256xi32>
    %eq3A_3011 = arith.constant 1 : i32
    %eq3A_3012 = vector.broadcast %eq3A_3011 : i32 to vector<1x256xi32>
    %eq3A_3013 = arith.cmpi eq, %and3A_3010, %eq3A_3012 : vector<1x256xi32>
    %broadcast_in_dim3A_3014 = vector.shape_cast %eq3A_3013 : vector<1x256xi1> to vector<1x1x256xi1>
    %slice3A_3015 = vector.extract_strided_slice %select_n3A_3004 {offsets = [64, 0, 0], sizes = [64, 8, 256], strides = [1, 1, 1]} : vector<128x8x256xf32> to vector<64x8x256xf32>
    %slice3A_3016 = vector.extract_strided_slice %select_n3A_3004 {offsets = [0, 0, 0], sizes = [64, 8, 256], strides = [1, 1, 1]} : vector<128x8x256xf32> to vector<64x8x256xf32>
    %broadcast_in_dim3A_3017 = vector.shape_cast %broadcast_in_dim3A_3014 : vector<1x1x256xi1> to vector<1x1x256xi1>
    %broadcast_in_dim3A_3018 = vector.broadcast %broadcast_in_dim3A_3017 : vector<1x1x256xi1> to vector<64x8x256xi1>
    %select_n3A_3019 = arith.select %broadcast_in_dim3A_3018, %slice3A_3015, %slice3A_3016 : vector<64x8x256xi1>, vector<64x8x256xf32>
    %shift_right_arithmetic3A_3020 = arith.constant 5 : i32
    %shift_right_arithmetic3A_3021 = vector.broadcast %shift_right_arithmetic3A_3020 : i32 to vector<1x256xi32>
    %shift_right_arithmetic3A_3022 = arith.shrsi %broadcast_in_dim3A_2049, %shift_right_arithmetic3A_3021 : vector<1x256xi32>
    %and3A_3023 = arith.constant 1 : i32
    %and3A_3024 = vector.broadcast %and3A_3023 : i32 to vector<1x256xi32>
    %and3A_3025 = arith.andi %shift_right_arithmetic3A_3022, %and3A_3024 : vector<1x256xi32>
    %eq3A_3026 = arith.constant 1 : i32
    %eq3A_3027 = vector.broadcast %eq3A_3026 : i32 to vector<1x256xi32>
    %eq3A_3028 = arith.cmpi eq, %and3A_3025, %eq3A_3027 : vector<1x256xi32>
    %broadcast_in_dim3A_3029 = vector.shape_cast %eq3A_3028 : vector<1x256xi1> to vector<1x1x256xi1>
    %slice3A_3030 = vector.extract_strided_slice %select_n3A_3019 {offsets = [32, 0, 0], sizes = [32, 8, 256], strides = [1, 1, 1]} : vector<64x8x256xf32> to vector<32x8x256xf32>
    %slice3A_3031 = vector.extract_strided_slice %select_n3A_3019 {offsets = [0, 0, 0], sizes = [32, 8, 256], strides = [1, 1, 1]} : vector<64x8x256xf32> to vector<32x8x256xf32>
    %broadcast_in_dim3A_3032 = vector.shape_cast %broadcast_in_dim3A_3029 : vector<1x1x256xi1> to vector<1x1x256xi1>
    %broadcast_in_dim3A_3033 = vector.broadcast %broadcast_in_dim3A_3032 : vector<1x1x256xi1> to vector<32x8x256xi1>
    %select_n3A_3034 = arith.select %broadcast_in_dim3A_3033, %slice3A_3030, %slice3A_3031 : vector<32x8x256xi1>, vector<32x8x256xf32>
    %shift_right_arithmetic3A_3035 = arith.constant 4 : i32
    %shift_right_arithmetic3A_3036 = vector.broadcast %shift_right_arithmetic3A_3035 : i32 to vector<1x256xi32>
    %shift_right_arithmetic3A_3037 = arith.shrsi %broadcast_in_dim3A_2049, %shift_right_arithmetic3A_3036 : vector<1x256xi32>
    %and3A_3038 = arith.constant 1 : i32
    %and3A_3039 = vector.broadcast %and3A_3038 : i32 to vector<1x256xi32>
    %and3A_3040 = arith.andi %shift_right_arithmetic3A_3037, %and3A_3039 : vector<1x256xi32>
    %eq3A_3041 = arith.constant 1 : i32
    %eq3A_3042 = vector.broadcast %eq3A_3041 : i32 to vector<1x256xi32>
    %eq3A_3043 = arith.cmpi eq, %and3A_3040, %eq3A_3042 : vector<1x256xi32>
    %broadcast_in_dim3A_3044 = vector.shape_cast %eq3A_3043 : vector<1x256xi1> to vector<1x1x256xi1>
    %slice3A_3045 = vector.extract_strided_slice %select_n3A_3034 {offsets = [16, 0, 0], sizes = [16, 8, 256], strides = [1, 1, 1]} : vector<32x8x256xf32> to vector<16x8x256xf32>
    %slice3A_3046 = vector.extract_strided_slice %select_n3A_3034 {offsets = [0, 0, 0], sizes = [16, 8, 256], strides = [1, 1, 1]} : vector<32x8x256xf32> to vector<16x8x256xf32>
    %broadcast_in_dim3A_3047 = vector.shape_cast %broadcast_in_dim3A_3044 : vector<1x1x256xi1> to vector<1x1x256xi1>
    %broadcast_in_dim3A_3048 = vector.broadcast %broadcast_in_dim3A_3047 : vector<1x1x256xi1> to vector<16x8x256xi1>
    %select_n3A_3049 = arith.select %broadcast_in_dim3A_3048, %slice3A_3045, %slice3A_3046 : vector<16x8x256xi1>, vector<16x8x256xf32>
    %shift_right_arithmetic3A_3050 = arith.constant 3 : i32
    %shift_right_arithmetic3A_3051 = vector.broadcast %shift_right_arithmetic3A_3050 : i32 to vector<1x256xi32>
    %shift_right_arithmetic3A_3052 = arith.shrsi %broadcast_in_dim3A_2049, %shift_right_arithmetic3A_3051 : vector<1x256xi32>
    %and3A_3053 = arith.constant 1 : i32
    %and3A_3054 = vector.broadcast %and3A_3053 : i32 to vector<1x256xi32>
    %and3A_3055 = arith.andi %shift_right_arithmetic3A_3052, %and3A_3054 : vector<1x256xi32>
    %eq3A_3056 = arith.constant 1 : i32
    %eq3A_3057 = vector.broadcast %eq3A_3056 : i32 to vector<1x256xi32>
    %eq3A_3058 = arith.cmpi eq, %and3A_3055, %eq3A_3057 : vector<1x256xi32>
    %broadcast_in_dim3A_3059 = vector.shape_cast %eq3A_3058 : vector<1x256xi1> to vector<1x1x256xi1>
    %slice3A_3060 = vector.extract_strided_slice %select_n3A_3049 {offsets = [8, 0, 0], sizes = [8, 8, 256], strides = [1, 1, 1]} : vector<16x8x256xf32> to vector<8x8x256xf32>
    %slice3A_3061 = vector.extract_strided_slice %select_n3A_3049 {offsets = [0, 0, 0], sizes = [8, 8, 256], strides = [1, 1, 1]} : vector<16x8x256xf32> to vector<8x8x256xf32>
    %broadcast_in_dim3A_3062 = vector.shape_cast %broadcast_in_dim3A_3059 : vector<1x1x256xi1> to vector<1x1x256xi1>
    %broadcast_in_dim3A_3063 = vector.broadcast %broadcast_in_dim3A_3062 : vector<1x1x256xi1> to vector<8x8x256xi1>
    %select_n3A_3064 = arith.select %broadcast_in_dim3A_3063, %slice3A_3060, %slice3A_3061 : vector<8x8x256xi1>, vector<8x8x256xf32>
    %shift_right_arithmetic3A_3065 = arith.constant 2 : i32
    %shift_right_arithmetic3A_3066 = vector.broadcast %shift_right_arithmetic3A_3065 : i32 to vector<1x256xi32>
    %shift_right_arithmetic3A_3067 = arith.shrsi %broadcast_in_dim3A_2049, %shift_right_arithmetic3A_3066 : vector<1x256xi32>
    %and3A_3068 = arith.constant 1 : i32
    %and3A_3069 = vector.broadcast %and3A_3068 : i32 to vector<1x256xi32>
    %and3A_3070 = arith.andi %shift_right_arithmetic3A_3067, %and3A_3069 : vector<1x256xi32>
    %eq3A_3071 = arith.constant 1 : i32
    %eq3A_3072 = vector.broadcast %eq3A_3071 : i32 to vector<1x256xi32>
    %eq3A_3073 = arith.cmpi eq, %and3A_3070, %eq3A_3072 : vector<1x256xi32>
    %broadcast_in_dim3A_3074 = vector.shape_cast %eq3A_3073 : vector<1x256xi1> to vector<1x1x256xi1>
    %slice3A_3075 = vector.extract_strided_slice %select_n3A_3064 {offsets = [4, 0, 0], sizes = [4, 8, 256], strides = [1, 1, 1]} : vector<8x8x256xf32> to vector<4x8x256xf32>
    %slice3A_3076 = vector.extract_strided_slice %select_n3A_3064 {offsets = [0, 0, 0], sizes = [4, 8, 256], strides = [1, 1, 1]} : vector<8x8x256xf32> to vector<4x8x256xf32>
    %broadcast_in_dim3A_3077 = vector.shape_cast %broadcast_in_dim3A_3074 : vector<1x1x256xi1> to vector<1x1x256xi1>
    %broadcast_in_dim3A_3078 = vector.broadcast %broadcast_in_dim3A_3077 : vector<1x1x256xi1> to vector<4x8x256xi1>
    %select_n3A_3079 = arith.select %broadcast_in_dim3A_3078, %slice3A_3075, %slice3A_3076 : vector<4x8x256xi1>, vector<4x8x256xf32>
    %shift_right_arithmetic3A_3080 = arith.constant 1 : i32
    %shift_right_arithmetic3A_3081 = vector.broadcast %shift_right_arithmetic3A_3080 : i32 to vector<1x256xi32>
    %shift_right_arithmetic3A_3082 = arith.shrsi %broadcast_in_dim3A_2049, %shift_right_arithmetic3A_3081 : vector<1x256xi32>
    %and3A_3083 = arith.constant 1 : i32
    %and3A_3084 = vector.broadcast %and3A_3083 : i32 to vector<1x256xi32>
    %and3A_3085 = arith.andi %shift_right_arithmetic3A_3082, %and3A_3084 : vector<1x256xi32>
    %eq3A_3086 = arith.constant 1 : i32
    %eq3A_3087 = vector.broadcast %eq3A_3086 : i32 to vector<1x256xi32>
    %eq3A_3088 = arith.cmpi eq, %and3A_3085, %eq3A_3087 : vector<1x256xi32>
    %broadcast_in_dim3A_3089 = vector.shape_cast %eq3A_3088 : vector<1x256xi1> to vector<1x1x256xi1>
    %slice3A_3090 = vector.extract_strided_slice %select_n3A_3079 {offsets = [2, 0, 0], sizes = [2, 8, 256], strides = [1, 1, 1]} : vector<4x8x256xf32> to vector<2x8x256xf32>
    %slice3A_3091 = vector.extract_strided_slice %select_n3A_3079 {offsets = [0, 0, 0], sizes = [2, 8, 256], strides = [1, 1, 1]} : vector<4x8x256xf32> to vector<2x8x256xf32>
    %broadcast_in_dim3A_3092 = vector.shape_cast %broadcast_in_dim3A_3089 : vector<1x1x256xi1> to vector<1x1x256xi1>
    %broadcast_in_dim3A_3093 = vector.broadcast %broadcast_in_dim3A_3092 : vector<1x1x256xi1> to vector<2x8x256xi1>
    %select_n3A_3094 = arith.select %broadcast_in_dim3A_3093, %slice3A_3090, %slice3A_3091 : vector<2x8x256xi1>, vector<2x8x256xf32>
    %shift_right_arithmetic3A_3095 = arith.constant 0 : i32
    %shift_right_arithmetic3A_3096 = vector.broadcast %shift_right_arithmetic3A_3095 : i32 to vector<1x256xi32>
    %shift_right_arithmetic3A_3097 = arith.shrsi %broadcast_in_dim3A_2049, %shift_right_arithmetic3A_3096 : vector<1x256xi32>
    %and3A_3098 = arith.constant 1 : i32
    %and3A_3099 = vector.broadcast %and3A_3098 : i32 to vector<1x256xi32>
    %and3A_3100 = arith.andi %shift_right_arithmetic3A_3097, %and3A_3099 : vector<1x256xi32>
    %eq3A_3101 = arith.constant 1 : i32
    %eq3A_3102 = vector.broadcast %eq3A_3101 : i32 to vector<1x256xi32>
    %eq3A_3103 = arith.cmpi eq, %and3A_3100, %eq3A_3102 : vector<1x256xi32>
    %broadcast_in_dim3A_3104 = vector.shape_cast %eq3A_3103 : vector<1x256xi1> to vector<1x1x256xi1>
    %slice3A_3105 = vector.extract_strided_slice %select_n3A_3094 {offsets = [1, 0, 0], sizes = [1, 8, 256], strides = [1, 1, 1]} : vector<2x8x256xf32> to vector<1x8x256xf32>
    %slice3A_3106 = vector.extract_strided_slice %select_n3A_3094 {offsets = [0, 0, 0], sizes = [1, 8, 256], strides = [1, 1, 1]} : vector<2x8x256xf32> to vector<1x8x256xf32>
    %broadcast_in_dim3A_3107 = vector.shape_cast %broadcast_in_dim3A_3104 : vector<1x1x256xi1> to vector<1x1x256xi1>
    %broadcast_in_dim3A_3108 = vector.broadcast %broadcast_in_dim3A_3107 : vector<1x1x256xi1> to vector<1x8x256xi1>
    %select_n3A_3109 = arith.select %broadcast_in_dim3A_3108, %slice3A_3105, %slice3A_3106 : vector<1x8x256xi1>, vector<1x8x256xf32>
    %shift_right_arithmetic3A_3110 = arith.constant 9 : i32
    %shift_right_arithmetic3A_3111 = vector.broadcast %shift_right_arithmetic3A_3110 : i32 to vector<1x256xi32>
    %shift_right_arithmetic3A_3112 = arith.shrsi %broadcast_in_dim3A_2065, %shift_right_arithmetic3A_3111 : vector<1x256xi32>
    %and3A_3113 = arith.constant 1 : i32
    %and3A_3114 = vector.broadcast %and3A_3113 : i32 to vector<1x256xi32>
    %and3A_3115 = arith.andi %shift_right_arithmetic3A_3112, %and3A_3114 : vector<1x256xi32>
    %eq3A_3116 = arith.constant 1 : i32
    %eq3A_3117 = vector.broadcast %eq3A_3116 : i32 to vector<1x256xi32>
    %eq3A_3118 = arith.cmpi eq, %and3A_3115, %eq3A_3117 : vector<1x256xi32>
    %broadcast_in_dim3A_3119 = vector.shape_cast %eq3A_3118 : vector<1x256xi1> to vector<1x1x256xi1>
    %slice3A_3120 = vector.extract_strided_slice %reshape3A {offsets = [512, 0, 0], sizes = [512, 8, 256], strides = [1, 1, 1]} : vector<1024x8x256xf32> to vector<512x8x256xf32>
    %slice3A_3121 = vector.extract_strided_slice %reshape3A {offsets = [0, 0, 0], sizes = [512, 8, 256], strides = [1, 1, 1]} : vector<1024x8x256xf32> to vector<512x8x256xf32>
    %broadcast_in_dim3A_3122 = vector.shape_cast %broadcast_in_dim3A_3119 : vector<1x1x256xi1> to vector<1x1x256xi1>
    %broadcast_in_dim3A_3123 = vector.broadcast %broadcast_in_dim3A_3122 : vector<1x1x256xi1> to vector<512x8x256xi1>
    %select_n3A_3124 = arith.select %broadcast_in_dim3A_3123, %slice3A_3120, %slice3A_3121 : vector<512x8x256xi1>, vector<512x8x256xf32>
    %shift_right_arithmetic3A_3125 = arith.constant 8 : i32
    %shift_right_arithmetic3A_3126 = vector.broadcast %shift_right_arithmetic3A_3125 : i32 to vector<1x256xi32>
    %shift_right_arithmetic3A_3127 = arith.shrsi %broadcast_in_dim3A_2065, %shift_right_arithmetic3A_3126 : vector<1x256xi32>
    %and3A_3128 = arith.constant 1 : i32
    %and3A_3129 = vector.broadcast %and3A_3128 : i32 to vector<1x256xi32>
    %and3A_3130 = arith.andi %shift_right_arithmetic3A_3127, %and3A_3129 : vector<1x256xi32>
    %eq3A_3131 = arith.constant 1 : i32
    %eq3A_3132 = vector.broadcast %eq3A_3131 : i32 to vector<1x256xi32>
    %eq3A_3133 = arith.cmpi eq, %and3A_3130, %eq3A_3132 : vector<1x256xi32>
    %broadcast_in_dim3A_3134 = vector.shape_cast %eq3A_3133 : vector<1x256xi1> to vector<1x1x256xi1>
    %slice3A_3135 = vector.extract_strided_slice %select_n3A_3124 {offsets = [256, 0, 0], sizes = [256, 8, 256], strides = [1, 1, 1]} : vector<512x8x256xf32> to vector<256x8x256xf32>
    %slice3A_3136 = vector.extract_strided_slice %select_n3A_3124 {offsets = [0, 0, 0], sizes = [256, 8, 256], strides = [1, 1, 1]} : vector<512x8x256xf32> to vector<256x8x256xf32>
    %broadcast_in_dim3A_3137 = vector.shape_cast %broadcast_in_dim3A_3134 : vector<1x1x256xi1> to vector<1x1x256xi1>
    %broadcast_in_dim3A_3138 = vector.broadcast %broadcast_in_dim3A_3137 : vector<1x1x256xi1> to vector<256x8x256xi1>
    %select_n3A_3139 = arith.select %broadcast_in_dim3A_3138, %slice3A_3135, %slice3A_3136 : vector<256x8x256xi1>, vector<256x8x256xf32>
    %shift_right_arithmetic3A_3140 = arith.constant 7 : i32
    %shift_right_arithmetic3A_3141 = vector.broadcast %shift_right_arithmetic3A_3140 : i32 to vector<1x256xi32>
    %shift_right_arithmetic3A_3142 = arith.shrsi %broadcast_in_dim3A_2065, %shift_right_arithmetic3A_3141 : vector<1x256xi32>
    %and3A_3143 = arith.constant 1 : i32
    %and3A_3144 = vector.broadcast %and3A_3143 : i32 to vector<1x256xi32>
    %and3A_3145 = arith.andi %shift_right_arithmetic3A_3142, %and3A_3144 : vector<1x256xi32>
    %eq3A_3146 = arith.constant 1 : i32
    %eq3A_3147 = vector.broadcast %eq3A_3146 : i32 to vector<1x256xi32>
    %eq3A_3148 = arith.cmpi eq, %and3A_3145, %eq3A_3147 : vector<1x256xi32>
    %broadcast_in_dim3A_3149 = vector.shape_cast %eq3A_3148 : vector<1x256xi1> to vector<1x1x256xi1>
    %slice3A_3150 = vector.extract_strided_slice %select_n3A_3139 {offsets = [128, 0, 0], sizes = [128, 8, 256], strides = [1, 1, 1]} : vector<256x8x256xf32> to vector<128x8x256xf32>
    %slice3A_3151 = vector.extract_strided_slice %select_n3A_3139 {offsets = [0, 0, 0], sizes = [128, 8, 256], strides = [1, 1, 1]} : vector<256x8x256xf32> to vector<128x8x256xf32>
    %broadcast_in_dim3A_3152 = vector.shape_cast %broadcast_in_dim3A_3149 : vector<1x1x256xi1> to vector<1x1x256xi1>
    %broadcast_in_dim3A_3153 = vector.broadcast %broadcast_in_dim3A_3152 : vector<1x1x256xi1> to vector<128x8x256xi1>
    %select_n3A_3154 = arith.select %broadcast_in_dim3A_3153, %slice3A_3150, %slice3A_3151 : vector<128x8x256xi1>, vector<128x8x256xf32>
    %shift_right_arithmetic3A_3155 = arith.constant 6 : i32
    %shift_right_arithmetic3A_3156 = vector.broadcast %shift_right_arithmetic3A_3155 : i32 to vector<1x256xi32>
    %shift_right_arithmetic3A_3157 = arith.shrsi %broadcast_in_dim3A_2065, %shift_right_arithmetic3A_3156 : vector<1x256xi32>
    %and3A_3158 = arith.constant 1 : i32
    %and3A_3159 = vector.broadcast %and3A_3158 : i32 to vector<1x256xi32>
    %and3A_3160 = arith.andi %shift_right_arithmetic3A_3157, %and3A_3159 : vector<1x256xi32>
    %eq3A_3161 = arith.constant 1 : i32
    %eq3A_3162 = vector.broadcast %eq3A_3161 : i32 to vector<1x256xi32>
    %eq3A_3163 = arith.cmpi eq, %and3A_3160, %eq3A_3162 : vector<1x256xi32>
    %broadcast_in_dim3A_3164 = vector.shape_cast %eq3A_3163 : vector<1x256xi1> to vector<1x1x256xi1>
    %slice3A_3165 = vector.extract_strided_slice %select_n3A_3154 {offsets = [64, 0, 0], sizes = [64, 8, 256], strides = [1, 1, 1]} : vector<128x8x256xf32> to vector<64x8x256xf32>
    %slice3A_3166 = vector.extract_strided_slice %select_n3A_3154 {offsets = [0, 0, 0], sizes = [64, 8, 256], strides = [1, 1, 1]} : vector<128x8x256xf32> to vector<64x8x256xf32>
    %broadcast_in_dim3A_3167 = vector.shape_cast %broadcast_in_dim3A_3164 : vector<1x1x256xi1> to vector<1x1x256xi1>
    %broadcast_in_dim3A_3168 = vector.broadcast %broadcast_in_dim3A_3167 : vector<1x1x256xi1> to vector<64x8x256xi1>
    %select_n3A_3169 = arith.select %broadcast_in_dim3A_3168, %slice3A_3165, %slice3A_3166 : vector<64x8x256xi1>, vector<64x8x256xf32>
    %shift_right_arithmetic3A_3170 = arith.constant 5 : i32
    %shift_right_arithmetic3A_3171 = vector.broadcast %shift_right_arithmetic3A_3170 : i32 to vector<1x256xi32>
    %shift_right_arithmetic3A_3172 = arith.shrsi %broadcast_in_dim3A_2065, %shift_right_arithmetic3A_3171 : vector<1x256xi32>
    %and3A_3173 = arith.constant 1 : i32
    %and3A_3174 = vector.broadcast %and3A_3173 : i32 to vector<1x256xi32>
    %and3A_3175 = arith.andi %shift_right_arithmetic3A_3172, %and3A_3174 : vector<1x256xi32>
    %eq3A_3176 = arith.constant 1 : i32
    %eq3A_3177 = vector.broadcast %eq3A_3176 : i32 to vector<1x256xi32>
    %eq3A_3178 = arith.cmpi eq, %and3A_3175, %eq3A_3177 : vector<1x256xi32>
    %broadcast_in_dim3A_3179 = vector.shape_cast %eq3A_3178 : vector<1x256xi1> to vector<1x1x256xi1>
    %slice3A_3180 = vector.extract_strided_slice %select_n3A_3169 {offsets = [32, 0, 0], sizes = [32, 8, 256], strides = [1, 1, 1]} : vector<64x8x256xf32> to vector<32x8x256xf32>
    %slice3A_3181 = vector.extract_strided_slice %select_n3A_3169 {offsets = [0, 0, 0], sizes = [32, 8, 256], strides = [1, 1, 1]} : vector<64x8x256xf32> to vector<32x8x256xf32>
    %broadcast_in_dim3A_3182 = vector.shape_cast %broadcast_in_dim3A_3179 : vector<1x1x256xi1> to vector<1x1x256xi1>
    %broadcast_in_dim3A_3183 = vector.broadcast %broadcast_in_dim3A_3182 : vector<1x1x256xi1> to vector<32x8x256xi1>
    %select_n3A_3184 = arith.select %broadcast_in_dim3A_3183, %slice3A_3180, %slice3A_3181 : vector<32x8x256xi1>, vector<32x8x256xf32>
    %shift_right_arithmetic3A_3185 = arith.constant 4 : i32
    %shift_right_arithmetic3A_3186 = vector.broadcast %shift_right_arithmetic3A_3185 : i32 to vector<1x256xi32>
    %shift_right_arithmetic3A_3187 = arith.shrsi %broadcast_in_dim3A_2065, %shift_right_arithmetic3A_3186 : vector<1x256xi32>
    %and3A_3188 = arith.constant 1 : i32
    %and3A_3189 = vector.broadcast %and3A_3188 : i32 to vector<1x256xi32>
    %and3A_3190 = arith.andi %shift_right_arithmetic3A_3187, %and3A_3189 : vector<1x256xi32>
    %eq3A_3191 = arith.constant 1 : i32
    %eq3A_3192 = vector.broadcast %eq3A_3191 : i32 to vector<1x256xi32>
    %eq3A_3193 = arith.cmpi eq, %and3A_3190, %eq3A_3192 : vector<1x256xi32>
    %broadcast_in_dim3A_3194 = vector.shape_cast %eq3A_3193 : vector<1x256xi1> to vector<1x1x256xi1>
    %slice3A_3195 = vector.extract_strided_slice %select_n3A_3184 {offsets = [16, 0, 0], sizes = [16, 8, 256], strides = [1, 1, 1]} : vector<32x8x256xf32> to vector<16x8x256xf32>
    %slice3A_3196 = vector.extract_strided_slice %select_n3A_3184 {offsets = [0, 0, 0], sizes = [16, 8, 256], strides = [1, 1, 1]} : vector<32x8x256xf32> to vector<16x8x256xf32>
    %broadcast_in_dim3A_3197 = vector.shape_cast %broadcast_in_dim3A_3194 : vector<1x1x256xi1> to vector<1x1x256xi1>
    %broadcast_in_dim3A_3198 = vector.broadcast %broadcast_in_dim3A_3197 : vector<1x1x256xi1> to vector<16x8x256xi1>
    %select_n3A_3199 = arith.select %broadcast_in_dim3A_3198, %slice3A_3195, %slice3A_3196 : vector<16x8x256xi1>, vector<16x8x256xf32>
    %shift_right_arithmetic3A_3200 = arith.constant 3 : i32
    %shift_right_arithmetic3A_3201 = vector.broadcast %shift_right_arithmetic3A_3200 : i32 to vector<1x256xi32>
    %shift_right_arithmetic3A_3202 = arith.shrsi %broadcast_in_dim3A_2065, %shift_right_arithmetic3A_3201 : vector<1x256xi32>
    %and3A_3203 = arith.constant 1 : i32
    %and3A_3204 = vector.broadcast %and3A_3203 : i32 to vector<1x256xi32>
    %and3A_3205 = arith.andi %shift_right_arithmetic3A_3202, %and3A_3204 : vector<1x256xi32>
    %eq3A_3206 = arith.constant 1 : i32
    %eq3A_3207 = vector.broadcast %eq3A_3206 : i32 to vector<1x256xi32>
    %eq3A_3208 = arith.cmpi eq, %and3A_3205, %eq3A_3207 : vector<1x256xi32>
    %broadcast_in_dim3A_3209 = vector.shape_cast %eq3A_3208 : vector<1x256xi1> to vector<1x1x256xi1>
    %slice3A_3210 = vector.extract_strided_slice %select_n3A_3199 {offsets = [8, 0, 0], sizes = [8, 8, 256], strides = [1, 1, 1]} : vector<16x8x256xf32> to vector<8x8x256xf32>
    %slice3A_3211 = vector.extract_strided_slice %select_n3A_3199 {offsets = [0, 0, 0], sizes = [8, 8, 256], strides = [1, 1, 1]} : vector<16x8x256xf32> to vector<8x8x256xf32>
    %broadcast_in_dim3A_3212 = vector.shape_cast %broadcast_in_dim3A_3209 : vector<1x1x256xi1> to vector<1x1x256xi1>
    %broadcast_in_dim3A_3213 = vector.broadcast %broadcast_in_dim3A_3212 : vector<1x1x256xi1> to vector<8x8x256xi1>
    %select_n3A_3214 = arith.select %broadcast_in_dim3A_3213, %slice3A_3210, %slice3A_3211 : vector<8x8x256xi1>, vector<8x8x256xf32>
    %shift_right_arithmetic3A_3215 = arith.constant 2 : i32
    %shift_right_arithmetic3A_3216 = vector.broadcast %shift_right_arithmetic3A_3215 : i32 to vector<1x256xi32>
    %shift_right_arithmetic3A_3217 = arith.shrsi %broadcast_in_dim3A_2065, %shift_right_arithmetic3A_3216 : vector<1x256xi32>
    %and3A_3218 = arith.constant 1 : i32
    %and3A_3219 = vector.broadcast %and3A_3218 : i32 to vector<1x256xi32>
    %and3A_3220 = arith.andi %shift_right_arithmetic3A_3217, %and3A_3219 : vector<1x256xi32>
    %eq3A_3221 = arith.constant 1 : i32
    %eq3A_3222 = vector.broadcast %eq3A_3221 : i32 to vector<1x256xi32>
    %eq3A_3223 = arith.cmpi eq, %and3A_3220, %eq3A_3222 : vector<1x256xi32>
    %broadcast_in_dim3A_3224 = vector.shape_cast %eq3A_3223 : vector<1x256xi1> to vector<1x1x256xi1>
    %slice3A_3225 = vector.extract_strided_slice %select_n3A_3214 {offsets = [4, 0, 0], sizes = [4, 8, 256], strides = [1, 1, 1]} : vector<8x8x256xf32> to vector<4x8x256xf32>
    %slice3A_3226 = vector.extract_strided_slice %select_n3A_3214 {offsets = [0, 0, 0], sizes = [4, 8, 256], strides = [1, 1, 1]} : vector<8x8x256xf32> to vector<4x8x256xf32>
    %broadcast_in_dim3A_3227 = vector.shape_cast %broadcast_in_dim3A_3224 : vector<1x1x256xi1> to vector<1x1x256xi1>
    %broadcast_in_dim3A_3228 = vector.broadcast %broadcast_in_dim3A_3227 : vector<1x1x256xi1> to vector<4x8x256xi1>
    %select_n3A_3229 = arith.select %broadcast_in_dim3A_3228, %slice3A_3225, %slice3A_3226 : vector<4x8x256xi1>, vector<4x8x256xf32>
    %shift_right_arithmetic3A_3230 = arith.constant 1 : i32
    %shift_right_arithmetic3A_3231 = vector.broadcast %shift_right_arithmetic3A_3230 : i32 to vector<1x256xi32>
    %shift_right_arithmetic3A_3232 = arith.shrsi %broadcast_in_dim3A_2065, %shift_right_arithmetic3A_3231 : vector<1x256xi32>
    %and3A_3233 = arith.constant 1 : i32
    %and3A_3234 = vector.broadcast %and3A_3233 : i32 to vector<1x256xi32>
    %and3A_3235 = arith.andi %shift_right_arithmetic3A_3232, %and3A_3234 : vector<1x256xi32>
    %eq3A_3236 = arith.constant 1 : i32
    %eq3A_3237 = vector.broadcast %eq3A_3236 : i32 to vector<1x256xi32>
    %eq3A_3238 = arith.cmpi eq, %and3A_3235, %eq3A_3237 : vector<1x256xi32>
    %broadcast_in_dim3A_3239 = vector.shape_cast %eq3A_3238 : vector<1x256xi1> to vector<1x1x256xi1>
    %slice3A_3240 = vector.extract_strided_slice %select_n3A_3229 {offsets = [2, 0, 0], sizes = [2, 8, 256], strides = [1, 1, 1]} : vector<4x8x256xf32> to vector<2x8x256xf32>
    %slice3A_3241 = vector.extract_strided_slice %select_n3A_3229 {offsets = [0, 0, 0], sizes = [2, 8, 256], strides = [1, 1, 1]} : vector<4x8x256xf32> to vector<2x8x256xf32>
    %broadcast_in_dim3A_3242 = vector.shape_cast %broadcast_in_dim3A_3239 : vector<1x1x256xi1> to vector<1x1x256xi1>
    %broadcast_in_dim3A_3243 = vector.broadcast %broadcast_in_dim3A_3242 : vector<1x1x256xi1> to vector<2x8x256xi1>
    %select_n3A_3244 = arith.select %broadcast_in_dim3A_3243, %slice3A_3240, %slice3A_3241 : vector<2x8x256xi1>, vector<2x8x256xf32>
    %shift_right_arithmetic3A_3245 = arith.constant 0 : i32
    %shift_right_arithmetic3A_3246 = vector.broadcast %shift_right_arithmetic3A_3245 : i32 to vector<1x256xi32>
    %shift_right_arithmetic3A_3247 = arith.shrsi %broadcast_in_dim3A_2065, %shift_right_arithmetic3A_3246 : vector<1x256xi32>
    %and3A_3248 = arith.constant 1 : i32
    %and3A_3249 = vector.broadcast %and3A_3248 : i32 to vector<1x256xi32>
    %and3A_3250 = arith.andi %shift_right_arithmetic3A_3247, %and3A_3249 : vector<1x256xi32>
    %eq3A_3251 = arith.constant 1 : i32
    %eq3A_3252 = vector.broadcast %eq3A_3251 : i32 to vector<1x256xi32>
    %eq3A_3253 = arith.cmpi eq, %and3A_3250, %eq3A_3252 : vector<1x256xi32>
    %broadcast_in_dim3A_3254 = vector.shape_cast %eq3A_3253 : vector<1x256xi1> to vector<1x1x256xi1>
    %slice3A_3255 = vector.extract_strided_slice %select_n3A_3244 {offsets = [1, 0, 0], sizes = [1, 8, 256], strides = [1, 1, 1]} : vector<2x8x256xf32> to vector<1x8x256xf32>
    %slice3A_3256 = vector.extract_strided_slice %select_n3A_3244 {offsets = [0, 0, 0], sizes = [1, 8, 256], strides = [1, 1, 1]} : vector<2x8x256xf32> to vector<1x8x256xf32>
    %broadcast_in_dim3A_3257 = vector.shape_cast %broadcast_in_dim3A_3254 : vector<1x1x256xi1> to vector<1x1x256xi1>
    %broadcast_in_dim3A_3258 = vector.broadcast %broadcast_in_dim3A_3257 : vector<1x1x256xi1> to vector<1x8x256xi1>
    %select_n3A_3259 = arith.select %broadcast_in_dim3A_3258, %slice3A_3255, %slice3A_3256 : vector<1x8x256xi1>, vector<1x8x256xf32>
    %shift_right_arithmetic3A_3260 = arith.constant 9 : i32
    %shift_right_arithmetic3A_3261 = vector.broadcast %shift_right_arithmetic3A_3260 : i32 to vector<1x256xi32>
    %shift_right_arithmetic3A_3262 = arith.shrsi %broadcast_in_dim3A_2081, %shift_right_arithmetic3A_3261 : vector<1x256xi32>
    %and3A_3263 = arith.constant 1 : i32
    %and3A_3264 = vector.broadcast %and3A_3263 : i32 to vector<1x256xi32>
    %and3A_3265 = arith.andi %shift_right_arithmetic3A_3262, %and3A_3264 : vector<1x256xi32>
    %eq3A_3266 = arith.constant 1 : i32
    %eq3A_3267 = vector.broadcast %eq3A_3266 : i32 to vector<1x256xi32>
    %eq3A_3268 = arith.cmpi eq, %and3A_3265, %eq3A_3267 : vector<1x256xi32>
    %broadcast_in_dim3A_3269 = vector.shape_cast %eq3A_3268 : vector<1x256xi1> to vector<1x1x256xi1>
    %slice3A_3270 = vector.extract_strided_slice %reshape3A {offsets = [512, 0, 0], sizes = [512, 8, 256], strides = [1, 1, 1]} : vector<1024x8x256xf32> to vector<512x8x256xf32>
    %slice3A_3271 = vector.extract_strided_slice %reshape3A {offsets = [0, 0, 0], sizes = [512, 8, 256], strides = [1, 1, 1]} : vector<1024x8x256xf32> to vector<512x8x256xf32>
    %broadcast_in_dim3A_3272 = vector.shape_cast %broadcast_in_dim3A_3269 : vector<1x1x256xi1> to vector<1x1x256xi1>
    %broadcast_in_dim3A_3273 = vector.broadcast %broadcast_in_dim3A_3272 : vector<1x1x256xi1> to vector<512x8x256xi1>
    %select_n3A_3274 = arith.select %broadcast_in_dim3A_3273, %slice3A_3270, %slice3A_3271 : vector<512x8x256xi1>, vector<512x8x256xf32>
    %shift_right_arithmetic3A_3275 = arith.constant 8 : i32
    %shift_right_arithmetic3A_3276 = vector.broadcast %shift_right_arithmetic3A_3275 : i32 to vector<1x256xi32>
    %shift_right_arithmetic3A_3277 = arith.shrsi %broadcast_in_dim3A_2081, %shift_right_arithmetic3A_3276 : vector<1x256xi32>
    %and3A_3278 = arith.constant 1 : i32
    %and3A_3279 = vector.broadcast %and3A_3278 : i32 to vector<1x256xi32>
    %and3A_3280 = arith.andi %shift_right_arithmetic3A_3277, %and3A_3279 : vector<1x256xi32>
    %eq3A_3281 = arith.constant 1 : i32
    %eq3A_3282 = vector.broadcast %eq3A_3281 : i32 to vector<1x256xi32>
    %eq3A_3283 = arith.cmpi eq, %and3A_3280, %eq3A_3282 : vector<1x256xi32>
    %broadcast_in_dim3A_3284 = vector.shape_cast %eq3A_3283 : vector<1x256xi1> to vector<1x1x256xi1>
    %slice3A_3285 = vector.extract_strided_slice %select_n3A_3274 {offsets = [256, 0, 0], sizes = [256, 8, 256], strides = [1, 1, 1]} : vector<512x8x256xf32> to vector<256x8x256xf32>
    %slice3A_3286 = vector.extract_strided_slice %select_n3A_3274 {offsets = [0, 0, 0], sizes = [256, 8, 256], strides = [1, 1, 1]} : vector<512x8x256xf32> to vector<256x8x256xf32>
    %broadcast_in_dim3A_3287 = vector.shape_cast %broadcast_in_dim3A_3284 : vector<1x1x256xi1> to vector<1x1x256xi1>
    %broadcast_in_dim3A_3288 = vector.broadcast %broadcast_in_dim3A_3287 : vector<1x1x256xi1> to vector<256x8x256xi1>
    %select_n3A_3289 = arith.select %broadcast_in_dim3A_3288, %slice3A_3285, %slice3A_3286 : vector<256x8x256xi1>, vector<256x8x256xf32>
    %shift_right_arithmetic3A_3290 = arith.constant 7 : i32
    %shift_right_arithmetic3A_3291 = vector.broadcast %shift_right_arithmetic3A_3290 : i32 to vector<1x256xi32>
    %shift_right_arithmetic3A_3292 = arith.shrsi %broadcast_in_dim3A_2081, %shift_right_arithmetic3A_3291 : vector<1x256xi32>
    %and3A_3293 = arith.constant 1 : i32
    %and3A_3294 = vector.broadcast %and3A_3293 : i32 to vector<1x256xi32>
    %and3A_3295 = arith.andi %shift_right_arithmetic3A_3292, %and3A_3294 : vector<1x256xi32>
    %eq3A_3296 = arith.constant 1 : i32
    %eq3A_3297 = vector.broadcast %eq3A_3296 : i32 to vector<1x256xi32>
    %eq3A_3298 = arith.cmpi eq, %and3A_3295, %eq3A_3297 : vector<1x256xi32>
    %broadcast_in_dim3A_3299 = vector.shape_cast %eq3A_3298 : vector<1x256xi1> to vector<1x1x256xi1>
    %slice3A_3300 = vector.extract_strided_slice %select_n3A_3289 {offsets = [128, 0, 0], sizes = [128, 8, 256], strides = [1, 1, 1]} : vector<256x8x256xf32> to vector<128x8x256xf32>
    %slice3A_3301 = vector.extract_strided_slice %select_n3A_3289 {offsets = [0, 0, 0], sizes = [128, 8, 256], strides = [1, 1, 1]} : vector<256x8x256xf32> to vector<128x8x256xf32>
    %broadcast_in_dim3A_3302 = vector.shape_cast %broadcast_in_dim3A_3299 : vector<1x1x256xi1> to vector<1x1x256xi1>
    %broadcast_in_dim3A_3303 = vector.broadcast %broadcast_in_dim3A_3302 : vector<1x1x256xi1> to vector<128x8x256xi1>
    %select_n3A_3304 = arith.select %broadcast_in_dim3A_3303, %slice3A_3300, %slice3A_3301 : vector<128x8x256xi1>, vector<128x8x256xf32>
    %shift_right_arithmetic3A_3305 = arith.constant 6 : i32
    %shift_right_arithmetic3A_3306 = vector.broadcast %shift_right_arithmetic3A_3305 : i32 to vector<1x256xi32>
    %shift_right_arithmetic3A_3307 = arith.shrsi %broadcast_in_dim3A_2081, %shift_right_arithmetic3A_3306 : vector<1x256xi32>
    %and3A_3308 = arith.constant 1 : i32
    %and3A_3309 = vector.broadcast %and3A_3308 : i32 to vector<1x256xi32>
    %and3A_3310 = arith.andi %shift_right_arithmetic3A_3307, %and3A_3309 : vector<1x256xi32>
    %eq3A_3311 = arith.constant 1 : i32
    %eq3A_3312 = vector.broadcast %eq3A_3311 : i32 to vector<1x256xi32>
    %eq3A_3313 = arith.cmpi eq, %and3A_3310, %eq3A_3312 : vector<1x256xi32>
    %broadcast_in_dim3A_3314 = vector.shape_cast %eq3A_3313 : vector<1x256xi1> to vector<1x1x256xi1>
    %slice3A_3315 = vector.extract_strided_slice %select_n3A_3304 {offsets = [64, 0, 0], sizes = [64, 8, 256], strides = [1, 1, 1]} : vector<128x8x256xf32> to vector<64x8x256xf32>
    %slice3A_3316 = vector.extract_strided_slice %select_n3A_3304 {offsets = [0, 0, 0], sizes = [64, 8, 256], strides = [1, 1, 1]} : vector<128x8x256xf32> to vector<64x8x256xf32>
    %broadcast_in_dim3A_3317 = vector.shape_cast %broadcast_in_dim3A_3314 : vector<1x1x256xi1> to vector<1x1x256xi1>
    %broadcast_in_dim3A_3318 = vector.broadcast %broadcast_in_dim3A_3317 : vector<1x1x256xi1> to vector<64x8x256xi1>
    %select_n3A_3319 = arith.select %broadcast_in_dim3A_3318, %slice3A_3315, %slice3A_3316 : vector<64x8x256xi1>, vector<64x8x256xf32>
    %shift_right_arithmetic3A_3320 = arith.constant 5 : i32
    %shift_right_arithmetic3A_3321 = vector.broadcast %shift_right_arithmetic3A_3320 : i32 to vector<1x256xi32>
    %shift_right_arithmetic3A_3322 = arith.shrsi %broadcast_in_dim3A_2081, %shift_right_arithmetic3A_3321 : vector<1x256xi32>
    %and3A_3323 = arith.constant 1 : i32
    %and3A_3324 = vector.broadcast %and3A_3323 : i32 to vector<1x256xi32>
    %and3A_3325 = arith.andi %shift_right_arithmetic3A_3322, %and3A_3324 : vector<1x256xi32>
    %eq3A_3326 = arith.constant 1 : i32
    %eq3A_3327 = vector.broadcast %eq3A_3326 : i32 to vector<1x256xi32>
    %eq3A_3328 = arith.cmpi eq, %and3A_3325, %eq3A_3327 : vector<1x256xi32>
    %broadcast_in_dim3A_3329 = vector.shape_cast %eq3A_3328 : vector<1x256xi1> to vector<1x1x256xi1>
    %slice3A_3330 = vector.extract_strided_slice %select_n3A_3319 {offsets = [32, 0, 0], sizes = [32, 8, 256], strides = [1, 1, 1]} : vector<64x8x256xf32> to vector<32x8x256xf32>
    %slice3A_3331 = vector.extract_strided_slice %select_n3A_3319 {offsets = [0, 0, 0], sizes = [32, 8, 256], strides = [1, 1, 1]} : vector<64x8x256xf32> to vector<32x8x256xf32>
    %broadcast_in_dim3A_3332 = vector.shape_cast %broadcast_in_dim3A_3329 : vector<1x1x256xi1> to vector<1x1x256xi1>
    %broadcast_in_dim3A_3333 = vector.broadcast %broadcast_in_dim3A_3332 : vector<1x1x256xi1> to vector<32x8x256xi1>
    %select_n3A_3334 = arith.select %broadcast_in_dim3A_3333, %slice3A_3330, %slice3A_3331 : vector<32x8x256xi1>, vector<32x8x256xf32>
    %shift_right_arithmetic3A_3335 = arith.constant 4 : i32
    %shift_right_arithmetic3A_3336 = vector.broadcast %shift_right_arithmetic3A_3335 : i32 to vector<1x256xi32>
    %shift_right_arithmetic3A_3337 = arith.shrsi %broadcast_in_dim3A_2081, %shift_right_arithmetic3A_3336 : vector<1x256xi32>
    %and3A_3338 = arith.constant 1 : i32
    %and3A_3339 = vector.broadcast %and3A_3338 : i32 to vector<1x256xi32>
    %and3A_3340 = arith.andi %shift_right_arithmetic3A_3337, %and3A_3339 : vector<1x256xi32>
    %eq3A_3341 = arith.constant 1 : i32
    %eq3A_3342 = vector.broadcast %eq3A_3341 : i32 to vector<1x256xi32>
    %eq3A_3343 = arith.cmpi eq, %and3A_3340, %eq3A_3342 : vector<1x256xi32>
    %broadcast_in_dim3A_3344 = vector.shape_cast %eq3A_3343 : vector<1x256xi1> to vector<1x1x256xi1>
    %slice3A_3345 = vector.extract_strided_slice %select_n3A_3334 {offsets = [16, 0, 0], sizes = [16, 8, 256], strides = [1, 1, 1]} : vector<32x8x256xf32> to vector<16x8x256xf32>
    %slice3A_3346 = vector.extract_strided_slice %select_n3A_3334 {offsets = [0, 0, 0], sizes = [16, 8, 256], strides = [1, 1, 1]} : vector<32x8x256xf32> to vector<16x8x256xf32>
    %broadcast_in_dim3A_3347 = vector.shape_cast %broadcast_in_dim3A_3344 : vector<1x1x256xi1> to vector<1x1x256xi1>
    %broadcast_in_dim3A_3348 = vector.broadcast %broadcast_in_dim3A_3347 : vector<1x1x256xi1> to vector<16x8x256xi1>
    %select_n3A_3349 = arith.select %broadcast_in_dim3A_3348, %slice3A_3345, %slice3A_3346 : vector<16x8x256xi1>, vector<16x8x256xf32>
    %shift_right_arithmetic3A_3350 = arith.constant 3 : i32
    %shift_right_arithmetic3A_3351 = vector.broadcast %shift_right_arithmetic3A_3350 : i32 to vector<1x256xi32>
    %shift_right_arithmetic3A_3352 = arith.shrsi %broadcast_in_dim3A_2081, %shift_right_arithmetic3A_3351 : vector<1x256xi32>
    %and3A_3353 = arith.constant 1 : i32
    %and3A_3354 = vector.broadcast %and3A_3353 : i32 to vector<1x256xi32>
    %and3A_3355 = arith.andi %shift_right_arithmetic3A_3352, %and3A_3354 : vector<1x256xi32>
    %eq3A_3356 = arith.constant 1 : i32
    %eq3A_3357 = vector.broadcast %eq3A_3356 : i32 to vector<1x256xi32>
    %eq3A_3358 = arith.cmpi eq, %and3A_3355, %eq3A_3357 : vector<1x256xi32>
    %broadcast_in_dim3A_3359 = vector.shape_cast %eq3A_3358 : vector<1x256xi1> to vector<1x1x256xi1>
    %slice3A_3360 = vector.extract_strided_slice %select_n3A_3349 {offsets = [8, 0, 0], sizes = [8, 8, 256], strides = [1, 1, 1]} : vector<16x8x256xf32> to vector<8x8x256xf32>
    %slice3A_3361 = vector.extract_strided_slice %select_n3A_3349 {offsets = [0, 0, 0], sizes = [8, 8, 256], strides = [1, 1, 1]} : vector<16x8x256xf32> to vector<8x8x256xf32>
    %broadcast_in_dim3A_3362 = vector.shape_cast %broadcast_in_dim3A_3359 : vector<1x1x256xi1> to vector<1x1x256xi1>
    %broadcast_in_dim3A_3363 = vector.broadcast %broadcast_in_dim3A_3362 : vector<1x1x256xi1> to vector<8x8x256xi1>
    %select_n3A_3364 = arith.select %broadcast_in_dim3A_3363, %slice3A_3360, %slice3A_3361 : vector<8x8x256xi1>, vector<8x8x256xf32>
    %shift_right_arithmetic3A_3365 = arith.constant 2 : i32
    %shift_right_arithmetic3A_3366 = vector.broadcast %shift_right_arithmetic3A_3365 : i32 to vector<1x256xi32>
    %shift_right_arithmetic3A_3367 = arith.shrsi %broadcast_in_dim3A_2081, %shift_right_arithmetic3A_3366 : vector<1x256xi32>
    %and3A_3368 = arith.constant 1 : i32
    %and3A_3369 = vector.broadcast %and3A_3368 : i32 to vector<1x256xi32>
    %and3A_3370 = arith.andi %shift_right_arithmetic3A_3367, %and3A_3369 : vector<1x256xi32>
    %eq3A_3371 = arith.constant 1 : i32
    %eq3A_3372 = vector.broadcast %eq3A_3371 : i32 to vector<1x256xi32>
    %eq3A_3373 = arith.cmpi eq, %and3A_3370, %eq3A_3372 : vector<1x256xi32>
    %broadcast_in_dim3A_3374 = vector.shape_cast %eq3A_3373 : vector<1x256xi1> to vector<1x1x256xi1>
    %slice3A_3375 = vector.extract_strided_slice %select_n3A_3364 {offsets = [4, 0, 0], sizes = [4, 8, 256], strides = [1, 1, 1]} : vector<8x8x256xf32> to vector<4x8x256xf32>
    %slice3A_3376 = vector.extract_strided_slice %select_n3A_3364 {offsets = [0, 0, 0], sizes = [4, 8, 256], strides = [1, 1, 1]} : vector<8x8x256xf32> to vector<4x8x256xf32>
    %broadcast_in_dim3A_3377 = vector.shape_cast %broadcast_in_dim3A_3374 : vector<1x1x256xi1> to vector<1x1x256xi1>
    %broadcast_in_dim3A_3378 = vector.broadcast %broadcast_in_dim3A_3377 : vector<1x1x256xi1> to vector<4x8x256xi1>
    %select_n3A_3379 = arith.select %broadcast_in_dim3A_3378, %slice3A_3375, %slice3A_3376 : vector<4x8x256xi1>, vector<4x8x256xf32>
    %shift_right_arithmetic3A_3380 = arith.constant 1 : i32
    %shift_right_arithmetic3A_3381 = vector.broadcast %shift_right_arithmetic3A_3380 : i32 to vector<1x256xi32>
    %shift_right_arithmetic3A_3382 = arith.shrsi %broadcast_in_dim3A_2081, %shift_right_arithmetic3A_3381 : vector<1x256xi32>
    %and3A_3383 = arith.constant 1 : i32
    %and3A_3384 = vector.broadcast %and3A_3383 : i32 to vector<1x256xi32>
    %and3A_3385 = arith.andi %shift_right_arithmetic3A_3382, %and3A_3384 : vector<1x256xi32>
    %eq3A_3386 = arith.constant 1 : i32
    %eq3A_3387 = vector.broadcast %eq3A_3386 : i32 to vector<1x256xi32>
    %eq3A_3388 = arith.cmpi eq, %and3A_3385, %eq3A_3387 : vector<1x256xi32>
    %broadcast_in_dim3A_3389 = vector.shape_cast %eq3A_3388 : vector<1x256xi1> to vector<1x1x256xi1>
    %slice3A_3390 = vector.extract_strided_slice %select_n3A_3379 {offsets = [2, 0, 0], sizes = [2, 8, 256], strides = [1, 1, 1]} : vector<4x8x256xf32> to vector<2x8x256xf32>
    %slice3A_3391 = vector.extract_strided_slice %select_n3A_3379 {offsets = [0, 0, 0], sizes = [2, 8, 256], strides = [1, 1, 1]} : vector<4x8x256xf32> to vector<2x8x256xf32>
    %broadcast_in_dim3A_3392 = vector.shape_cast %broadcast_in_dim3A_3389 : vector<1x1x256xi1> to vector<1x1x256xi1>
    %broadcast_in_dim3A_3393 = vector.broadcast %broadcast_in_dim3A_3392 : vector<1x1x256xi1> to vector<2x8x256xi1>
    %select_n3A_3394 = arith.select %broadcast_in_dim3A_3393, %slice3A_3390, %slice3A_3391 : vector<2x8x256xi1>, vector<2x8x256xf32>
    %shift_right_arithmetic3A_3395 = arith.constant 0 : i32
    %shift_right_arithmetic3A_3396 = vector.broadcast %shift_right_arithmetic3A_3395 : i32 to vector<1x256xi32>
    %shift_right_arithmetic3A_3397 = arith.shrsi %broadcast_in_dim3A_2081, %shift_right_arithmetic3A_3396 : vector<1x256xi32>
    %and3A_3398 = arith.constant 1 : i32
    %and3A_3399 = vector.broadcast %and3A_3398 : i32 to vector<1x256xi32>
    %and3A_3400 = arith.andi %shift_right_arithmetic3A_3397, %and3A_3399 : vector<1x256xi32>
    %eq3A_3401 = arith.constant 1 : i32
    %eq3A_3402 = vector.broadcast %eq3A_3401 : i32 to vector<1x256xi32>
    %eq3A_3403 = arith.cmpi eq, %and3A_3400, %eq3A_3402 : vector<1x256xi32>
    %broadcast_in_dim3A_3404 = vector.shape_cast %eq3A_3403 : vector<1x256xi1> to vector<1x1x256xi1>
    %slice3A_3405 = vector.extract_strided_slice %select_n3A_3394 {offsets = [1, 0, 0], sizes = [1, 8, 256], strides = [1, 1, 1]} : vector<2x8x256xf32> to vector<1x8x256xf32>
    %slice3A_3406 = vector.extract_strided_slice %select_n3A_3394 {offsets = [0, 0, 0], sizes = [1, 8, 256], strides = [1, 1, 1]} : vector<2x8x256xf32> to vector<1x8x256xf32>
    %broadcast_in_dim3A_3407 = vector.shape_cast %broadcast_in_dim3A_3404 : vector<1x1x256xi1> to vector<1x1x256xi1>
    %broadcast_in_dim3A_3408 = vector.broadcast %broadcast_in_dim3A_3407 : vector<1x1x256xi1> to vector<1x8x256xi1>
    %select_n3A_3409 = arith.select %broadcast_in_dim3A_3408, %slice3A_3405, %slice3A_3406 : vector<1x8x256xi1>, vector<1x8x256xf32>
    %shift_right_arithmetic3A_3410 = arith.constant 9 : i32
    %shift_right_arithmetic3A_3411 = vector.broadcast %shift_right_arithmetic3A_3410 : i32 to vector<1x256xi32>
    %shift_right_arithmetic3A_3412 = arith.shrsi %broadcast_in_dim3A_2097, %shift_right_arithmetic3A_3411 : vector<1x256xi32>
    %and3A_3413 = arith.constant 1 : i32
    %and3A_3414 = vector.broadcast %and3A_3413 : i32 to vector<1x256xi32>
    %and3A_3415 = arith.andi %shift_right_arithmetic3A_3412, %and3A_3414 : vector<1x256xi32>
    %eq3A_3416 = arith.constant 1 : i32
    %eq3A_3417 = vector.broadcast %eq3A_3416 : i32 to vector<1x256xi32>
    %eq3A_3418 = arith.cmpi eq, %and3A_3415, %eq3A_3417 : vector<1x256xi32>
    %broadcast_in_dim3A_3419 = vector.shape_cast %eq3A_3418 : vector<1x256xi1> to vector<1x1x256xi1>
    %slice3A_3420 = vector.extract_strided_slice %reshape3A {offsets = [512, 0, 0], sizes = [512, 8, 256], strides = [1, 1, 1]} : vector<1024x8x256xf32> to vector<512x8x256xf32>
    %slice3A_3421 = vector.extract_strided_slice %reshape3A {offsets = [0, 0, 0], sizes = [512, 8, 256], strides = [1, 1, 1]} : vector<1024x8x256xf32> to vector<512x8x256xf32>
    %broadcast_in_dim3A_3422 = vector.shape_cast %broadcast_in_dim3A_3419 : vector<1x1x256xi1> to vector<1x1x256xi1>
    %broadcast_in_dim3A_3423 = vector.broadcast %broadcast_in_dim3A_3422 : vector<1x1x256xi1> to vector<512x8x256xi1>
    %select_n3A_3424 = arith.select %broadcast_in_dim3A_3423, %slice3A_3420, %slice3A_3421 : vector<512x8x256xi1>, vector<512x8x256xf32>
    %shift_right_arithmetic3A_3425 = arith.constant 8 : i32
    %shift_right_arithmetic3A_3426 = vector.broadcast %shift_right_arithmetic3A_3425 : i32 to vector<1x256xi32>
    %shift_right_arithmetic3A_3427 = arith.shrsi %broadcast_in_dim3A_2097, %shift_right_arithmetic3A_3426 : vector<1x256xi32>
    %and3A_3428 = arith.constant 1 : i32
    %and3A_3429 = vector.broadcast %and3A_3428 : i32 to vector<1x256xi32>
    %and3A_3430 = arith.andi %shift_right_arithmetic3A_3427, %and3A_3429 : vector<1x256xi32>
    %eq3A_3431 = arith.constant 1 : i32
    %eq3A_3432 = vector.broadcast %eq3A_3431 : i32 to vector<1x256xi32>
    %eq3A_3433 = arith.cmpi eq, %and3A_3430, %eq3A_3432 : vector<1x256xi32>
    %broadcast_in_dim3A_3434 = vector.shape_cast %eq3A_3433 : vector<1x256xi1> to vector<1x1x256xi1>
    %slice3A_3435 = vector.extract_strided_slice %select_n3A_3424 {offsets = [256, 0, 0], sizes = [256, 8, 256], strides = [1, 1, 1]} : vector<512x8x256xf32> to vector<256x8x256xf32>
    %slice3A_3436 = vector.extract_strided_slice %select_n3A_3424 {offsets = [0, 0, 0], sizes = [256, 8, 256], strides = [1, 1, 1]} : vector<512x8x256xf32> to vector<256x8x256xf32>
    %broadcast_in_dim3A_3437 = vector.shape_cast %broadcast_in_dim3A_3434 : vector<1x1x256xi1> to vector<1x1x256xi1>
    %broadcast_in_dim3A_3438 = vector.broadcast %broadcast_in_dim3A_3437 : vector<1x1x256xi1> to vector<256x8x256xi1>
    %select_n3A_3439 = arith.select %broadcast_in_dim3A_3438, %slice3A_3435, %slice3A_3436 : vector<256x8x256xi1>, vector<256x8x256xf32>
    %shift_right_arithmetic3A_3440 = arith.constant 7 : i32
    %shift_right_arithmetic3A_3441 = vector.broadcast %shift_right_arithmetic3A_3440 : i32 to vector<1x256xi32>
    %shift_right_arithmetic3A_3442 = arith.shrsi %broadcast_in_dim3A_2097, %shift_right_arithmetic3A_3441 : vector<1x256xi32>
    %and3A_3443 = arith.constant 1 : i32
    %and3A_3444 = vector.broadcast %and3A_3443 : i32 to vector<1x256xi32>
    %and3A_3445 = arith.andi %shift_right_arithmetic3A_3442, %and3A_3444 : vector<1x256xi32>
    %eq3A_3446 = arith.constant 1 : i32
    %eq3A_3447 = vector.broadcast %eq3A_3446 : i32 to vector<1x256xi32>
    %eq3A_3448 = arith.cmpi eq, %and3A_3445, %eq3A_3447 : vector<1x256xi32>
    %broadcast_in_dim3A_3449 = vector.shape_cast %eq3A_3448 : vector<1x256xi1> to vector<1x1x256xi1>
    %slice3A_3450 = vector.extract_strided_slice %select_n3A_3439 {offsets = [128, 0, 0], sizes = [128, 8, 256], strides = [1, 1, 1]} : vector<256x8x256xf32> to vector<128x8x256xf32>
    %slice3A_3451 = vector.extract_strided_slice %select_n3A_3439 {offsets = [0, 0, 0], sizes = [128, 8, 256], strides = [1, 1, 1]} : vector<256x8x256xf32> to vector<128x8x256xf32>
    %broadcast_in_dim3A_3452 = vector.shape_cast %broadcast_in_dim3A_3449 : vector<1x1x256xi1> to vector<1x1x256xi1>
    %broadcast_in_dim3A_3453 = vector.broadcast %broadcast_in_dim3A_3452 : vector<1x1x256xi1> to vector<128x8x256xi1>
    %select_n3A_3454 = arith.select %broadcast_in_dim3A_3453, %slice3A_3450, %slice3A_3451 : vector<128x8x256xi1>, vector<128x8x256xf32>
    %shift_right_arithmetic3A_3455 = arith.constant 6 : i32
    %shift_right_arithmetic3A_3456 = vector.broadcast %shift_right_arithmetic3A_3455 : i32 to vector<1x256xi32>
    %shift_right_arithmetic3A_3457 = arith.shrsi %broadcast_in_dim3A_2097, %shift_right_arithmetic3A_3456 : vector<1x256xi32>
    %and3A_3458 = arith.constant 1 : i32
    %and3A_3459 = vector.broadcast %and3A_3458 : i32 to vector<1x256xi32>
    %and3A_3460 = arith.andi %shift_right_arithmetic3A_3457, %and3A_3459 : vector<1x256xi32>
    %eq3A_3461 = arith.constant 1 : i32
    %eq3A_3462 = vector.broadcast %eq3A_3461 : i32 to vector<1x256xi32>
    %eq3A_3463 = arith.cmpi eq, %and3A_3460, %eq3A_3462 : vector<1x256xi32>
    %broadcast_in_dim3A_3464 = vector.shape_cast %eq3A_3463 : vector<1x256xi1> to vector<1x1x256xi1>
    %slice3A_3465 = vector.extract_strided_slice %select_n3A_3454 {offsets = [64, 0, 0], sizes = [64, 8, 256], strides = [1, 1, 1]} : vector<128x8x256xf32> to vector<64x8x256xf32>
    %slice3A_3466 = vector.extract_strided_slice %select_n3A_3454 {offsets = [0, 0, 0], sizes = [64, 8, 256], strides = [1, 1, 1]} : vector<128x8x256xf32> to vector<64x8x256xf32>
    %broadcast_in_dim3A_3467 = vector.shape_cast %broadcast_in_dim3A_3464 : vector<1x1x256xi1> to vector<1x1x256xi1>
    %broadcast_in_dim3A_3468 = vector.broadcast %broadcast_in_dim3A_3467 : vector<1x1x256xi1> to vector<64x8x256xi1>
    %select_n3A_3469 = arith.select %broadcast_in_dim3A_3468, %slice3A_3465, %slice3A_3466 : vector<64x8x256xi1>, vector<64x8x256xf32>
    %shift_right_arithmetic3A_3470 = arith.constant 5 : i32
    %shift_right_arithmetic3A_3471 = vector.broadcast %shift_right_arithmetic3A_3470 : i32 to vector<1x256xi32>
    %shift_right_arithmetic3A_3472 = arith.shrsi %broadcast_in_dim3A_2097, %shift_right_arithmetic3A_3471 : vector<1x256xi32>
    %and3A_3473 = arith.constant 1 : i32
    %and3A_3474 = vector.broadcast %and3A_3473 : i32 to vector<1x256xi32>
    %and3A_3475 = arith.andi %shift_right_arithmetic3A_3472, %and3A_3474 : vector<1x256xi32>
    %eq3A_3476 = arith.constant 1 : i32
    %eq3A_3477 = vector.broadcast %eq3A_3476 : i32 to vector<1x256xi32>
    %eq3A_3478 = arith.cmpi eq, %and3A_3475, %eq3A_3477 : vector<1x256xi32>
    %broadcast_in_dim3A_3479 = vector.shape_cast %eq3A_3478 : vector<1x256xi1> to vector<1x1x256xi1>
    %slice3A_3480 = vector.extract_strided_slice %select_n3A_3469 {offsets = [32, 0, 0], sizes = [32, 8, 256], strides = [1, 1, 1]} : vector<64x8x256xf32> to vector<32x8x256xf32>
    %slice3A_3481 = vector.extract_strided_slice %select_n3A_3469 {offsets = [0, 0, 0], sizes = [32, 8, 256], strides = [1, 1, 1]} : vector<64x8x256xf32> to vector<32x8x256xf32>
    %broadcast_in_dim3A_3482 = vector.shape_cast %broadcast_in_dim3A_3479 : vector<1x1x256xi1> to vector<1x1x256xi1>
    %broadcast_in_dim3A_3483 = vector.broadcast %broadcast_in_dim3A_3482 : vector<1x1x256xi1> to vector<32x8x256xi1>
    %select_n3A_3484 = arith.select %broadcast_in_dim3A_3483, %slice3A_3480, %slice3A_3481 : vector<32x8x256xi1>, vector<32x8x256xf32>
    %shift_right_arithmetic3A_3485 = arith.constant 4 : i32
    %shift_right_arithmetic3A_3486 = vector.broadcast %shift_right_arithmetic3A_3485 : i32 to vector<1x256xi32>
    %shift_right_arithmetic3A_3487 = arith.shrsi %broadcast_in_dim3A_2097, %shift_right_arithmetic3A_3486 : vector<1x256xi32>
    %and3A_3488 = arith.constant 1 : i32
    %and3A_3489 = vector.broadcast %and3A_3488 : i32 to vector<1x256xi32>
    %and3A_3490 = arith.andi %shift_right_arithmetic3A_3487, %and3A_3489 : vector<1x256xi32>
    %eq3A_3491 = arith.constant 1 : i32
    %eq3A_3492 = vector.broadcast %eq3A_3491 : i32 to vector<1x256xi32>
    %eq3A_3493 = arith.cmpi eq, %and3A_3490, %eq3A_3492 : vector<1x256xi32>
    %broadcast_in_dim3A_3494 = vector.shape_cast %eq3A_3493 : vector<1x256xi1> to vector<1x1x256xi1>
    %slice3A_3495 = vector.extract_strided_slice %select_n3A_3484 {offsets = [16, 0, 0], sizes = [16, 8, 256], strides = [1, 1, 1]} : vector<32x8x256xf32> to vector<16x8x256xf32>
    %slice3A_3496 = vector.extract_strided_slice %select_n3A_3484 {offsets = [0, 0, 0], sizes = [16, 8, 256], strides = [1, 1, 1]} : vector<32x8x256xf32> to vector<16x8x256xf32>
    %broadcast_in_dim3A_3497 = vector.shape_cast %broadcast_in_dim3A_3494 : vector<1x1x256xi1> to vector<1x1x256xi1>
    %broadcast_in_dim3A_3498 = vector.broadcast %broadcast_in_dim3A_3497 : vector<1x1x256xi1> to vector<16x8x256xi1>
    %select_n3A_3499 = arith.select %broadcast_in_dim3A_3498, %slice3A_3495, %slice3A_3496 : vector<16x8x256xi1>, vector<16x8x256xf32>
    %shift_right_arithmetic3A_3500 = arith.constant 3 : i32
    %shift_right_arithmetic3A_3501 = vector.broadcast %shift_right_arithmetic3A_3500 : i32 to vector<1x256xi32>
    %shift_right_arithmetic3A_3502 = arith.shrsi %broadcast_in_dim3A_2097, %shift_right_arithmetic3A_3501 : vector<1x256xi32>
    %and3A_3503 = arith.constant 1 : i32
    %and3A_3504 = vector.broadcast %and3A_3503 : i32 to vector<1x256xi32>
    %and3A_3505 = arith.andi %shift_right_arithmetic3A_3502, %and3A_3504 : vector<1x256xi32>
    %eq3A_3506 = arith.constant 1 : i32
    %eq3A_3507 = vector.broadcast %eq3A_3506 : i32 to vector<1x256xi32>
    %eq3A_3508 = arith.cmpi eq, %and3A_3505, %eq3A_3507 : vector<1x256xi32>
    %broadcast_in_dim3A_3509 = vector.shape_cast %eq3A_3508 : vector<1x256xi1> to vector<1x1x256xi1>
    %slice3A_3510 = vector.extract_strided_slice %select_n3A_3499 {offsets = [8, 0, 0], sizes = [8, 8, 256], strides = [1, 1, 1]} : vector<16x8x256xf32> to vector<8x8x256xf32>
    %slice3A_3511 = vector.extract_strided_slice %select_n3A_3499 {offsets = [0, 0, 0], sizes = [8, 8, 256], strides = [1, 1, 1]} : vector<16x8x256xf32> to vector<8x8x256xf32>
    %broadcast_in_dim3A_3512 = vector.shape_cast %broadcast_in_dim3A_3509 : vector<1x1x256xi1> to vector<1x1x256xi1>
    %broadcast_in_dim3A_3513 = vector.broadcast %broadcast_in_dim3A_3512 : vector<1x1x256xi1> to vector<8x8x256xi1>
    %select_n3A_3514 = arith.select %broadcast_in_dim3A_3513, %slice3A_3510, %slice3A_3511 : vector<8x8x256xi1>, vector<8x8x256xf32>
    %shift_right_arithmetic3A_3515 = arith.constant 2 : i32
    %shift_right_arithmetic3A_3516 = vector.broadcast %shift_right_arithmetic3A_3515 : i32 to vector<1x256xi32>
    %shift_right_arithmetic3A_3517 = arith.shrsi %broadcast_in_dim3A_2097, %shift_right_arithmetic3A_3516 : vector<1x256xi32>
    %and3A_3518 = arith.constant 1 : i32
    %and3A_3519 = vector.broadcast %and3A_3518 : i32 to vector<1x256xi32>
    %and3A_3520 = arith.andi %shift_right_arithmetic3A_3517, %and3A_3519 : vector<1x256xi32>
    %eq3A_3521 = arith.constant 1 : i32
    %eq3A_3522 = vector.broadcast %eq3A_3521 : i32 to vector<1x256xi32>
    %eq3A_3523 = arith.cmpi eq, %and3A_3520, %eq3A_3522 : vector<1x256xi32>
    %broadcast_in_dim3A_3524 = vector.shape_cast %eq3A_3523 : vector<1x256xi1> to vector<1x1x256xi1>
    %slice3A_3525 = vector.extract_strided_slice %select_n3A_3514 {offsets = [4, 0, 0], sizes = [4, 8, 256], strides = [1, 1, 1]} : vector<8x8x256xf32> to vector<4x8x256xf32>
    %slice3A_3526 = vector.extract_strided_slice %select_n3A_3514 {offsets = [0, 0, 0], sizes = [4, 8, 256], strides = [1, 1, 1]} : vector<8x8x256xf32> to vector<4x8x256xf32>
    %broadcast_in_dim3A_3527 = vector.shape_cast %broadcast_in_dim3A_3524 : vector<1x1x256xi1> to vector<1x1x256xi1>
    %broadcast_in_dim3A_3528 = vector.broadcast %broadcast_in_dim3A_3527 : vector<1x1x256xi1> to vector<4x8x256xi1>
    %select_n3A_3529 = arith.select %broadcast_in_dim3A_3528, %slice3A_3525, %slice3A_3526 : vector<4x8x256xi1>, vector<4x8x256xf32>
    %shift_right_arithmetic3A_3530 = arith.constant 1 : i32
    %shift_right_arithmetic3A_3531 = vector.broadcast %shift_right_arithmetic3A_3530 : i32 to vector<1x256xi32>
    %shift_right_arithmetic3A_3532 = arith.shrsi %broadcast_in_dim3A_2097, %shift_right_arithmetic3A_3531 : vector<1x256xi32>
    %and3A_3533 = arith.constant 1 : i32
    %and3A_3534 = vector.broadcast %and3A_3533 : i32 to vector<1x256xi32>
    %and3A_3535 = arith.andi %shift_right_arithmetic3A_3532, %and3A_3534 : vector<1x256xi32>
    %eq3A_3536 = arith.constant 1 : i32
    %eq3A_3537 = vector.broadcast %eq3A_3536 : i32 to vector<1x256xi32>
    %eq3A_3538 = arith.cmpi eq, %and3A_3535, %eq3A_3537 : vector<1x256xi32>
    %broadcast_in_dim3A_3539 = vector.shape_cast %eq3A_3538 : vector<1x256xi1> to vector<1x1x256xi1>
    %slice3A_3540 = vector.extract_strided_slice %select_n3A_3529 {offsets = [2, 0, 0], sizes = [2, 8, 256], strides = [1, 1, 1]} : vector<4x8x256xf32> to vector<2x8x256xf32>
    %slice3A_3541 = vector.extract_strided_slice %select_n3A_3529 {offsets = [0, 0, 0], sizes = [2, 8, 256], strides = [1, 1, 1]} : vector<4x8x256xf32> to vector<2x8x256xf32>
    %broadcast_in_dim3A_3542 = vector.shape_cast %broadcast_in_dim3A_3539 : vector<1x1x256xi1> to vector<1x1x256xi1>
    %broadcast_in_dim3A_3543 = vector.broadcast %broadcast_in_dim3A_3542 : vector<1x1x256xi1> to vector<2x8x256xi1>
    %select_n3A_3544 = arith.select %broadcast_in_dim3A_3543, %slice3A_3540, %slice3A_3541 : vector<2x8x256xi1>, vector<2x8x256xf32>
    %shift_right_arithmetic3A_3545 = arith.constant 0 : i32
    %shift_right_arithmetic3A_3546 = vector.broadcast %shift_right_arithmetic3A_3545 : i32 to vector<1x256xi32>
    %shift_right_arithmetic3A_3547 = arith.shrsi %broadcast_in_dim3A_2097, %shift_right_arithmetic3A_3546 : vector<1x256xi32>
    %and3A_3548 = arith.constant 1 : i32
    %and3A_3549 = vector.broadcast %and3A_3548 : i32 to vector<1x256xi32>
    %and3A_3550 = arith.andi %shift_right_arithmetic3A_3547, %and3A_3549 : vector<1x256xi32>
    %eq3A_3551 = arith.constant 1 : i32
    %eq3A_3552 = vector.broadcast %eq3A_3551 : i32 to vector<1x256xi32>
    %eq3A_3553 = arith.cmpi eq, %and3A_3550, %eq3A_3552 : vector<1x256xi32>
    %broadcast_in_dim3A_3554 = vector.shape_cast %eq3A_3553 : vector<1x256xi1> to vector<1x1x256xi1>
    %slice3A_3555 = vector.extract_strided_slice %select_n3A_3544 {offsets = [1, 0, 0], sizes = [1, 8, 256], strides = [1, 1, 1]} : vector<2x8x256xf32> to vector<1x8x256xf32>
    %slice3A_3556 = vector.extract_strided_slice %select_n3A_3544 {offsets = [0, 0, 0], sizes = [1, 8, 256], strides = [1, 1, 1]} : vector<2x8x256xf32> to vector<1x8x256xf32>
    %broadcast_in_dim3A_3557 = vector.shape_cast %broadcast_in_dim3A_3554 : vector<1x1x256xi1> to vector<1x1x256xi1>
    %broadcast_in_dim3A_3558 = vector.broadcast %broadcast_in_dim3A_3557 : vector<1x1x256xi1> to vector<1x8x256xi1>
    %select_n3A_3559 = arith.select %broadcast_in_dim3A_3558, %slice3A_3555, %slice3A_3556 : vector<1x8x256xi1>, vector<1x8x256xf32>
    %shift_right_arithmetic3A_3560 = arith.constant 9 : i32
    %shift_right_arithmetic3A_3561 = vector.broadcast %shift_right_arithmetic3A_3560 : i32 to vector<1x256xi32>
    %shift_right_arithmetic3A_3562 = arith.shrsi %broadcast_in_dim3A_2113, %shift_right_arithmetic3A_3561 : vector<1x256xi32>
    %and3A_3563 = arith.constant 1 : i32
    %and3A_3564 = vector.broadcast %and3A_3563 : i32 to vector<1x256xi32>
    %and3A_3565 = arith.andi %shift_right_arithmetic3A_3562, %and3A_3564 : vector<1x256xi32>
    %eq3A_3566 = arith.constant 1 : i32
    %eq3A_3567 = vector.broadcast %eq3A_3566 : i32 to vector<1x256xi32>
    %eq3A_3568 = arith.cmpi eq, %and3A_3565, %eq3A_3567 : vector<1x256xi32>
    %broadcast_in_dim3A_3569 = vector.shape_cast %eq3A_3568 : vector<1x256xi1> to vector<1x1x256xi1>
    %slice3A_3570 = vector.extract_strided_slice %reshape3A {offsets = [512, 0, 0], sizes = [512, 8, 256], strides = [1, 1, 1]} : vector<1024x8x256xf32> to vector<512x8x256xf32>
    %slice3A_3571 = vector.extract_strided_slice %reshape3A {offsets = [0, 0, 0], sizes = [512, 8, 256], strides = [1, 1, 1]} : vector<1024x8x256xf32> to vector<512x8x256xf32>
    %broadcast_in_dim3A_3572 = vector.shape_cast %broadcast_in_dim3A_3569 : vector<1x1x256xi1> to vector<1x1x256xi1>
    %broadcast_in_dim3A_3573 = vector.broadcast %broadcast_in_dim3A_3572 : vector<1x1x256xi1> to vector<512x8x256xi1>
    %select_n3A_3574 = arith.select %broadcast_in_dim3A_3573, %slice3A_3570, %slice3A_3571 : vector<512x8x256xi1>, vector<512x8x256xf32>
    %shift_right_arithmetic3A_3575 = arith.constant 8 : i32
    %shift_right_arithmetic3A_3576 = vector.broadcast %shift_right_arithmetic3A_3575 : i32 to vector<1x256xi32>
    %shift_right_arithmetic3A_3577 = arith.shrsi %broadcast_in_dim3A_2113, %shift_right_arithmetic3A_3576 : vector<1x256xi32>
    %and3A_3578 = arith.constant 1 : i32
    %and3A_3579 = vector.broadcast %and3A_3578 : i32 to vector<1x256xi32>
    %and3A_3580 = arith.andi %shift_right_arithmetic3A_3577, %and3A_3579 : vector<1x256xi32>
    %eq3A_3581 = arith.constant 1 : i32
    %eq3A_3582 = vector.broadcast %eq3A_3581 : i32 to vector<1x256xi32>
    %eq3A_3583 = arith.cmpi eq, %and3A_3580, %eq3A_3582 : vector<1x256xi32>
    %broadcast_in_dim3A_3584 = vector.shape_cast %eq3A_3583 : vector<1x256xi1> to vector<1x1x256xi1>
    %slice3A_3585 = vector.extract_strided_slice %select_n3A_3574 {offsets = [256, 0, 0], sizes = [256, 8, 256], strides = [1, 1, 1]} : vector<512x8x256xf32> to vector<256x8x256xf32>
    %slice3A_3586 = vector.extract_strided_slice %select_n3A_3574 {offsets = [0, 0, 0], sizes = [256, 8, 256], strides = [1, 1, 1]} : vector<512x8x256xf32> to vector<256x8x256xf32>
    %broadcast_in_dim3A_3587 = vector.shape_cast %broadcast_in_dim3A_3584 : vector<1x1x256xi1> to vector<1x1x256xi1>
    %broadcast_in_dim3A_3588 = vector.broadcast %broadcast_in_dim3A_3587 : vector<1x1x256xi1> to vector<256x8x256xi1>
    %select_n3A_3589 = arith.select %broadcast_in_dim3A_3588, %slice3A_3585, %slice3A_3586 : vector<256x8x256xi1>, vector<256x8x256xf32>
    %shift_right_arithmetic3A_3590 = arith.constant 7 : i32
    %shift_right_arithmetic3A_3591 = vector.broadcast %shift_right_arithmetic3A_3590 : i32 to vector<1x256xi32>
    %shift_right_arithmetic3A_3592 = arith.shrsi %broadcast_in_dim3A_2113, %shift_right_arithmetic3A_3591 : vector<1x256xi32>
    %and3A_3593 = arith.constant 1 : i32
    %and3A_3594 = vector.broadcast %and3A_3593 : i32 to vector<1x256xi32>
    %and3A_3595 = arith.andi %shift_right_arithmetic3A_3592, %and3A_3594 : vector<1x256xi32>
    %eq3A_3596 = arith.constant 1 : i32
    %eq3A_3597 = vector.broadcast %eq3A_3596 : i32 to vector<1x256xi32>
    %eq3A_3598 = arith.cmpi eq, %and3A_3595, %eq3A_3597 : vector<1x256xi32>
    %broadcast_in_dim3A_3599 = vector.shape_cast %eq3A_3598 : vector<1x256xi1> to vector<1x1x256xi1>
    %slice3A_3600 = vector.extract_strided_slice %select_n3A_3589 {offsets = [128, 0, 0], sizes = [128, 8, 256], strides = [1, 1, 1]} : vector<256x8x256xf32> to vector<128x8x256xf32>
    %slice3A_3601 = vector.extract_strided_slice %select_n3A_3589 {offsets = [0, 0, 0], sizes = [128, 8, 256], strides = [1, 1, 1]} : vector<256x8x256xf32> to vector<128x8x256xf32>
    %broadcast_in_dim3A_3602 = vector.shape_cast %broadcast_in_dim3A_3599 : vector<1x1x256xi1> to vector<1x1x256xi1>
    %broadcast_in_dim3A_3603 = vector.broadcast %broadcast_in_dim3A_3602 : vector<1x1x256xi1> to vector<128x8x256xi1>
    %select_n3A_3604 = arith.select %broadcast_in_dim3A_3603, %slice3A_3600, %slice3A_3601 : vector<128x8x256xi1>, vector<128x8x256xf32>
    %shift_right_arithmetic3A_3605 = arith.constant 6 : i32
    %shift_right_arithmetic3A_3606 = vector.broadcast %shift_right_arithmetic3A_3605 : i32 to vector<1x256xi32>
    %shift_right_arithmetic3A_3607 = arith.shrsi %broadcast_in_dim3A_2113, %shift_right_arithmetic3A_3606 : vector<1x256xi32>
    %and3A_3608 = arith.constant 1 : i32
    %and3A_3609 = vector.broadcast %and3A_3608 : i32 to vector<1x256xi32>
    %and3A_3610 = arith.andi %shift_right_arithmetic3A_3607, %and3A_3609 : vector<1x256xi32>
    %eq3A_3611 = arith.constant 1 : i32
    %eq3A_3612 = vector.broadcast %eq3A_3611 : i32 to vector<1x256xi32>
    %eq3A_3613 = arith.cmpi eq, %and3A_3610, %eq3A_3612 : vector<1x256xi32>
    %broadcast_in_dim3A_3614 = vector.shape_cast %eq3A_3613 : vector<1x256xi1> to vector<1x1x256xi1>
    %slice3A_3615 = vector.extract_strided_slice %select_n3A_3604 {offsets = [64, 0, 0], sizes = [64, 8, 256], strides = [1, 1, 1]} : vector<128x8x256xf32> to vector<64x8x256xf32>
    %slice3A_3616 = vector.extract_strided_slice %select_n3A_3604 {offsets = [0, 0, 0], sizes = [64, 8, 256], strides = [1, 1, 1]} : vector<128x8x256xf32> to vector<64x8x256xf32>
    %broadcast_in_dim3A_3617 = vector.shape_cast %broadcast_in_dim3A_3614 : vector<1x1x256xi1> to vector<1x1x256xi1>
    %broadcast_in_dim3A_3618 = vector.broadcast %broadcast_in_dim3A_3617 : vector<1x1x256xi1> to vector<64x8x256xi1>
    %select_n3A_3619 = arith.select %broadcast_in_dim3A_3618, %slice3A_3615, %slice3A_3616 : vector<64x8x256xi1>, vector<64x8x256xf32>
    %shift_right_arithmetic3A_3620 = arith.constant 5 : i32
    %shift_right_arithmetic3A_3621 = vector.broadcast %shift_right_arithmetic3A_3620 : i32 to vector<1x256xi32>
    %shift_right_arithmetic3A_3622 = arith.shrsi %broadcast_in_dim3A_2113, %shift_right_arithmetic3A_3621 : vector<1x256xi32>
    %and3A_3623 = arith.constant 1 : i32
    %and3A_3624 = vector.broadcast %and3A_3623 : i32 to vector<1x256xi32>
    %and3A_3625 = arith.andi %shift_right_arithmetic3A_3622, %and3A_3624 : vector<1x256xi32>
    %eq3A_3626 = arith.constant 1 : i32
    %eq3A_3627 = vector.broadcast %eq3A_3626 : i32 to vector<1x256xi32>
    %eq3A_3628 = arith.cmpi eq, %and3A_3625, %eq3A_3627 : vector<1x256xi32>
    %broadcast_in_dim3A_3629 = vector.shape_cast %eq3A_3628 : vector<1x256xi1> to vector<1x1x256xi1>
    %slice3A_3630 = vector.extract_strided_slice %select_n3A_3619 {offsets = [32, 0, 0], sizes = [32, 8, 256], strides = [1, 1, 1]} : vector<64x8x256xf32> to vector<32x8x256xf32>
    %slice3A_3631 = vector.extract_strided_slice %select_n3A_3619 {offsets = [0, 0, 0], sizes = [32, 8, 256], strides = [1, 1, 1]} : vector<64x8x256xf32> to vector<32x8x256xf32>
    %broadcast_in_dim3A_3632 = vector.shape_cast %broadcast_in_dim3A_3629 : vector<1x1x256xi1> to vector<1x1x256xi1>
    %broadcast_in_dim3A_3633 = vector.broadcast %broadcast_in_dim3A_3632 : vector<1x1x256xi1> to vector<32x8x256xi1>
    %select_n3A_3634 = arith.select %broadcast_in_dim3A_3633, %slice3A_3630, %slice3A_3631 : vector<32x8x256xi1>, vector<32x8x256xf32>
    %shift_right_arithmetic3A_3635 = arith.constant 4 : i32
    %shift_right_arithmetic3A_3636 = vector.broadcast %shift_right_arithmetic3A_3635 : i32 to vector<1x256xi32>
    %shift_right_arithmetic3A_3637 = arith.shrsi %broadcast_in_dim3A_2113, %shift_right_arithmetic3A_3636 : vector<1x256xi32>
    %and3A_3638 = arith.constant 1 : i32
    %and3A_3639 = vector.broadcast %and3A_3638 : i32 to vector<1x256xi32>
    %and3A_3640 = arith.andi %shift_right_arithmetic3A_3637, %and3A_3639 : vector<1x256xi32>
    %eq3A_3641 = arith.constant 1 : i32
    %eq3A_3642 = vector.broadcast %eq3A_3641 : i32 to vector<1x256xi32>
    %eq3A_3643 = arith.cmpi eq, %and3A_3640, %eq3A_3642 : vector<1x256xi32>
    %broadcast_in_dim3A_3644 = vector.shape_cast %eq3A_3643 : vector<1x256xi1> to vector<1x1x256xi1>
    %slice3A_3645 = vector.extract_strided_slice %select_n3A_3634 {offsets = [16, 0, 0], sizes = [16, 8, 256], strides = [1, 1, 1]} : vector<32x8x256xf32> to vector<16x8x256xf32>
    %slice3A_3646 = vector.extract_strided_slice %select_n3A_3634 {offsets = [0, 0, 0], sizes = [16, 8, 256], strides = [1, 1, 1]} : vector<32x8x256xf32> to vector<16x8x256xf32>
    %broadcast_in_dim3A_3647 = vector.shape_cast %broadcast_in_dim3A_3644 : vector<1x1x256xi1> to vector<1x1x256xi1>
    %broadcast_in_dim3A_3648 = vector.broadcast %broadcast_in_dim3A_3647 : vector<1x1x256xi1> to vector<16x8x256xi1>
    %select_n3A_3649 = arith.select %broadcast_in_dim3A_3648, %slice3A_3645, %slice3A_3646 : vector<16x8x256xi1>, vector<16x8x256xf32>
    %shift_right_arithmetic3A_3650 = arith.constant 3 : i32
    %shift_right_arithmetic3A_3651 = vector.broadcast %shift_right_arithmetic3A_3650 : i32 to vector<1x256xi32>
    %shift_right_arithmetic3A_3652 = arith.shrsi %broadcast_in_dim3A_2113, %shift_right_arithmetic3A_3651 : vector<1x256xi32>
    %and3A_3653 = arith.constant 1 : i32
    %and3A_3654 = vector.broadcast %and3A_3653 : i32 to vector<1x256xi32>
    %and3A_3655 = arith.andi %shift_right_arithmetic3A_3652, %and3A_3654 : vector<1x256xi32>
    %eq3A_3656 = arith.constant 1 : i32
    %eq3A_3657 = vector.broadcast %eq3A_3656 : i32 to vector<1x256xi32>
    %eq3A_3658 = arith.cmpi eq, %and3A_3655, %eq3A_3657 : vector<1x256xi32>
    %broadcast_in_dim3A_3659 = vector.shape_cast %eq3A_3658 : vector<1x256xi1> to vector<1x1x256xi1>
    %slice3A_3660 = vector.extract_strided_slice %select_n3A_3649 {offsets = [8, 0, 0], sizes = [8, 8, 256], strides = [1, 1, 1]} : vector<16x8x256xf32> to vector<8x8x256xf32>
    %slice3A_3661 = vector.extract_strided_slice %select_n3A_3649 {offsets = [0, 0, 0], sizes = [8, 8, 256], strides = [1, 1, 1]} : vector<16x8x256xf32> to vector<8x8x256xf32>
    %broadcast_in_dim3A_3662 = vector.shape_cast %broadcast_in_dim3A_3659 : vector<1x1x256xi1> to vector<1x1x256xi1>
    %broadcast_in_dim3A_3663 = vector.broadcast %broadcast_in_dim3A_3662 : vector<1x1x256xi1> to vector<8x8x256xi1>
    %select_n3A_3664 = arith.select %broadcast_in_dim3A_3663, %slice3A_3660, %slice3A_3661 : vector<8x8x256xi1>, vector<8x8x256xf32>
    %shift_right_arithmetic3A_3665 = arith.constant 2 : i32
    %shift_right_arithmetic3A_3666 = vector.broadcast %shift_right_arithmetic3A_3665 : i32 to vector<1x256xi32>
    %shift_right_arithmetic3A_3667 = arith.shrsi %broadcast_in_dim3A_2113, %shift_right_arithmetic3A_3666 : vector<1x256xi32>
    %and3A_3668 = arith.constant 1 : i32
    %and3A_3669 = vector.broadcast %and3A_3668 : i32 to vector<1x256xi32>
    %and3A_3670 = arith.andi %shift_right_arithmetic3A_3667, %and3A_3669 : vector<1x256xi32>
    %eq3A_3671 = arith.constant 1 : i32
    %eq3A_3672 = vector.broadcast %eq3A_3671 : i32 to vector<1x256xi32>
    %eq3A_3673 = arith.cmpi eq, %and3A_3670, %eq3A_3672 : vector<1x256xi32>
    %broadcast_in_dim3A_3674 = vector.shape_cast %eq3A_3673 : vector<1x256xi1> to vector<1x1x256xi1>
    %slice3A_3675 = vector.extract_strided_slice %select_n3A_3664 {offsets = [4, 0, 0], sizes = [4, 8, 256], strides = [1, 1, 1]} : vector<8x8x256xf32> to vector<4x8x256xf32>
    %slice3A_3676 = vector.extract_strided_slice %select_n3A_3664 {offsets = [0, 0, 0], sizes = [4, 8, 256], strides = [1, 1, 1]} : vector<8x8x256xf32> to vector<4x8x256xf32>
    %broadcast_in_dim3A_3677 = vector.shape_cast %broadcast_in_dim3A_3674 : vector<1x1x256xi1> to vector<1x1x256xi1>
    %broadcast_in_dim3A_3678 = vector.broadcast %broadcast_in_dim3A_3677 : vector<1x1x256xi1> to vector<4x8x256xi1>
    %select_n3A_3679 = arith.select %broadcast_in_dim3A_3678, %slice3A_3675, %slice3A_3676 : vector<4x8x256xi1>, vector<4x8x256xf32>
    %shift_right_arithmetic3A_3680 = arith.constant 1 : i32
    %shift_right_arithmetic3A_3681 = vector.broadcast %shift_right_arithmetic3A_3680 : i32 to vector<1x256xi32>
    %shift_right_arithmetic3A_3682 = arith.shrsi %broadcast_in_dim3A_2113, %shift_right_arithmetic3A_3681 : vector<1x256xi32>
    %and3A_3683 = arith.constant 1 : i32
    %and3A_3684 = vector.broadcast %and3A_3683 : i32 to vector<1x256xi32>
    %and3A_3685 = arith.andi %shift_right_arithmetic3A_3682, %and3A_3684 : vector<1x256xi32>
    %eq3A_3686 = arith.constant 1 : i32
    %eq3A_3687 = vector.broadcast %eq3A_3686 : i32 to vector<1x256xi32>
    %eq3A_3688 = arith.cmpi eq, %and3A_3685, %eq3A_3687 : vector<1x256xi32>
    %broadcast_in_dim3A_3689 = vector.shape_cast %eq3A_3688 : vector<1x256xi1> to vector<1x1x256xi1>
    %slice3A_3690 = vector.extract_strided_slice %select_n3A_3679 {offsets = [2, 0, 0], sizes = [2, 8, 256], strides = [1, 1, 1]} : vector<4x8x256xf32> to vector<2x8x256xf32>
    %slice3A_3691 = vector.extract_strided_slice %select_n3A_3679 {offsets = [0, 0, 0], sizes = [2, 8, 256], strides = [1, 1, 1]} : vector<4x8x256xf32> to vector<2x8x256xf32>
    %broadcast_in_dim3A_3692 = vector.shape_cast %broadcast_in_dim3A_3689 : vector<1x1x256xi1> to vector<1x1x256xi1>
    %broadcast_in_dim3A_3693 = vector.broadcast %broadcast_in_dim3A_3692 : vector<1x1x256xi1> to vector<2x8x256xi1>
    %select_n3A_3694 = arith.select %broadcast_in_dim3A_3693, %slice3A_3690, %slice3A_3691 : vector<2x8x256xi1>, vector<2x8x256xf32>
    %shift_right_arithmetic3A_3695 = arith.constant 0 : i32
    %shift_right_arithmetic3A_3696 = vector.broadcast %shift_right_arithmetic3A_3695 : i32 to vector<1x256xi32>
    %shift_right_arithmetic3A_3697 = arith.shrsi %broadcast_in_dim3A_2113, %shift_right_arithmetic3A_3696 : vector<1x256xi32>
    %and3A_3698 = arith.constant 1 : i32
    %and3A_3699 = vector.broadcast %and3A_3698 : i32 to vector<1x256xi32>
    %and3A_3700 = arith.andi %shift_right_arithmetic3A_3697, %and3A_3699 : vector<1x256xi32>
    %eq3A_3701 = arith.constant 1 : i32
    %eq3A_3702 = vector.broadcast %eq3A_3701 : i32 to vector<1x256xi32>
    %eq3A_3703 = arith.cmpi eq, %and3A_3700, %eq3A_3702 : vector<1x256xi32>
    %broadcast_in_dim3A_3704 = vector.shape_cast %eq3A_3703 : vector<1x256xi1> to vector<1x1x256xi1>
    %slice3A_3705 = vector.extract_strided_slice %select_n3A_3694 {offsets = [1, 0, 0], sizes = [1, 8, 256], strides = [1, 1, 1]} : vector<2x8x256xf32> to vector<1x8x256xf32>
    %slice3A_3706 = vector.extract_strided_slice %select_n3A_3694 {offsets = [0, 0, 0], sizes = [1, 8, 256], strides = [1, 1, 1]} : vector<2x8x256xf32> to vector<1x8x256xf32>
    %broadcast_in_dim3A_3707 = vector.shape_cast %broadcast_in_dim3A_3704 : vector<1x1x256xi1> to vector<1x1x256xi1>
    %broadcast_in_dim3A_3708 = vector.broadcast %broadcast_in_dim3A_3707 : vector<1x1x256xi1> to vector<1x8x256xi1>
    %select_n3A_3709 = arith.select %broadcast_in_dim3A_3708, %slice3A_3705, %slice3A_3706 : vector<1x8x256xi1>, vector<1x8x256xf32>
    %shift_right_arithmetic3A_3710 = arith.constant 9 : i32
    %shift_right_arithmetic3A_3711 = vector.broadcast %shift_right_arithmetic3A_3710 : i32 to vector<1x256xi32>
    %shift_right_arithmetic3A_3712 = arith.shrsi %broadcast_in_dim3A_2129, %shift_right_arithmetic3A_3711 : vector<1x256xi32>
    %and3A_3713 = arith.constant 1 : i32
    %and3A_3714 = vector.broadcast %and3A_3713 : i32 to vector<1x256xi32>
    %and3A_3715 = arith.andi %shift_right_arithmetic3A_3712, %and3A_3714 : vector<1x256xi32>
    %eq3A_3716 = arith.constant 1 : i32
    %eq3A_3717 = vector.broadcast %eq3A_3716 : i32 to vector<1x256xi32>
    %eq3A_3718 = arith.cmpi eq, %and3A_3715, %eq3A_3717 : vector<1x256xi32>
    %broadcast_in_dim3A_3719 = vector.shape_cast %eq3A_3718 : vector<1x256xi1> to vector<1x1x256xi1>
    %slice3A_3720 = vector.extract_strided_slice %reshape3A {offsets = [512, 0, 0], sizes = [512, 8, 256], strides = [1, 1, 1]} : vector<1024x8x256xf32> to vector<512x8x256xf32>
    %slice3A_3721 = vector.extract_strided_slice %reshape3A {offsets = [0, 0, 0], sizes = [512, 8, 256], strides = [1, 1, 1]} : vector<1024x8x256xf32> to vector<512x8x256xf32>
    %broadcast_in_dim3A_3722 = vector.shape_cast %broadcast_in_dim3A_3719 : vector<1x1x256xi1> to vector<1x1x256xi1>
    %broadcast_in_dim3A_3723 = vector.broadcast %broadcast_in_dim3A_3722 : vector<1x1x256xi1> to vector<512x8x256xi1>
    %select_n3A_3724 = arith.select %broadcast_in_dim3A_3723, %slice3A_3720, %slice3A_3721 : vector<512x8x256xi1>, vector<512x8x256xf32>
    %shift_right_arithmetic3A_3725 = arith.constant 8 : i32
    %shift_right_arithmetic3A_3726 = vector.broadcast %shift_right_arithmetic3A_3725 : i32 to vector<1x256xi32>
    %shift_right_arithmetic3A_3727 = arith.shrsi %broadcast_in_dim3A_2129, %shift_right_arithmetic3A_3726 : vector<1x256xi32>
    %and3A_3728 = arith.constant 1 : i32
    %and3A_3729 = vector.broadcast %and3A_3728 : i32 to vector<1x256xi32>
    %and3A_3730 = arith.andi %shift_right_arithmetic3A_3727, %and3A_3729 : vector<1x256xi32>
    %eq3A_3731 = arith.constant 1 : i32
    %eq3A_3732 = vector.broadcast %eq3A_3731 : i32 to vector<1x256xi32>
    %eq3A_3733 = arith.cmpi eq, %and3A_3730, %eq3A_3732 : vector<1x256xi32>
    %broadcast_in_dim3A_3734 = vector.shape_cast %eq3A_3733 : vector<1x256xi1> to vector<1x1x256xi1>
    %slice3A_3735 = vector.extract_strided_slice %select_n3A_3724 {offsets = [256, 0, 0], sizes = [256, 8, 256], strides = [1, 1, 1]} : vector<512x8x256xf32> to vector<256x8x256xf32>
    %slice3A_3736 = vector.extract_strided_slice %select_n3A_3724 {offsets = [0, 0, 0], sizes = [256, 8, 256], strides = [1, 1, 1]} : vector<512x8x256xf32> to vector<256x8x256xf32>
    %broadcast_in_dim3A_3737 = vector.shape_cast %broadcast_in_dim3A_3734 : vector<1x1x256xi1> to vector<1x1x256xi1>
    %broadcast_in_dim3A_3738 = vector.broadcast %broadcast_in_dim3A_3737 : vector<1x1x256xi1> to vector<256x8x256xi1>
    %select_n3A_3739 = arith.select %broadcast_in_dim3A_3738, %slice3A_3735, %slice3A_3736 : vector<256x8x256xi1>, vector<256x8x256xf32>
    %shift_right_arithmetic3A_3740 = arith.constant 7 : i32
    %shift_right_arithmetic3A_3741 = vector.broadcast %shift_right_arithmetic3A_3740 : i32 to vector<1x256xi32>
    %shift_right_arithmetic3A_3742 = arith.shrsi %broadcast_in_dim3A_2129, %shift_right_arithmetic3A_3741 : vector<1x256xi32>
    %and3A_3743 = arith.constant 1 : i32
    %and3A_3744 = vector.broadcast %and3A_3743 : i32 to vector<1x256xi32>
    %and3A_3745 = arith.andi %shift_right_arithmetic3A_3742, %and3A_3744 : vector<1x256xi32>
    %eq3A_3746 = arith.constant 1 : i32
    %eq3A_3747 = vector.broadcast %eq3A_3746 : i32 to vector<1x256xi32>
    %eq3A_3748 = arith.cmpi eq, %and3A_3745, %eq3A_3747 : vector<1x256xi32>
    %broadcast_in_dim3A_3749 = vector.shape_cast %eq3A_3748 : vector<1x256xi1> to vector<1x1x256xi1>
    %slice3A_3750 = vector.extract_strided_slice %select_n3A_3739 {offsets = [128, 0, 0], sizes = [128, 8, 256], strides = [1, 1, 1]} : vector<256x8x256xf32> to vector<128x8x256xf32>
    %slice3A_3751 = vector.extract_strided_slice %select_n3A_3739 {offsets = [0, 0, 0], sizes = [128, 8, 256], strides = [1, 1, 1]} : vector<256x8x256xf32> to vector<128x8x256xf32>
    %broadcast_in_dim3A_3752 = vector.shape_cast %broadcast_in_dim3A_3749 : vector<1x1x256xi1> to vector<1x1x256xi1>
    %broadcast_in_dim3A_3753 = vector.broadcast %broadcast_in_dim3A_3752 : vector<1x1x256xi1> to vector<128x8x256xi1>
    %select_n3A_3754 = arith.select %broadcast_in_dim3A_3753, %slice3A_3750, %slice3A_3751 : vector<128x8x256xi1>, vector<128x8x256xf32>
    %shift_right_arithmetic3A_3755 = arith.constant 6 : i32
    %shift_right_arithmetic3A_3756 = vector.broadcast %shift_right_arithmetic3A_3755 : i32 to vector<1x256xi32>
    %shift_right_arithmetic3A_3757 = arith.shrsi %broadcast_in_dim3A_2129, %shift_right_arithmetic3A_3756 : vector<1x256xi32>
    %and3A_3758 = arith.constant 1 : i32
    %and3A_3759 = vector.broadcast %and3A_3758 : i32 to vector<1x256xi32>
    %and3A_3760 = arith.andi %shift_right_arithmetic3A_3757, %and3A_3759 : vector<1x256xi32>
    %eq3A_3761 = arith.constant 1 : i32
    %eq3A_3762 = vector.broadcast %eq3A_3761 : i32 to vector<1x256xi32>
    %eq3A_3763 = arith.cmpi eq, %and3A_3760, %eq3A_3762 : vector<1x256xi32>
    %broadcast_in_dim3A_3764 = vector.shape_cast %eq3A_3763 : vector<1x256xi1> to vector<1x1x256xi1>
    %slice3A_3765 = vector.extract_strided_slice %select_n3A_3754 {offsets = [64, 0, 0], sizes = [64, 8, 256], strides = [1, 1, 1]} : vector<128x8x256xf32> to vector<64x8x256xf32>
    %slice3A_3766 = vector.extract_strided_slice %select_n3A_3754 {offsets = [0, 0, 0], sizes = [64, 8, 256], strides = [1, 1, 1]} : vector<128x8x256xf32> to vector<64x8x256xf32>
    %broadcast_in_dim3A_3767 = vector.shape_cast %broadcast_in_dim3A_3764 : vector<1x1x256xi1> to vector<1x1x256xi1>
    %broadcast_in_dim3A_3768 = vector.broadcast %broadcast_in_dim3A_3767 : vector<1x1x256xi1> to vector<64x8x256xi1>
    %select_n3A_3769 = arith.select %broadcast_in_dim3A_3768, %slice3A_3765, %slice3A_3766 : vector<64x8x256xi1>, vector<64x8x256xf32>
    %shift_right_arithmetic3A_3770 = arith.constant 5 : i32
    %shift_right_arithmetic3A_3771 = vector.broadcast %shift_right_arithmetic3A_3770 : i32 to vector<1x256xi32>
    %shift_right_arithmetic3A_3772 = arith.shrsi %broadcast_in_dim3A_2129, %shift_right_arithmetic3A_3771 : vector<1x256xi32>
    %and3A_3773 = arith.constant 1 : i32
    %and3A_3774 = vector.broadcast %and3A_3773 : i32 to vector<1x256xi32>
    %and3A_3775 = arith.andi %shift_right_arithmetic3A_3772, %and3A_3774 : vector<1x256xi32>
    %eq3A_3776 = arith.constant 1 : i32
    %eq3A_3777 = vector.broadcast %eq3A_3776 : i32 to vector<1x256xi32>
    %eq3A_3778 = arith.cmpi eq, %and3A_3775, %eq3A_3777 : vector<1x256xi32>
    %broadcast_in_dim3A_3779 = vector.shape_cast %eq3A_3778 : vector<1x256xi1> to vector<1x1x256xi1>
    %slice3A_3780 = vector.extract_strided_slice %select_n3A_3769 {offsets = [32, 0, 0], sizes = [32, 8, 256], strides = [1, 1, 1]} : vector<64x8x256xf32> to vector<32x8x256xf32>
    %slice3A_3781 = vector.extract_strided_slice %select_n3A_3769 {offsets = [0, 0, 0], sizes = [32, 8, 256], strides = [1, 1, 1]} : vector<64x8x256xf32> to vector<32x8x256xf32>
    %broadcast_in_dim3A_3782 = vector.shape_cast %broadcast_in_dim3A_3779 : vector<1x1x256xi1> to vector<1x1x256xi1>
    %broadcast_in_dim3A_3783 = vector.broadcast %broadcast_in_dim3A_3782 : vector<1x1x256xi1> to vector<32x8x256xi1>
    %select_n3A_3784 = arith.select %broadcast_in_dim3A_3783, %slice3A_3780, %slice3A_3781 : vector<32x8x256xi1>, vector<32x8x256xf32>
    %shift_right_arithmetic3A_3785 = arith.constant 4 : i32
    %shift_right_arithmetic3A_3786 = vector.broadcast %shift_right_arithmetic3A_3785 : i32 to vector<1x256xi32>
    %shift_right_arithmetic3A_3787 = arith.shrsi %broadcast_in_dim3A_2129, %shift_right_arithmetic3A_3786 : vector<1x256xi32>
    %and3A_3788 = arith.constant 1 : i32
    %and3A_3789 = vector.broadcast %and3A_3788 : i32 to vector<1x256xi32>
    %and3A_3790 = arith.andi %shift_right_arithmetic3A_3787, %and3A_3789 : vector<1x256xi32>
    %eq3A_3791 = arith.constant 1 : i32
    %eq3A_3792 = vector.broadcast %eq3A_3791 : i32 to vector<1x256xi32>
    %eq3A_3793 = arith.cmpi eq, %and3A_3790, %eq3A_3792 : vector<1x256xi32>
    %broadcast_in_dim3A_3794 = vector.shape_cast %eq3A_3793 : vector<1x256xi1> to vector<1x1x256xi1>
    %slice3A_3795 = vector.extract_strided_slice %select_n3A_3784 {offsets = [16, 0, 0], sizes = [16, 8, 256], strides = [1, 1, 1]} : vector<32x8x256xf32> to vector<16x8x256xf32>
    %slice3A_3796 = vector.extract_strided_slice %select_n3A_3784 {offsets = [0, 0, 0], sizes = [16, 8, 256], strides = [1, 1, 1]} : vector<32x8x256xf32> to vector<16x8x256xf32>
    %broadcast_in_dim3A_3797 = vector.shape_cast %broadcast_in_dim3A_3794 : vector<1x1x256xi1> to vector<1x1x256xi1>
    %broadcast_in_dim3A_3798 = vector.broadcast %broadcast_in_dim3A_3797 : vector<1x1x256xi1> to vector<16x8x256xi1>
    %select_n3A_3799 = arith.select %broadcast_in_dim3A_3798, %slice3A_3795, %slice3A_3796 : vector<16x8x256xi1>, vector<16x8x256xf32>
    %shift_right_arithmetic3A_3800 = arith.constant 3 : i32
    %shift_right_arithmetic3A_3801 = vector.broadcast %shift_right_arithmetic3A_3800 : i32 to vector<1x256xi32>
    %shift_right_arithmetic3A_3802 = arith.shrsi %broadcast_in_dim3A_2129, %shift_right_arithmetic3A_3801 : vector<1x256xi32>
    %and3A_3803 = arith.constant 1 : i32
    %and3A_3804 = vector.broadcast %and3A_3803 : i32 to vector<1x256xi32>
    %and3A_3805 = arith.andi %shift_right_arithmetic3A_3802, %and3A_3804 : vector<1x256xi32>
    %eq3A_3806 = arith.constant 1 : i32
    %eq3A_3807 = vector.broadcast %eq3A_3806 : i32 to vector<1x256xi32>
    %eq3A_3808 = arith.cmpi eq, %and3A_3805, %eq3A_3807 : vector<1x256xi32>
    %broadcast_in_dim3A_3809 = vector.shape_cast %eq3A_3808 : vector<1x256xi1> to vector<1x1x256xi1>
    %slice3A_3810 = vector.extract_strided_slice %select_n3A_3799 {offsets = [8, 0, 0], sizes = [8, 8, 256], strides = [1, 1, 1]} : vector<16x8x256xf32> to vector<8x8x256xf32>
    %slice3A_3811 = vector.extract_strided_slice %select_n3A_3799 {offsets = [0, 0, 0], sizes = [8, 8, 256], strides = [1, 1, 1]} : vector<16x8x256xf32> to vector<8x8x256xf32>
    %broadcast_in_dim3A_3812 = vector.shape_cast %broadcast_in_dim3A_3809 : vector<1x1x256xi1> to vector<1x1x256xi1>
    %broadcast_in_dim3A_3813 = vector.broadcast %broadcast_in_dim3A_3812 : vector<1x1x256xi1> to vector<8x8x256xi1>
    %select_n3A_3814 = arith.select %broadcast_in_dim3A_3813, %slice3A_3810, %slice3A_3811 : vector<8x8x256xi1>, vector<8x8x256xf32>
    %shift_right_arithmetic3A_3815 = arith.constant 2 : i32
    %shift_right_arithmetic3A_3816 = vector.broadcast %shift_right_arithmetic3A_3815 : i32 to vector<1x256xi32>
    %shift_right_arithmetic3A_3817 = arith.shrsi %broadcast_in_dim3A_2129, %shift_right_arithmetic3A_3816 : vector<1x256xi32>
    %and3A_3818 = arith.constant 1 : i32
    %and3A_3819 = vector.broadcast %and3A_3818 : i32 to vector<1x256xi32>
    %and3A_3820 = arith.andi %shift_right_arithmetic3A_3817, %and3A_3819 : vector<1x256xi32>
    %eq3A_3821 = arith.constant 1 : i32
    %eq3A_3822 = vector.broadcast %eq3A_3821 : i32 to vector<1x256xi32>
    %eq3A_3823 = arith.cmpi eq, %and3A_3820, %eq3A_3822 : vector<1x256xi32>
    %broadcast_in_dim3A_3824 = vector.shape_cast %eq3A_3823 : vector<1x256xi1> to vector<1x1x256xi1>
    %slice3A_3825 = vector.extract_strided_slice %select_n3A_3814 {offsets = [4, 0, 0], sizes = [4, 8, 256], strides = [1, 1, 1]} : vector<8x8x256xf32> to vector<4x8x256xf32>
    %slice3A_3826 = vector.extract_strided_slice %select_n3A_3814 {offsets = [0, 0, 0], sizes = [4, 8, 256], strides = [1, 1, 1]} : vector<8x8x256xf32> to vector<4x8x256xf32>
    %broadcast_in_dim3A_3827 = vector.shape_cast %broadcast_in_dim3A_3824 : vector<1x1x256xi1> to vector<1x1x256xi1>
    %broadcast_in_dim3A_3828 = vector.broadcast %broadcast_in_dim3A_3827 : vector<1x1x256xi1> to vector<4x8x256xi1>
    %select_n3A_3829 = arith.select %broadcast_in_dim3A_3828, %slice3A_3825, %slice3A_3826 : vector<4x8x256xi1>, vector<4x8x256xf32>
    %shift_right_arithmetic3A_3830 = arith.constant 1 : i32
    %shift_right_arithmetic3A_3831 = vector.broadcast %shift_right_arithmetic3A_3830 : i32 to vector<1x256xi32>
    %shift_right_arithmetic3A_3832 = arith.shrsi %broadcast_in_dim3A_2129, %shift_right_arithmetic3A_3831 : vector<1x256xi32>
    %and3A_3833 = arith.constant 1 : i32
    %and3A_3834 = vector.broadcast %and3A_3833 : i32 to vector<1x256xi32>
    %and3A_3835 = arith.andi %shift_right_arithmetic3A_3832, %and3A_3834 : vector<1x256xi32>
    %eq3A_3836 = arith.constant 1 : i32
    %eq3A_3837 = vector.broadcast %eq3A_3836 : i32 to vector<1x256xi32>
    %eq3A_3838 = arith.cmpi eq, %and3A_3835, %eq3A_3837 : vector<1x256xi32>
    %broadcast_in_dim3A_3839 = vector.shape_cast %eq3A_3838 : vector<1x256xi1> to vector<1x1x256xi1>
    %slice3A_3840 = vector.extract_strided_slice %select_n3A_3829 {offsets = [2, 0, 0], sizes = [2, 8, 256], strides = [1, 1, 1]} : vector<4x8x256xf32> to vector<2x8x256xf32>
    %slice3A_3841 = vector.extract_strided_slice %select_n3A_3829 {offsets = [0, 0, 0], sizes = [2, 8, 256], strides = [1, 1, 1]} : vector<4x8x256xf32> to vector<2x8x256xf32>
    %broadcast_in_dim3A_3842 = vector.shape_cast %broadcast_in_dim3A_3839 : vector<1x1x256xi1> to vector<1x1x256xi1>
    %broadcast_in_dim3A_3843 = vector.broadcast %broadcast_in_dim3A_3842 : vector<1x1x256xi1> to vector<2x8x256xi1>
    %select_n3A_3844 = arith.select %broadcast_in_dim3A_3843, %slice3A_3840, %slice3A_3841 : vector<2x8x256xi1>, vector<2x8x256xf32>
    %shift_right_arithmetic3A_3845 = arith.constant 0 : i32
    %shift_right_arithmetic3A_3846 = vector.broadcast %shift_right_arithmetic3A_3845 : i32 to vector<1x256xi32>
    %shift_right_arithmetic3A_3847 = arith.shrsi %broadcast_in_dim3A_2129, %shift_right_arithmetic3A_3846 : vector<1x256xi32>
    %and3A_3848 = arith.constant 1 : i32
    %and3A_3849 = vector.broadcast %and3A_3848 : i32 to vector<1x256xi32>
    %and3A_3850 = arith.andi %shift_right_arithmetic3A_3847, %and3A_3849 : vector<1x256xi32>
    %eq3A_3851 = arith.constant 1 : i32
    %eq3A_3852 = vector.broadcast %eq3A_3851 : i32 to vector<1x256xi32>
    %eq3A_3853 = arith.cmpi eq, %and3A_3850, %eq3A_3852 : vector<1x256xi32>
    %broadcast_in_dim3A_3854 = vector.shape_cast %eq3A_3853 : vector<1x256xi1> to vector<1x1x256xi1>
    %slice3A_3855 = vector.extract_strided_slice %select_n3A_3844 {offsets = [1, 0, 0], sizes = [1, 8, 256], strides = [1, 1, 1]} : vector<2x8x256xf32> to vector<1x8x256xf32>
    %slice3A_3856 = vector.extract_strided_slice %select_n3A_3844 {offsets = [0, 0, 0], sizes = [1, 8, 256], strides = [1, 1, 1]} : vector<2x8x256xf32> to vector<1x8x256xf32>
    %broadcast_in_dim3A_3857 = vector.shape_cast %broadcast_in_dim3A_3854 : vector<1x1x256xi1> to vector<1x1x256xi1>
    %broadcast_in_dim3A_3858 = vector.broadcast %broadcast_in_dim3A_3857 : vector<1x1x256xi1> to vector<1x8x256xi1>
    %select_n3A_3859 = arith.select %broadcast_in_dim3A_3858, %slice3A_3855, %slice3A_3856 : vector<1x8x256xi1>, vector<1x8x256xf32>
    %shift_right_arithmetic3A_3860 = arith.constant 9 : i32
    %shift_right_arithmetic3A_3861 = vector.broadcast %shift_right_arithmetic3A_3860 : i32 to vector<1x256xi32>
    %shift_right_arithmetic3A_3862 = arith.shrsi %broadcast_in_dim3A_2145, %shift_right_arithmetic3A_3861 : vector<1x256xi32>
    %and3A_3863 = arith.constant 1 : i32
    %and3A_3864 = vector.broadcast %and3A_3863 : i32 to vector<1x256xi32>
    %and3A_3865 = arith.andi %shift_right_arithmetic3A_3862, %and3A_3864 : vector<1x256xi32>
    %eq3A_3866 = arith.constant 1 : i32
    %eq3A_3867 = vector.broadcast %eq3A_3866 : i32 to vector<1x256xi32>
    %eq3A_3868 = arith.cmpi eq, %and3A_3865, %eq3A_3867 : vector<1x256xi32>
    %broadcast_in_dim3A_3869 = vector.shape_cast %eq3A_3868 : vector<1x256xi1> to vector<1x1x256xi1>
    %slice3A_3870 = vector.extract_strided_slice %reshape3A {offsets = [512, 0, 0], sizes = [512, 8, 256], strides = [1, 1, 1]} : vector<1024x8x256xf32> to vector<512x8x256xf32>
    %slice3A_3871 = vector.extract_strided_slice %reshape3A {offsets = [0, 0, 0], sizes = [512, 8, 256], strides = [1, 1, 1]} : vector<1024x8x256xf32> to vector<512x8x256xf32>
    %broadcast_in_dim3A_3872 = vector.shape_cast %broadcast_in_dim3A_3869 : vector<1x1x256xi1> to vector<1x1x256xi1>
    %broadcast_in_dim3A_3873 = vector.broadcast %broadcast_in_dim3A_3872 : vector<1x1x256xi1> to vector<512x8x256xi1>
    %select_n3A_3874 = arith.select %broadcast_in_dim3A_3873, %slice3A_3870, %slice3A_3871 : vector<512x8x256xi1>, vector<512x8x256xf32>
    %shift_right_arithmetic3A_3875 = arith.constant 8 : i32
    %shift_right_arithmetic3A_3876 = vector.broadcast %shift_right_arithmetic3A_3875 : i32 to vector<1x256xi32>
    %shift_right_arithmetic3A_3877 = arith.shrsi %broadcast_in_dim3A_2145, %shift_right_arithmetic3A_3876 : vector<1x256xi32>
    %and3A_3878 = arith.constant 1 : i32
    %and3A_3879 = vector.broadcast %and3A_3878 : i32 to vector<1x256xi32>
    %and3A_3880 = arith.andi %shift_right_arithmetic3A_3877, %and3A_3879 : vector<1x256xi32>
    %eq3A_3881 = arith.constant 1 : i32
    %eq3A_3882 = vector.broadcast %eq3A_3881 : i32 to vector<1x256xi32>
    %eq3A_3883 = arith.cmpi eq, %and3A_3880, %eq3A_3882 : vector<1x256xi32>
    %broadcast_in_dim3A_3884 = vector.shape_cast %eq3A_3883 : vector<1x256xi1> to vector<1x1x256xi1>
    %slice3A_3885 = vector.extract_strided_slice %select_n3A_3874 {offsets = [256, 0, 0], sizes = [256, 8, 256], strides = [1, 1, 1]} : vector<512x8x256xf32> to vector<256x8x256xf32>
    %slice3A_3886 = vector.extract_strided_slice %select_n3A_3874 {offsets = [0, 0, 0], sizes = [256, 8, 256], strides = [1, 1, 1]} : vector<512x8x256xf32> to vector<256x8x256xf32>
    %broadcast_in_dim3A_3887 = vector.shape_cast %broadcast_in_dim3A_3884 : vector<1x1x256xi1> to vector<1x1x256xi1>
    %broadcast_in_dim3A_3888 = vector.broadcast %broadcast_in_dim3A_3887 : vector<1x1x256xi1> to vector<256x8x256xi1>
    %select_n3A_3889 = arith.select %broadcast_in_dim3A_3888, %slice3A_3885, %slice3A_3886 : vector<256x8x256xi1>, vector<256x8x256xf32>
    %shift_right_arithmetic3A_3890 = arith.constant 7 : i32
    %shift_right_arithmetic3A_3891 = vector.broadcast %shift_right_arithmetic3A_3890 : i32 to vector<1x256xi32>
    %shift_right_arithmetic3A_3892 = arith.shrsi %broadcast_in_dim3A_2145, %shift_right_arithmetic3A_3891 : vector<1x256xi32>
    %and3A_3893 = arith.constant 1 : i32
    %and3A_3894 = vector.broadcast %and3A_3893 : i32 to vector<1x256xi32>
    %and3A_3895 = arith.andi %shift_right_arithmetic3A_3892, %and3A_3894 : vector<1x256xi32>
    %eq3A_3896 = arith.constant 1 : i32
    %eq3A_3897 = vector.broadcast %eq3A_3896 : i32 to vector<1x256xi32>
    %eq3A_3898 = arith.cmpi eq, %and3A_3895, %eq3A_3897 : vector<1x256xi32>
    %broadcast_in_dim3A_3899 = vector.shape_cast %eq3A_3898 : vector<1x256xi1> to vector<1x1x256xi1>
    %slice3A_3900 = vector.extract_strided_slice %select_n3A_3889 {offsets = [128, 0, 0], sizes = [128, 8, 256], strides = [1, 1, 1]} : vector<256x8x256xf32> to vector<128x8x256xf32>
    %slice3A_3901 = vector.extract_strided_slice %select_n3A_3889 {offsets = [0, 0, 0], sizes = [128, 8, 256], strides = [1, 1, 1]} : vector<256x8x256xf32> to vector<128x8x256xf32>
    %broadcast_in_dim3A_3902 = vector.shape_cast %broadcast_in_dim3A_3899 : vector<1x1x256xi1> to vector<1x1x256xi1>
    %broadcast_in_dim3A_3903 = vector.broadcast %broadcast_in_dim3A_3902 : vector<1x1x256xi1> to vector<128x8x256xi1>
    %select_n3A_3904 = arith.select %broadcast_in_dim3A_3903, %slice3A_3900, %slice3A_3901 : vector<128x8x256xi1>, vector<128x8x256xf32>
    %shift_right_arithmetic3A_3905 = arith.constant 6 : i32
    %shift_right_arithmetic3A_3906 = vector.broadcast %shift_right_arithmetic3A_3905 : i32 to vector<1x256xi32>
    %shift_right_arithmetic3A_3907 = arith.shrsi %broadcast_in_dim3A_2145, %shift_right_arithmetic3A_3906 : vector<1x256xi32>
    %and3A_3908 = arith.constant 1 : i32
    %and3A_3909 = vector.broadcast %and3A_3908 : i32 to vector<1x256xi32>
    %and3A_3910 = arith.andi %shift_right_arithmetic3A_3907, %and3A_3909 : vector<1x256xi32>
    %eq3A_3911 = arith.constant 1 : i32
    %eq3A_3912 = vector.broadcast %eq3A_3911 : i32 to vector<1x256xi32>
    %eq3A_3913 = arith.cmpi eq, %and3A_3910, %eq3A_3912 : vector<1x256xi32>
    %broadcast_in_dim3A_3914 = vector.shape_cast %eq3A_3913 : vector<1x256xi1> to vector<1x1x256xi1>
    %slice3A_3915 = vector.extract_strided_slice %select_n3A_3904 {offsets = [64, 0, 0], sizes = [64, 8, 256], strides = [1, 1, 1]} : vector<128x8x256xf32> to vector<64x8x256xf32>
    %slice3A_3916 = vector.extract_strided_slice %select_n3A_3904 {offsets = [0, 0, 0], sizes = [64, 8, 256], strides = [1, 1, 1]} : vector<128x8x256xf32> to vector<64x8x256xf32>
    %broadcast_in_dim3A_3917 = vector.shape_cast %broadcast_in_dim3A_3914 : vector<1x1x256xi1> to vector<1x1x256xi1>
    %broadcast_in_dim3A_3918 = vector.broadcast %broadcast_in_dim3A_3917 : vector<1x1x256xi1> to vector<64x8x256xi1>
    %select_n3A_3919 = arith.select %broadcast_in_dim3A_3918, %slice3A_3915, %slice3A_3916 : vector<64x8x256xi1>, vector<64x8x256xf32>
    %shift_right_arithmetic3A_3920 = arith.constant 5 : i32
    %shift_right_arithmetic3A_3921 = vector.broadcast %shift_right_arithmetic3A_3920 : i32 to vector<1x256xi32>
    %shift_right_arithmetic3A_3922 = arith.shrsi %broadcast_in_dim3A_2145, %shift_right_arithmetic3A_3921 : vector<1x256xi32>
    %and3A_3923 = arith.constant 1 : i32
    %and3A_3924 = vector.broadcast %and3A_3923 : i32 to vector<1x256xi32>
    %and3A_3925 = arith.andi %shift_right_arithmetic3A_3922, %and3A_3924 : vector<1x256xi32>
    %eq3A_3926 = arith.constant 1 : i32
    %eq3A_3927 = vector.broadcast %eq3A_3926 : i32 to vector<1x256xi32>
    %eq3A_3928 = arith.cmpi eq, %and3A_3925, %eq3A_3927 : vector<1x256xi32>
    %broadcast_in_dim3A_3929 = vector.shape_cast %eq3A_3928 : vector<1x256xi1> to vector<1x1x256xi1>
    %slice3A_3930 = vector.extract_strided_slice %select_n3A_3919 {offsets = [32, 0, 0], sizes = [32, 8, 256], strides = [1, 1, 1]} : vector<64x8x256xf32> to vector<32x8x256xf32>
    %slice3A_3931 = vector.extract_strided_slice %select_n3A_3919 {offsets = [0, 0, 0], sizes = [32, 8, 256], strides = [1, 1, 1]} : vector<64x8x256xf32> to vector<32x8x256xf32>
    %broadcast_in_dim3A_3932 = vector.shape_cast %broadcast_in_dim3A_3929 : vector<1x1x256xi1> to vector<1x1x256xi1>
    %broadcast_in_dim3A_3933 = vector.broadcast %broadcast_in_dim3A_3932 : vector<1x1x256xi1> to vector<32x8x256xi1>
    %select_n3A_3934 = arith.select %broadcast_in_dim3A_3933, %slice3A_3930, %slice3A_3931 : vector<32x8x256xi1>, vector<32x8x256xf32>
    %shift_right_arithmetic3A_3935 = arith.constant 4 : i32
    %shift_right_arithmetic3A_3936 = vector.broadcast %shift_right_arithmetic3A_3935 : i32 to vector<1x256xi32>
    %shift_right_arithmetic3A_3937 = arith.shrsi %broadcast_in_dim3A_2145, %shift_right_arithmetic3A_3936 : vector<1x256xi32>
    %and3A_3938 = arith.constant 1 : i32
    %and3A_3939 = vector.broadcast %and3A_3938 : i32 to vector<1x256xi32>
    %and3A_3940 = arith.andi %shift_right_arithmetic3A_3937, %and3A_3939 : vector<1x256xi32>
    %eq3A_3941 = arith.constant 1 : i32
    %eq3A_3942 = vector.broadcast %eq3A_3941 : i32 to vector<1x256xi32>
    %eq3A_3943 = arith.cmpi eq, %and3A_3940, %eq3A_3942 : vector<1x256xi32>
    %broadcast_in_dim3A_3944 = vector.shape_cast %eq3A_3943 : vector<1x256xi1> to vector<1x1x256xi1>
    %slice3A_3945 = vector.extract_strided_slice %select_n3A_3934 {offsets = [16, 0, 0], sizes = [16, 8, 256], strides = [1, 1, 1]} : vector<32x8x256xf32> to vector<16x8x256xf32>
    %slice3A_3946 = vector.extract_strided_slice %select_n3A_3934 {offsets = [0, 0, 0], sizes = [16, 8, 256], strides = [1, 1, 1]} : vector<32x8x256xf32> to vector<16x8x256xf32>
    %broadcast_in_dim3A_3947 = vector.shape_cast %broadcast_in_dim3A_3944 : vector<1x1x256xi1> to vector<1x1x256xi1>
    %broadcast_in_dim3A_3948 = vector.broadcast %broadcast_in_dim3A_3947 : vector<1x1x256xi1> to vector<16x8x256xi1>
    %select_n3A_3949 = arith.select %broadcast_in_dim3A_3948, %slice3A_3945, %slice3A_3946 : vector<16x8x256xi1>, vector<16x8x256xf32>
    %shift_right_arithmetic3A_3950 = arith.constant 3 : i32
    %shift_right_arithmetic3A_3951 = vector.broadcast %shift_right_arithmetic3A_3950 : i32 to vector<1x256xi32>
    %shift_right_arithmetic3A_3952 = arith.shrsi %broadcast_in_dim3A_2145, %shift_right_arithmetic3A_3951 : vector<1x256xi32>
    %and3A_3953 = arith.constant 1 : i32
    %and3A_3954 = vector.broadcast %and3A_3953 : i32 to vector<1x256xi32>
    %and3A_3955 = arith.andi %shift_right_arithmetic3A_3952, %and3A_3954 : vector<1x256xi32>
    %eq3A_3956 = arith.constant 1 : i32
    %eq3A_3957 = vector.broadcast %eq3A_3956 : i32 to vector<1x256xi32>
    %eq3A_3958 = arith.cmpi eq, %and3A_3955, %eq3A_3957 : vector<1x256xi32>
    %broadcast_in_dim3A_3959 = vector.shape_cast %eq3A_3958 : vector<1x256xi1> to vector<1x1x256xi1>
    %slice3A_3960 = vector.extract_strided_slice %select_n3A_3949 {offsets = [8, 0, 0], sizes = [8, 8, 256], strides = [1, 1, 1]} : vector<16x8x256xf32> to vector<8x8x256xf32>
    %slice3A_3961 = vector.extract_strided_slice %select_n3A_3949 {offsets = [0, 0, 0], sizes = [8, 8, 256], strides = [1, 1, 1]} : vector<16x8x256xf32> to vector<8x8x256xf32>
    %broadcast_in_dim3A_3962 = vector.shape_cast %broadcast_in_dim3A_3959 : vector<1x1x256xi1> to vector<1x1x256xi1>
    %broadcast_in_dim3A_3963 = vector.broadcast %broadcast_in_dim3A_3962 : vector<1x1x256xi1> to vector<8x8x256xi1>
    %select_n3A_3964 = arith.select %broadcast_in_dim3A_3963, %slice3A_3960, %slice3A_3961 : vector<8x8x256xi1>, vector<8x8x256xf32>
    %shift_right_arithmetic3A_3965 = arith.constant 2 : i32
    %shift_right_arithmetic3A_3966 = vector.broadcast %shift_right_arithmetic3A_3965 : i32 to vector<1x256xi32>
    %shift_right_arithmetic3A_3967 = arith.shrsi %broadcast_in_dim3A_2145, %shift_right_arithmetic3A_3966 : vector<1x256xi32>
    %and3A_3968 = arith.constant 1 : i32
    %and3A_3969 = vector.broadcast %and3A_3968 : i32 to vector<1x256xi32>
    %and3A_3970 = arith.andi %shift_right_arithmetic3A_3967, %and3A_3969 : vector<1x256xi32>
    %eq3A_3971 = arith.constant 1 : i32
    %eq3A_3972 = vector.broadcast %eq3A_3971 : i32 to vector<1x256xi32>
    %eq3A_3973 = arith.cmpi eq, %and3A_3970, %eq3A_3972 : vector<1x256xi32>
    %broadcast_in_dim3A_3974 = vector.shape_cast %eq3A_3973 : vector<1x256xi1> to vector<1x1x256xi1>
    %slice3A_3975 = vector.extract_strided_slice %select_n3A_3964 {offsets = [4, 0, 0], sizes = [4, 8, 256], strides = [1, 1, 1]} : vector<8x8x256xf32> to vector<4x8x256xf32>
    %slice3A_3976 = vector.extract_strided_slice %select_n3A_3964 {offsets = [0, 0, 0], sizes = [4, 8, 256], strides = [1, 1, 1]} : vector<8x8x256xf32> to vector<4x8x256xf32>
    %broadcast_in_dim3A_3977 = vector.shape_cast %broadcast_in_dim3A_3974 : vector<1x1x256xi1> to vector<1x1x256xi1>
    %broadcast_in_dim3A_3978 = vector.broadcast %broadcast_in_dim3A_3977 : vector<1x1x256xi1> to vector<4x8x256xi1>
    %select_n3A_3979 = arith.select %broadcast_in_dim3A_3978, %slice3A_3975, %slice3A_3976 : vector<4x8x256xi1>, vector<4x8x256xf32>
    %shift_right_arithmetic3A_3980 = arith.constant 1 : i32
    %shift_right_arithmetic3A_3981 = vector.broadcast %shift_right_arithmetic3A_3980 : i32 to vector<1x256xi32>
    %shift_right_arithmetic3A_3982 = arith.shrsi %broadcast_in_dim3A_2145, %shift_right_arithmetic3A_3981 : vector<1x256xi32>
    %and3A_3983 = arith.constant 1 : i32
    %and3A_3984 = vector.broadcast %and3A_3983 : i32 to vector<1x256xi32>
    %and3A_3985 = arith.andi %shift_right_arithmetic3A_3982, %and3A_3984 : vector<1x256xi32>
    %eq3A_3986 = arith.constant 1 : i32
    %eq3A_3987 = vector.broadcast %eq3A_3986 : i32 to vector<1x256xi32>
    %eq3A_3988 = arith.cmpi eq, %and3A_3985, %eq3A_3987 : vector<1x256xi32>
    %broadcast_in_dim3A_3989 = vector.shape_cast %eq3A_3988 : vector<1x256xi1> to vector<1x1x256xi1>
    %slice3A_3990 = vector.extract_strided_slice %select_n3A_3979 {offsets = [2, 0, 0], sizes = [2, 8, 256], strides = [1, 1, 1]} : vector<4x8x256xf32> to vector<2x8x256xf32>
    %slice3A_3991 = vector.extract_strided_slice %select_n3A_3979 {offsets = [0, 0, 0], sizes = [2, 8, 256], strides = [1, 1, 1]} : vector<4x8x256xf32> to vector<2x8x256xf32>
    %broadcast_in_dim3A_3992 = vector.shape_cast %broadcast_in_dim3A_3989 : vector<1x1x256xi1> to vector<1x1x256xi1>
    %broadcast_in_dim3A_3993 = vector.broadcast %broadcast_in_dim3A_3992 : vector<1x1x256xi1> to vector<2x8x256xi1>
    %select_n3A_3994 = arith.select %broadcast_in_dim3A_3993, %slice3A_3990, %slice3A_3991 : vector<2x8x256xi1>, vector<2x8x256xf32>
    %shift_right_arithmetic3A_3995 = arith.constant 0 : i32
    %shift_right_arithmetic3A_3996 = vector.broadcast %shift_right_arithmetic3A_3995 : i32 to vector<1x256xi32>
    %shift_right_arithmetic3A_3997 = arith.shrsi %broadcast_in_dim3A_2145, %shift_right_arithmetic3A_3996 : vector<1x256xi32>
    %and3A_3998 = arith.constant 1 : i32
    %and3A_3999 = vector.broadcast %and3A_3998 : i32 to vector<1x256xi32>
    %and3A_4000 = arith.andi %shift_right_arithmetic3A_3997, %and3A_3999 : vector<1x256xi32>
    %eq3A_4001 = arith.constant 1 : i32
    %eq3A_4002 = vector.broadcast %eq3A_4001 : i32 to vector<1x256xi32>
    %eq3A_4003 = arith.cmpi eq, %and3A_4000, %eq3A_4002 : vector<1x256xi32>
    %broadcast_in_dim3A_4004 = vector.shape_cast %eq3A_4003 : vector<1x256xi1> to vector<1x1x256xi1>
    %slice3A_4005 = vector.extract_strided_slice %select_n3A_3994 {offsets = [1, 0, 0], sizes = [1, 8, 256], strides = [1, 1, 1]} : vector<2x8x256xf32> to vector<1x8x256xf32>
    %slice3A_4006 = vector.extract_strided_slice %select_n3A_3994 {offsets = [0, 0, 0], sizes = [1, 8, 256], strides = [1, 1, 1]} : vector<2x8x256xf32> to vector<1x8x256xf32>
    %broadcast_in_dim3A_4007 = vector.shape_cast %broadcast_in_dim3A_4004 : vector<1x1x256xi1> to vector<1x1x256xi1>
    %broadcast_in_dim3A_4008 = vector.broadcast %broadcast_in_dim3A_4007 : vector<1x1x256xi1> to vector<1x8x256xi1>
    %select_n3A_4009 = arith.select %broadcast_in_dim3A_4008, %slice3A_4005, %slice3A_4006 : vector<1x8x256xi1>, vector<1x8x256xf32>
    %shift_right_arithmetic3A_4010 = arith.constant 9 : i32
    %shift_right_arithmetic3A_4011 = vector.broadcast %shift_right_arithmetic3A_4010 : i32 to vector<1x256xi32>
    %shift_right_arithmetic3A_4012 = arith.shrsi %broadcast_in_dim3A_2161, %shift_right_arithmetic3A_4011 : vector<1x256xi32>
    %and3A_4013 = arith.constant 1 : i32
    %and3A_4014 = vector.broadcast %and3A_4013 : i32 to vector<1x256xi32>
    %and3A_4015 = arith.andi %shift_right_arithmetic3A_4012, %and3A_4014 : vector<1x256xi32>
    %eq3A_4016 = arith.constant 1 : i32
    %eq3A_4017 = vector.broadcast %eq3A_4016 : i32 to vector<1x256xi32>
    %eq3A_4018 = arith.cmpi eq, %and3A_4015, %eq3A_4017 : vector<1x256xi32>
    %broadcast_in_dim3A_4019 = vector.shape_cast %eq3A_4018 : vector<1x256xi1> to vector<1x1x256xi1>
    %slice3A_4020 = vector.extract_strided_slice %reshape3A {offsets = [512, 0, 0], sizes = [512, 8, 256], strides = [1, 1, 1]} : vector<1024x8x256xf32> to vector<512x8x256xf32>
    %slice3A_4021 = vector.extract_strided_slice %reshape3A {offsets = [0, 0, 0], sizes = [512, 8, 256], strides = [1, 1, 1]} : vector<1024x8x256xf32> to vector<512x8x256xf32>
    %broadcast_in_dim3A_4022 = vector.shape_cast %broadcast_in_dim3A_4019 : vector<1x1x256xi1> to vector<1x1x256xi1>
    %broadcast_in_dim3A_4023 = vector.broadcast %broadcast_in_dim3A_4022 : vector<1x1x256xi1> to vector<512x8x256xi1>
    %select_n3A_4024 = arith.select %broadcast_in_dim3A_4023, %slice3A_4020, %slice3A_4021 : vector<512x8x256xi1>, vector<512x8x256xf32>
    %shift_right_arithmetic3A_4025 = arith.constant 8 : i32
    %shift_right_arithmetic3A_4026 = vector.broadcast %shift_right_arithmetic3A_4025 : i32 to vector<1x256xi32>
    %shift_right_arithmetic3A_4027 = arith.shrsi %broadcast_in_dim3A_2161, %shift_right_arithmetic3A_4026 : vector<1x256xi32>
    %and3A_4028 = arith.constant 1 : i32
    %and3A_4029 = vector.broadcast %and3A_4028 : i32 to vector<1x256xi32>
    %and3A_4030 = arith.andi %shift_right_arithmetic3A_4027, %and3A_4029 : vector<1x256xi32>
    %eq3A_4031 = arith.constant 1 : i32
    %eq3A_4032 = vector.broadcast %eq3A_4031 : i32 to vector<1x256xi32>
    %eq3A_4033 = arith.cmpi eq, %and3A_4030, %eq3A_4032 : vector<1x256xi32>
    %broadcast_in_dim3A_4034 = vector.shape_cast %eq3A_4033 : vector<1x256xi1> to vector<1x1x256xi1>
    %slice3A_4035 = vector.extract_strided_slice %select_n3A_4024 {offsets = [256, 0, 0], sizes = [256, 8, 256], strides = [1, 1, 1]} : vector<512x8x256xf32> to vector<256x8x256xf32>
    %slice3A_4036 = vector.extract_strided_slice %select_n3A_4024 {offsets = [0, 0, 0], sizes = [256, 8, 256], strides = [1, 1, 1]} : vector<512x8x256xf32> to vector<256x8x256xf32>
    %broadcast_in_dim3A_4037 = vector.shape_cast %broadcast_in_dim3A_4034 : vector<1x1x256xi1> to vector<1x1x256xi1>
    %broadcast_in_dim3A_4038 = vector.broadcast %broadcast_in_dim3A_4037 : vector<1x1x256xi1> to vector<256x8x256xi1>
    %select_n3A_4039 = arith.select %broadcast_in_dim3A_4038, %slice3A_4035, %slice3A_4036 : vector<256x8x256xi1>, vector<256x8x256xf32>
    %shift_right_arithmetic3A_4040 = arith.constant 7 : i32
    %shift_right_arithmetic3A_4041 = vector.broadcast %shift_right_arithmetic3A_4040 : i32 to vector<1x256xi32>
    %shift_right_arithmetic3A_4042 = arith.shrsi %broadcast_in_dim3A_2161, %shift_right_arithmetic3A_4041 : vector<1x256xi32>
    %and3A_4043 = arith.constant 1 : i32
    %and3A_4044 = vector.broadcast %and3A_4043 : i32 to vector<1x256xi32>
    %and3A_4045 = arith.andi %shift_right_arithmetic3A_4042, %and3A_4044 : vector<1x256xi32>
    %eq3A_4046 = arith.constant 1 : i32
    %eq3A_4047 = vector.broadcast %eq3A_4046 : i32 to vector<1x256xi32>
    %eq3A_4048 = arith.cmpi eq, %and3A_4045, %eq3A_4047 : vector<1x256xi32>
    %broadcast_in_dim3A_4049 = vector.shape_cast %eq3A_4048 : vector<1x256xi1> to vector<1x1x256xi1>
    %slice3A_4050 = vector.extract_strided_slice %select_n3A_4039 {offsets = [128, 0, 0], sizes = [128, 8, 256], strides = [1, 1, 1]} : vector<256x8x256xf32> to vector<128x8x256xf32>
    %slice3A_4051 = vector.extract_strided_slice %select_n3A_4039 {offsets = [0, 0, 0], sizes = [128, 8, 256], strides = [1, 1, 1]} : vector<256x8x256xf32> to vector<128x8x256xf32>
    %broadcast_in_dim3A_4052 = vector.shape_cast %broadcast_in_dim3A_4049 : vector<1x1x256xi1> to vector<1x1x256xi1>
    %broadcast_in_dim3A_4053 = vector.broadcast %broadcast_in_dim3A_4052 : vector<1x1x256xi1> to vector<128x8x256xi1>
    %select_n3A_4054 = arith.select %broadcast_in_dim3A_4053, %slice3A_4050, %slice3A_4051 : vector<128x8x256xi1>, vector<128x8x256xf32>
    %shift_right_arithmetic3A_4055 = arith.constant 6 : i32
    %shift_right_arithmetic3A_4056 = vector.broadcast %shift_right_arithmetic3A_4055 : i32 to vector<1x256xi32>
    %shift_right_arithmetic3A_4057 = arith.shrsi %broadcast_in_dim3A_2161, %shift_right_arithmetic3A_4056 : vector<1x256xi32>
    %and3A_4058 = arith.constant 1 : i32
    %and3A_4059 = vector.broadcast %and3A_4058 : i32 to vector<1x256xi32>
    %and3A_4060 = arith.andi %shift_right_arithmetic3A_4057, %and3A_4059 : vector<1x256xi32>
    %eq3A_4061 = arith.constant 1 : i32
    %eq3A_4062 = vector.broadcast %eq3A_4061 : i32 to vector<1x256xi32>
    %eq3A_4063 = arith.cmpi eq, %and3A_4060, %eq3A_4062 : vector<1x256xi32>
    %broadcast_in_dim3A_4064 = vector.shape_cast %eq3A_4063 : vector<1x256xi1> to vector<1x1x256xi1>
    %slice3A_4065 = vector.extract_strided_slice %select_n3A_4054 {offsets = [64, 0, 0], sizes = [64, 8, 256], strides = [1, 1, 1]} : vector<128x8x256xf32> to vector<64x8x256xf32>
    %slice3A_4066 = vector.extract_strided_slice %select_n3A_4054 {offsets = [0, 0, 0], sizes = [64, 8, 256], strides = [1, 1, 1]} : vector<128x8x256xf32> to vector<64x8x256xf32>
    %broadcast_in_dim3A_4067 = vector.shape_cast %broadcast_in_dim3A_4064 : vector<1x1x256xi1> to vector<1x1x256xi1>
    %broadcast_in_dim3A_4068 = vector.broadcast %broadcast_in_dim3A_4067 : vector<1x1x256xi1> to vector<64x8x256xi1>
    %select_n3A_4069 = arith.select %broadcast_in_dim3A_4068, %slice3A_4065, %slice3A_4066 : vector<64x8x256xi1>, vector<64x8x256xf32>
    %shift_right_arithmetic3A_4070 = arith.constant 5 : i32
    %shift_right_arithmetic3A_4071 = vector.broadcast %shift_right_arithmetic3A_4070 : i32 to vector<1x256xi32>
    %shift_right_arithmetic3A_4072 = arith.shrsi %broadcast_in_dim3A_2161, %shift_right_arithmetic3A_4071 : vector<1x256xi32>
    %and3A_4073 = arith.constant 1 : i32
    %and3A_4074 = vector.broadcast %and3A_4073 : i32 to vector<1x256xi32>
    %and3A_4075 = arith.andi %shift_right_arithmetic3A_4072, %and3A_4074 : vector<1x256xi32>
    %eq3A_4076 = arith.constant 1 : i32
    %eq3A_4077 = vector.broadcast %eq3A_4076 : i32 to vector<1x256xi32>
    %eq3A_4078 = arith.cmpi eq, %and3A_4075, %eq3A_4077 : vector<1x256xi32>
    %broadcast_in_dim3A_4079 = vector.shape_cast %eq3A_4078 : vector<1x256xi1> to vector<1x1x256xi1>
    %slice3A_4080 = vector.extract_strided_slice %select_n3A_4069 {offsets = [32, 0, 0], sizes = [32, 8, 256], strides = [1, 1, 1]} : vector<64x8x256xf32> to vector<32x8x256xf32>
    %slice3A_4081 = vector.extract_strided_slice %select_n3A_4069 {offsets = [0, 0, 0], sizes = [32, 8, 256], strides = [1, 1, 1]} : vector<64x8x256xf32> to vector<32x8x256xf32>
    %broadcast_in_dim3A_4082 = vector.shape_cast %broadcast_in_dim3A_4079 : vector<1x1x256xi1> to vector<1x1x256xi1>
    %broadcast_in_dim3A_4083 = vector.broadcast %broadcast_in_dim3A_4082 : vector<1x1x256xi1> to vector<32x8x256xi1>
    %select_n3A_4084 = arith.select %broadcast_in_dim3A_4083, %slice3A_4080, %slice3A_4081 : vector<32x8x256xi1>, vector<32x8x256xf32>
    %shift_right_arithmetic3A_4085 = arith.constant 4 : i32
    %shift_right_arithmetic3A_4086 = vector.broadcast %shift_right_arithmetic3A_4085 : i32 to vector<1x256xi32>
    %shift_right_arithmetic3A_4087 = arith.shrsi %broadcast_in_dim3A_2161, %shift_right_arithmetic3A_4086 : vector<1x256xi32>
    %and3A_4088 = arith.constant 1 : i32
    %and3A_4089 = vector.broadcast %and3A_4088 : i32 to vector<1x256xi32>
    %and3A_4090 = arith.andi %shift_right_arithmetic3A_4087, %and3A_4089 : vector<1x256xi32>
    %eq3A_4091 = arith.constant 1 : i32
    %eq3A_4092 = vector.broadcast %eq3A_4091 : i32 to vector<1x256xi32>
    %eq3A_4093 = arith.cmpi eq, %and3A_4090, %eq3A_4092 : vector<1x256xi32>
    %broadcast_in_dim3A_4094 = vector.shape_cast %eq3A_4093 : vector<1x256xi1> to vector<1x1x256xi1>
    %slice3A_4095 = vector.extract_strided_slice %select_n3A_4084 {offsets = [16, 0, 0], sizes = [16, 8, 256], strides = [1, 1, 1]} : vector<32x8x256xf32> to vector<16x8x256xf32>
    %slice3A_4096 = vector.extract_strided_slice %select_n3A_4084 {offsets = [0, 0, 0], sizes = [16, 8, 256], strides = [1, 1, 1]} : vector<32x8x256xf32> to vector<16x8x256xf32>
    %broadcast_in_dim3A_4097 = vector.shape_cast %broadcast_in_dim3A_4094 : vector<1x1x256xi1> to vector<1x1x256xi1>
    %broadcast_in_dim3A_4098 = vector.broadcast %broadcast_in_dim3A_4097 : vector<1x1x256xi1> to vector<16x8x256xi1>
    %select_n3A_4099 = arith.select %broadcast_in_dim3A_4098, %slice3A_4095, %slice3A_4096 : vector<16x8x256xi1>, vector<16x8x256xf32>
    %shift_right_arithmetic3A_4100 = arith.constant 3 : i32
    %shift_right_arithmetic3A_4101 = vector.broadcast %shift_right_arithmetic3A_4100 : i32 to vector<1x256xi32>
    %shift_right_arithmetic3A_4102 = arith.shrsi %broadcast_in_dim3A_2161, %shift_right_arithmetic3A_4101 : vector<1x256xi32>
    %and3A_4103 = arith.constant 1 : i32
    %and3A_4104 = vector.broadcast %and3A_4103 : i32 to vector<1x256xi32>
    %and3A_4105 = arith.andi %shift_right_arithmetic3A_4102, %and3A_4104 : vector<1x256xi32>
    %eq3A_4106 = arith.constant 1 : i32
    %eq3A_4107 = vector.broadcast %eq3A_4106 : i32 to vector<1x256xi32>
    %eq3A_4108 = arith.cmpi eq, %and3A_4105, %eq3A_4107 : vector<1x256xi32>
    %broadcast_in_dim3A_4109 = vector.shape_cast %eq3A_4108 : vector<1x256xi1> to vector<1x1x256xi1>
    %slice3A_4110 = vector.extract_strided_slice %select_n3A_4099 {offsets = [8, 0, 0], sizes = [8, 8, 256], strides = [1, 1, 1]} : vector<16x8x256xf32> to vector<8x8x256xf32>
    %slice3A_4111 = vector.extract_strided_slice %select_n3A_4099 {offsets = [0, 0, 0], sizes = [8, 8, 256], strides = [1, 1, 1]} : vector<16x8x256xf32> to vector<8x8x256xf32>
    %broadcast_in_dim3A_4112 = vector.shape_cast %broadcast_in_dim3A_4109 : vector<1x1x256xi1> to vector<1x1x256xi1>
    %broadcast_in_dim3A_4113 = vector.broadcast %broadcast_in_dim3A_4112 : vector<1x1x256xi1> to vector<8x8x256xi1>
    %select_n3A_4114 = arith.select %broadcast_in_dim3A_4113, %slice3A_4110, %slice3A_4111 : vector<8x8x256xi1>, vector<8x8x256xf32>
    %shift_right_arithmetic3A_4115 = arith.constant 2 : i32
    %shift_right_arithmetic3A_4116 = vector.broadcast %shift_right_arithmetic3A_4115 : i32 to vector<1x256xi32>
    %shift_right_arithmetic3A_4117 = arith.shrsi %broadcast_in_dim3A_2161, %shift_right_arithmetic3A_4116 : vector<1x256xi32>
    %and3A_4118 = arith.constant 1 : i32
    %and3A_4119 = vector.broadcast %and3A_4118 : i32 to vector<1x256xi32>
    %and3A_4120 = arith.andi %shift_right_arithmetic3A_4117, %and3A_4119 : vector<1x256xi32>
    %eq3A_4121 = arith.constant 1 : i32
    %eq3A_4122 = vector.broadcast %eq3A_4121 : i32 to vector<1x256xi32>
    %eq3A_4123 = arith.cmpi eq, %and3A_4120, %eq3A_4122 : vector<1x256xi32>
    %broadcast_in_dim3A_4124 = vector.shape_cast %eq3A_4123 : vector<1x256xi1> to vector<1x1x256xi1>
    %slice3A_4125 = vector.extract_strided_slice %select_n3A_4114 {offsets = [4, 0, 0], sizes = [4, 8, 256], strides = [1, 1, 1]} : vector<8x8x256xf32> to vector<4x8x256xf32>
    %slice3A_4126 = vector.extract_strided_slice %select_n3A_4114 {offsets = [0, 0, 0], sizes = [4, 8, 256], strides = [1, 1, 1]} : vector<8x8x256xf32> to vector<4x8x256xf32>
    %broadcast_in_dim3A_4127 = vector.shape_cast %broadcast_in_dim3A_4124 : vector<1x1x256xi1> to vector<1x1x256xi1>
    %broadcast_in_dim3A_4128 = vector.broadcast %broadcast_in_dim3A_4127 : vector<1x1x256xi1> to vector<4x8x256xi1>
    %select_n3A_4129 = arith.select %broadcast_in_dim3A_4128, %slice3A_4125, %slice3A_4126 : vector<4x8x256xi1>, vector<4x8x256xf32>
    %shift_right_arithmetic3A_4130 = arith.constant 1 : i32
    %shift_right_arithmetic3A_4131 = vector.broadcast %shift_right_arithmetic3A_4130 : i32 to vector<1x256xi32>
    %shift_right_arithmetic3A_4132 = arith.shrsi %broadcast_in_dim3A_2161, %shift_right_arithmetic3A_4131 : vector<1x256xi32>
    %and3A_4133 = arith.constant 1 : i32
    %and3A_4134 = vector.broadcast %and3A_4133 : i32 to vector<1x256xi32>
    %and3A_4135 = arith.andi %shift_right_arithmetic3A_4132, %and3A_4134 : vector<1x256xi32>
    %eq3A_4136 = arith.constant 1 : i32
    %eq3A_4137 = vector.broadcast %eq3A_4136 : i32 to vector<1x256xi32>
    %eq3A_4138 = arith.cmpi eq, %and3A_4135, %eq3A_4137 : vector<1x256xi32>
    %broadcast_in_dim3A_4139 = vector.shape_cast %eq3A_4138 : vector<1x256xi1> to vector<1x1x256xi1>
    %slice3A_4140 = vector.extract_strided_slice %select_n3A_4129 {offsets = [2, 0, 0], sizes = [2, 8, 256], strides = [1, 1, 1]} : vector<4x8x256xf32> to vector<2x8x256xf32>
    %slice3A_4141 = vector.extract_strided_slice %select_n3A_4129 {offsets = [0, 0, 0], sizes = [2, 8, 256], strides = [1, 1, 1]} : vector<4x8x256xf32> to vector<2x8x256xf32>
    %broadcast_in_dim3A_4142 = vector.shape_cast %broadcast_in_dim3A_4139 : vector<1x1x256xi1> to vector<1x1x256xi1>
    %broadcast_in_dim3A_4143 = vector.broadcast %broadcast_in_dim3A_4142 : vector<1x1x256xi1> to vector<2x8x256xi1>
    %select_n3A_4144 = arith.select %broadcast_in_dim3A_4143, %slice3A_4140, %slice3A_4141 : vector<2x8x256xi1>, vector<2x8x256xf32>
    %shift_right_arithmetic3A_4145 = arith.constant 0 : i32
    %shift_right_arithmetic3A_4146 = vector.broadcast %shift_right_arithmetic3A_4145 : i32 to vector<1x256xi32>
    %shift_right_arithmetic3A_4147 = arith.shrsi %broadcast_in_dim3A_2161, %shift_right_arithmetic3A_4146 : vector<1x256xi32>
    %and3A_4148 = arith.constant 1 : i32
    %and3A_4149 = vector.broadcast %and3A_4148 : i32 to vector<1x256xi32>
    %and3A_4150 = arith.andi %shift_right_arithmetic3A_4147, %and3A_4149 : vector<1x256xi32>
    %eq3A_4151 = arith.constant 1 : i32
    %eq3A_4152 = vector.broadcast %eq3A_4151 : i32 to vector<1x256xi32>
    %eq3A_4153 = arith.cmpi eq, %and3A_4150, %eq3A_4152 : vector<1x256xi32>
    %broadcast_in_dim3A_4154 = vector.shape_cast %eq3A_4153 : vector<1x256xi1> to vector<1x1x256xi1>
    %slice3A_4155 = vector.extract_strided_slice %select_n3A_4144 {offsets = [1, 0, 0], sizes = [1, 8, 256], strides = [1, 1, 1]} : vector<2x8x256xf32> to vector<1x8x256xf32>
    %slice3A_4156 = vector.extract_strided_slice %select_n3A_4144 {offsets = [0, 0, 0], sizes = [1, 8, 256], strides = [1, 1, 1]} : vector<2x8x256xf32> to vector<1x8x256xf32>
    %broadcast_in_dim3A_4157 = vector.shape_cast %broadcast_in_dim3A_4154 : vector<1x1x256xi1> to vector<1x1x256xi1>
    %broadcast_in_dim3A_4158 = vector.broadcast %broadcast_in_dim3A_4157 : vector<1x1x256xi1> to vector<1x8x256xi1>
    %select_n3A_4159 = arith.select %broadcast_in_dim3A_4158, %slice3A_4155, %slice3A_4156 : vector<1x8x256xi1>, vector<1x8x256xf32>
    %shift_right_arithmetic3A_4160 = arith.constant 9 : i32
    %shift_right_arithmetic3A_4161 = vector.broadcast %shift_right_arithmetic3A_4160 : i32 to vector<1x256xi32>
    %shift_right_arithmetic3A_4162 = arith.shrsi %broadcast_in_dim3A_2177, %shift_right_arithmetic3A_4161 : vector<1x256xi32>
    %and3A_4163 = arith.constant 1 : i32
    %and3A_4164 = vector.broadcast %and3A_4163 : i32 to vector<1x256xi32>
    %and3A_4165 = arith.andi %shift_right_arithmetic3A_4162, %and3A_4164 : vector<1x256xi32>
    %eq3A_4166 = arith.constant 1 : i32
    %eq3A_4167 = vector.broadcast %eq3A_4166 : i32 to vector<1x256xi32>
    %eq3A_4168 = arith.cmpi eq, %and3A_4165, %eq3A_4167 : vector<1x256xi32>
    %broadcast_in_dim3A_4169 = vector.shape_cast %eq3A_4168 : vector<1x256xi1> to vector<1x1x256xi1>
    %slice3A_4170 = vector.extract_strided_slice %reshape3A {offsets = [512, 0, 0], sizes = [512, 8, 256], strides = [1, 1, 1]} : vector<1024x8x256xf32> to vector<512x8x256xf32>
    %slice3A_4171 = vector.extract_strided_slice %reshape3A {offsets = [0, 0, 0], sizes = [512, 8, 256], strides = [1, 1, 1]} : vector<1024x8x256xf32> to vector<512x8x256xf32>
    %broadcast_in_dim3A_4172 = vector.shape_cast %broadcast_in_dim3A_4169 : vector<1x1x256xi1> to vector<1x1x256xi1>
    %broadcast_in_dim3A_4173 = vector.broadcast %broadcast_in_dim3A_4172 : vector<1x1x256xi1> to vector<512x8x256xi1>
    %select_n3A_4174 = arith.select %broadcast_in_dim3A_4173, %slice3A_4170, %slice3A_4171 : vector<512x8x256xi1>, vector<512x8x256xf32>
    %shift_right_arithmetic3A_4175 = arith.constant 8 : i32
    %shift_right_arithmetic3A_4176 = vector.broadcast %shift_right_arithmetic3A_4175 : i32 to vector<1x256xi32>
    %shift_right_arithmetic3A_4177 = arith.shrsi %broadcast_in_dim3A_2177, %shift_right_arithmetic3A_4176 : vector<1x256xi32>
    %and3A_4178 = arith.constant 1 : i32
    %and3A_4179 = vector.broadcast %and3A_4178 : i32 to vector<1x256xi32>
    %and3A_4180 = arith.andi %shift_right_arithmetic3A_4177, %and3A_4179 : vector<1x256xi32>
    %eq3A_4181 = arith.constant 1 : i32
    %eq3A_4182 = vector.broadcast %eq3A_4181 : i32 to vector<1x256xi32>
    %eq3A_4183 = arith.cmpi eq, %and3A_4180, %eq3A_4182 : vector<1x256xi32>
    %broadcast_in_dim3A_4184 = vector.shape_cast %eq3A_4183 : vector<1x256xi1> to vector<1x1x256xi1>
    %slice3A_4185 = vector.extract_strided_slice %select_n3A_4174 {offsets = [256, 0, 0], sizes = [256, 8, 256], strides = [1, 1, 1]} : vector<512x8x256xf32> to vector<256x8x256xf32>
    %slice3A_4186 = vector.extract_strided_slice %select_n3A_4174 {offsets = [0, 0, 0], sizes = [256, 8, 256], strides = [1, 1, 1]} : vector<512x8x256xf32> to vector<256x8x256xf32>
    %broadcast_in_dim3A_4187 = vector.shape_cast %broadcast_in_dim3A_4184 : vector<1x1x256xi1> to vector<1x1x256xi1>
    %broadcast_in_dim3A_4188 = vector.broadcast %broadcast_in_dim3A_4187 : vector<1x1x256xi1> to vector<256x8x256xi1>
    %select_n3A_4189 = arith.select %broadcast_in_dim3A_4188, %slice3A_4185, %slice3A_4186 : vector<256x8x256xi1>, vector<256x8x256xf32>
    %shift_right_arithmetic3A_4190 = arith.constant 7 : i32
    %shift_right_arithmetic3A_4191 = vector.broadcast %shift_right_arithmetic3A_4190 : i32 to vector<1x256xi32>
    %shift_right_arithmetic3A_4192 = arith.shrsi %broadcast_in_dim3A_2177, %shift_right_arithmetic3A_4191 : vector<1x256xi32>
    %and3A_4193 = arith.constant 1 : i32
    %and3A_4194 = vector.broadcast %and3A_4193 : i32 to vector<1x256xi32>
    %and3A_4195 = arith.andi %shift_right_arithmetic3A_4192, %and3A_4194 : vector<1x256xi32>
    %eq3A_4196 = arith.constant 1 : i32
    %eq3A_4197 = vector.broadcast %eq3A_4196 : i32 to vector<1x256xi32>
    %eq3A_4198 = arith.cmpi eq, %and3A_4195, %eq3A_4197 : vector<1x256xi32>
    %broadcast_in_dim3A_4199 = vector.shape_cast %eq3A_4198 : vector<1x256xi1> to vector<1x1x256xi1>
    %slice3A_4200 = vector.extract_strided_slice %select_n3A_4189 {offsets = [128, 0, 0], sizes = [128, 8, 256], strides = [1, 1, 1]} : vector<256x8x256xf32> to vector<128x8x256xf32>
    %slice3A_4201 = vector.extract_strided_slice %select_n3A_4189 {offsets = [0, 0, 0], sizes = [128, 8, 256], strides = [1, 1, 1]} : vector<256x8x256xf32> to vector<128x8x256xf32>
    %broadcast_in_dim3A_4202 = vector.shape_cast %broadcast_in_dim3A_4199 : vector<1x1x256xi1> to vector<1x1x256xi1>
    %broadcast_in_dim3A_4203 = vector.broadcast %broadcast_in_dim3A_4202 : vector<1x1x256xi1> to vector<128x8x256xi1>
    %select_n3A_4204 = arith.select %broadcast_in_dim3A_4203, %slice3A_4200, %slice3A_4201 : vector<128x8x256xi1>, vector<128x8x256xf32>
    %shift_right_arithmetic3A_4205 = arith.constant 6 : i32
    %shift_right_arithmetic3A_4206 = vector.broadcast %shift_right_arithmetic3A_4205 : i32 to vector<1x256xi32>
    %shift_right_arithmetic3A_4207 = arith.shrsi %broadcast_in_dim3A_2177, %shift_right_arithmetic3A_4206 : vector<1x256xi32>
    %and3A_4208 = arith.constant 1 : i32
    %and3A_4209 = vector.broadcast %and3A_4208 : i32 to vector<1x256xi32>
    %and3A_4210 = arith.andi %shift_right_arithmetic3A_4207, %and3A_4209 : vector<1x256xi32>
    %eq3A_4211 = arith.constant 1 : i32
    %eq3A_4212 = vector.broadcast %eq3A_4211 : i32 to vector<1x256xi32>
    %eq3A_4213 = arith.cmpi eq, %and3A_4210, %eq3A_4212 : vector<1x256xi32>
    %broadcast_in_dim3A_4214 = vector.shape_cast %eq3A_4213 : vector<1x256xi1> to vector<1x1x256xi1>
    %slice3A_4215 = vector.extract_strided_slice %select_n3A_4204 {offsets = [64, 0, 0], sizes = [64, 8, 256], strides = [1, 1, 1]} : vector<128x8x256xf32> to vector<64x8x256xf32>
    %slice3A_4216 = vector.extract_strided_slice %select_n3A_4204 {offsets = [0, 0, 0], sizes = [64, 8, 256], strides = [1, 1, 1]} : vector<128x8x256xf32> to vector<64x8x256xf32>
    %broadcast_in_dim3A_4217 = vector.shape_cast %broadcast_in_dim3A_4214 : vector<1x1x256xi1> to vector<1x1x256xi1>
    %broadcast_in_dim3A_4218 = vector.broadcast %broadcast_in_dim3A_4217 : vector<1x1x256xi1> to vector<64x8x256xi1>
    %select_n3A_4219 = arith.select %broadcast_in_dim3A_4218, %slice3A_4215, %slice3A_4216 : vector<64x8x256xi1>, vector<64x8x256xf32>
    %shift_right_arithmetic3A_4220 = arith.constant 5 : i32
    %shift_right_arithmetic3A_4221 = vector.broadcast %shift_right_arithmetic3A_4220 : i32 to vector<1x256xi32>
    %shift_right_arithmetic3A_4222 = arith.shrsi %broadcast_in_dim3A_2177, %shift_right_arithmetic3A_4221 : vector<1x256xi32>
    %and3A_4223 = arith.constant 1 : i32
    %and3A_4224 = vector.broadcast %and3A_4223 : i32 to vector<1x256xi32>
    %and3A_4225 = arith.andi %shift_right_arithmetic3A_4222, %and3A_4224 : vector<1x256xi32>
    %eq3A_4226 = arith.constant 1 : i32
    %eq3A_4227 = vector.broadcast %eq3A_4226 : i32 to vector<1x256xi32>
    %eq3A_4228 = arith.cmpi eq, %and3A_4225, %eq3A_4227 : vector<1x256xi32>
    %broadcast_in_dim3A_4229 = vector.shape_cast %eq3A_4228 : vector<1x256xi1> to vector<1x1x256xi1>
    %slice3A_4230 = vector.extract_strided_slice %select_n3A_4219 {offsets = [32, 0, 0], sizes = [32, 8, 256], strides = [1, 1, 1]} : vector<64x8x256xf32> to vector<32x8x256xf32>
    %slice3A_4231 = vector.extract_strided_slice %select_n3A_4219 {offsets = [0, 0, 0], sizes = [32, 8, 256], strides = [1, 1, 1]} : vector<64x8x256xf32> to vector<32x8x256xf32>
    %broadcast_in_dim3A_4232 = vector.shape_cast %broadcast_in_dim3A_4229 : vector<1x1x256xi1> to vector<1x1x256xi1>
    %broadcast_in_dim3A_4233 = vector.broadcast %broadcast_in_dim3A_4232 : vector<1x1x256xi1> to vector<32x8x256xi1>
    %select_n3A_4234 = arith.select %broadcast_in_dim3A_4233, %slice3A_4230, %slice3A_4231 : vector<32x8x256xi1>, vector<32x8x256xf32>
    %shift_right_arithmetic3A_4235 = arith.constant 4 : i32
    %shift_right_arithmetic3A_4236 = vector.broadcast %shift_right_arithmetic3A_4235 : i32 to vector<1x256xi32>
    %shift_right_arithmetic3A_4237 = arith.shrsi %broadcast_in_dim3A_2177, %shift_right_arithmetic3A_4236 : vector<1x256xi32>
    %and3A_4238 = arith.constant 1 : i32
    %and3A_4239 = vector.broadcast %and3A_4238 : i32 to vector<1x256xi32>
    %and3A_4240 = arith.andi %shift_right_arithmetic3A_4237, %and3A_4239 : vector<1x256xi32>
    %eq3A_4241 = arith.constant 1 : i32
    %eq3A_4242 = vector.broadcast %eq3A_4241 : i32 to vector<1x256xi32>
    %eq3A_4243 = arith.cmpi eq, %and3A_4240, %eq3A_4242 : vector<1x256xi32>
    %broadcast_in_dim3A_4244 = vector.shape_cast %eq3A_4243 : vector<1x256xi1> to vector<1x1x256xi1>
    %slice3A_4245 = vector.extract_strided_slice %select_n3A_4234 {offsets = [16, 0, 0], sizes = [16, 8, 256], strides = [1, 1, 1]} : vector<32x8x256xf32> to vector<16x8x256xf32>
    %slice3A_4246 = vector.extract_strided_slice %select_n3A_4234 {offsets = [0, 0, 0], sizes = [16, 8, 256], strides = [1, 1, 1]} : vector<32x8x256xf32> to vector<16x8x256xf32>
    %broadcast_in_dim3A_4247 = vector.shape_cast %broadcast_in_dim3A_4244 : vector<1x1x256xi1> to vector<1x1x256xi1>
    %broadcast_in_dim3A_4248 = vector.broadcast %broadcast_in_dim3A_4247 : vector<1x1x256xi1> to vector<16x8x256xi1>
    %select_n3A_4249 = arith.select %broadcast_in_dim3A_4248, %slice3A_4245, %slice3A_4246 : vector<16x8x256xi1>, vector<16x8x256xf32>
    %shift_right_arithmetic3A_4250 = arith.constant 3 : i32
    %shift_right_arithmetic3A_4251 = vector.broadcast %shift_right_arithmetic3A_4250 : i32 to vector<1x256xi32>
    %shift_right_arithmetic3A_4252 = arith.shrsi %broadcast_in_dim3A_2177, %shift_right_arithmetic3A_4251 : vector<1x256xi32>
    %and3A_4253 = arith.constant 1 : i32
    %and3A_4254 = vector.broadcast %and3A_4253 : i32 to vector<1x256xi32>
    %and3A_4255 = arith.andi %shift_right_arithmetic3A_4252, %and3A_4254 : vector<1x256xi32>
    %eq3A_4256 = arith.constant 1 : i32
    %eq3A_4257 = vector.broadcast %eq3A_4256 : i32 to vector<1x256xi32>
    %eq3A_4258 = arith.cmpi eq, %and3A_4255, %eq3A_4257 : vector<1x256xi32>
    %broadcast_in_dim3A_4259 = vector.shape_cast %eq3A_4258 : vector<1x256xi1> to vector<1x1x256xi1>
    %slice3A_4260 = vector.extract_strided_slice %select_n3A_4249 {offsets = [8, 0, 0], sizes = [8, 8, 256], strides = [1, 1, 1]} : vector<16x8x256xf32> to vector<8x8x256xf32>
    %slice3A_4261 = vector.extract_strided_slice %select_n3A_4249 {offsets = [0, 0, 0], sizes = [8, 8, 256], strides = [1, 1, 1]} : vector<16x8x256xf32> to vector<8x8x256xf32>
    %broadcast_in_dim3A_4262 = vector.shape_cast %broadcast_in_dim3A_4259 : vector<1x1x256xi1> to vector<1x1x256xi1>
    %broadcast_in_dim3A_4263 = vector.broadcast %broadcast_in_dim3A_4262 : vector<1x1x256xi1> to vector<8x8x256xi1>
    %select_n3A_4264 = arith.select %broadcast_in_dim3A_4263, %slice3A_4260, %slice3A_4261 : vector<8x8x256xi1>, vector<8x8x256xf32>
    %shift_right_arithmetic3A_4265 = arith.constant 2 : i32
    %shift_right_arithmetic3A_4266 = vector.broadcast %shift_right_arithmetic3A_4265 : i32 to vector<1x256xi32>
    %shift_right_arithmetic3A_4267 = arith.shrsi %broadcast_in_dim3A_2177, %shift_right_arithmetic3A_4266 : vector<1x256xi32>
    %and3A_4268 = arith.constant 1 : i32
    %and3A_4269 = vector.broadcast %and3A_4268 : i32 to vector<1x256xi32>
    %and3A_4270 = arith.andi %shift_right_arithmetic3A_4267, %and3A_4269 : vector<1x256xi32>
    %eq3A_4271 = arith.constant 1 : i32
    %eq3A_4272 = vector.broadcast %eq3A_4271 : i32 to vector<1x256xi32>
    %eq3A_4273 = arith.cmpi eq, %and3A_4270, %eq3A_4272 : vector<1x256xi32>
    %broadcast_in_dim3A_4274 = vector.shape_cast %eq3A_4273 : vector<1x256xi1> to vector<1x1x256xi1>
    %slice3A_4275 = vector.extract_strided_slice %select_n3A_4264 {offsets = [4, 0, 0], sizes = [4, 8, 256], strides = [1, 1, 1]} : vector<8x8x256xf32> to vector<4x8x256xf32>
    %slice3A_4276 = vector.extract_strided_slice %select_n3A_4264 {offsets = [0, 0, 0], sizes = [4, 8, 256], strides = [1, 1, 1]} : vector<8x8x256xf32> to vector<4x8x256xf32>
    %broadcast_in_dim3A_4277 = vector.shape_cast %broadcast_in_dim3A_4274 : vector<1x1x256xi1> to vector<1x1x256xi1>
    %broadcast_in_dim3A_4278 = vector.broadcast %broadcast_in_dim3A_4277 : vector<1x1x256xi1> to vector<4x8x256xi1>
    %select_n3A_4279 = arith.select %broadcast_in_dim3A_4278, %slice3A_4275, %slice3A_4276 : vector<4x8x256xi1>, vector<4x8x256xf32>
    %shift_right_arithmetic3A_4280 = arith.constant 1 : i32
    %shift_right_arithmetic3A_4281 = vector.broadcast %shift_right_arithmetic3A_4280 : i32 to vector<1x256xi32>
    %shift_right_arithmetic3A_4282 = arith.shrsi %broadcast_in_dim3A_2177, %shift_right_arithmetic3A_4281 : vector<1x256xi32>
    %and3A_4283 = arith.constant 1 : i32
    %and3A_4284 = vector.broadcast %and3A_4283 : i32 to vector<1x256xi32>
    %and3A_4285 = arith.andi %shift_right_arithmetic3A_4282, %and3A_4284 : vector<1x256xi32>
    %eq3A_4286 = arith.constant 1 : i32
    %eq3A_4287 = vector.broadcast %eq3A_4286 : i32 to vector<1x256xi32>
    %eq3A_4288 = arith.cmpi eq, %and3A_4285, %eq3A_4287 : vector<1x256xi32>
    %broadcast_in_dim3A_4289 = vector.shape_cast %eq3A_4288 : vector<1x256xi1> to vector<1x1x256xi1>
    %slice3A_4290 = vector.extract_strided_slice %select_n3A_4279 {offsets = [2, 0, 0], sizes = [2, 8, 256], strides = [1, 1, 1]} : vector<4x8x256xf32> to vector<2x8x256xf32>
    %slice3A_4291 = vector.extract_strided_slice %select_n3A_4279 {offsets = [0, 0, 0], sizes = [2, 8, 256], strides = [1, 1, 1]} : vector<4x8x256xf32> to vector<2x8x256xf32>
    %broadcast_in_dim3A_4292 = vector.shape_cast %broadcast_in_dim3A_4289 : vector<1x1x256xi1> to vector<1x1x256xi1>
    %broadcast_in_dim3A_4293 = vector.broadcast %broadcast_in_dim3A_4292 : vector<1x1x256xi1> to vector<2x8x256xi1>
    %select_n3A_4294 = arith.select %broadcast_in_dim3A_4293, %slice3A_4290, %slice3A_4291 : vector<2x8x256xi1>, vector<2x8x256xf32>
    %shift_right_arithmetic3A_4295 = arith.constant 0 : i32
    %shift_right_arithmetic3A_4296 = vector.broadcast %shift_right_arithmetic3A_4295 : i32 to vector<1x256xi32>
    %shift_right_arithmetic3A_4297 = arith.shrsi %broadcast_in_dim3A_2177, %shift_right_arithmetic3A_4296 : vector<1x256xi32>
    %and3A_4298 = arith.constant 1 : i32
    %and3A_4299 = vector.broadcast %and3A_4298 : i32 to vector<1x256xi32>
    %and3A_4300 = arith.andi %shift_right_arithmetic3A_4297, %and3A_4299 : vector<1x256xi32>
    %eq3A_4301 = arith.constant 1 : i32
    %eq3A_4302 = vector.broadcast %eq3A_4301 : i32 to vector<1x256xi32>
    %eq3A_4303 = arith.cmpi eq, %and3A_4300, %eq3A_4302 : vector<1x256xi32>
    %broadcast_in_dim3A_4304 = vector.shape_cast %eq3A_4303 : vector<1x256xi1> to vector<1x1x256xi1>
    %slice3A_4305 = vector.extract_strided_slice %select_n3A_4294 {offsets = [1, 0, 0], sizes = [1, 8, 256], strides = [1, 1, 1]} : vector<2x8x256xf32> to vector<1x8x256xf32>
    %slice3A_4306 = vector.extract_strided_slice %select_n3A_4294 {offsets = [0, 0, 0], sizes = [1, 8, 256], strides = [1, 1, 1]} : vector<2x8x256xf32> to vector<1x8x256xf32>
    %broadcast_in_dim3A_4307 = vector.shape_cast %broadcast_in_dim3A_4304 : vector<1x1x256xi1> to vector<1x1x256xi1>
    %broadcast_in_dim3A_4308 = vector.broadcast %broadcast_in_dim3A_4307 : vector<1x1x256xi1> to vector<1x8x256xi1>
    %select_n3A_4309 = arith.select %broadcast_in_dim3A_4308, %slice3A_4305, %slice3A_4306 : vector<1x8x256xi1>, vector<1x8x256xf32>
    %shift_right_arithmetic3A_4310 = arith.constant 9 : i32
    %shift_right_arithmetic3A_4311 = vector.broadcast %shift_right_arithmetic3A_4310 : i32 to vector<1x256xi32>
    %shift_right_arithmetic3A_4312 = arith.shrsi %broadcast_in_dim3A_2193, %shift_right_arithmetic3A_4311 : vector<1x256xi32>
    %and3A_4313 = arith.constant 1 : i32
    %and3A_4314 = vector.broadcast %and3A_4313 : i32 to vector<1x256xi32>
    %and3A_4315 = arith.andi %shift_right_arithmetic3A_4312, %and3A_4314 : vector<1x256xi32>
    %eq3A_4316 = arith.constant 1 : i32
    %eq3A_4317 = vector.broadcast %eq3A_4316 : i32 to vector<1x256xi32>
    %eq3A_4318 = arith.cmpi eq, %and3A_4315, %eq3A_4317 : vector<1x256xi32>
    %broadcast_in_dim3A_4319 = vector.shape_cast %eq3A_4318 : vector<1x256xi1> to vector<1x1x256xi1>
    %slice3A_4320 = vector.extract_strided_slice %reshape3A {offsets = [512, 0, 0], sizes = [512, 8, 256], strides = [1, 1, 1]} : vector<1024x8x256xf32> to vector<512x8x256xf32>
    %slice3A_4321 = vector.extract_strided_slice %reshape3A {offsets = [0, 0, 0], sizes = [512, 8, 256], strides = [1, 1, 1]} : vector<1024x8x256xf32> to vector<512x8x256xf32>
    %broadcast_in_dim3A_4322 = vector.shape_cast %broadcast_in_dim3A_4319 : vector<1x1x256xi1> to vector<1x1x256xi1>
    %broadcast_in_dim3A_4323 = vector.broadcast %broadcast_in_dim3A_4322 : vector<1x1x256xi1> to vector<512x8x256xi1>
    %select_n3A_4324 = arith.select %broadcast_in_dim3A_4323, %slice3A_4320, %slice3A_4321 : vector<512x8x256xi1>, vector<512x8x256xf32>
    %shift_right_arithmetic3A_4325 = arith.constant 8 : i32
    %shift_right_arithmetic3A_4326 = vector.broadcast %shift_right_arithmetic3A_4325 : i32 to vector<1x256xi32>
    %shift_right_arithmetic3A_4327 = arith.shrsi %broadcast_in_dim3A_2193, %shift_right_arithmetic3A_4326 : vector<1x256xi32>
    %and3A_4328 = arith.constant 1 : i32
    %and3A_4329 = vector.broadcast %and3A_4328 : i32 to vector<1x256xi32>
    %and3A_4330 = arith.andi %shift_right_arithmetic3A_4327, %and3A_4329 : vector<1x256xi32>
    %eq3A_4331 = arith.constant 1 : i32
    %eq3A_4332 = vector.broadcast %eq3A_4331 : i32 to vector<1x256xi32>
    %eq3A_4333 = arith.cmpi eq, %and3A_4330, %eq3A_4332 : vector<1x256xi32>
    %broadcast_in_dim3A_4334 = vector.shape_cast %eq3A_4333 : vector<1x256xi1> to vector<1x1x256xi1>
    %slice3A_4335 = vector.extract_strided_slice %select_n3A_4324 {offsets = [256, 0, 0], sizes = [256, 8, 256], strides = [1, 1, 1]} : vector<512x8x256xf32> to vector<256x8x256xf32>
    %slice3A_4336 = vector.extract_strided_slice %select_n3A_4324 {offsets = [0, 0, 0], sizes = [256, 8, 256], strides = [1, 1, 1]} : vector<512x8x256xf32> to vector<256x8x256xf32>
    %broadcast_in_dim3A_4337 = vector.shape_cast %broadcast_in_dim3A_4334 : vector<1x1x256xi1> to vector<1x1x256xi1>
    %broadcast_in_dim3A_4338 = vector.broadcast %broadcast_in_dim3A_4337 : vector<1x1x256xi1> to vector<256x8x256xi1>
    %select_n3A_4339 = arith.select %broadcast_in_dim3A_4338, %slice3A_4335, %slice3A_4336 : vector<256x8x256xi1>, vector<256x8x256xf32>
    %shift_right_arithmetic3A_4340 = arith.constant 7 : i32
    %shift_right_arithmetic3A_4341 = vector.broadcast %shift_right_arithmetic3A_4340 : i32 to vector<1x256xi32>
    %shift_right_arithmetic3A_4342 = arith.shrsi %broadcast_in_dim3A_2193, %shift_right_arithmetic3A_4341 : vector<1x256xi32>
    %and3A_4343 = arith.constant 1 : i32
    %and3A_4344 = vector.broadcast %and3A_4343 : i32 to vector<1x256xi32>
    %and3A_4345 = arith.andi %shift_right_arithmetic3A_4342, %and3A_4344 : vector<1x256xi32>
    %eq3A_4346 = arith.constant 1 : i32
    %eq3A_4347 = vector.broadcast %eq3A_4346 : i32 to vector<1x256xi32>
    %eq3A_4348 = arith.cmpi eq, %and3A_4345, %eq3A_4347 : vector<1x256xi32>
    %broadcast_in_dim3A_4349 = vector.shape_cast %eq3A_4348 : vector<1x256xi1> to vector<1x1x256xi1>
    %slice3A_4350 = vector.extract_strided_slice %select_n3A_4339 {offsets = [128, 0, 0], sizes = [128, 8, 256], strides = [1, 1, 1]} : vector<256x8x256xf32> to vector<128x8x256xf32>
    %slice3A_4351 = vector.extract_strided_slice %select_n3A_4339 {offsets = [0, 0, 0], sizes = [128, 8, 256], strides = [1, 1, 1]} : vector<256x8x256xf32> to vector<128x8x256xf32>
    %broadcast_in_dim3A_4352 = vector.shape_cast %broadcast_in_dim3A_4349 : vector<1x1x256xi1> to vector<1x1x256xi1>
    %broadcast_in_dim3A_4353 = vector.broadcast %broadcast_in_dim3A_4352 : vector<1x1x256xi1> to vector<128x8x256xi1>
    %select_n3A_4354 = arith.select %broadcast_in_dim3A_4353, %slice3A_4350, %slice3A_4351 : vector<128x8x256xi1>, vector<128x8x256xf32>
    %shift_right_arithmetic3A_4355 = arith.constant 6 : i32
    %shift_right_arithmetic3A_4356 = vector.broadcast %shift_right_arithmetic3A_4355 : i32 to vector<1x256xi32>
    %shift_right_arithmetic3A_4357 = arith.shrsi %broadcast_in_dim3A_2193, %shift_right_arithmetic3A_4356 : vector<1x256xi32>
    %and3A_4358 = arith.constant 1 : i32
    %and3A_4359 = vector.broadcast %and3A_4358 : i32 to vector<1x256xi32>
    %and3A_4360 = arith.andi %shift_right_arithmetic3A_4357, %and3A_4359 : vector<1x256xi32>
    %eq3A_4361 = arith.constant 1 : i32
    %eq3A_4362 = vector.broadcast %eq3A_4361 : i32 to vector<1x256xi32>
    %eq3A_4363 = arith.cmpi eq, %and3A_4360, %eq3A_4362 : vector<1x256xi32>
    %broadcast_in_dim3A_4364 = vector.shape_cast %eq3A_4363 : vector<1x256xi1> to vector<1x1x256xi1>
    %slice3A_4365 = vector.extract_strided_slice %select_n3A_4354 {offsets = [64, 0, 0], sizes = [64, 8, 256], strides = [1, 1, 1]} : vector<128x8x256xf32> to vector<64x8x256xf32>
    %slice3A_4366 = vector.extract_strided_slice %select_n3A_4354 {offsets = [0, 0, 0], sizes = [64, 8, 256], strides = [1, 1, 1]} : vector<128x8x256xf32> to vector<64x8x256xf32>
    %broadcast_in_dim3A_4367 = vector.shape_cast %broadcast_in_dim3A_4364 : vector<1x1x256xi1> to vector<1x1x256xi1>
    %broadcast_in_dim3A_4368 = vector.broadcast %broadcast_in_dim3A_4367 : vector<1x1x256xi1> to vector<64x8x256xi1>
    %select_n3A_4369 = arith.select %broadcast_in_dim3A_4368, %slice3A_4365, %slice3A_4366 : vector<64x8x256xi1>, vector<64x8x256xf32>
    %shift_right_arithmetic3A_4370 = arith.constant 5 : i32
    %shift_right_arithmetic3A_4371 = vector.broadcast %shift_right_arithmetic3A_4370 : i32 to vector<1x256xi32>
    %shift_right_arithmetic3A_4372 = arith.shrsi %broadcast_in_dim3A_2193, %shift_right_arithmetic3A_4371 : vector<1x256xi32>
    %and3A_4373 = arith.constant 1 : i32
    %and3A_4374 = vector.broadcast %and3A_4373 : i32 to vector<1x256xi32>
    %and3A_4375 = arith.andi %shift_right_arithmetic3A_4372, %and3A_4374 : vector<1x256xi32>
    %eq3A_4376 = arith.constant 1 : i32
    %eq3A_4377 = vector.broadcast %eq3A_4376 : i32 to vector<1x256xi32>
    %eq3A_4378 = arith.cmpi eq, %and3A_4375, %eq3A_4377 : vector<1x256xi32>
    %broadcast_in_dim3A_4379 = vector.shape_cast %eq3A_4378 : vector<1x256xi1> to vector<1x1x256xi1>
    %slice3A_4380 = vector.extract_strided_slice %select_n3A_4369 {offsets = [32, 0, 0], sizes = [32, 8, 256], strides = [1, 1, 1]} : vector<64x8x256xf32> to vector<32x8x256xf32>
    %slice3A_4381 = vector.extract_strided_slice %select_n3A_4369 {offsets = [0, 0, 0], sizes = [32, 8, 256], strides = [1, 1, 1]} : vector<64x8x256xf32> to vector<32x8x256xf32>
    %broadcast_in_dim3A_4382 = vector.shape_cast %broadcast_in_dim3A_4379 : vector<1x1x256xi1> to vector<1x1x256xi1>
    %broadcast_in_dim3A_4383 = vector.broadcast %broadcast_in_dim3A_4382 : vector<1x1x256xi1> to vector<32x8x256xi1>
    %select_n3A_4384 = arith.select %broadcast_in_dim3A_4383, %slice3A_4380, %slice3A_4381 : vector<32x8x256xi1>, vector<32x8x256xf32>
    %shift_right_arithmetic3A_4385 = arith.constant 4 : i32
    %shift_right_arithmetic3A_4386 = vector.broadcast %shift_right_arithmetic3A_4385 : i32 to vector<1x256xi32>
    %shift_right_arithmetic3A_4387 = arith.shrsi %broadcast_in_dim3A_2193, %shift_right_arithmetic3A_4386 : vector<1x256xi32>
    %and3A_4388 = arith.constant 1 : i32
    %and3A_4389 = vector.broadcast %and3A_4388 : i32 to vector<1x256xi32>
    %and3A_4390 = arith.andi %shift_right_arithmetic3A_4387, %and3A_4389 : vector<1x256xi32>
    %eq3A_4391 = arith.constant 1 : i32
    %eq3A_4392 = vector.broadcast %eq3A_4391 : i32 to vector<1x256xi32>
    %eq3A_4393 = arith.cmpi eq, %and3A_4390, %eq3A_4392 : vector<1x256xi32>
    %broadcast_in_dim3A_4394 = vector.shape_cast %eq3A_4393 : vector<1x256xi1> to vector<1x1x256xi1>
    %slice3A_4395 = vector.extract_strided_slice %select_n3A_4384 {offsets = [16, 0, 0], sizes = [16, 8, 256], strides = [1, 1, 1]} : vector<32x8x256xf32> to vector<16x8x256xf32>
    %slice3A_4396 = vector.extract_strided_slice %select_n3A_4384 {offsets = [0, 0, 0], sizes = [16, 8, 256], strides = [1, 1, 1]} : vector<32x8x256xf32> to vector<16x8x256xf32>
    %broadcast_in_dim3A_4397 = vector.shape_cast %broadcast_in_dim3A_4394 : vector<1x1x256xi1> to vector<1x1x256xi1>
    %broadcast_in_dim3A_4398 = vector.broadcast %broadcast_in_dim3A_4397 : vector<1x1x256xi1> to vector<16x8x256xi1>
    %select_n3A_4399 = arith.select %broadcast_in_dim3A_4398, %slice3A_4395, %slice3A_4396 : vector<16x8x256xi1>, vector<16x8x256xf32>
    %shift_right_arithmetic3A_4400 = arith.constant 3 : i32
    %shift_right_arithmetic3A_4401 = vector.broadcast %shift_right_arithmetic3A_4400 : i32 to vector<1x256xi32>
    %shift_right_arithmetic3A_4402 = arith.shrsi %broadcast_in_dim3A_2193, %shift_right_arithmetic3A_4401 : vector<1x256xi32>
    %and3A_4403 = arith.constant 1 : i32
    %and3A_4404 = vector.broadcast %and3A_4403 : i32 to vector<1x256xi32>
    %and3A_4405 = arith.andi %shift_right_arithmetic3A_4402, %and3A_4404 : vector<1x256xi32>
    %eq3A_4406 = arith.constant 1 : i32
    %eq3A_4407 = vector.broadcast %eq3A_4406 : i32 to vector<1x256xi32>
    %eq3A_4408 = arith.cmpi eq, %and3A_4405, %eq3A_4407 : vector<1x256xi32>
    %broadcast_in_dim3A_4409 = vector.shape_cast %eq3A_4408 : vector<1x256xi1> to vector<1x1x256xi1>
    %slice3A_4410 = vector.extract_strided_slice %select_n3A_4399 {offsets = [8, 0, 0], sizes = [8, 8, 256], strides = [1, 1, 1]} : vector<16x8x256xf32> to vector<8x8x256xf32>
    %slice3A_4411 = vector.extract_strided_slice %select_n3A_4399 {offsets = [0, 0, 0], sizes = [8, 8, 256], strides = [1, 1, 1]} : vector<16x8x256xf32> to vector<8x8x256xf32>
    %broadcast_in_dim3A_4412 = vector.shape_cast %broadcast_in_dim3A_4409 : vector<1x1x256xi1> to vector<1x1x256xi1>
    %broadcast_in_dim3A_4413 = vector.broadcast %broadcast_in_dim3A_4412 : vector<1x1x256xi1> to vector<8x8x256xi1>
    %select_n3A_4414 = arith.select %broadcast_in_dim3A_4413, %slice3A_4410, %slice3A_4411 : vector<8x8x256xi1>, vector<8x8x256xf32>
    %shift_right_arithmetic3A_4415 = arith.constant 2 : i32
    %shift_right_arithmetic3A_4416 = vector.broadcast %shift_right_arithmetic3A_4415 : i32 to vector<1x256xi32>
    %shift_right_arithmetic3A_4417 = arith.shrsi %broadcast_in_dim3A_2193, %shift_right_arithmetic3A_4416 : vector<1x256xi32>
    %and3A_4418 = arith.constant 1 : i32
    %and3A_4419 = vector.broadcast %and3A_4418 : i32 to vector<1x256xi32>
    %and3A_4420 = arith.andi %shift_right_arithmetic3A_4417, %and3A_4419 : vector<1x256xi32>
    %eq3A_4421 = arith.constant 1 : i32
    %eq3A_4422 = vector.broadcast %eq3A_4421 : i32 to vector<1x256xi32>
    %eq3A_4423 = arith.cmpi eq, %and3A_4420, %eq3A_4422 : vector<1x256xi32>
    %broadcast_in_dim3A_4424 = vector.shape_cast %eq3A_4423 : vector<1x256xi1> to vector<1x1x256xi1>
    %slice3A_4425 = vector.extract_strided_slice %select_n3A_4414 {offsets = [4, 0, 0], sizes = [4, 8, 256], strides = [1, 1, 1]} : vector<8x8x256xf32> to vector<4x8x256xf32>
    %slice3A_4426 = vector.extract_strided_slice %select_n3A_4414 {offsets = [0, 0, 0], sizes = [4, 8, 256], strides = [1, 1, 1]} : vector<8x8x256xf32> to vector<4x8x256xf32>
    %broadcast_in_dim3A_4427 = vector.shape_cast %broadcast_in_dim3A_4424 : vector<1x1x256xi1> to vector<1x1x256xi1>
    %broadcast_in_dim3A_4428 = vector.broadcast %broadcast_in_dim3A_4427 : vector<1x1x256xi1> to vector<4x8x256xi1>
    %select_n3A_4429 = arith.select %broadcast_in_dim3A_4428, %slice3A_4425, %slice3A_4426 : vector<4x8x256xi1>, vector<4x8x256xf32>
    %shift_right_arithmetic3A_4430 = arith.constant 1 : i32
    %shift_right_arithmetic3A_4431 = vector.broadcast %shift_right_arithmetic3A_4430 : i32 to vector<1x256xi32>
    %shift_right_arithmetic3A_4432 = arith.shrsi %broadcast_in_dim3A_2193, %shift_right_arithmetic3A_4431 : vector<1x256xi32>
    %and3A_4433 = arith.constant 1 : i32
    %and3A_4434 = vector.broadcast %and3A_4433 : i32 to vector<1x256xi32>
    %and3A_4435 = arith.andi %shift_right_arithmetic3A_4432, %and3A_4434 : vector<1x256xi32>
    %eq3A_4436 = arith.constant 1 : i32
    %eq3A_4437 = vector.broadcast %eq3A_4436 : i32 to vector<1x256xi32>
    %eq3A_4438 = arith.cmpi eq, %and3A_4435, %eq3A_4437 : vector<1x256xi32>
    %broadcast_in_dim3A_4439 = vector.shape_cast %eq3A_4438 : vector<1x256xi1> to vector<1x1x256xi1>
    %slice3A_4440 = vector.extract_strided_slice %select_n3A_4429 {offsets = [2, 0, 0], sizes = [2, 8, 256], strides = [1, 1, 1]} : vector<4x8x256xf32> to vector<2x8x256xf32>
    %slice3A_4441 = vector.extract_strided_slice %select_n3A_4429 {offsets = [0, 0, 0], sizes = [2, 8, 256], strides = [1, 1, 1]} : vector<4x8x256xf32> to vector<2x8x256xf32>
    %broadcast_in_dim3A_4442 = vector.shape_cast %broadcast_in_dim3A_4439 : vector<1x1x256xi1> to vector<1x1x256xi1>
    %broadcast_in_dim3A_4443 = vector.broadcast %broadcast_in_dim3A_4442 : vector<1x1x256xi1> to vector<2x8x256xi1>
    %select_n3A_4444 = arith.select %broadcast_in_dim3A_4443, %slice3A_4440, %slice3A_4441 : vector<2x8x256xi1>, vector<2x8x256xf32>
    %shift_right_arithmetic3A_4445 = arith.constant 0 : i32
    %shift_right_arithmetic3A_4446 = vector.broadcast %shift_right_arithmetic3A_4445 : i32 to vector<1x256xi32>
    %shift_right_arithmetic3A_4447 = arith.shrsi %broadcast_in_dim3A_2193, %shift_right_arithmetic3A_4446 : vector<1x256xi32>
    %and3A_4448 = arith.constant 1 : i32
    %and3A_4449 = vector.broadcast %and3A_4448 : i32 to vector<1x256xi32>
    %and3A_4450 = arith.andi %shift_right_arithmetic3A_4447, %and3A_4449 : vector<1x256xi32>
    %eq3A_4451 = arith.constant 1 : i32
    %eq3A_4452 = vector.broadcast %eq3A_4451 : i32 to vector<1x256xi32>
    %eq3A_4453 = arith.cmpi eq, %and3A_4450, %eq3A_4452 : vector<1x256xi32>
    %broadcast_in_dim3A_4454 = vector.shape_cast %eq3A_4453 : vector<1x256xi1> to vector<1x1x256xi1>
    %slice3A_4455 = vector.extract_strided_slice %select_n3A_4444 {offsets = [1, 0, 0], sizes = [1, 8, 256], strides = [1, 1, 1]} : vector<2x8x256xf32> to vector<1x8x256xf32>
    %slice3A_4456 = vector.extract_strided_slice %select_n3A_4444 {offsets = [0, 0, 0], sizes = [1, 8, 256], strides = [1, 1, 1]} : vector<2x8x256xf32> to vector<1x8x256xf32>
    %broadcast_in_dim3A_4457 = vector.shape_cast %broadcast_in_dim3A_4454 : vector<1x1x256xi1> to vector<1x1x256xi1>
    %broadcast_in_dim3A_4458 = vector.broadcast %broadcast_in_dim3A_4457 : vector<1x1x256xi1> to vector<1x8x256xi1>
    %select_n3A_4459 = arith.select %broadcast_in_dim3A_4458, %slice3A_4455, %slice3A_4456 : vector<1x8x256xi1>, vector<1x8x256xf32>
    %shift_right_arithmetic3A_4460 = arith.constant 9 : i32
    %shift_right_arithmetic3A_4461 = vector.broadcast %shift_right_arithmetic3A_4460 : i32 to vector<1x256xi32>
    %shift_right_arithmetic3A_4462 = arith.shrsi %broadcast_in_dim3A_2209, %shift_right_arithmetic3A_4461 : vector<1x256xi32>
    %and3A_4463 = arith.constant 1 : i32
    %and3A_4464 = vector.broadcast %and3A_4463 : i32 to vector<1x256xi32>
    %and3A_4465 = arith.andi %shift_right_arithmetic3A_4462, %and3A_4464 : vector<1x256xi32>
    %eq3A_4466 = arith.constant 1 : i32
    %eq3A_4467 = vector.broadcast %eq3A_4466 : i32 to vector<1x256xi32>
    %eq3A_4468 = arith.cmpi eq, %and3A_4465, %eq3A_4467 : vector<1x256xi32>
    %broadcast_in_dim3A_4469 = vector.shape_cast %eq3A_4468 : vector<1x256xi1> to vector<1x1x256xi1>
    %slice3A_4470 = vector.extract_strided_slice %reshape3A {offsets = [512, 0, 0], sizes = [512, 8, 256], strides = [1, 1, 1]} : vector<1024x8x256xf32> to vector<512x8x256xf32>
    %slice3A_4471 = vector.extract_strided_slice %reshape3A {offsets = [0, 0, 0], sizes = [512, 8, 256], strides = [1, 1, 1]} : vector<1024x8x256xf32> to vector<512x8x256xf32>
    %broadcast_in_dim3A_4472 = vector.shape_cast %broadcast_in_dim3A_4469 : vector<1x1x256xi1> to vector<1x1x256xi1>
    %broadcast_in_dim3A_4473 = vector.broadcast %broadcast_in_dim3A_4472 : vector<1x1x256xi1> to vector<512x8x256xi1>
    %select_n3A_4474 = arith.select %broadcast_in_dim3A_4473, %slice3A_4470, %slice3A_4471 : vector<512x8x256xi1>, vector<512x8x256xf32>
    %shift_right_arithmetic3A_4475 = arith.constant 8 : i32
    %shift_right_arithmetic3A_4476 = vector.broadcast %shift_right_arithmetic3A_4475 : i32 to vector<1x256xi32>
    %shift_right_arithmetic3A_4477 = arith.shrsi %broadcast_in_dim3A_2209, %shift_right_arithmetic3A_4476 : vector<1x256xi32>
    %and3A_4478 = arith.constant 1 : i32
    %and3A_4479 = vector.broadcast %and3A_4478 : i32 to vector<1x256xi32>
    %and3A_4480 = arith.andi %shift_right_arithmetic3A_4477, %and3A_4479 : vector<1x256xi32>
    %eq3A_4481 = arith.constant 1 : i32
    %eq3A_4482 = vector.broadcast %eq3A_4481 : i32 to vector<1x256xi32>
    %eq3A_4483 = arith.cmpi eq, %and3A_4480, %eq3A_4482 : vector<1x256xi32>
    %broadcast_in_dim3A_4484 = vector.shape_cast %eq3A_4483 : vector<1x256xi1> to vector<1x1x256xi1>
    %slice3A_4485 = vector.extract_strided_slice %select_n3A_4474 {offsets = [256, 0, 0], sizes = [256, 8, 256], strides = [1, 1, 1]} : vector<512x8x256xf32> to vector<256x8x256xf32>
    %slice3A_4486 = vector.extract_strided_slice %select_n3A_4474 {offsets = [0, 0, 0], sizes = [256, 8, 256], strides = [1, 1, 1]} : vector<512x8x256xf32> to vector<256x8x256xf32>
    %broadcast_in_dim3A_4487 = vector.shape_cast %broadcast_in_dim3A_4484 : vector<1x1x256xi1> to vector<1x1x256xi1>
    %broadcast_in_dim3A_4488 = vector.broadcast %broadcast_in_dim3A_4487 : vector<1x1x256xi1> to vector<256x8x256xi1>
    %select_n3A_4489 = arith.select %broadcast_in_dim3A_4488, %slice3A_4485, %slice3A_4486 : vector<256x8x256xi1>, vector<256x8x256xf32>
    %shift_right_arithmetic3A_4490 = arith.constant 7 : i32
    %shift_right_arithmetic3A_4491 = vector.broadcast %shift_right_arithmetic3A_4490 : i32 to vector<1x256xi32>
    %shift_right_arithmetic3A_4492 = arith.shrsi %broadcast_in_dim3A_2209, %shift_right_arithmetic3A_4491 : vector<1x256xi32>
    %and3A_4493 = arith.constant 1 : i32
    %and3A_4494 = vector.broadcast %and3A_4493 : i32 to vector<1x256xi32>
    %and3A_4495 = arith.andi %shift_right_arithmetic3A_4492, %and3A_4494 : vector<1x256xi32>
    %eq3A_4496 = arith.constant 1 : i32
    %eq3A_4497 = vector.broadcast %eq3A_4496 : i32 to vector<1x256xi32>
    %eq3A_4498 = arith.cmpi eq, %and3A_4495, %eq3A_4497 : vector<1x256xi32>
    %broadcast_in_dim3A_4499 = vector.shape_cast %eq3A_4498 : vector<1x256xi1> to vector<1x1x256xi1>
    %slice3A_4500 = vector.extract_strided_slice %select_n3A_4489 {offsets = [128, 0, 0], sizes = [128, 8, 256], strides = [1, 1, 1]} : vector<256x8x256xf32> to vector<128x8x256xf32>
    %slice3A_4501 = vector.extract_strided_slice %select_n3A_4489 {offsets = [0, 0, 0], sizes = [128, 8, 256], strides = [1, 1, 1]} : vector<256x8x256xf32> to vector<128x8x256xf32>
    %broadcast_in_dim3A_4502 = vector.shape_cast %broadcast_in_dim3A_4499 : vector<1x1x256xi1> to vector<1x1x256xi1>
    %broadcast_in_dim3A_4503 = vector.broadcast %broadcast_in_dim3A_4502 : vector<1x1x256xi1> to vector<128x8x256xi1>
    %select_n3A_4504 = arith.select %broadcast_in_dim3A_4503, %slice3A_4500, %slice3A_4501 : vector<128x8x256xi1>, vector<128x8x256xf32>
    %shift_right_arithmetic3A_4505 = arith.constant 6 : i32
    %shift_right_arithmetic3A_4506 = vector.broadcast %shift_right_arithmetic3A_4505 : i32 to vector<1x256xi32>
    %shift_right_arithmetic3A_4507 = arith.shrsi %broadcast_in_dim3A_2209, %shift_right_arithmetic3A_4506 : vector<1x256xi32>
    %and3A_4508 = arith.constant 1 : i32
    %and3A_4509 = vector.broadcast %and3A_4508 : i32 to vector<1x256xi32>
    %and3A_4510 = arith.andi %shift_right_arithmetic3A_4507, %and3A_4509 : vector<1x256xi32>
    %eq3A_4511 = arith.constant 1 : i32
    %eq3A_4512 = vector.broadcast %eq3A_4511 : i32 to vector<1x256xi32>
    %eq3A_4513 = arith.cmpi eq, %and3A_4510, %eq3A_4512 : vector<1x256xi32>
    %broadcast_in_dim3A_4514 = vector.shape_cast %eq3A_4513 : vector<1x256xi1> to vector<1x1x256xi1>
    %slice3A_4515 = vector.extract_strided_slice %select_n3A_4504 {offsets = [64, 0, 0], sizes = [64, 8, 256], strides = [1, 1, 1]} : vector<128x8x256xf32> to vector<64x8x256xf32>
    %slice3A_4516 = vector.extract_strided_slice %select_n3A_4504 {offsets = [0, 0, 0], sizes = [64, 8, 256], strides = [1, 1, 1]} : vector<128x8x256xf32> to vector<64x8x256xf32>
    %broadcast_in_dim3A_4517 = vector.shape_cast %broadcast_in_dim3A_4514 : vector<1x1x256xi1> to vector<1x1x256xi1>
    %broadcast_in_dim3A_4518 = vector.broadcast %broadcast_in_dim3A_4517 : vector<1x1x256xi1> to vector<64x8x256xi1>
    %select_n3A_4519 = arith.select %broadcast_in_dim3A_4518, %slice3A_4515, %slice3A_4516 : vector<64x8x256xi1>, vector<64x8x256xf32>
    %shift_right_arithmetic3A_4520 = arith.constant 5 : i32
    %shift_right_arithmetic3A_4521 = vector.broadcast %shift_right_arithmetic3A_4520 : i32 to vector<1x256xi32>
    %shift_right_arithmetic3A_4522 = arith.shrsi %broadcast_in_dim3A_2209, %shift_right_arithmetic3A_4521 : vector<1x256xi32>
    %and3A_4523 = arith.constant 1 : i32
    %and3A_4524 = vector.broadcast %and3A_4523 : i32 to vector<1x256xi32>
    %and3A_4525 = arith.andi %shift_right_arithmetic3A_4522, %and3A_4524 : vector<1x256xi32>
    %eq3A_4526 = arith.constant 1 : i32
    %eq3A_4527 = vector.broadcast %eq3A_4526 : i32 to vector<1x256xi32>
    %eq3A_4528 = arith.cmpi eq, %and3A_4525, %eq3A_4527 : vector<1x256xi32>
    %broadcast_in_dim3A_4529 = vector.shape_cast %eq3A_4528 : vector<1x256xi1> to vector<1x1x256xi1>
    %slice3A_4530 = vector.extract_strided_slice %select_n3A_4519 {offsets = [32, 0, 0], sizes = [32, 8, 256], strides = [1, 1, 1]} : vector<64x8x256xf32> to vector<32x8x256xf32>
    %slice3A_4531 = vector.extract_strided_slice %select_n3A_4519 {offsets = [0, 0, 0], sizes = [32, 8, 256], strides = [1, 1, 1]} : vector<64x8x256xf32> to vector<32x8x256xf32>
    %broadcast_in_dim3A_4532 = vector.shape_cast %broadcast_in_dim3A_4529 : vector<1x1x256xi1> to vector<1x1x256xi1>
    %broadcast_in_dim3A_4533 = vector.broadcast %broadcast_in_dim3A_4532 : vector<1x1x256xi1> to vector<32x8x256xi1>
    %select_n3A_4534 = arith.select %broadcast_in_dim3A_4533, %slice3A_4530, %slice3A_4531 : vector<32x8x256xi1>, vector<32x8x256xf32>
    %shift_right_arithmetic3A_4535 = arith.constant 4 : i32
    %shift_right_arithmetic3A_4536 = vector.broadcast %shift_right_arithmetic3A_4535 : i32 to vector<1x256xi32>
    %shift_right_arithmetic3A_4537 = arith.shrsi %broadcast_in_dim3A_2209, %shift_right_arithmetic3A_4536 : vector<1x256xi32>
    %and3A_4538 = arith.constant 1 : i32
    %and3A_4539 = vector.broadcast %and3A_4538 : i32 to vector<1x256xi32>
    %and3A_4540 = arith.andi %shift_right_arithmetic3A_4537, %and3A_4539 : vector<1x256xi32>
    %eq3A_4541 = arith.constant 1 : i32
    %eq3A_4542 = vector.broadcast %eq3A_4541 : i32 to vector<1x256xi32>
    %eq3A_4543 = arith.cmpi eq, %and3A_4540, %eq3A_4542 : vector<1x256xi32>
    %broadcast_in_dim3A_4544 = vector.shape_cast %eq3A_4543 : vector<1x256xi1> to vector<1x1x256xi1>
    %slice3A_4545 = vector.extract_strided_slice %select_n3A_4534 {offsets = [16, 0, 0], sizes = [16, 8, 256], strides = [1, 1, 1]} : vector<32x8x256xf32> to vector<16x8x256xf32>
    %slice3A_4546 = vector.extract_strided_slice %select_n3A_4534 {offsets = [0, 0, 0], sizes = [16, 8, 256], strides = [1, 1, 1]} : vector<32x8x256xf32> to vector<16x8x256xf32>
    %broadcast_in_dim3A_4547 = vector.shape_cast %broadcast_in_dim3A_4544 : vector<1x1x256xi1> to vector<1x1x256xi1>
    %broadcast_in_dim3A_4548 = vector.broadcast %broadcast_in_dim3A_4547 : vector<1x1x256xi1> to vector<16x8x256xi1>
    %select_n3A_4549 = arith.select %broadcast_in_dim3A_4548, %slice3A_4545, %slice3A_4546 : vector<16x8x256xi1>, vector<16x8x256xf32>
    %shift_right_arithmetic3A_4550 = arith.constant 3 : i32
    %shift_right_arithmetic3A_4551 = vector.broadcast %shift_right_arithmetic3A_4550 : i32 to vector<1x256xi32>
    %shift_right_arithmetic3A_4552 = arith.shrsi %broadcast_in_dim3A_2209, %shift_right_arithmetic3A_4551 : vector<1x256xi32>
    %and3A_4553 = arith.constant 1 : i32
    %and3A_4554 = vector.broadcast %and3A_4553 : i32 to vector<1x256xi32>
    %and3A_4555 = arith.andi %shift_right_arithmetic3A_4552, %and3A_4554 : vector<1x256xi32>
    %eq3A_4556 = arith.constant 1 : i32
    %eq3A_4557 = vector.broadcast %eq3A_4556 : i32 to vector<1x256xi32>
    %eq3A_4558 = arith.cmpi eq, %and3A_4555, %eq3A_4557 : vector<1x256xi32>
    %broadcast_in_dim3A_4559 = vector.shape_cast %eq3A_4558 : vector<1x256xi1> to vector<1x1x256xi1>
    %slice3A_4560 = vector.extract_strided_slice %select_n3A_4549 {offsets = [8, 0, 0], sizes = [8, 8, 256], strides = [1, 1, 1]} : vector<16x8x256xf32> to vector<8x8x256xf32>
    %slice3A_4561 = vector.extract_strided_slice %select_n3A_4549 {offsets = [0, 0, 0], sizes = [8, 8, 256], strides = [1, 1, 1]} : vector<16x8x256xf32> to vector<8x8x256xf32>
    %broadcast_in_dim3A_4562 = vector.shape_cast %broadcast_in_dim3A_4559 : vector<1x1x256xi1> to vector<1x1x256xi1>
    %broadcast_in_dim3A_4563 = vector.broadcast %broadcast_in_dim3A_4562 : vector<1x1x256xi1> to vector<8x8x256xi1>
    %select_n3A_4564 = arith.select %broadcast_in_dim3A_4563, %slice3A_4560, %slice3A_4561 : vector<8x8x256xi1>, vector<8x8x256xf32>
    %shift_right_arithmetic3A_4565 = arith.constant 2 : i32
    %shift_right_arithmetic3A_4566 = vector.broadcast %shift_right_arithmetic3A_4565 : i32 to vector<1x256xi32>
    %shift_right_arithmetic3A_4567 = arith.shrsi %broadcast_in_dim3A_2209, %shift_right_arithmetic3A_4566 : vector<1x256xi32>
    %and3A_4568 = arith.constant 1 : i32
    %and3A_4569 = vector.broadcast %and3A_4568 : i32 to vector<1x256xi32>
    %and3A_4570 = arith.andi %shift_right_arithmetic3A_4567, %and3A_4569 : vector<1x256xi32>
    %eq3A_4571 = arith.constant 1 : i32
    %eq3A_4572 = vector.broadcast %eq3A_4571 : i32 to vector<1x256xi32>
    %eq3A_4573 = arith.cmpi eq, %and3A_4570, %eq3A_4572 : vector<1x256xi32>
    %broadcast_in_dim3A_4574 = vector.shape_cast %eq3A_4573 : vector<1x256xi1> to vector<1x1x256xi1>
    %slice3A_4575 = vector.extract_strided_slice %select_n3A_4564 {offsets = [4, 0, 0], sizes = [4, 8, 256], strides = [1, 1, 1]} : vector<8x8x256xf32> to vector<4x8x256xf32>
    %slice3A_4576 = vector.extract_strided_slice %select_n3A_4564 {offsets = [0, 0, 0], sizes = [4, 8, 256], strides = [1, 1, 1]} : vector<8x8x256xf32> to vector<4x8x256xf32>
    %broadcast_in_dim3A_4577 = vector.shape_cast %broadcast_in_dim3A_4574 : vector<1x1x256xi1> to vector<1x1x256xi1>
    %broadcast_in_dim3A_4578 = vector.broadcast %broadcast_in_dim3A_4577 : vector<1x1x256xi1> to vector<4x8x256xi1>
    %select_n3A_4579 = arith.select %broadcast_in_dim3A_4578, %slice3A_4575, %slice3A_4576 : vector<4x8x256xi1>, vector<4x8x256xf32>
    %shift_right_arithmetic3A_4580 = arith.constant 1 : i32
    %shift_right_arithmetic3A_4581 = vector.broadcast %shift_right_arithmetic3A_4580 : i32 to vector<1x256xi32>
    %shift_right_arithmetic3A_4582 = arith.shrsi %broadcast_in_dim3A_2209, %shift_right_arithmetic3A_4581 : vector<1x256xi32>
    %and3A_4583 = arith.constant 1 : i32
    %and3A_4584 = vector.broadcast %and3A_4583 : i32 to vector<1x256xi32>
    %and3A_4585 = arith.andi %shift_right_arithmetic3A_4582, %and3A_4584 : vector<1x256xi32>
    %eq3A_4586 = arith.constant 1 : i32
    %eq3A_4587 = vector.broadcast %eq3A_4586 : i32 to vector<1x256xi32>
    %eq3A_4588 = arith.cmpi eq, %and3A_4585, %eq3A_4587 : vector<1x256xi32>
    %broadcast_in_dim3A_4589 = vector.shape_cast %eq3A_4588 : vector<1x256xi1> to vector<1x1x256xi1>
    %slice3A_4590 = vector.extract_strided_slice %select_n3A_4579 {offsets = [2, 0, 0], sizes = [2, 8, 256], strides = [1, 1, 1]} : vector<4x8x256xf32> to vector<2x8x256xf32>
    %slice3A_4591 = vector.extract_strided_slice %select_n3A_4579 {offsets = [0, 0, 0], sizes = [2, 8, 256], strides = [1, 1, 1]} : vector<4x8x256xf32> to vector<2x8x256xf32>
    %broadcast_in_dim3A_4592 = vector.shape_cast %broadcast_in_dim3A_4589 : vector<1x1x256xi1> to vector<1x1x256xi1>
    %broadcast_in_dim3A_4593 = vector.broadcast %broadcast_in_dim3A_4592 : vector<1x1x256xi1> to vector<2x8x256xi1>
    %select_n3A_4594 = arith.select %broadcast_in_dim3A_4593, %slice3A_4590, %slice3A_4591 : vector<2x8x256xi1>, vector<2x8x256xf32>
    %shift_right_arithmetic3A_4595 = arith.constant 0 : i32
    %shift_right_arithmetic3A_4596 = vector.broadcast %shift_right_arithmetic3A_4595 : i32 to vector<1x256xi32>
    %shift_right_arithmetic3A_4597 = arith.shrsi %broadcast_in_dim3A_2209, %shift_right_arithmetic3A_4596 : vector<1x256xi32>
    %and3A_4598 = arith.constant 1 : i32
    %and3A_4599 = vector.broadcast %and3A_4598 : i32 to vector<1x256xi32>
    %and3A_4600 = arith.andi %shift_right_arithmetic3A_4597, %and3A_4599 : vector<1x256xi32>
    %eq3A_4601 = arith.constant 1 : i32
    %eq3A_4602 = vector.broadcast %eq3A_4601 : i32 to vector<1x256xi32>
    %eq3A_4603 = arith.cmpi eq, %and3A_4600, %eq3A_4602 : vector<1x256xi32>
    %broadcast_in_dim3A_4604 = vector.shape_cast %eq3A_4603 : vector<1x256xi1> to vector<1x1x256xi1>
    %slice3A_4605 = vector.extract_strided_slice %select_n3A_4594 {offsets = [1, 0, 0], sizes = [1, 8, 256], strides = [1, 1, 1]} : vector<2x8x256xf32> to vector<1x8x256xf32>
    %slice3A_4606 = vector.extract_strided_slice %select_n3A_4594 {offsets = [0, 0, 0], sizes = [1, 8, 256], strides = [1, 1, 1]} : vector<2x8x256xf32> to vector<1x8x256xf32>
    %broadcast_in_dim3A_4607 = vector.shape_cast %broadcast_in_dim3A_4604 : vector<1x1x256xi1> to vector<1x1x256xi1>
    %broadcast_in_dim3A_4608 = vector.broadcast %broadcast_in_dim3A_4607 : vector<1x1x256xi1> to vector<1x8x256xi1>
    %select_n3A_4609 = arith.select %broadcast_in_dim3A_4608, %slice3A_4605, %slice3A_4606 : vector<1x8x256xi1>, vector<1x8x256xf32>
    %concatenate3A_4610 = tpu.concatenate %select_n3A_2359, %select_n3A_2509, %select_n3A_2659, %select_n3A_2809, %select_n3A_2959, %select_n3A_3109, %select_n3A_3259, %select_n3A_3409, %select_n3A_3559, %select_n3A_3709, %select_n3A_3859, %select_n3A_4009, %select_n3A_4159, %select_n3A_4309, %select_n3A_4459, %select_n3A_4609 in 0 : vector<1x8x256xf32>, vector<1x8x256xf32>, vector<1x8x256xf32>, vector<1x8x256xf32>, vector<1x8x256xf32>, vector<1x8x256xf32>, vector<1x8x256xf32>, vector<1x8x256xf32>, vector<1x8x256xf32>, vector<1x8x256xf32>, vector<1x8x256xf32>, vector<1x8x256xf32>, vector<1x8x256xf32>, vector<1x8x256xf32>, vector<1x8x256xf32>, vector<1x8x256xf32> -> vector<16x8x256xf32>
    %concatenate3A_4611 = tpu.concatenate %broadcast_in_dim3A_1969, %broadcast_in_dim3A_1985, %broadcast_in_dim3A_2001, %broadcast_in_dim3A_2017, %broadcast_in_dim3A_2033, %broadcast_in_dim3A_2049, %broadcast_in_dim3A_2065, %broadcast_in_dim3A_2081, %broadcast_in_dim3A_2097, %broadcast_in_dim3A_2113, %broadcast_in_dim3A_2129, %broadcast_in_dim3A_2145, %broadcast_in_dim3A_2161, %broadcast_in_dim3A_2177, %broadcast_in_dim3A_2193, %broadcast_in_dim3A_2209 in 0 : vector<1x256xi32>, vector<1x256xi32>, vector<1x256xi32>, vector<1x256xi32>, vector<1x256xi32>, vector<1x256xi32>, vector<1x256xi32>, vector<1x256xi32>, vector<1x256xi32>, vector<1x256xi32>, vector<1x256xi32>, vector<1x256xi32>, vector<1x256xi32>, vector<1x256xi32>, vector<1x256xi32>, vector<1x256xi32> -> vector<16x256xi32>
    %iota3A_4612 = tpu.iota {dimensions = array<i32: 1>} : vector<16x8x256xi32>
    %broadcast_in_dim3A_4613 = vector.shape_cast %concatenate3A_4611 : vector<16x256xi32> to vector<16x1x256xi32>
    %mul3A_4614 = arith.constant 8 : i32
    %mul3A_4615 = vector.broadcast %mul3A_4614 : i32 to vector<16x1x256xi32>
    %mul3A_4616 = arith.muli %broadcast_in_dim3A_4613, %mul3A_4615 : vector<16x1x256xi32>
    %add3A_4617 = vector.broadcast %mul3A_4616 : vector<16x1x256xi32> to vector<16x8x256xi32>
    %add3A_4618 = arith.addi %add3A_4617, %iota3A_4612 : vector<16x8x256xi32>
    %reshape3A_4619 = vector.shape_cast %concatenate3A_4610 : vector<16x8x256xf32> to vector<128x256xf32>
    %reshape3A_4620 = vector.shape_cast %add3A_4618 : vector<16x8x256xi32> to vector<128x256xi32>
    %reduce_min3A_4621 = arith.constant dense<0x7F800000> : vector<256xf32>
    %reduce_min3A_4622 = vector.multi_reduction <minimumf>, %reshape3A_4619, %reduce_min3A_4621 [0] : vector<128x256xf32> to vector<256xf32>
    %broadcast_in_dim3A_4623 = vector.shape_cast %reduce_min3A_4622 : vector<256xf32> to vector<1x256xf32>
    %eq3A_4624 = vector.broadcast %broadcast_in_dim3A_4623 : vector<1x256xf32> to vector<128x256xf32>
    %eq3A_4625 = arith.cmpf oeq, %reshape3A_4619, %eq3A_4624 : vector<128x256xf32>
    %jit3A_4626 = arith.constant 8192 : i32
    %broadcast_in_dim3A_4627 = vector.broadcast %jit3A_4626 : i32 to vector<128x256xi32>
    %select_n3A_4628 = arith.select %eq3A_4625, %reshape3A_4620, %broadcast_in_dim3A_4627 : vector<128x256xi1>, vector<128x256xi32>
    %reduce_min3A_4629 = arith.constant dense<2147483647> : vector<256xi32>
    %reduce_min3A_4630 = vector.multi_reduction <minsi>, %select_n3A_4628, %reduce_min3A_4629 [0] : vector<128x256xi32> to vector<256xi32>
    %broadcast_in_dim3A_4631 = vector.shape_cast %reduce_min3A_4630 : vector<256xi32> to vector<1x256xi32>
    %eq3A_4632 = vector.broadcast %broadcast_in_dim3A_4631 : vector<1x256xi32> to vector<128x256xi32>
    %eq3A_4633 = arith.cmpi eq, %reshape3A_4620, %eq3A_4632 : vector<128x256xi32>
    %jit3A_4634 = arith.constant 3.000000e+38 : f32
    %broadcast_in_dim3A_4635 = vector.broadcast %jit3A_4634 : f32 to vector<128x256xf32>
    %select_n3A_4636 = arith.select %eq3A_4633, %broadcast_in_dim3A_4635, %reshape3A_4619 : vector<128x256xi1>, vector<128x256xf32>
    %reduce_min3A_4637 = arith.constant dense<0x7F800000> : vector<256xf32>
    %reduce_min3A_4638 = vector.multi_reduction <minimumf>, %select_n3A_4636, %reduce_min3A_4637 [0] : vector<128x256xf32> to vector<256xf32>
    %broadcast_in_dim3A_4639 = vector.shape_cast %reduce_min3A_4638 : vector<256xf32> to vector<1x256xf32>
    %eq3A_4640 = vector.broadcast %broadcast_in_dim3A_4639 : vector<1x256xf32> to vector<128x256xf32>
    %eq3A_4641 = arith.cmpf oeq, %select_n3A_4636, %eq3A_4640 : vector<128x256xf32>
    %jit3A_4642 = arith.constant 8192 : i32
    %broadcast_in_dim3A_4643 = vector.broadcast %jit3A_4642 : i32 to vector<128x256xi32>
    %select_n3A_4644 = arith.select %eq3A_4641, %reshape3A_4620, %broadcast_in_dim3A_4643 : vector<128x256xi1>, vector<128x256xi32>
    %reduce_min3A_4645 = arith.constant dense<2147483647> : vector<256xi32>
    %reduce_min3A_4646 = vector.multi_reduction <minsi>, %select_n3A_4644, %reduce_min3A_4645 [0] : vector<128x256xi32> to vector<256xi32>
    %broadcast_in_dim3A_4647 = vector.shape_cast %reduce_min3A_4646 : vector<256xi32> to vector<1x256xi32>
    %eq3A_4648 = vector.broadcast %broadcast_in_dim3A_4647 : vector<1x256xi32> to vector<128x256xi32>
    %eq3A_4649 = arith.cmpi eq, %reshape3A_4620, %eq3A_4648 : vector<128x256xi32>
    %jit3A_4650 = arith.constant 3.000000e+38 : f32
    %broadcast_in_dim3A_4651 = vector.broadcast %jit3A_4650 : f32 to vector<128x256xf32>
    %select_n3A_4652 = arith.select %eq3A_4649, %broadcast_in_dim3A_4651, %select_n3A_4636 : vector<128x256xi1>, vector<128x256xf32>
    %reduce_min3A_4653 = arith.constant dense<0x7F800000> : vector<256xf32>
    %reduce_min3A_4654 = vector.multi_reduction <minimumf>, %select_n3A_4652, %reduce_min3A_4653 [0] : vector<128x256xf32> to vector<256xf32>
    %broadcast_in_dim3A_4655 = vector.shape_cast %reduce_min3A_4654 : vector<256xf32> to vector<1x256xf32>
    %eq3A_4656 = vector.broadcast %broadcast_in_dim3A_4655 : vector<1x256xf32> to vector<128x256xf32>
    %eq3A_4657 = arith.cmpf oeq, %select_n3A_4652, %eq3A_4656 : vector<128x256xf32>
    %jit3A_4658 = arith.constant 8192 : i32
    %broadcast_in_dim3A_4659 = vector.broadcast %jit3A_4658 : i32 to vector<128x256xi32>
    %select_n3A_4660 = arith.select %eq3A_4657, %reshape3A_4620, %broadcast_in_dim3A_4659 : vector<128x256xi1>, vector<128x256xi32>
    %reduce_min3A_4661 = arith.constant dense<2147483647> : vector<256xi32>
    %reduce_min3A_4662 = vector.multi_reduction <minsi>, %select_n3A_4660, %reduce_min3A_4661 [0] : vector<128x256xi32> to vector<256xi32>
    %broadcast_in_dim3A_4663 = vector.shape_cast %reduce_min3A_4662 : vector<256xi32> to vector<1x256xi32>
    %eq3A_4664 = vector.broadcast %broadcast_in_dim3A_4663 : vector<1x256xi32> to vector<128x256xi32>
    %eq3A_4665 = arith.cmpi eq, %reshape3A_4620, %eq3A_4664 : vector<128x256xi32>
    %jit3A_4666 = arith.constant 3.000000e+38 : f32
    %broadcast_in_dim3A_4667 = vector.broadcast %jit3A_4666 : f32 to vector<128x256xf32>
    %select_n3A_4668 = arith.select %eq3A_4665, %broadcast_in_dim3A_4667, %select_n3A_4652 : vector<128x256xi1>, vector<128x256xf32>
    %reduce_min3A_4669 = arith.constant dense<0x7F800000> : vector<256xf32>
    %reduce_min3A_4670 = vector.multi_reduction <minimumf>, %select_n3A_4668, %reduce_min3A_4669 [0] : vector<128x256xf32> to vector<256xf32>
    %broadcast_in_dim3A_4671 = vector.shape_cast %reduce_min3A_4670 : vector<256xf32> to vector<1x256xf32>
    %eq3A_4672 = vector.broadcast %broadcast_in_dim3A_4671 : vector<1x256xf32> to vector<128x256xf32>
    %eq3A_4673 = arith.cmpf oeq, %select_n3A_4668, %eq3A_4672 : vector<128x256xf32>
    %jit3A_4674 = arith.constant 8192 : i32
    %broadcast_in_dim3A_4675 = vector.broadcast %jit3A_4674 : i32 to vector<128x256xi32>
    %select_n3A_4676 = arith.select %eq3A_4673, %reshape3A_4620, %broadcast_in_dim3A_4675 : vector<128x256xi1>, vector<128x256xi32>
    %reduce_min3A_4677 = arith.constant dense<2147483647> : vector<256xi32>
    %reduce_min3A_4678 = vector.multi_reduction <minsi>, %select_n3A_4676, %reduce_min3A_4677 [0] : vector<128x256xi32> to vector<256xi32>
    %broadcast_in_dim3A_4679 = vector.shape_cast %reduce_min3A_4678 : vector<256xi32> to vector<1x256xi32>
    %eq3A_4680 = vector.broadcast %broadcast_in_dim3A_4679 : vector<1x256xi32> to vector<128x256xi32>
    %eq3A_4681 = arith.cmpi eq, %reshape3A_4620, %eq3A_4680 : vector<128x256xi32>
    %jit3A_4682 = arith.constant 3.000000e+38 : f32
    %broadcast_in_dim3A_4683 = vector.broadcast %jit3A_4682 : f32 to vector<128x256xf32>
    %select_n3A_4684 = arith.select %eq3A_4681, %broadcast_in_dim3A_4683, %select_n3A_4668 : vector<128x256xi1>, vector<128x256xf32>
    %reduce_min3A_4685 = arith.constant dense<0x7F800000> : vector<256xf32>
    %reduce_min3A_4686 = vector.multi_reduction <minimumf>, %select_n3A_4684, %reduce_min3A_4685 [0] : vector<128x256xf32> to vector<256xf32>
    %broadcast_in_dim3A_4687 = vector.shape_cast %reduce_min3A_4686 : vector<256xf32> to vector<1x256xf32>
    %eq3A_4688 = vector.broadcast %broadcast_in_dim3A_4687 : vector<1x256xf32> to vector<128x256xf32>
    %eq3A_4689 = arith.cmpf oeq, %select_n3A_4684, %eq3A_4688 : vector<128x256xf32>
    %jit3A_4690 = arith.constant 8192 : i32
    %broadcast_in_dim3A_4691 = vector.broadcast %jit3A_4690 : i32 to vector<128x256xi32>
    %select_n3A_4692 = arith.select %eq3A_4689, %reshape3A_4620, %broadcast_in_dim3A_4691 : vector<128x256xi1>, vector<128x256xi32>
    %reduce_min3A_4693 = arith.constant dense<2147483647> : vector<256xi32>
    %reduce_min3A_4694 = vector.multi_reduction <minsi>, %select_n3A_4692, %reduce_min3A_4693 [0] : vector<128x256xi32> to vector<256xi32>
    %broadcast_in_dim3A_4695 = vector.shape_cast %reduce_min3A_4694 : vector<256xi32> to vector<1x256xi32>
    %eq3A_4696 = vector.broadcast %broadcast_in_dim3A_4695 : vector<1x256xi32> to vector<128x256xi32>
    %eq3A_4697 = arith.cmpi eq, %reshape3A_4620, %eq3A_4696 : vector<128x256xi32>
    %jit3A_4698 = arith.constant 3.000000e+38 : f32
    %broadcast_in_dim3A_4699 = vector.broadcast %jit3A_4698 : f32 to vector<128x256xf32>
    %select_n3A_4700 = arith.select %eq3A_4697, %broadcast_in_dim3A_4699, %select_n3A_4684 : vector<128x256xi1>, vector<128x256xf32>
    %reduce_min3A_4701 = arith.constant dense<0x7F800000> : vector<256xf32>
    %reduce_min3A_4702 = vector.multi_reduction <minimumf>, %select_n3A_4700, %reduce_min3A_4701 [0] : vector<128x256xf32> to vector<256xf32>
    %broadcast_in_dim3A_4703 = vector.shape_cast %reduce_min3A_4702 : vector<256xf32> to vector<1x256xf32>
    %eq3A_4704 = vector.broadcast %broadcast_in_dim3A_4703 : vector<1x256xf32> to vector<128x256xf32>
    %eq3A_4705 = arith.cmpf oeq, %select_n3A_4700, %eq3A_4704 : vector<128x256xf32>
    %jit3A_4706 = arith.constant 8192 : i32
    %broadcast_in_dim3A_4707 = vector.broadcast %jit3A_4706 : i32 to vector<128x256xi32>
    %select_n3A_4708 = arith.select %eq3A_4705, %reshape3A_4620, %broadcast_in_dim3A_4707 : vector<128x256xi1>, vector<128x256xi32>
    %reduce_min3A_4709 = arith.constant dense<2147483647> : vector<256xi32>
    %reduce_min3A_4710 = vector.multi_reduction <minsi>, %select_n3A_4708, %reduce_min3A_4709 [0] : vector<128x256xi32> to vector<256xi32>
    %broadcast_in_dim3A_4711 = vector.shape_cast %reduce_min3A_4710 : vector<256xi32> to vector<1x256xi32>
    %eq3A_4712 = vector.broadcast %broadcast_in_dim3A_4711 : vector<1x256xi32> to vector<128x256xi32>
    %eq3A_4713 = arith.cmpi eq, %reshape3A_4620, %eq3A_4712 : vector<128x256xi32>
    %jit3A_4714 = arith.constant 3.000000e+38 : f32
    %broadcast_in_dim3A_4715 = vector.broadcast %jit3A_4714 : f32 to vector<128x256xf32>
    %select_n3A_4716 = arith.select %eq3A_4713, %broadcast_in_dim3A_4715, %select_n3A_4700 : vector<128x256xi1>, vector<128x256xf32>
    %reduce_min3A_4717 = arith.constant dense<0x7F800000> : vector<256xf32>
    %reduce_min3A_4718 = vector.multi_reduction <minimumf>, %select_n3A_4716, %reduce_min3A_4717 [0] : vector<128x256xf32> to vector<256xf32>
    %broadcast_in_dim3A_4719 = vector.shape_cast %reduce_min3A_4718 : vector<256xf32> to vector<1x256xf32>
    %eq3A_4720 = vector.broadcast %broadcast_in_dim3A_4719 : vector<1x256xf32> to vector<128x256xf32>
    %eq3A_4721 = arith.cmpf oeq, %select_n3A_4716, %eq3A_4720 : vector<128x256xf32>
    %jit3A_4722 = arith.constant 8192 : i32
    %broadcast_in_dim3A_4723 = vector.broadcast %jit3A_4722 : i32 to vector<128x256xi32>
    %select_n3A_4724 = arith.select %eq3A_4721, %reshape3A_4620, %broadcast_in_dim3A_4723 : vector<128x256xi1>, vector<128x256xi32>
    %reduce_min3A_4725 = arith.constant dense<2147483647> : vector<256xi32>
    %reduce_min3A_4726 = vector.multi_reduction <minsi>, %select_n3A_4724, %reduce_min3A_4725 [0] : vector<128x256xi32> to vector<256xi32>
    %broadcast_in_dim3A_4727 = vector.shape_cast %reduce_min3A_4726 : vector<256xi32> to vector<1x256xi32>
    %eq3A_4728 = vector.broadcast %broadcast_in_dim3A_4727 : vector<1x256xi32> to vector<128x256xi32>
    %eq3A_4729 = arith.cmpi eq, %reshape3A_4620, %eq3A_4728 : vector<128x256xi32>
    %jit3A_4730 = arith.constant 3.000000e+38 : f32
    %broadcast_in_dim3A_4731 = vector.broadcast %jit3A_4730 : f32 to vector<128x256xf32>
    %select_n3A_4732 = arith.select %eq3A_4729, %broadcast_in_dim3A_4731, %select_n3A_4716 : vector<128x256xi1>, vector<128x256xf32>
    %reduce_min3A_4733 = arith.constant dense<0x7F800000> : vector<256xf32>
    %reduce_min3A_4734 = vector.multi_reduction <minimumf>, %select_n3A_4732, %reduce_min3A_4733 [0] : vector<128x256xf32> to vector<256xf32>
    %broadcast_in_dim3A_4735 = vector.shape_cast %reduce_min3A_4734 : vector<256xf32> to vector<1x256xf32>
    %eq3A_4736 = vector.broadcast %broadcast_in_dim3A_4735 : vector<1x256xf32> to vector<128x256xf32>
    %eq3A_4737 = arith.cmpf oeq, %select_n3A_4732, %eq3A_4736 : vector<128x256xf32>
    %jit3A_4738 = arith.constant 8192 : i32
    %broadcast_in_dim3A_4739 = vector.broadcast %jit3A_4738 : i32 to vector<128x256xi32>
    %select_n3A_4740 = arith.select %eq3A_4737, %reshape3A_4620, %broadcast_in_dim3A_4739 : vector<128x256xi1>, vector<128x256xi32>
    %reduce_min3A_4741 = arith.constant dense<2147483647> : vector<256xi32>
    %reduce_min3A_4742 = vector.multi_reduction <minsi>, %select_n3A_4740, %reduce_min3A_4741 [0] : vector<128x256xi32> to vector<256xi32>
    %broadcast_in_dim3A_4743 = vector.shape_cast %reduce_min3A_4742 : vector<256xi32> to vector<1x256xi32>
    %eq3A_4744 = vector.broadcast %broadcast_in_dim3A_4743 : vector<1x256xi32> to vector<128x256xi32>
    %eq3A_4745 = arith.cmpi eq, %reshape3A_4620, %eq3A_4744 : vector<128x256xi32>
    %jit3A_4746 = arith.constant 3.000000e+38 : f32
    %broadcast_in_dim3A_4747 = vector.broadcast %jit3A_4746 : f32 to vector<128x256xf32>
    %select_n3A_4748 = arith.select %eq3A_4745, %broadcast_in_dim3A_4747, %select_n3A_4732 : vector<128x256xi1>, vector<128x256xf32>
    %reduce_min3A_4749 = arith.constant dense<0x7F800000> : vector<256xf32>
    %reduce_min3A_4750 = vector.multi_reduction <minimumf>, %select_n3A_4748, %reduce_min3A_4749 [0] : vector<128x256xf32> to vector<256xf32>
    %broadcast_in_dim3A_4751 = vector.shape_cast %reduce_min3A_4750 : vector<256xf32> to vector<1x256xf32>
    %eq3A_4752 = vector.broadcast %broadcast_in_dim3A_4751 : vector<1x256xf32> to vector<128x256xf32>
    %eq3A_4753 = arith.cmpf oeq, %select_n3A_4748, %eq3A_4752 : vector<128x256xf32>
    %jit3A_4754 = arith.constant 8192 : i32
    %broadcast_in_dim3A_4755 = vector.broadcast %jit3A_4754 : i32 to vector<128x256xi32>
    %select_n3A_4756 = arith.select %eq3A_4753, %reshape3A_4620, %broadcast_in_dim3A_4755 : vector<128x256xi1>, vector<128x256xi32>
    %reduce_min3A_4757 = arith.constant dense<2147483647> : vector<256xi32>
    %reduce_min3A_4758 = vector.multi_reduction <minsi>, %select_n3A_4756, %reduce_min3A_4757 [0] : vector<128x256xi32> to vector<256xi32>
    %broadcast_in_dim3A_4759 = vector.shape_cast %reduce_min3A_4758 : vector<256xi32> to vector<1x256xi32>
    %eq3A_4760 = vector.broadcast %broadcast_in_dim3A_4759 : vector<1x256xi32> to vector<128x256xi32>
    %eq3A_4761 = arith.cmpi eq, %reshape3A_4620, %eq3A_4760 : vector<128x256xi32>
    %jit3A_4762 = arith.constant 3.000000e+38 : f32
    %broadcast_in_dim3A_4763 = vector.broadcast %jit3A_4762 : f32 to vector<128x256xf32>
    %select_n3A_4764 = arith.select %eq3A_4761, %broadcast_in_dim3A_4763, %select_n3A_4748 : vector<128x256xi1>, vector<128x256xf32>
    %reduce_min3A_4765 = arith.constant dense<0x7F800000> : vector<256xf32>
    %reduce_min3A_4766 = vector.multi_reduction <minimumf>, %select_n3A_4764, %reduce_min3A_4765 [0] : vector<128x256xf32> to vector<256xf32>
    %broadcast_in_dim3A_4767 = vector.shape_cast %reduce_min3A_4766 : vector<256xf32> to vector<1x256xf32>
    %eq3A_4768 = vector.broadcast %broadcast_in_dim3A_4767 : vector<1x256xf32> to vector<128x256xf32>
    %eq3A_4769 = arith.cmpf oeq, %select_n3A_4764, %eq3A_4768 : vector<128x256xf32>
    %jit3A_4770 = arith.constant 8192 : i32
    %broadcast_in_dim3A_4771 = vector.broadcast %jit3A_4770 : i32 to vector<128x256xi32>
    %select_n3A_4772 = arith.select %eq3A_4769, %reshape3A_4620, %broadcast_in_dim3A_4771 : vector<128x256xi1>, vector<128x256xi32>
    %reduce_min3A_4773 = arith.constant dense<2147483647> : vector<256xi32>
    %reduce_min3A_4774 = vector.multi_reduction <minsi>, %select_n3A_4772, %reduce_min3A_4773 [0] : vector<128x256xi32> to vector<256xi32>
    %broadcast_in_dim3A_4775 = vector.shape_cast %reduce_min3A_4774 : vector<256xi32> to vector<1x256xi32>
    %eq3A_4776 = vector.broadcast %broadcast_in_dim3A_4775 : vector<1x256xi32> to vector<128x256xi32>
    %eq3A_4777 = arith.cmpi eq, %reshape3A_4620, %eq3A_4776 : vector<128x256xi32>
    %jit3A_4778 = arith.constant 3.000000e+38 : f32
    %broadcast_in_dim3A_4779 = vector.broadcast %jit3A_4778 : f32 to vector<128x256xf32>
    %select_n3A_4780 = arith.select %eq3A_4777, %broadcast_in_dim3A_4779, %select_n3A_4764 : vector<128x256xi1>, vector<128x256xf32>
    %reduce_min3A_4781 = arith.constant dense<0x7F800000> : vector<256xf32>
    %reduce_min3A_4782 = vector.multi_reduction <minimumf>, %select_n3A_4780, %reduce_min3A_4781 [0] : vector<128x256xf32> to vector<256xf32>
    %broadcast_in_dim3A_4783 = vector.shape_cast %reduce_min3A_4782 : vector<256xf32> to vector<1x256xf32>
    %eq3A_4784 = vector.broadcast %broadcast_in_dim3A_4783 : vector<1x256xf32> to vector<128x256xf32>
    %eq3A_4785 = arith.cmpf oeq, %select_n3A_4780, %eq3A_4784 : vector<128x256xf32>
    %jit3A_4786 = arith.constant 8192 : i32
    %broadcast_in_dim3A_4787 = vector.broadcast %jit3A_4786 : i32 to vector<128x256xi32>
    %select_n3A_4788 = arith.select %eq3A_4785, %reshape3A_4620, %broadcast_in_dim3A_4787 : vector<128x256xi1>, vector<128x256xi32>
    %reduce_min3A_4789 = arith.constant dense<2147483647> : vector<256xi32>
    %reduce_min3A_4790 = vector.multi_reduction <minsi>, %select_n3A_4788, %reduce_min3A_4789 [0] : vector<128x256xi32> to vector<256xi32>
    %broadcast_in_dim3A_4791 = vector.shape_cast %reduce_min3A_4790 : vector<256xi32> to vector<1x256xi32>
    %eq3A_4792 = vector.broadcast %broadcast_in_dim3A_4791 : vector<1x256xi32> to vector<128x256xi32>
    %eq3A_4793 = arith.cmpi eq, %reshape3A_4620, %eq3A_4792 : vector<128x256xi32>
    %jit3A_4794 = arith.constant 3.000000e+38 : f32
    %broadcast_in_dim3A_4795 = vector.broadcast %jit3A_4794 : f32 to vector<128x256xf32>
    %select_n3A_4796 = arith.select %eq3A_4793, %broadcast_in_dim3A_4795, %select_n3A_4780 : vector<128x256xi1>, vector<128x256xf32>
    %reduce_min3A_4797 = arith.constant dense<0x7F800000> : vector<256xf32>
    %reduce_min3A_4798 = vector.multi_reduction <minimumf>, %select_n3A_4796, %reduce_min3A_4797 [0] : vector<128x256xf32> to vector<256xf32>
    %broadcast_in_dim3A_4799 = vector.shape_cast %reduce_min3A_4798 : vector<256xf32> to vector<1x256xf32>
    %eq3A_4800 = vector.broadcast %broadcast_in_dim3A_4799 : vector<1x256xf32> to vector<128x256xf32>
    %eq3A_4801 = arith.cmpf oeq, %select_n3A_4796, %eq3A_4800 : vector<128x256xf32>
    %jit3A_4802 = arith.constant 8192 : i32
    %broadcast_in_dim3A_4803 = vector.broadcast %jit3A_4802 : i32 to vector<128x256xi32>
    %select_n3A_4804 = arith.select %eq3A_4801, %reshape3A_4620, %broadcast_in_dim3A_4803 : vector<128x256xi1>, vector<128x256xi32>
    %reduce_min3A_4805 = arith.constant dense<2147483647> : vector<256xi32>
    %reduce_min3A_4806 = vector.multi_reduction <minsi>, %select_n3A_4804, %reduce_min3A_4805 [0] : vector<128x256xi32> to vector<256xi32>
    %broadcast_in_dim3A_4807 = vector.shape_cast %reduce_min3A_4806 : vector<256xi32> to vector<1x256xi32>
    %eq3A_4808 = vector.broadcast %broadcast_in_dim3A_4807 : vector<1x256xi32> to vector<128x256xi32>
    %eq3A_4809 = arith.cmpi eq, %reshape3A_4620, %eq3A_4808 : vector<128x256xi32>
    %jit3A_4810 = arith.constant 3.000000e+38 : f32
    %broadcast_in_dim3A_4811 = vector.broadcast %jit3A_4810 : f32 to vector<128x256xf32>
    %select_n3A_4812 = arith.select %eq3A_4809, %broadcast_in_dim3A_4811, %select_n3A_4796 : vector<128x256xi1>, vector<128x256xf32>
    %reduce_min3A_4813 = arith.constant dense<0x7F800000> : vector<256xf32>
    %reduce_min3A_4814 = vector.multi_reduction <minimumf>, %select_n3A_4812, %reduce_min3A_4813 [0] : vector<128x256xf32> to vector<256xf32>
    %broadcast_in_dim3A_4815 = vector.shape_cast %reduce_min3A_4814 : vector<256xf32> to vector<1x256xf32>
    %eq3A_4816 = vector.broadcast %broadcast_in_dim3A_4815 : vector<1x256xf32> to vector<128x256xf32>
    %eq3A_4817 = arith.cmpf oeq, %select_n3A_4812, %eq3A_4816 : vector<128x256xf32>
    %jit3A_4818 = arith.constant 8192 : i32
    %broadcast_in_dim3A_4819 = vector.broadcast %jit3A_4818 : i32 to vector<128x256xi32>
    %select_n3A_4820 = arith.select %eq3A_4817, %reshape3A_4620, %broadcast_in_dim3A_4819 : vector<128x256xi1>, vector<128x256xi32>
    %reduce_min3A_4821 = arith.constant dense<2147483647> : vector<256xi32>
    %reduce_min3A_4822 = vector.multi_reduction <minsi>, %select_n3A_4820, %reduce_min3A_4821 [0] : vector<128x256xi32> to vector<256xi32>
    %broadcast_in_dim3A_4823 = vector.shape_cast %reduce_min3A_4822 : vector<256xi32> to vector<1x256xi32>
    %eq3A_4824 = vector.broadcast %broadcast_in_dim3A_4823 : vector<1x256xi32> to vector<128x256xi32>
    %eq3A_4825 = arith.cmpi eq, %reshape3A_4620, %eq3A_4824 : vector<128x256xi32>
    %jit3A_4826 = arith.constant 3.000000e+38 : f32
    %broadcast_in_dim3A_4827 = vector.broadcast %jit3A_4826 : f32 to vector<128x256xf32>
    %select_n3A_4828 = arith.select %eq3A_4825, %broadcast_in_dim3A_4827, %select_n3A_4812 : vector<128x256xi1>, vector<128x256xf32>
    %reduce_min3A_4829 = arith.constant dense<0x7F800000> : vector<256xf32>
    %reduce_min3A_4830 = vector.multi_reduction <minimumf>, %select_n3A_4828, %reduce_min3A_4829 [0] : vector<128x256xf32> to vector<256xf32>
    %broadcast_in_dim3A_4831 = vector.shape_cast %reduce_min3A_4830 : vector<256xf32> to vector<1x256xf32>
    %eq3A_4832 = vector.broadcast %broadcast_in_dim3A_4831 : vector<1x256xf32> to vector<128x256xf32>
    %eq3A_4833 = arith.cmpf oeq, %select_n3A_4828, %eq3A_4832 : vector<128x256xf32>
    %jit3A_4834 = arith.constant 8192 : i32
    %broadcast_in_dim3A_4835 = vector.broadcast %jit3A_4834 : i32 to vector<128x256xi32>
    %select_n3A_4836 = arith.select %eq3A_4833, %reshape3A_4620, %broadcast_in_dim3A_4835 : vector<128x256xi1>, vector<128x256xi32>
    %reduce_min3A_4837 = arith.constant dense<2147483647> : vector<256xi32>
    %reduce_min3A_4838 = vector.multi_reduction <minsi>, %select_n3A_4836, %reduce_min3A_4837 [0] : vector<128x256xi32> to vector<256xi32>
    %broadcast_in_dim3A_4839 = vector.shape_cast %reduce_min3A_4838 : vector<256xi32> to vector<1x256xi32>
    %eq3A_4840 = vector.broadcast %broadcast_in_dim3A_4839 : vector<1x256xi32> to vector<128x256xi32>
    %eq3A_4841 = arith.cmpi eq, %reshape3A_4620, %eq3A_4840 : vector<128x256xi32>
    %jit3A_4842 = arith.constant 3.000000e+38 : f32
    %broadcast_in_dim3A_4843 = vector.broadcast %jit3A_4842 : f32 to vector<128x256xf32>
    %select_n3A_4844 = arith.select %eq3A_4841, %broadcast_in_dim3A_4843, %select_n3A_4828 : vector<128x256xi1>, vector<128x256xf32>
    %reduce_min3A_4845 = arith.constant dense<0x7F800000> : vector<256xf32>
    %reduce_min3A_4846 = vector.multi_reduction <minimumf>, %select_n3A_4844, %reduce_min3A_4845 [0] : vector<128x256xf32> to vector<256xf32>
    %broadcast_in_dim3A_4847 = vector.shape_cast %reduce_min3A_4846 : vector<256xf32> to vector<1x256xf32>
    %eq3A_4848 = vector.broadcast %broadcast_in_dim3A_4847 : vector<1x256xf32> to vector<128x256xf32>
    %eq3A_4849 = arith.cmpf oeq, %select_n3A_4844, %eq3A_4848 : vector<128x256xf32>
    %jit3A_4850 = arith.constant 8192 : i32
    %broadcast_in_dim3A_4851 = vector.broadcast %jit3A_4850 : i32 to vector<128x256xi32>
    %select_n3A_4852 = arith.select %eq3A_4849, %reshape3A_4620, %broadcast_in_dim3A_4851 : vector<128x256xi1>, vector<128x256xi32>
    %reduce_min3A_4853 = arith.constant dense<2147483647> : vector<256xi32>
    %reduce_min3A_4854 = vector.multi_reduction <minsi>, %select_n3A_4852, %reduce_min3A_4853 [0] : vector<128x256xi32> to vector<256xi32>
    %broadcast_in_dim3A_4855 = vector.shape_cast %reduce_min3A_4854 : vector<256xi32> to vector<1x256xi32>
    %eq3A_4856 = vector.broadcast %broadcast_in_dim3A_4855 : vector<1x256xi32> to vector<128x256xi32>
    %eq3A_4857 = arith.cmpi eq, %reshape3A_4620, %eq3A_4856 : vector<128x256xi32>
    %jit3A_4858 = arith.constant 3.000000e+38 : f32
    %broadcast_in_dim3A_4859 = vector.broadcast %jit3A_4858 : f32 to vector<128x256xf32>
    %select_n3A_4860 = arith.select %eq3A_4857, %broadcast_in_dim3A_4859, %select_n3A_4844 : vector<128x256xi1>, vector<128x256xf32>
    %reduce_min3A_4861 = arith.constant dense<0x7F800000> : vector<256xf32>
    %reduce_min3A_4862 = vector.multi_reduction <minimumf>, %select_n3A_4860, %reduce_min3A_4861 [0] : vector<128x256xf32> to vector<256xf32>
    %broadcast_in_dim3A_4863 = vector.shape_cast %reduce_min3A_4862 : vector<256xf32> to vector<1x256xf32>
    %eq3A_4864 = vector.broadcast %broadcast_in_dim3A_4863 : vector<1x256xf32> to vector<128x256xf32>
    %eq3A_4865 = arith.cmpf oeq, %select_n3A_4860, %eq3A_4864 : vector<128x256xf32>
    %jit3A_4866 = arith.constant 8192 : i32
    %broadcast_in_dim3A_4867 = vector.broadcast %jit3A_4866 : i32 to vector<128x256xi32>
    %select_n3A_4868 = arith.select %eq3A_4865, %reshape3A_4620, %broadcast_in_dim3A_4867 : vector<128x256xi1>, vector<128x256xi32>
    %reduce_min3A_4869 = arith.constant dense<2147483647> : vector<256xi32>
    %reduce_min3A_4870 = vector.multi_reduction <minsi>, %select_n3A_4868, %reduce_min3A_4869 [0] : vector<128x256xi32> to vector<256xi32>
    %broadcast_in_dim3A_4871 = vector.shape_cast %reduce_min3A_4870 : vector<256xi32> to vector<1x256xi32>
    %mul3A_4872 = arith.constant 8192 : i32
    %mul3A_4873 = arith.muli %arg0, %mul3A_4872 : i32
    %concatenate3A_4874 = tpu.concatenate %broadcast_in_dim3A_4631, %broadcast_in_dim3A_4647, %broadcast_in_dim3A_4663, %broadcast_in_dim3A_4679, %broadcast_in_dim3A_4695, %broadcast_in_dim3A_4711, %broadcast_in_dim3A_4727, %broadcast_in_dim3A_4743, %broadcast_in_dim3A_4759, %broadcast_in_dim3A_4775, %broadcast_in_dim3A_4791, %broadcast_in_dim3A_4807, %broadcast_in_dim3A_4823, %broadcast_in_dim3A_4839, %broadcast_in_dim3A_4855, %broadcast_in_dim3A_4871 in 0 : vector<1x256xi32>, vector<1x256xi32>, vector<1x256xi32>, vector<1x256xi32>, vector<1x256xi32>, vector<1x256xi32>, vector<1x256xi32>, vector<1x256xi32>, vector<1x256xi32>, vector<1x256xi32>, vector<1x256xi32>, vector<1x256xi32>, vector<1x256xi32>, vector<1x256xi32>, vector<1x256xi32>, vector<1x256xi32> -> vector<16x256xi32>
    %add3A_4875 = vector.broadcast %mul3A_4873 : i32 to vector<16x256xi32>
    %add3A_4876 = arith.addi %concatenate3A_4874, %add3A_4875 : vector<16x256xi32>
    %swap3A = arith.constant 0 : index
    %swap3A_4877 = arith.constant 0 : index
    %swap3A_4878 = arith.constant 0 : index
    %swap3A_4879 = vector.load %arg4[%swap3A, %swap3A_4877, %swap3A_4878] : memref<1x16x256xi32, #tpu.memory_space<vmem>>, vector<1x16x256xi32>
    %swap3A_4880 = vector.shape_cast %swap3A_4879 : vector<1x16x256xi32> to vector<16x256xi32>
    %swap3A_4881 = vector.shape_cast %add3A_4876 : vector<16x256xi32> to vector<1x16x256xi32>
    tpu.vector_store %arg4[%swap3A, %swap3A_4877, %swap3A_4878], %swap3A_4881 {strides = array<i32>} : memref<1x16x256xi32, #tpu.memory_space<vmem>>, vector<1x16x256xi32>,
    return
  }
  func.func @transform_0(%arg0: i32, %arg1: i32) -> (i32, i32, i32) {
    %c0_i32 = arith.constant 0 : i32
    %c0_i32_0 = arith.constant 0 : i32
    %c0_i32_1 = arith.constant 0 : i32
    return %arg0, %c0_i32, %c0_i32_0 : i32, i32, i32
  }
  func.func @transform_1(%arg0: i32, %arg1: i32) -> (i32, i32, i32) {
    %c0_i32 = arith.constant 0 : i32
    %c0_i32_0 = arith.constant 0 : i32
    return %arg0, %c0_i32, %arg1 : i32, i32, i32
  }
  func.func @transform_2(%arg0: i32, %arg1: i32) -> (i32, i32, i32) {
    %c0_i32 = arith.constant 0 : i32
    %c0_i32_0 = arith.constant 0 : i32
    return %arg0, %c0_i32, %arg1 : i32, i32, i32
  }
}

module attributes {stable_mosaic.version = 14 : i64} {
  func.func @_proj_body(%arg0: i32, %arg1: i32, %arg2: memref<1x64x512xf32, #tpu.memory_space<vmem>>, %arg3: memref<1x512x3xf32, #tpu.memory_space<vmem>>, %arg4: memref<67x128xf32, #tpu.memory_space<vmem>>, %arg5: memref<1x512x128xf32, #tpu.memory_space<vmem>>) attributes {dimension_semantics = [#tpu.dimension_semantics<arbitrary>, #tpu.dimension_semantics<arbitrary>], iteration_bounds = array<i64: 4, 16>, scalar_prefetch = 0 : i64, scratch_operands = 0 : i64, tpu.core_type = #tpu.core_type<tc>, window_params = [{transform_indices = @transform_0, window_bounds = array<i64: 1, 64, 512>}, {transform_indices = @transform_1, window_bounds = array<i64: 1, 512, 3>}, {pipeline_mode = #tpu.pipeline_mode<synchronous>, transform_indices = @transform_2, window_bounds = array<i64: 67, 128>}, {transform_indices = @transform_3, window_bounds = array<i64: 1, 512, 128>}]} {
    %get3A = arith.constant 0 : index
    %get3A_0 = arith.constant 0 : index
    %get3A_1 = arith.constant 0 : index
    %get3A_2 = vector.load %arg2[%get3A, %get3A_0, %get3A_1] : memref<1x64x512xf32, #tpu.memory_space<vmem>>, vector<1x64x512xf32>
    %get3A_3 = vector.shape_cast %get3A_2 : vector<1x64x512xf32> to vector<64x512xf32>
    %transpose3A = tpu.transpose %get3A_3, [1, 0] : vector<64x512xf32> -> vector<512x64xf32>
    %get3A_4 = arith.constant 0 : index
    %get3A_5 = arith.constant 0 : index
    %get3A_6 = arith.constant 0 : index
    %get3A_7 = vector.load %arg3[%get3A_4, %get3A_5, %get3A_6] : memref<1x512x3xf32, #tpu.memory_space<vmem>>, vector<1x512x3xf32>
    %get3A_8 = vector.shape_cast %get3A_7 : vector<1x512x3xf32> to vector<512x3xf32>
    %concatenate3A = tpu.concatenate %transpose3A, %get3A_8 in 1 : vector<512x64xf32>, vector<512x3xf32> -> vector<512x67xf32>
    %get3A_9 = arith.constant 0 : index
    %get3A_10 = arith.constant 0 : index
    %get3A_11 = vector.load %arg4[%get3A_9, %get3A_10] : memref<67x128xf32, #tpu.memory_space<vmem>>, vector<67x128xf32>
    %dot_general3A = arith.constant dense<0.000000e+00> : vector<512x128xf32>
    %dot_general3A_12 = tpu.matmul %concatenate3A, %get3A_11, %dot_general3A {dimension_numbers = #tpu.dot_dimension_numbers<[1], [0], [0], [1], [0, 0, 1, 1], [], []>, transpose_lhs_hint = false} : vector<512x67xf32>, vector<67x128xf32>, vector<512x128xf32> -> vector<512x128xf32>
    %swap3A = arith.constant 0 : index
    %swap3A_13 = arith.constant 0 : index
    %swap3A_14 = arith.constant 0 : index
    %swap3A_15 = vector.load %arg5[%swap3A, %swap3A_13, %swap3A_14] : memref<1x512x128xf32, #tpu.memory_space<vmem>>, vector<1x512x128xf32>
    %swap3A_16 = vector.shape_cast %swap3A_15 : vector<1x512x128xf32> to vector<512x128xf32>
    %swap3A_17 = vector.shape_cast %dot_general3A_12 : vector<512x128xf32> to vector<1x512x128xf32>
    tpu.vector_store %arg5[%swap3A, %swap3A_13, %swap3A_14], %swap3A_17 {strides = array<i32>} : memref<1x512x128xf32, #tpu.memory_space<vmem>>, vector<1x512x128xf32>,
    return
  }
  func.func @transform_0(%arg0: i32, %arg1: i32) -> (i32, i32, i32) {
    %c0_i32 = arith.constant 0 : i32
    %c0_i32_0 = arith.constant 0 : i32
    return %arg0, %c0_i32, %arg1 : i32, i32, i32
  }
  func.func @transform_1(%arg0: i32, %arg1: i32) -> (i32, i32, i32) {
    %c0_i32 = arith.constant 0 : i32
    %c0_i32_0 = arith.constant 0 : i32
    return %arg0, %arg1, %c0_i32 : i32, i32, i32
  }
  func.func @transform_2(%arg0: i32, %arg1: i32) -> (i32, i32) {
    %c0_i32 = arith.constant 0 : i32
    %c0_i32_0 = arith.constant 0 : i32
    %c0_i32_1 = arith.constant 0 : i32
    return %c0_i32, %c0_i32_0 : i32, i32
  }
  func.func @transform_3(%arg0: i32, %arg1: i32) -> (i32, i32, i32) {
    %c0_i32 = arith.constant 0 : i32
    %c0_i32_0 = arith.constant 0 : i32
    return %arg0, %arg1, %c0_i32 : i32, i32, i32
  }
}

module attributes {stable_mosaic.version = 14 : i64} {
  func.func @_proj_body(%arg0: i32, %arg1: i32, %arg2: memref<1x64x512xf32, #tpu.memory_space<vmem>>, %arg3: memref<1x512x3xf32, #tpu.memory_space<vmem>>, %arg4: memref<67x128xf32, #tpu.memory_space<vmem>>, %arg5: memref<1x512x128xf32, #tpu.memory_space<vmem>>) attributes {dimension_semantics = [#tpu.dimension_semantics<arbitrary>, #tpu.dimension_semantics<arbitrary>], iteration_bounds = array<i64: 4, 4>, scalar_prefetch = 0 : i64, scratch_operands = 0 : i64, tpu.core_type = #tpu.core_type<tc>, window_params = [{transform_indices = @transform_0, window_bounds = array<i64: 1, 64, 512>}, {transform_indices = @transform_1, window_bounds = array<i64: 1, 512, 3>}, {pipeline_mode = #tpu.pipeline_mode<synchronous>, transform_indices = @transform_2, window_bounds = array<i64: 67, 128>}, {transform_indices = @transform_3, window_bounds = array<i64: 1, 512, 128>}]} {
    %get3A = arith.constant 0 : index
    %get3A_0 = arith.constant 0 : index
    %get3A_1 = arith.constant 0 : index
    %get3A_2 = vector.load %arg2[%get3A, %get3A_0, %get3A_1] : memref<1x64x512xf32, #tpu.memory_space<vmem>>, vector<1x64x512xf32>
    %get3A_3 = vector.shape_cast %get3A_2 : vector<1x64x512xf32> to vector<64x512xf32>
    %transpose3A = tpu.transpose %get3A_3, [1, 0] : vector<64x512xf32> -> vector<512x64xf32>
    %get3A_4 = arith.constant 0 : index
    %get3A_5 = arith.constant 0 : index
    %get3A_6 = arith.constant 0 : index
    %get3A_7 = vector.load %arg3[%get3A_4, %get3A_5, %get3A_6] : memref<1x512x3xf32, #tpu.memory_space<vmem>>, vector<1x512x3xf32>
    %get3A_8 = vector.shape_cast %get3A_7 : vector<1x512x3xf32> to vector<512x3xf32>
    %concatenate3A = tpu.concatenate %transpose3A, %get3A_8 in 1 : vector<512x64xf32>, vector<512x3xf32> -> vector<512x67xf32>
    %get3A_9 = arith.constant 0 : index
    %get3A_10 = arith.constant 0 : index
    %get3A_11 = vector.load %arg4[%get3A_9, %get3A_10] : memref<67x128xf32, #tpu.memory_space<vmem>>, vector<67x128xf32>
    %dot_general3A = arith.constant dense<0.000000e+00> : vector<512x128xf32>
    %dot_general3A_12 = tpu.matmul %concatenate3A, %get3A_11, %dot_general3A {dimension_numbers = #tpu.dot_dimension_numbers<[1], [0], [0], [1], [0, 0, 1, 1], [], []>, transpose_lhs_hint = false} : vector<512x67xf32>, vector<67x128xf32>, vector<512x128xf32> -> vector<512x128xf32>
    %swap3A = arith.constant 0 : index
    %swap3A_13 = arith.constant 0 : index
    %swap3A_14 = arith.constant 0 : index
    %swap3A_15 = vector.load %arg5[%swap3A, %swap3A_13, %swap3A_14] : memref<1x512x128xf32, #tpu.memory_space<vmem>>, vector<1x512x128xf32>
    %swap3A_16 = vector.shape_cast %swap3A_15 : vector<1x512x128xf32> to vector<512x128xf32>
    %swap3A_17 = vector.shape_cast %dot_general3A_12 : vector<512x128xf32> to vector<1x512x128xf32>
    tpu.vector_store %arg5[%swap3A, %swap3A_13, %swap3A_14], %swap3A_17 {strides = array<i32>} : memref<1x512x128xf32, #tpu.memory_space<vmem>>, vector<1x512x128xf32>,
    return
  }
  func.func @transform_0(%arg0: i32, %arg1: i32) -> (i32, i32, i32) {
    %c0_i32 = arith.constant 0 : i32
    %c0_i32_0 = arith.constant 0 : i32
    return %arg0, %c0_i32, %arg1 : i32, i32, i32
  }
  func.func @transform_1(%arg0: i32, %arg1: i32) -> (i32, i32, i32) {
    %c0_i32 = arith.constant 0 : i32
    %c0_i32_0 = arith.constant 0 : i32
    return %arg0, %arg1, %c0_i32 : i32, i32, i32
  }
  func.func @transform_2(%arg0: i32, %arg1: i32) -> (i32, i32) {
    %c0_i32 = arith.constant 0 : i32
    %c0_i32_0 = arith.constant 0 : i32
    %c0_i32_1 = arith.constant 0 : i32
    return %c0_i32, %c0_i32_0 : i32, i32
  }
  func.func @transform_3(%arg0: i32, %arg1: i32) -> (i32, i32, i32) {
    %c0_i32 = arith.constant 0 : i32
    %c0_i32_0 = arith.constant 0 : i32
    return %arg0, %arg1, %c0_i32 : i32, i32, i32
  }
}

module attributes {stable_mosaic.version = 14 : i64} {
  func.func @_lambda_(%arg0: i32, %arg1: i32, %arg2: memref<1x16x256x128xf32, #tpu.memory_space<vmem>>, %arg3: memref<1x256x128xf32, #tpu.memory_space<vmem>>, %arg4: memref<1x128xf32, #tpu.memory_space<vmem>>, %arg5: memref<1x128xf32, #tpu.memory_space<vmem>>) attributes {dimension_semantics = [#tpu.dimension_semantics<arbitrary>, #tpu.dimension_semantics<arbitrary>], iteration_bounds = array<i64: 4, 8>, scalar_prefetch = 0 : i64, scratch_operands = 0 : i64, tpu.core_type = #tpu.core_type<tc>, window_params = [{transform_indices = @transform_0, window_bounds = array<i64: 1, 16, 256, 128>}, {transform_indices = @transform_1, window_bounds = array<i64: 1, 256, 128>}, {pipeline_mode = #tpu.pipeline_mode<synchronous>, transform_indices = @transform_2, window_bounds = array<i64: 1, 128>}, {pipeline_mode = #tpu.pipeline_mode<synchronous>, transform_indices = @transform_3, window_bounds = array<i64: 1, 128>}]} {
    %eq3A = arith.constant 0 : i32
    %eq3A_0 = arith.cmpi eq, %arg0, %eq3A : i32
    %eq3A_1 = arith.constant 0 : i32
    %eq3A_2 = arith.cmpi eq, %arg1, %eq3A_1 : i32
    %and3A = arith.andi %eq3A_0, %eq3A_2 : i1
    %get3A = arith.constant 0 : index
    %get3A_3 = arith.constant 0 : index
    %get3A_4 = arith.constant 0 : index
    %get3A_5 = arith.constant 0 : index
    %get3A_6 = vector.load %arg2[%get3A, %get3A_3, %get3A_4, %get3A_5] : memref<1x16x256x128xf32, #tpu.memory_space<vmem>>, vector<1x16x256x128xf32>
    %get3A_7 = vector.shape_cast %get3A_6 : vector<1x16x256x128xf32> to vector<16x256x128xf32>
    %get3A_8 = arith.constant 0 : index
    %get3A_9 = arith.constant 0 : index
    %get3A_10 = arith.constant 0 : index
    %get3A_11 = vector.load %arg3[%get3A_8, %get3A_9, %get3A_10] : memref<1x256x128xf32, #tpu.memory_space<vmem>>, vector<1x256x128xf32>
    %get3A_12 = vector.shape_cast %get3A_11 : vector<1x256x128xf32> to vector<256x128xf32>
    %broadcast_in_dim3A = vector.shape_cast %get3A_12 : vector<256x128xf32> to vector<1x256x128xf32>
    %add3A = vector.broadcast %broadcast_in_dim3A : vector<1x256x128xf32> to vector<16x256x128xf32>
    %add3A_13 = arith.addf %get3A_7, %add3A : vector<16x256x128xf32>
    %convert_element_type3A = arith.extui %and3A : i1 to i32
    %cond3A = arith.constant 0 : i32
    %cond3A_14 = arith.cmpi ne, %convert_element_type3A, %cond3A : i32
    scf.if %cond3A_14 {
      %broadcast_in_dim3A_32 = arith.constant 0.000000e+00 : f32
      %broadcast_in_dim3A_33 = vector.broadcast %broadcast_in_dim3A_32 : f32 to vector<1x128xf32>
      %swap3A_34 = arith.constant 0 : index
      %swap3A_35 = arith.constant 0 : index
      %swap3A_36 = vector.load %arg4[%swap3A_34, %swap3A_35] : memref<1x128xf32, #tpu.memory_space<vmem>>, vector<1x128xf32>
      tpu.vector_store %arg4[%swap3A_34, %swap3A_35], %broadcast_in_dim3A_33 {strides = array<i32>} : memref<1x128xf32, #tpu.memory_space<vmem>>, vector<1x128xf32>,
      %broadcast_in_dim3A_37 = arith.constant 0.000000e+00 : f32
      %broadcast_in_dim3A_38 = vector.broadcast %broadcast_in_dim3A_37 : f32 to vector<1x128xf32>
      %swap3A_39 = arith.constant 0 : index
      %swap3A_40 = arith.constant 0 : index
      %swap3A_41 = vector.load %arg5[%swap3A_39, %swap3A_40] : memref<1x128xf32, #tpu.memory_space<vmem>>, vector<1x128xf32>
      tpu.vector_store %arg5[%swap3A_39, %swap3A_40], %broadcast_in_dim3A_38 {strides = array<i32>} : memref<1x128xf32, #tpu.memory_space<vmem>>, vector<1x128xf32>,
    } else {
    }
    %get3A_15 = arith.constant 0 : index
    %get3A_16 = arith.constant 0 : index
    %get3A_17 = vector.load %arg4[%get3A_15, %get3A_16] : memref<1x128xf32, #tpu.memory_space<vmem>>, vector<1x128xf32>
    %reduce_sum3A = arith.constant dense<0.000000e+00> : vector<128xf32>
    %reduce_sum3A_18 = vector.multi_reduction <add>, %add3A_13, %reduce_sum3A [0, 1] : vector<16x256x128xf32> to vector<128xf32>
    %reshape3A = vector.shape_cast %reduce_sum3A_18 : vector<128xf32> to vector<1x128xf32>
    %add3A_19 = arith.addf %get3A_17, %reshape3A : vector<1x128xf32>
    %swap3A = arith.constant 0 : index
    %swap3A_20 = arith.constant 0 : index
    %swap3A_21 = vector.load %arg4[%swap3A, %swap3A_20] : memref<1x128xf32, #tpu.memory_space<vmem>>, vector<1x128xf32>
    tpu.vector_store %arg4[%swap3A, %swap3A_20], %add3A_19 {strides = array<i32>} : memref<1x128xf32, #tpu.memory_space<vmem>>, vector<1x128xf32>,
    %get3A_22 = arith.constant 0 : index
    %get3A_23 = arith.constant 0 : index
    %get3A_24 = vector.load %arg5[%get3A_22, %get3A_23] : memref<1x128xf32, #tpu.memory_space<vmem>>, vector<1x128xf32>
    %mul3A = arith.mulf %add3A_13, %add3A_13 : vector<16x256x128xf32>
    %reduce_sum3A_25 = arith.constant dense<0.000000e+00> : vector<128xf32>
    %reduce_sum3A_26 = vector.multi_reduction <add>, %mul3A, %reduce_sum3A_25 [0, 1] : vector<16x256x128xf32> to vector<128xf32>
    %reshape3A_27 = vector.shape_cast %reduce_sum3A_26 : vector<128xf32> to vector<1x128xf32>
    %add3A_28 = arith.addf %get3A_24, %reshape3A_27 : vector<1x128xf32>
    %swap3A_29 = arith.constant 0 : index
    %swap3A_30 = arith.constant 0 : index
    %swap3A_31 = vector.load %arg5[%swap3A_29, %swap3A_30] : memref<1x128xf32, #tpu.memory_space<vmem>>, vector<1x128xf32>
    tpu.vector_store %arg5[%swap3A_29, %swap3A_30], %add3A_28 {strides = array<i32>} : memref<1x128xf32, #tpu.memory_space<vmem>>, vector<1x128xf32>,
    return
  }
  func.func @transform_0(%arg0: i32, %arg1: i32) -> (i32, i32, i32, i32) {
    %c0_i32 = arith.constant 0 : i32
    %c0_i32_0 = arith.constant 0 : i32
    %c0_i32_1 = arith.constant 0 : i32
    return %arg0, %c0_i32, %arg1, %c0_i32_0 : i32, i32, i32, i32
  }
  func.func @transform_1(%arg0: i32, %arg1: i32) -> (i32, i32, i32) {
    %c0_i32 = arith.constant 0 : i32
    %c0_i32_0 = arith.constant 0 : i32
    return %arg0, %arg1, %c0_i32 : i32, i32, i32
  }
  func.func @transform_2(%arg0: i32, %arg1: i32) -> (i32, i32) {
    %c0_i32 = arith.constant 0 : i32
    %c0_i32_0 = arith.constant 0 : i32
    %c0_i32_1 = arith.constant 0 : i32
    return %c0_i32, %c0_i32_0 : i32, i32
  }
  func.func @transform_3(%arg0: i32, %arg1: i32) -> (i32, i32) {
    %c0_i32 = arith.constant 0 : i32
    %c0_i32_0 = arith.constant 0 : i32
    %c0_i32_1 = arith.constant 0 : i32
    return %c0_i32, %c0_i32_0 : i32, i32
  }
}

module attributes {stable_mosaic.version = 14 : i64} {
  func.func @_lambda_(%arg0: i32, %arg1: i32, %arg2: memref<1x16x256x128xf32, #tpu.memory_space<vmem>>, %arg3: memref<1x256x128xf32, #tpu.memory_space<vmem>>, %arg4: memref<1x128xf32, #tpu.memory_space<vmem>>, %arg5: memref<1x128xf32, #tpu.memory_space<vmem>>, %arg6: memref<1x128xf32, #tpu.memory_space<vmem>>, %arg7: memref<1x128xf32, #tpu.memory_space<vmem>>, %arg8: memref<128x128xf32, #tpu.memory_space<vmem>>, %arg9: memref<256x128xf32, #tpu.memory_space<vmem>>, %arg10: memref<256x128xf32, #tpu.memory_space<vmem>>, %arg11: memref<1x128xf32, #tpu.memory_space<vmem>>, %arg12: memref<1x128xf32, #tpu.memory_space<vmem>>) attributes {dimension_semantics = [#tpu.dimension_semantics<arbitrary>, #tpu.dimension_semantics<arbitrary>], iteration_bounds = array<i64: 4, 8>, scalar_prefetch = 0 : i64, scratch_operands = 0 : i64, tpu.core_type = #tpu.core_type<tc>, window_params = [{transform_indices = @transform_0, window_bounds = array<i64: 1, 16, 256, 128>}, {transform_indices = @transform_1, window_bounds = array<i64: 1, 256, 128>}, {pipeline_mode = #tpu.pipeline_mode<synchronous>, transform_indices = @transform_2, window_bounds = array<i64: 1, 128>}, {pipeline_mode = #tpu.pipeline_mode<synchronous>, transform_indices = @transform_3, window_bounds = array<i64: 1, 128>}, {pipeline_mode = #tpu.pipeline_mode<synchronous>, transform_indices = @transform_4, window_bounds = array<i64: 1, 128>}, {pipeline_mode = #tpu.pipeline_mode<synchronous>, transform_indices = @transform_5, window_bounds = array<i64: 1, 128>}, {pipeline_mode = #tpu.pipeline_mode<synchronous>, transform_indices = @transform_6, window_bounds = array<i64: 128, 128>}, {transform_indices = @transform_7, window_bounds = array<i64: 256, 128>}, {transform_indices = @transform_8, window_bounds = array<i64: 256, 128>}, {pipeline_mode = #tpu.pipeline_mode<synchronous>, transform_indices = @transform_9, window_bounds = array<i64: 1, 128>}, {pipeline_mode = #tpu.pipeline_mode<synchronous>, transform_indices = @transform_10, window_bounds = array<i64: 1, 128>}]} {
    %eq3A = arith.constant 0 : i32
    %eq3A_0 = arith.cmpi eq, %arg0, %eq3A : i32
    %eq3A_1 = arith.constant 0 : i32
    %eq3A_2 = arith.cmpi eq, %arg1, %eq3A_1 : i32
    %and3A = arith.andi %eq3A_0, %eq3A_2 : i1
    %get3A = arith.constant 0 : index
    %get3A_3 = arith.constant 0 : index
    %get3A_4 = vector.load %arg4[%get3A, %get3A_3] : memref<1x128xf32, #tpu.memory_space<vmem>>, vector<1x128xf32>
    %div3A = arith.constant 1.310720e+05 : f32
    %div3A_5 = vector.broadcast %div3A : f32 to vector<1x128xf32>
    %div3A_6 = arith.divf %get3A_4, %div3A_5 : vector<1x128xf32>
    %get3A_7 = arith.constant 0 : index
    %get3A_8 = arith.constant 0 : index
    %get3A_9 = vector.load %arg5[%get3A_7, %get3A_8] : memref<1x128xf32, #tpu.memory_space<vmem>>, vector<1x128xf32>
    %div3A_10 = arith.constant 1.310720e+05 : f32
    %div3A_11 = vector.broadcast %div3A_10 : f32 to vector<1x128xf32>
    %div3A_12 = arith.divf %get3A_9, %div3A_11 : vector<1x128xf32>
    %mul3A = arith.mulf %div3A_6, %div3A_6 : vector<1x128xf32>
    %sub3A = arith.subf %div3A_12, %mul3A : vector<1x128xf32>
    %get3A_13 = arith.constant 0 : index
    %get3A_14 = arith.constant 0 : index
    %get3A_15 = vector.load %arg6[%get3A_13, %get3A_14] : memref<1x128xf32, #tpu.memory_space<vmem>>, vector<1x128xf32>
    %add3A = arith.constant 9.99999974E-6 : f32
    %add3A_16 = vector.broadcast %add3A : f32 to vector<1x128xf32>
    %add3A_17 = arith.addf %sub3A, %add3A_16 : vector<1x128xf32>
    %rsqrt3A = math.rsqrt %add3A_17 : vector<1x128xf32>
    %mul3A_18 = arith.mulf %get3A_15, %rsqrt3A : vector<1x128xf32>
    %get3A_19 = arith.constant 0 : index
    %get3A_20 = arith.constant 0 : index
    %get3A_21 = vector.load %arg7[%get3A_19, %get3A_20] : memref<1x128xf32, #tpu.memory_space<vmem>>, vector<1x128xf32>
    %mul3A_22 = arith.mulf %div3A_6, %mul3A_18 : vector<1x128xf32>
    %sub3A_23 = arith.subf %get3A_21, %mul3A_22 : vector<1x128xf32>
    %get3A_24 = arith.constant 0 : index
    %get3A_25 = arith.constant 0 : index
    %get3A_26 = arith.constant 0 : index
    %get3A_27 = arith.constant 0 : index
    %get3A_28 = vector.load %arg2[%get3A_24, %get3A_25, %get3A_26, %get3A_27] : memref<1x16x256x128xf32, #tpu.memory_space<vmem>>, vector<1x16x256x128xf32>
    %get3A_29 = vector.shape_cast %get3A_28 : vector<1x16x256x128xf32> to vector<16x256x128xf32>
    %get3A_30 = arith.constant 0 : index
    %get3A_31 = arith.constant 0 : index
    %get3A_32 = arith.constant 0 : index
    %get3A_33 = vector.load %arg3[%get3A_30, %get3A_31, %get3A_32] : memref<1x256x128xf32, #tpu.memory_space<vmem>>, vector<1x256x128xf32>
    %get3A_34 = vector.shape_cast %get3A_33 : vector<1x256x128xf32> to vector<256x128xf32>
    %broadcast_in_dim3A = vector.shape_cast %get3A_34 : vector<256x128xf32> to vector<1x256x128xf32>
    %add3A_35 = vector.broadcast %broadcast_in_dim3A : vector<1x256x128xf32> to vector<16x256x128xf32>
    %add3A_36 = arith.addf %get3A_29, %add3A_35 : vector<16x256x128xf32>
    %reshape3A = vector.shape_cast %add3A_36 : vector<16x256x128xf32> to vector<4096x128xf32>
    %mul3A_37 = vector.broadcast %mul3A_18 : vector<1x128xf32> to vector<4096x128xf32>
    %mul3A_38 = arith.mulf %reshape3A, %mul3A_37 : vector<4096x128xf32>
    %add3A_39 = vector.broadcast %sub3A_23 : vector<1x128xf32> to vector<4096x128xf32>
    %add3A_40 = arith.addf %mul3A_38, %add3A_39 : vector<4096x128xf32>
    %max3A = arith.constant 0.000000e+00 : f32
    %max3A_41 = vector.broadcast %max3A : f32 to vector<4096x128xf32>
    %max3A_42 = arith.maximumf %add3A_40, %max3A_41 : vector<4096x128xf32>
    %get3A_43 = arith.constant 0 : index
    %get3A_44 = arith.constant 0 : index
    %get3A_45 = vector.load %arg8[%get3A_43, %get3A_44] : memref<128x128xf32, #tpu.memory_space<vmem>>, vector<128x128xf32>
    %transpose3A = tpu.transpose %get3A_45, [1, 0] : vector<128x128xf32> -> vector<128x128xf32>
    %dot_general3A = arith.constant dense<0.000000e+00> : vector<4096x128xf32>
    %dot_general3A_46 = tpu.matmul %max3A_42, %transpose3A, %dot_general3A {dimension_numbers = #tpu.dot_dimension_numbers<[1], [0], [0], [1], [0, 0, 1, 1], [], []>, transpose_lhs_hint = false} : vector<4096x128xf32>, vector<128x128xf32>, vector<4096x128xf32> -> vector<4096x128xf32>
    %convert_element_type3A = arith.extui %and3A : i1 to i32
    %cond3A = arith.constant 0 : i32
    %cond3A_47 = arith.cmpi ne, %convert_element_type3A, %cond3A : i32
    scf.if %cond3A_47 {
      %broadcast_in_dim3A_76 = arith.constant 0.000000e+00 : f32
      %broadcast_in_dim3A_77 = vector.broadcast %broadcast_in_dim3A_76 : f32 to vector<1x128xf32>
      %swap3A_78 = arith.constant 0 : index
      %swap3A_79 = arith.constant 0 : index
      %swap3A_80 = vector.load %arg11[%swap3A_78, %swap3A_79] : memref<1x128xf32, #tpu.memory_space<vmem>>, vector<1x128xf32>
      tpu.vector_store %arg11[%swap3A_78, %swap3A_79], %broadcast_in_dim3A_77 {strides = array<i32>} : memref<1x128xf32, #tpu.memory_space<vmem>>, vector<1x128xf32>,
      %broadcast_in_dim3A_81 = arith.constant 0.000000e+00 : f32
      %broadcast_in_dim3A_82 = vector.broadcast %broadcast_in_dim3A_81 : f32 to vector<1x128xf32>
      %swap3A_83 = arith.constant 0 : index
      %swap3A_84 = arith.constant 0 : index
      %swap3A_85 = vector.load %arg12[%swap3A_83, %swap3A_84] : memref<1x128xf32, #tpu.memory_space<vmem>>, vector<1x128xf32>
      tpu.vector_store %arg12[%swap3A_83, %swap3A_84], %broadcast_in_dim3A_82 {strides = array<i32>} : memref<1x128xf32, #tpu.memory_space<vmem>>, vector<1x128xf32>,
    } else {
    }
    %get3A_48 = arith.constant 0 : index
    %get3A_49 = arith.constant 0 : index
    %get3A_50 = vector.load %arg11[%get3A_48, %get3A_49] : memref<1x128xf32, #tpu.memory_space<vmem>>, vector<1x128xf32>
    %reduce_sum3A = arith.constant dense<0.000000e+00> : vector<128xf32>
    %reduce_sum3A_51 = vector.multi_reduction <add>, %dot_general3A_46, %reduce_sum3A [0] : vector<4096x128xf32> to vector<128xf32>
    %broadcast_in_dim3A_52 = vector.shape_cast %reduce_sum3A_51 : vector<128xf32> to vector<1x128xf32>
    %add3A_53 = arith.addf %get3A_50, %broadcast_in_dim3A_52 : vector<1x128xf32>
    %swap3A = arith.constant 0 : index
    %swap3A_54 = arith.constant 0 : index
    %swap3A_55 = vector.load %arg11[%swap3A, %swap3A_54] : memref<1x128xf32, #tpu.memory_space<vmem>>, vector<1x128xf32>
    tpu.vector_store %arg11[%swap3A, %swap3A_54], %add3A_53 {strides = array<i32>} : memref<1x128xf32, #tpu.memory_space<vmem>>, vector<1x128xf32>,
    %get3A_56 = arith.constant 0 : index
    %get3A_57 = arith.constant 0 : index
    %get3A_58 = vector.load %arg12[%get3A_56, %get3A_57] : memref<1x128xf32, #tpu.memory_space<vmem>>, vector<1x128xf32>
    %mul3A_59 = arith.mulf %dot_general3A_46, %dot_general3A_46 : vector<4096x128xf32>
    %reduce_sum3A_60 = arith.constant dense<0.000000e+00> : vector<128xf32>
    %reduce_sum3A_61 = vector.multi_reduction <add>, %mul3A_59, %reduce_sum3A_60 [0] : vector<4096x128xf32> to vector<128xf32>
    %broadcast_in_dim3A_62 = vector.shape_cast %reduce_sum3A_61 : vector<128xf32> to vector<1x128xf32>
    %add3A_63 = arith.addf %get3A_58, %broadcast_in_dim3A_62 : vector<1x128xf32>
    %swap3A_64 = arith.constant 0 : index
    %swap3A_65 = arith.constant 0 : index
    %swap3A_66 = vector.load %arg12[%swap3A_64, %swap3A_65] : memref<1x128xf32, #tpu.memory_space<vmem>>, vector<1x128xf32>
    tpu.vector_store %arg12[%swap3A_64, %swap3A_65], %add3A_63 {strides = array<i32>} : memref<1x128xf32, #tpu.memory_space<vmem>>, vector<1x128xf32>,
    %reshape3A_67 = vector.shape_cast %dot_general3A_46 : vector<4096x128xf32> to vector<16x256x128xf32>
    %reduce_max3A = arith.constant dense<0xFF800000> : vector<256x128xf32>
    %reduce_max3A_68 = vector.multi_reduction <maximumf>, %reshape3A_67, %reduce_max3A [0] : vector<16x256x128xf32> to vector<256x128xf32>
    %swap3A_69 = arith.constant 0 : index
    %swap3A_70 = arith.constant 0 : index
    %swap3A_71 = vector.load %arg9[%swap3A_69, %swap3A_70] : memref<256x128xf32, #tpu.memory_space<vmem>>, vector<256x128xf32>
    tpu.vector_store %arg9[%swap3A_69, %swap3A_70], %reduce_max3A_68 {strides = array<i32>} : memref<256x128xf32, #tpu.memory_space<vmem>>, vector<256x128xf32>,
    %reduce_min3A = arith.constant dense<0x7F800000> : vector<256x128xf32>
    %reduce_min3A_72 = vector.multi_reduction <minimumf>, %reshape3A_67, %reduce_min3A [0] : vector<16x256x128xf32> to vector<256x128xf32>
    %swap3A_73 = arith.constant 0 : index
    %swap3A_74 = arith.constant 0 : index
    %swap3A_75 = vector.load %arg10[%swap3A_73, %swap3A_74] : memref<256x128xf32, #tpu.memory_space<vmem>>, vector<256x128xf32>
    tpu.vector_store %arg10[%swap3A_73, %swap3A_74], %reduce_min3A_72 {strides = array<i32>} : memref<256x128xf32, #tpu.memory_space<vmem>>, vector<256x128xf32>,
    return
  }
  func.func @transform_0(%arg0: i32, %arg1: i32) -> (i32, i32, i32, i32) {
    %c0_i32 = arith.constant 0 : i32
    %c0_i32_0 = arith.constant 0 : i32
    %c0_i32_1 = arith.constant 0 : i32
    return %arg0, %c0_i32, %arg1, %c0_i32_0 : i32, i32, i32, i32
  }
  func.func @transform_1(%arg0: i32, %arg1: i32) -> (i32, i32, i32) {
    %c0_i32 = arith.constant 0 : i32
    %c0_i32_0 = arith.constant 0 : i32
    return %arg0, %arg1, %c0_i32 : i32, i32, i32
  }
  func.func @transform_2(%arg0: i32, %arg1: i32) -> (i32, i32) {
    %c0_i32 = arith.constant 0 : i32
    %c0_i32_0 = arith.constant 0 : i32
    %c0_i32_1 = arith.constant 0 : i32
    return %c0_i32, %c0_i32_0 : i32, i32
  }
  func.func @transform_3(%arg0: i32, %arg1: i32) -> (i32, i32) {
    %c0_i32 = arith.constant 0 : i32
    %c0_i32_0 = arith.constant 0 : i32
    %c0_i32_1 = arith.constant 0 : i32
    return %c0_i32, %c0_i32_0 : i32, i32
  }
  func.func @transform_4(%arg0: i32, %arg1: i32) -> (i32, i32) {
    %c0_i32 = arith.constant 0 : i32
    %c0_i32_0 = arith.constant 0 : i32
    %c0_i32_1 = arith.constant 0 : i32
    return %c0_i32, %c0_i32_0 : i32, i32
  }
  func.func @transform_5(%arg0: i32, %arg1: i32) -> (i32, i32) {
    %c0_i32 = arith.constant 0 : i32
    %c0_i32_0 = arith.constant 0 : i32
    %c0_i32_1 = arith.constant 0 : i32
    return %c0_i32, %c0_i32_0 : i32, i32
  }
  func.func @transform_6(%arg0: i32, %arg1: i32) -> (i32, i32) {
    %c0_i32 = arith.constant 0 : i32
    %c0_i32_0 = arith.constant 0 : i32
    %c0_i32_1 = arith.constant 0 : i32
    return %c0_i32, %c0_i32_0 : i32, i32
  }
  func.func @transform_7(%arg0: i32, %arg1: i32) -> (i32, i32) {
    %mul3A = arith.constant 8 : i32
    %mul3A_0 = arith.muli %arg0, %mul3A : i32
    %add3A = arith.addi %mul3A_0, %arg1 : i32
    %c0_i32 = arith.constant 0 : i32
    %c0_i32_1 = arith.constant 0 : i32
    return %add3A, %c0_i32 : i32, i32
  }
  func.func @transform_8(%arg0: i32, %arg1: i32) -> (i32, i32) {
    %mul3A = arith.constant 8 : i32
    %mul3A_0 = arith.muli %arg0, %mul3A : i32
    %add3A = arith.addi %mul3A_0, %arg1 : i32
    %c0_i32 = arith.constant 0 : i32
    %c0_i32_1 = arith.constant 0 : i32
    return %add3A, %c0_i32 : i32, i32
  }
  func.func @transform_9(%arg0: i32, %arg1: i32) -> (i32, i32) {
    %c0_i32 = arith.constant 0 : i32
    %c0_i32_0 = arith.constant 0 : i32
    %c0_i32_1 = arith.constant 0 : i32
    return %c0_i32, %c0_i32_0 : i32, i32
  }
  func.func @transform_10(%arg0: i32, %arg1: i32) -> (i32, i32) {
    %c0_i32 = arith.constant 0 : i32
    %c0_i32_0 = arith.constant 0 : i32
    %c0_i32_1 = arith.constant 0 : i32
    return %c0_i32, %c0_i32_0 : i32, i32
  }
}

module attributes {stable_mosaic.version = 14 : i64} {
  func.func @_lambda_(%arg0: i32, %arg1: i32, %arg2: memref<1x512x128xf32, #tpu.memory_space<vmem>>, %arg3: memref<1x512x128xf32, #tpu.memory_space<vmem>>, %arg4: memref<1x128xf32, #tpu.memory_space<vmem>>, %arg5: memref<1x128xf32, #tpu.memory_space<vmem>>, %arg6: memref<1x128xf32, #tpu.memory_space<vmem>>, %arg7: memref<1x128xf32, #tpu.memory_space<vmem>>, %arg8: memref<1x128x512xf32, #tpu.memory_space<vmem>>) attributes {dimension_semantics = [#tpu.dimension_semantics<arbitrary>, #tpu.dimension_semantics<arbitrary>], iteration_bounds = array<i64: 4, 4>, scalar_prefetch = 0 : i64, scratch_operands = 0 : i64, tpu.core_type = #tpu.core_type<tc>, window_params = [{transform_indices = @transform_0, window_bounds = array<i64: 1, 512, 128>}, {transform_indices = @transform_1, window_bounds = array<i64: 1, 512, 128>}, {pipeline_mode = #tpu.pipeline_mode<synchronous>, transform_indices = @transform_2, window_bounds = array<i64: 1, 128>}, {pipeline_mode = #tpu.pipeline_mode<synchronous>, transform_indices = @transform_3, window_bounds = array<i64: 1, 128>}, {pipeline_mode = #tpu.pipeline_mode<synchronous>, transform_indices = @transform_4, window_bounds = array<i64: 1, 128>}, {pipeline_mode = #tpu.pipeline_mode<synchronous>, transform_indices = @transform_5, window_bounds = array<i64: 1, 128>}, {transform_indices = @transform_6, window_bounds = array<i64: 1, 128, 512>}]} {
    %get3A = arith.constant 0 : index
    %get3A_0 = arith.constant 0 : index
    %get3A_1 = vector.load %arg4[%get3A, %get3A_0] : memref<1x128xf32, #tpu.memory_space<vmem>>, vector<1x128xf32>
    %div3A = arith.constant 1.310720e+05 : f32
    %div3A_2 = vector.broadcast %div3A : f32 to vector<1x128xf32>
    %div3A_3 = arith.divf %get3A_1, %div3A_2 : vector<1x128xf32>
    %get3A_4 = arith.constant 0 : index
    %get3A_5 = arith.constant 0 : index
    %get3A_6 = vector.load %arg5[%get3A_4, %get3A_5] : memref<1x128xf32, #tpu.memory_space<vmem>>, vector<1x128xf32>
    %div3A_7 = arith.constant 1.310720e+05 : f32
    %div3A_8 = vector.broadcast %div3A_7 : f32 to vector<1x128xf32>
    %div3A_9 = arith.divf %get3A_6, %div3A_8 : vector<1x128xf32>
    %mul3A = arith.mulf %div3A_3, %div3A_3 : vector<1x128xf32>
    %sub3A = arith.subf %div3A_9, %mul3A : vector<1x128xf32>
    %get3A_10 = arith.constant 0 : index
    %get3A_11 = arith.constant 0 : index
    %get3A_12 = vector.load %arg6[%get3A_10, %get3A_11] : memref<1x128xf32, #tpu.memory_space<vmem>>, vector<1x128xf32>
    %add3A = arith.constant 9.99999974E-6 : f32
    %add3A_13 = vector.broadcast %add3A : f32 to vector<1x128xf32>
    %add3A_14 = arith.addf %sub3A, %add3A_13 : vector<1x128xf32>
    %rsqrt3A = math.rsqrt %add3A_14 : vector<1x128xf32>
    %mul3A_15 = arith.mulf %get3A_12, %rsqrt3A : vector<1x128xf32>
    %get3A_16 = arith.constant 0 : index
    %get3A_17 = arith.constant 0 : index
    %get3A_18 = vector.load %arg7[%get3A_16, %get3A_17] : memref<1x128xf32, #tpu.memory_space<vmem>>, vector<1x128xf32>
    %mul3A_19 = arith.mulf %div3A_3, %mul3A_15 : vector<1x128xf32>
    %sub3A_20 = arith.subf %get3A_18, %mul3A_19 : vector<1x128xf32>
    %get3A_21 = arith.constant 0 : index
    %get3A_22 = arith.constant 0 : index
    %get3A_23 = arith.constant 0 : index
    %get3A_24 = vector.load %arg2[%get3A_21, %get3A_22, %get3A_23] : memref<1x512x128xf32, #tpu.memory_space<vmem>>, vector<1x512x128xf32>
    %get3A_25 = vector.shape_cast %get3A_24 : vector<1x512x128xf32> to vector<512x128xf32>
    %mul3A_26 = vector.broadcast %mul3A_15 : vector<1x128xf32> to vector<512x128xf32>
    %mul3A_27 = arith.mulf %get3A_25, %mul3A_26 : vector<512x128xf32>
    %get3A_28 = arith.constant 0 : index
    %get3A_29 = arith.constant 0 : index
    %get3A_30 = arith.constant 0 : index
    %get3A_31 = vector.load %arg3[%get3A_28, %get3A_29, %get3A_30] : memref<1x512x128xf32, #tpu.memory_space<vmem>>, vector<1x512x128xf32>
    %get3A_32 = vector.shape_cast %get3A_31 : vector<1x512x128xf32> to vector<512x128xf32>
    %mul3A_33 = vector.broadcast %mul3A_15 : vector<1x128xf32> to vector<512x128xf32>
    %mul3A_34 = arith.mulf %get3A_32, %mul3A_33 : vector<512x128xf32>
    %max3A = arith.maximumf %mul3A_27, %mul3A_34 : vector<512x128xf32>
    %add3A_35 = vector.broadcast %sub3A_20 : vector<1x128xf32> to vector<512x128xf32>
    %add3A_36 = arith.addf %max3A, %add3A_35 : vector<512x128xf32>
    %max3A_37 = arith.constant 0.000000e+00 : f32
    %max3A_38 = vector.broadcast %max3A_37 : f32 to vector<512x128xf32>
    %max3A_39 = arith.maximumf %add3A_36, %max3A_38 : vector<512x128xf32>
    %transpose3A = tpu.transpose %max3A_39, [1, 0] : vector<512x128xf32> -> vector<128x512xf32>
    %swap3A = arith.constant 0 : index
    %swap3A_40 = arith.constant 0 : index
    %swap3A_41 = arith.constant 0 : index
    %swap3A_42 = vector.load %arg8[%swap3A, %swap3A_40, %swap3A_41] : memref<1x128x512xf32, #tpu.memory_space<vmem>>, vector<1x128x512xf32>
    %swap3A_43 = vector.shape_cast %swap3A_42 : vector<1x128x512xf32> to vector<128x512xf32>
    %swap3A_44 = vector.shape_cast %transpose3A : vector<128x512xf32> to vector<1x128x512xf32>
    tpu.vector_store %arg8[%swap3A, %swap3A_40, %swap3A_41], %swap3A_44 {strides = array<i32>} : memref<1x128x512xf32, #tpu.memory_space<vmem>>, vector<1x128x512xf32>,
    return
  }
  func.func @transform_0(%arg0: i32, %arg1: i32) -> (i32, i32, i32) {
    %c0_i32 = arith.constant 0 : i32
    %c0_i32_0 = arith.constant 0 : i32
    return %arg0, %arg1, %c0_i32 : i32, i32, i32
  }
  func.func @transform_1(%arg0: i32, %arg1: i32) -> (i32, i32, i32) {
    %c0_i32 = arith.constant 0 : i32
    %c0_i32_0 = arith.constant 0 : i32
    return %arg0, %arg1, %c0_i32 : i32, i32, i32
  }
  func.func @transform_2(%arg0: i32, %arg1: i32) -> (i32, i32) {
    %c0_i32 = arith.constant 0 : i32
    %c0_i32_0 = arith.constant 0 : i32
    %c0_i32_1 = arith.constant 0 : i32
    return %c0_i32, %c0_i32_0 : i32, i32
  }
  func.func @transform_3(%arg0: i32, %arg1: i32) -> (i32, i32) {
    %c0_i32 = arith.constant 0 : i32
    %c0_i32_0 = arith.constant 0 : i32
    %c0_i32_1 = arith.constant 0 : i32
    return %c0_i32, %c0_i32_0 : i32, i32
  }
  func.func @transform_4(%arg0: i32, %arg1: i32) -> (i32, i32) {
    %c0_i32 = arith.constant 0 : i32
    %c0_i32_0 = arith.constant 0 : i32
    %c0_i32_1 = arith.constant 0 : i32
    return %c0_i32, %c0_i32_0 : i32, i32
  }
  func.func @transform_5(%arg0: i32, %arg1: i32) -> (i32, i32) {
    %c0_i32 = arith.constant 0 : i32
    %c0_i32_0 = arith.constant 0 : i32
    %c0_i32_1 = arith.constant 0 : i32
    return %c0_i32, %c0_i32_0 : i32, i32
  }
  func.func @transform_6(%arg0: i32, %arg1: i32) -> (i32, i32, i32) {
    %c0_i32 = arith.constant 0 : i32
    %c0_i32_0 = arith.constant 0 : i32
    return %arg0, %c0_i32, %arg1 : i32, i32, i32
  }
}

</mosaic_0001>

<sc_bundles>
// kernel: kernel.9.cloned.1.call-start
scs
__scs_entry_jumppad:
0x0: {  	(pc) =	sbr.rel $0x88, $3  }
0x1: {  	(tag) =	ssettag $0x0;
	lr =	simm.s32 $0x1  }
0x2: {  	[smem:$0x3F98] =	sst lr;
	_ =	strace $0xD0000000  }
0x3: {  	_ = 	snop  }
0x4: {  	_ = 	snop  }
0x5: {  	_ = 	snop  }
0x6: {  	_ = 	snop  }
0x7: {  	_ = 	snop  }
__scs_overlays_trampoline_lowered:
0x8: {  	[smem:$0x3FA7] =	sst s0  }
0x9: {  	[smem:$0x3FA8] =	sst s1  }
0xa: {  	[smem:$0x3FA9] =	sst s2  }
0xb: {  	[smem:$0x3FAA] =	sst s3  }
0xc: {  	[smem:$0x3FAB] =	sst s4  }
0xd: {  	[smem:$0x3FAC] =	sst s5  }
0xe: {  	[smem:$0x3FAD] =	sst s6  }
0xf: {  	[smem:$0x3FAE] =	sst s7  }
0x10: {  	[smem:$0x3FAF] =	sst s8  }
0x11: {  	[smem:$0x3FB0] =	sst s9;
	s0 =	simm.s32 @!p0 $0x0  }
0x12: {  	s1 =	sld [smem:$0x3F96];
	s0 =	simm.s32 @p0 $0x1  }
0x13: {  	[smem:$0x3FB1] =	sst s0;
	s0 =	simm.s32 @!p1 $0x0  }
0x14: {  	s2 =	sld [smem:$0x3F95];
	s0 =	simm.s32 @p1 $0x1  }
0x15: {  	[smem:$0x3FB2] =	sst s0;
	s0 =	simm.s32 @!p2 $0x0  }
0x16: {  	s3 =	sld [smem:$0x3FDB];
	s0 =	simm.s32 @p2 $0x1  }
0x17: {  	s4 =	simm.s32 $0x1BF5;
	[smem:$0x3FB4] =	sst s0  }
0x18: {  	s0 =	sld [smem:$0x3F97];
	_ =	swait.ge [sflag:s4], $0x0  }
0x19: {  	s7 =	sld [smem:$0x3F98]  }
0x1a: {  	s8 =	sadd.s32 $0xFFFFE003, lr  }
0x1b: {  	s9 =	sadd.s32 $0xFFFFFEF7, lr;
	s5 =	simm.s32 $0xFFFFFFFF;
	p2 =	slt.u32 s8, $0xFFFFF086  }
0x1c: {  	p1 =	slt.u32 s9, $0xF7A;
	s5 =	simm.s32 @!p2 $0x0  }
0x1d: {  	s5 =	simm.s32 @p1 $0x1;
	p0 =	seq.s32 s7, s2  }
0x1e: {  	s7 =	smul.u32 @!p0 $0xF7A, s2;
	p2 =	seq.s32 @!p0 s5, $0x0  }
0x1f: {  	s9 =	smul.u32 $0xF7A, s1;
	s8 =	simm.s32 @!p0 $0x1BF5;
	p2 =	por !p2, p0  }
0x20: {  	[sflag:s8] =	ssyncset.s32 @!p0 $0xFFFFF086;
	s6 =	sadd.s32 @!p0 s3, s7;
	s7 =	simm.s32 @!p0 $0x108  }
0x21: {  	s3 =	sadd.s32 s3, s9;
	s6 =	sadd.s32 @!p0 $0x88, s6;
	s7 =	simm.s32 @p2 $0x1082  }
0x22: {  	[simem:s7], [sflag:s8] =	dma.local @!p0 [hbm:s6], $0xF7A  }
0x23: {  	s9 =	sor.u32 $0xD0000000, s2;
	s6 =	simm.s32 $0x108;
	_ =	swait.ge @!p0 [sflag:s8], $0x0  }
0x24: {  	s3 =	sadd.s32 $0x88, s3;
	s6 =	simm.s32 @!p1 $0x1082;
	[sflag:s4] =	ssyncset.s32 $0xFFFFF086  }
0x25: {  	[simem:s6], [sflag:s4] =	dma.local [hbm:s3], $0xF7A  }
0x26: {  	[smem:$0x3F98] =	sst s1;
	(tag) =	ssettag s2;
	_ =	strace s9  }
0x27: {  	s1 =	sld [smem:$0x3FA8]  }
0x28: {  	s2 =	sld [smem:$0x3FA9]  }
0x29: {  	s4 =	sld [smem:$0x3FAB]  }
0x2a: {  	p0 =	seq.s32 s5, $0x0;
	s5 =	sld [smem:$0x3FAC]  }
0x2b: {  	s6 =	sld [smem:$0x3FAD]  }
0x2c: {  	s7 =	sld [smem:$0x3FAE]  }
0x2d: {  	s3 =	simm.s32 $0x108;
	s8 =	sld [smem:$0x3FAF]  }
0x2e: {  	s3 =	simm.s32 @!p0 $0x1082;
	s9 =	sld [smem:$0x3FB0]  }
0x2f: {  	lr =	sadd.s32 s0, s3;
	s0 =	sld [smem:$0x3FA7]  }
0x30: {  	s3 =	sld [smem:$0x3FAA]  }
0x31: {  	[smem:$0x3FB3] =	sst s10  }
0x32: {  	s10 =	sld [smem:$0x3FB1];
	_ =	sdelay $0x3  }
0x33: {  	p0 =	seq.s32 s10, $0x1;
	s10 =	sld [smem:$0x3FB3];
	_ =	sdelay $0x3  }
0x34: {  	[smem:$0x3FB3] =	sst s10  }
0x35: {  	s10 =	sld [smem:$0x3FB2];
	_ =	sdelay $0x3  }
0x36: {  	p1 =	seq.s32 s10, $0x1;
	s10 =	sld [smem:$0x3FB3];
	_ =	sdelay $0x3  }
0x37: {  	[smem:$0x3FB3] =	sst s10  }
0x38: {  	s10 =	sld [smem:$0x3FB4]  }
0x39: {  	_ = 	snop;
	(pc) =	sbr.ind lr, $3  }
0x3a: {  	_ = 	snop  }
0x3b: {  	_ = 	snop  }
0x3c: {  	p2 =	seq.s32 s10, $0x1;
	s10 =	sld [smem:$0x3FB3]  }
0x3d: {  	_ =	shalt  }
0x3e: {  	_ =	shalt  }
0x3f: {  	_ =	shalt  }
0x40: {  	_ =	shalt  }
0x41: {  	_ =	shalt  }
0x42: {  	_ =	shalt  }
0x43: {  	_ =	shalt  }
0x44: {  	_ =	shalt  }
0x45: {  	_ =	shalt  }
0x46: {  	_ =	shalt  }
0x47: {  	_ =	shalt  }
0x48: {  	_ =	shalt  }
0x49: {  	_ =	shalt  }
0x4a: {  	_ =	shalt  }
0x4b: {  	_ =	shalt  }
0x4c: {  	_ =	shalt  }
0x4d: {  	_ =	shalt  }
0x4e: {  	_ =	shalt  }
0x4f: {  	_ =	shalt  }
0x50: {  	_ =	shalt  }
0x51: {  	_ =	shalt  }
0x52: {  	_ =	shalt  }
0x53: {  	_ =	shalt  }
0x54: {  	_ =	shalt  }
0x55: {  	_ =	shalt  }
0x56: {  	_ =	shalt  }
0x57: {  	_ =	shalt  }
0x58: {  	_ =	shalt  }
0x59: {  	_ =	shalt  }
0x5a: {  	_ =	shalt  }
0x5b: {  	_ =	shalt  }
0x5c: {  	_ =	shalt  }
0x5d: {  	_ =	shalt  }
0x5e: {  	_ =	shalt  }
0x5f: {  	_ =	shalt  }
0x60: {  	_ =	shalt  }
0x61: {  	_ =	shalt  }
0x62: {  	_ =	shalt  }
0x63: {  	_ =	shalt  }
0x64: {  	_ =	shalt  }
0x65: {  	_ =	shalt  }
0x66: {  	_ =	shalt  }
0x67: {  	_ =	shalt  }
0x68: {  	_ =	shalt  }
0x69: {  	_ =	shalt  }
0x6a: {  	_ =	shalt  }
0x6b: {  	_ =	shalt  }
0x6c: {  	_ =	shalt  }
0x6d: {  	_ =	shalt  }
0x6e: {  	_ =	shalt  }
0x6f: {  	_ =	shalt  }
0x70: {  	_ =	shalt  }
0x71: {  	_ =	shalt  }
0x72: {  	_ =	shalt  }
0x73: {  	_ =	shalt  }
0x74: {  	_ =	shalt  }
0x75: {  	_ =	shalt  }
0x76: {  	_ =	shalt  }
0x77: {  	_ =	shalt  }
0x78: {  	_ =	shalt  }
0x79: {  	_ =	shalt  }
0x7a: {  	_ =	shalt  }
0x7b: {  	_ =	shalt  }
0x7c: {  	_ =	shalt  }
0x7d: {  	_ =	shalt  }
0x7e: {  	_ =	shalt  }
0x7f: {  	_ =	shalt  }
0x80: {  	_ =	shalt  }
0x81: {  	_ =	shalt  }
0x82: {  	_ =	shalt  }
0x83: {  	_ =	shalt  }
0x84: {  	_ =	shalt  }
0x85: {  	_ =	shalt  }
0x86: {  	_ =	shalt  }
0x87: {  	_ =	shalt  }
.Lfunc_end0:
.L_simem_size_0:
called_computation_lowered:
.L_overlay_start_0:
0x88: {  	s2 =	sld [smem:$0x3FD9]  }
0x89: {  	s3 =	sld [smem:$0x3FFE];
	_ =	sdelay $0x1  }
0x8a: {  	s1 =	srdreg.scid  }
0x8b: {  	s0 =	sand.u32 $0x1, s1  }
0x8c: {  	s14 =	sshll.u32 s0, $0xA;
	s2 =	sadd.s32 s3, s2  }
0x8d: {  	s2 =	sadd.s32 s2, s14  }
0x8e: {  	[smem:$0x3FBF] =	sst s2  }
0x8f: {  	_ = 	snop  }
0x90: {  	s2 =	sld [smem:$0x3FD0];
	_ =	sdelay $0x2  }
0x91: {  	s15 =	simm.s32 $0xA;
	s4 =	simm.s32 $0x10  }
0x92: {  	[smem:s4], [sflag:s15] =	dma.local [hbm:s2], $0x1  }
0x93: {  	_ =	swait.eq [sflag:s15], $0x1  }
0x94: {  	[sflag:s15] =	ssyncset.done $0x0  }
0x95: {  	[sflag:s15] =	ssyncadd.s32 $0xFFFFFFFF  }
0x96: {  	s16 =	sld [smem:$0x11];
	(tm) =	ssettm $0x1  }
0x97: {  	s17 =	sld [smem:$0x3FFB];
	_ =	sdelay $0x3  }
0x98: {  	_ =	strace s17  }
0x99: {  	s3 =	sld [smem:$0x3FFC];
	_ =	sdelay $0x3  }
0x9a: {  	_ =	strace s3  }
0x9b: {  	s3 =	sld [smem:$0x3FFD];
	_ =	sdelay $0x3  }
0x9c: {  	_ =	strace s3  }
0x9d: {  	_ =	strace $0x8FFFFFFF  }
0x9e: {  	s18 =	sld [smem:$0x3FDB];
	_ =	sdelay $0x1  }
0x9f: {  	s19 =	simm.s32 $_scs_section_size  }
0xa0: {  	s5 =	simm.s32 $_size__tile_overlayer_lowered;
	s6 =	simm.s32 $_tile_overlayer_lowered  }
0xa1: {  	s22 =	simm.s32 $0x1BFF;
	s21 =	sshll.u32 s6, $0x1;
	s3 =	sadd.s32 s19, s18  }
0xa2: {  	s7 =	simm.s32 $0x0;
	s20 =	sshll.u32 s5, $0x1;
	s5 =	sadd.s32 s21, s3  }
0xa3: {  	[timem:s7], [sflag:s22] =	dma.local [hbm:s5], s20  }
0xa4: {  	_ =	swait.ge [sflag:s22], s20  }
0xa5: {  	s4 =	ssub.s32 $0x0, s20;
	[sflag:s22] =	ssyncset.done $0x0  }
0xa6: {  	[sflag:s22] =	ssyncadd.s32 s4;
	_ =	sdelay $0x1  }
0xa7: {  	s23 =	simm.s32 $0x1B8B  }
0xa8: {  	_ =	swait.ge [sflag:s23], $0x1  }
0xa9: {  	[sflag:s23] =	ssyncset.done $0x0  }
0xaa: {  	s25 =	simm.s32 $0x1B8E;
	s24 =	sld [smem:$0x3FFE];
	[sflag:s23] =	ssyncadd.s32 $0xFFFFFFFF  }
0xab: {  	s26 =	simm.s32 $execute0_lowered;
	[smem:$0x3FD2] =	sst s25  }
0xac: {  	s5 =	sshll.u32 s26, $0x1;
	_ =	strace $0x80000046;
	[dreg:$0x1] =	wrdreg $0xFFFFFFFF  }
0xad: {  	s28 =	simm.s32 $_size_execute0_lowered;
	s3 =	sadd.s32 s3, s5;
	[dreg:$0x0] =	wrdreg $0x0  }
0xae: {  	s5 =	sshll.u32 s28, $0x1;
	[dreg:$0x2] =	wrdreg s3  }
0xaf: {  	[dreg:$0x3] =	wrdreg s5  }
0xb0: {  	[dreg:$0x4] =	wrdreg $0xC0  }
0xb1: {  	_ =	task [dreg:s7], $0x5FFFF  }
0xb2: {  	[dreg:$0x1] =	wrdreg $0xFFFFFFFF  }
0xb3: {  	[dreg:$0x0] =	wrdreg $0x60  }
0xb4: {  	[dreg:$0x2] =	wrdreg s24  }
0xb5: {  	[dreg:$0x3] =	wrdreg s16  }
0xb6: {  	[dreg:$0x4] =	wrdreg $0x9  }
0xb7: {  	_ =	task.clear_ibuf [dreg:s7], $0x5FFFF;
	_ =	strace $0x90000046  }
0xb8: {  	s29 =	simm.s32 $0x9;
	_ =	strace $0x80000048  }
0xb9: {  	_ =	swait.ge [sflag:s29], $0x1  }
0xba: {  	[sflag:s29] =	ssyncadd.s32 $0xFFFFFFFF  }
0xbb: {  	_ =	strace $0x90000048  }
0xbc: {  	_ =	sfence  }
0xbd: {  	s30 =	sld [smem:$0x0];
	_ =	sdelay $0x2  }
0xbe: {  	s31 =	sshll.u32 s1, $0xD;
	s1 =	sshrl.u32 s1, $0x2  }
0xbf: {  	s3 =	sand.u32 $0x4000, s31;
	s1 =	sadd.s32 s1, s30  }
0xc0: {  	s0 =	sor.u32 s3, s0;
	s1 =	sshll.u32 s1, $0x11  }
0xc1: {  	s0 =	sor.u32 s1, s0  }
0xc2: {  	s0 =	sadd.s32 $0x8F2B, s0  }
0xc3: {  	[sflag:s0] =	ssyncadd.remote.s32 $0x1  }
0xc4: {  	_ =	sfence.sel $0xFFFF  }
0xc5: {  	[dreg:$0x0] =	wrdreg $0xFFFFFFFF;
	(pc) =	sbr.abs _section_cstart, $3  }
0xc6: {  	[dreg:$0x1] =	wrdreg $0xFFFFFFFF  }
0xc7: {  	_ =	task.clear_ibuf [dreg:s7], $0x2FFFF;
	_ =	strace $0x9FFFFFFF  }
0xc8: {  	(tm) =	ssettm $0x7FFFFFFF  }
0xc9: {  	_ =	shalt  }
tec
execute0_lowered:
.L_overlay_start_1:
0x0: {  	(tag) =	ssettag $0x1  }
0x1: {  	s4 =	rddreg [dreg:$0x0]  }
0x2: {  	s5 =	rddreg [dreg:$0x1]  }
0x3: {  	s0 =	rddreg [dreg:$0x2];
	s2 =	simm.s32 $0x0  }
0x4: {  	s1 =	stileid.u32;
	s7 =	srdreg.scid;
	s11 =	simm.s32 $0x2  }
0x5: {  	s12 =	simm.s32 $0x0;
	[smem:$0x7FF] =	sst s2;
	s6 =	sshll.u32 s1, $0x11  }
0x6: {  	s3 =	sadd.s32 $0x82000, s4;
	s31 =	sand.u32 $0x1, s7;
	s8 =	sshll.u32 s1, $0xD  }
0x7: {  	_ =	strace $0x80000047;
	s4 =	sadd.s32 s6, s4;
	s7 =	ssub.s32 $0x2, s31  }
.Ltmp0:
0x8: {  	s9 =	sshll.u32 s31, $0xC;
	s6 =	sshll.u32 s31, $0x10;
	(pc) =	sbr.rel .LBB2_1-.Ltmp0, $4  }
0x9: {  	s10 =	sshrl.u32 s7, $0x1;
	s8 =	sor.u32 s9, s8;
	s6 =	sadd.s32 s6, s4  }
0xa: {  	s9 =	simm.s32 $0x1;
	s7 =	ssub.s32 s7, s10;
	s8 =	sshrl.u32 s8, $0x3  }
0xb: {  	s6 =	sadd.s32 $0x102000, s6;
	s10 =	simm.s32 $0x100;
	s4 =	sadd.s32 s5, s8  }
0xc: {  	s5 =	smax.u32 s7, $0x1;
	s7 =	simm.s32 $0x3;
	s8 =	simm.s32 $0x1000  }
.LBB2_7:
0xd: {  	s12 =	sadd.s32 $0x1, s12  }
0xe: {  	_ =	swait.ge [sflag:s11], $0x8000;
	p0 =	sne.s32 s12, s5  }
.Ltmp1:
0xf: {  	[sflag:s11] =	ssyncset.done $0x0;
	(pc) =	sbr.rel @!p0 .LBB2_8-.Ltmp1, $4  }
0x10: {  	[sflag:s11] =	ssyncadd.s32 $0xFFFF8000  }
0x11: {  	_ =	swait.ge [sflag:s11], $0x8000  }
0x12: {  	[sflag:s11] =	ssyncset.done $0x0  }
0x13: {  	[sflag:s11] =	ssyncadd.s32 $0xFFFF8000  }
.LBB2_1:
0x14: {  	[tilespmem:s2], [sflag:$0x3] =	stream.linear.gather [hbm4b:s4+s2], $0x1000, $0x38;
	[tilespmem:$0x11000] =	vst v63  }
.Ltmp2:
0x15: {  	_ = 	snop;
	(pc) =	sbr.rel .LBB2_2-.Ltmp2, $4  }
0x16: {  	_ =	swait.ge [sflag:s7], $0x1000  }
0x17: {  	s13 =	simm.s32 $0x20000;
	s14 =	simm.s32 $0x100;
	[sflag:s7] =	ssyncset.done $0x0  }
0x18: {  	s15 =	smov.u32 s6;
	s16 =	simm.s32 $0x0;
	[sflag:s7] =	ssyncadd.s32 $0xFFFFF000  }
0x19: {  	[tilespmem:s8], [sflag:$0x1] =	stream.indirect.gather [hbm4b:s3+s10], $0x80, s2, s10, $0xb8;
	[tilespmem:$0x11000] =	vst v63  }
.LBB2_5:
0x1a: {  	s17 =	sand.u32 $0x20000, s13  }
0x1b: {  	s17 =	sshrl.u32 s17, $0x2  }
0x1c: {  	s17 =	sor.u32 $0x1000, s17  }
0x1d: {  	[tilespmem:s17], [sflag:$0x1] =	stream.indirect.gather [hbm4b:s3+s10], $0x80, s14, s10, $0xb8;
	[tilespmem:$0x11000] =	vst v63  }
.LBB2_6:
0x1e: {  	s16 =	sadd.s32 $0x1, s16  }
0x1f: {  	s17 =	sadd.s32 $0xFFFE0000, s13;
	p0 =	sne.s32 s16, $0x10  }
.Ltmp3:
0x20: {  	s17 =	sand.u32 $0x20000, s17;
	(pc) =	sbr.rel @!p0 .LBB2_7-.Ltmp3, $4  }
0x21: {  	s17 =	sshrl.u32 s17, $0x2  }
0x22: {  	s17 =	sor.u32 $0x1000, s17  }
0x23: {  	[hbm4b:s15+s2] =	stream.linear.scatter [tilespmem:s17], [sflag:$0x2], $0x8000, $0x38;
	[tilespmem:$0x11000] =	vst v63  }
0x24: {  	s13 =	sadd.s32 $0x20000, s13;
	s14 =	sadd.s32 $0x100, s14;
	s15 =	sadd.s32 $0x1000, s15  }
.LBB2_2:
0x25: {  	p0 =	seq.s32 s16, $0x0  }
.Ltmp4:
0x26: {  	_ = 	snop;
	(pc) =	sbr.rel @p0 .LBB2_5-.Ltmp4, $4  }
0x27: {  	_ = 	snop  }
0x28: {  	_ =	swait.ge [sflag:s9], $0x8000  }
0x29: {  	[sflag:s9] =	ssyncset.done $0x0  }
0x2a: {  	[sflag:s9] =	ssyncadd.s32 $0xFFFF8000  }
0x2b: {  	p0 =	seq.s32 s16, $0xF  }
.Ltmp5:
0x2c: {  	_ = 	snop;
	(pc) =	sbr.rel @p0 .LBB2_6-.Ltmp5, $1  }
0x2d: {  	_ =	sdelay $0x3  }
.Ltmp6:
0x2e: {  	(pc) =	sbr.rel .LBB2_5-.Ltmp6, $4  }
0x2f: {  	_ = 	snop  }
0x30: {  	_ =	swait.ge [sflag:s11], $0x8000  }
0x31: {  	[sflag:s11] =	ssyncset.done $0x0  }
0x32: {  	[sflag:s11] =	ssyncadd.s32 $0xFFFF8000  }
.LBB2_8:
0x33: {  	_ =	sfence.sel $0x180000  }
0x34: {  	[bflag:$0x0] =	sbarrier.arrive $0xFFFF  }
0x35: {  	p0 =	sne.s32 s1, $0x0;
	_ =	strace $0x90000047  }
0x36: {  	s0 =	sadd.s32 @!p0 $0x100000, s0;
	[bflag:$0x2] =	sbarrier.arrive $0xFFFF  }
0x37: {  	[sflag:s0] =	ssyncadd.tile.s32 @!p0 $0x1;
	_ =	shalt  }
.Lfunc_end2:
_tile_overlayer_lowered:
.L_overlay_start_2:
0x38: {  	(tag) =	ssettag $0x2  }
0x39: {  	s0 =	rddreg [dreg:$0x0];
	s2 =	stileid.u32  }
0x3a: {  	s1 =	rddreg [dreg:$0x1];
	p0 =	sne.s32 s2, $0x0  }
0x3b: {  	s3 =	rddreg [dreg:$0x2];
	[bflag:$0x3] =	sbarrier.arrive $0xFFFF;
	s2 =	simm.s32 @!p0 $0x1C03  }
0x3c: {  	[timem:s3], [sflag:s2] =	dma.local @!p0 [hbm:s0], s1  }
0x3d: {  	s0 =	simm.s32 @!p0 $0x3  }
0x3e: {  	_ =	swait.ge @!p0 [sflag:s0], s1  }
0x3f: {  	s1 =	ssub.s32 @!p0 $0x0, s1;
	[sflag:s0] =	ssyncset.done @!p0 $0x0  }
0x40: {  	[sflag:s0] =	ssyncadd.s32 @!p0 s1  }
0x41: {  	[bflag:$0x3] =	sbarrier.arrive $0xFFFF  }
0x42: {  	_ =	shalt  }

</sc_bundles>
